<compile_context>
chip_gen: v7x
topology: tpu7x:2x2x1
jax: 0.10.2.dev20260603
libtpu: 0.0.44.dev20260713+nightly
codegen_flags: <defaults>
</compile_context>

<pallas_src>
import functools

import jax
import jax.numpy as jnp
from jax import lax
from jax.experimental import pallas as pl
from jax.experimental.pallas import tpu as pltpu
from jax.experimental.pallas import tpu_sc as plsc

_F32 = jnp.float32


def _tc_proj(nodes2d, u2d, Wrs, Weu, be2d):
    NV, DV = nodes2d.shape
    DEP = Weu.shape[1]

    def body(nodes_ref, u_ref, wrs_ref, weu_ref, be_ref,
             projr_ref, projs_ref, ce_ref):
        proj = jnp.dot(nodes_ref[...], wrs_ref[...],
                       preferred_element_type=_F32)
        projr_ref[...] = proj[:, :DEP]
        projs_ref[...] = proj[:, DEP:]
        ce_ref[...] = jnp.dot(u_ref[...], weu_ref[...],
                              preferred_element_type=_F32) + be_ref[...]

    return pl.pallas_call(
        body,
        out_shape=(
            jax.ShapeDtypeStruct((NV, DEP), _F32),
            jax.ShapeDtypeStruct((NV, DEP), _F32),
            jax.ShapeDtypeStruct((1, DEP), _F32),
        ),
    )(nodes2d, u2d, Wrs, Weu, be2d)


def _tc_edge_base(in_g, Wg, ceg):
    NE8, L = in_g.shape
    BN8 = 4000
    grid = (NE8 // BN8,)

    def body(in_ref, w_ref, ce_ref, out_ref):
        out_ref[...] = jnp.dot(in_ref[...], w_ref[...],
                               preferred_element_type=_F32) + ce_ref[...]

    return pl.pallas_call(
        body,
        grid=grid,
        in_specs=[
            pl.BlockSpec((BN8, L), lambda i: (i, 0)),
            pl.BlockSpec((L, L), lambda i: (0, 0)),
            pl.BlockSpec((1, L), lambda i: (0, 0)),
        ],
        out_specs=pl.BlockSpec((BN8, L), lambda i: (i, 0)),
        out_shape=jax.ShapeDtypeStruct((NE8, L), _F32),
    )(in_g, Wg, ceg)


def _sc_edges(base, recv, send, projr, projs, zeros):
    NE, DEP = base.shape
    NV = projr.shape[0]
    NC, NS = 2, 16
    NW = NC * NS
    K = 128
    NBUF = 3
    NCH = NE // K
    BCH = NCH // NW
    EXTRA = NCH - BCH * NW
    assert BCH % NBUF == 0
    nouter = BCH // NBUF
    HT = DEP // 8

    mesh = plsc.VectorSubcoreMesh(core_axis_name="c", subcore_axis_name="s")

    scratch = (
        [pltpu.VMEM((K,), jnp.int32) for _ in range(NBUF)]
        + [pltpu.VMEM((K,), jnp.int32) for _ in range(NBUF)]
        + [pltpu.VMEM((K, DEP), _F32) for _ in range(NBUF)]
        + [pltpu.VMEM((K, DEP), _F32) for _ in range(NBUF)]
        + [pltpu.VMEM((K, DEP), _F32) for _ in range(NBUF)]
        + [pltpu.VMEM((K, DEP), _F32) for _ in range(NBUF)]
        + [pltpu.VMEM((DEP * K,), _F32) for _ in range(NBUF)]
        + [pltpu.SemaphoreType.DMA for _ in range(3 * NBUF)]
        + [pltpu.VMEM_SHARED((NV, DEP), _F32)]
    )

    @functools.partial(
        pl.kernel,
        out_type=(
            jax.ShapeDtypeStruct((DEP, NE), _F32),
            jax.ShapeDtypeStruct((NC, NV, DEP), _F32),
        ),
        mesh=mesh,
        scratch_types=scratch,
        compiler_params=pltpu.CompilerParams(use_tc_tiling_on_sc=False,
                                             needs_layout_passes=False),
    )
    def k(base_hbm, recv_hbm, send_hbm, projr_hbm, projs_hbm, zeros_hbm,
          epT_out, e2v_out, *bufs):
        ri = bufs[0:NBUF]
        si = bufs[NBUF:2 * NBUF]
        eb = bufs[2 * NBUF:3 * NBUF]
        rb = bufs[3 * NBUF:4 * NBUF]
        sb = bufs[4 * NBUF:5 * NBUF]
        ob = bufs[5 * NBUF:6 * NBUF]
        obT = bufs[6 * NBUF:7 * NBUF]
        sp = bufs[7 * NBUF:8 * NBUF]
        sg = bufs[8 * NBUF:9 * NBUF]
        so = bufs[9 * NBUF:10 * NBUF]
        e2v_sh = bufs[10 * NBUF]

        cid = lax.axis_index("c")
        sid = lax.axis_index("s")
        wid = sid * NC + cid
        chunk0 = wid * BCH + jnp.minimum(wid, EXTRA)
        lidx = lax.iota(jnp.int32, 16) * K

        def issue_prefetch(b, t):
            off = pl.multiple_of(t * K, 8)
            pltpu.async_copy(recv_hbm.at[pl.ds(off, K)], ri[b], sp[b])
            pltpu.async_copy(send_hbm.at[pl.ds(off, K)], si[b], sp[b])
            pltpu.async_copy(base_hbm.at[pl.ds(off, K), :], eb[b], sp[b])

        def wait_prefetch(b, t):
            off = pl.multiple_of(t * K, 8)
            pltpu.make_async_copy(recv_hbm.at[pl.ds(off, K)], ri[b],
                                  sp[b]).wait()
            pltpu.make_async_copy(send_hbm.at[pl.ds(off, K)], si[b],
                                  sp[b]).wait()
            pltpu.make_async_copy(base_hbm.at[pl.ds(off, K), :],
                                  eb[b], sp[b]).wait()

        def compute_rows(b):
            def row(r, carry2):
                v = eb[b][r, :] + rb[b][r, :] + sb[b][r, :]
                ob[b][r, :] = v
                plsc.store_scatter(obT[b], [lidx + r], v)
                return carry2

            lax.fori_loop(0, K, row, 0, unroll=4)

        for b in range(NBUF):
            issue_prefetch(b, chunk0 + b)

        @pl.when(sid == 0)
        def _zero():
            pltpu.sync_copy(zeros_hbm, e2v_sh)

        plsc.subcore_barrier()

        def outer(i, carry):
            for b in range(NBUF):
                t = chunk0 + i * NBUF + b
                wait_prefetch(b, t)
                g1 = pltpu.async_copy(projr_hbm.at[ri[b]], rb[b], sg[b])
                g2 = pltpu.async_copy(projs_hbm.at[si[b]], sb[b], sg[b])

                @pl.when(i >= 1)
                def _drain_out():
                    off = pl.multiple_of(t * K, 8)
                    for f in range(DEP):
                        pltpu.make_async_copy(
                            obT[b].at[pl.ds(f * K, K)],
                            epT_out.at[f, pl.ds(off, K)], so[b]).wait()

                g1.wait()
                g2.wait()
                compute_rows(b)

                off2 = pl.multiple_of(t * K, 8)
                for f in range(DEP):
                    pltpu.async_copy(obT[b].at[pl.ds(f * K, K)],
                                     epT_out.at[f, pl.ds(off2, K)], so[b])
                pltpu.sync_copy(ob[b], e2v_sh.at[ri[b]], add=True)

                @pl.when(i < nouter - 1)
                def _next_prefetch():
                    issue_prefetch(b, t + NBUF)
            return carry

        lax.fori_loop(0, nouter, outer, 0)

        for b in range(NBUF):
            for f in range(DEP):
                pltpu.make_async_copy(obT[b].at[pl.ds(f * K, K)],
                                      epT_out.at[f, pl.ds(0, K)],
                                      so[b]).wait()

        @pl.when(wid < EXTRA)
        def _extra():
            t = chunk0 + BCH
            off = pl.multiple_of(t * K, 8)
            pltpu.sync_copy(recv_hbm.at[pl.ds(off, K)], ri[0])
            pltpu.sync_copy(send_hbm.at[pl.ds(off, K)], si[0])
            pltpu.sync_copy(base_hbm.at[pl.ds(off, K), :], eb[0])
            pltpu.async_copy(projr_hbm.at[ri[0]], rb[0], sg[0]).wait()
            pltpu.async_copy(projs_hbm.at[si[0]], sb[0], sg[0]).wait()
            compute_rows(0)
            for f in range(DEP):
                pltpu.sync_copy(obT[0].at[pl.ds(f * K, K)],
                                epT_out.at[f, pl.ds(off, K)])
            pltpu.sync_copy(ob[0], e2v_sh.at[ri[0]], add=True)

        plsc.subcore_barrier()

        @pl.when(sid == 0)
        def _flush():
            pltpu.sync_copy(e2v_sh, e2v_out.at[cid])

    return k(base, recv, send, projr, projs, zeros)


def _tc_node_global(nodes2d, e2v_parts, u2d, Wn0, Wn1, Wn2, bn2d,
                    Wg0, Wg1, Wg2, bg2d):
    NV, DV = nodes2d.shape
    DVP = Wn0.shape[1]
    DUP = Wg0.shape[1]

    def body(nodes_ref, e2v_ref, u_ref, wn0_ref, wn1_ref, wn2_ref, bn_ref,
             wg0_ref, wg1_ref, wg2_ref, bg_ref, np_ref, g_ref):
        e2v = e2v_ref[0] + e2v_ref[1]
        cn = jnp.dot(u_ref[...], wn2_ref[...],
                     preferred_element_type=_F32) + bn_ref[...]
        npv = (jnp.dot(e2v, wn0_ref[...], preferred_element_type=_F32)
               + jnp.dot(nodes_ref[...], wn1_ref[...],
                         preferred_element_type=_F32) + cn)
        np_ref[...] = npv
        e2u = jnp.sum(e2v, axis=0, keepdims=True)
        v2u = jnp.sum(npv, axis=0, keepdims=True)
        g_ref[...] = (jnp.dot(e2u, wg0_ref[...], preferred_element_type=_F32)
                      + jnp.dot(v2u, wg1_ref[...], preferred_element_type=_F32)
                      + jnp.dot(u_ref[...], wg2_ref[...],
                                preferred_element_type=_F32) + bg_ref[...])

    return pl.pallas_call(
        body,
        out_shape=(
            jax.ShapeDtypeStruct((NV, DVP), _F32),
            jax.ShapeDtypeStruct((1, DUP), _F32),
        ),
    )(nodes2d, e2v_parts, u2d, Wn0, Wn1, Wn2, bn2d, Wg0, Wg1, Wg2, bg2d)


def kernel(nodes, edges, global_u, edge_rs, node_masks, edge_masks,
           We, be, Wn, bn, Wg, bg):
    Bb, NV, DV = nodes.shape
    _, NE, DE = edges.shape
    DU = global_u.shape[-1]
    DEP = We.shape[1]
    DVP = Wn.shape[1]

    nodes2d = nodes[0]
    edges2d = edges[0]
    u2d = global_u
    recv = edge_rs[0, :, 0]
    send = edge_rs[0, :, 1]

    Wee = We[:DE]
    Wr = We[DE:DE + DV]
    Ws = We[DE + DV:DE + 2 * DV]
    Weu = We[DE + 2 * DV:]
    Wrs = jnp.concatenate([Wr, Ws], axis=1)

    projr, projs, ce = _tc_proj(nodes2d, u2d, Wrs, Weu, be[None, :])
    in_g = edges2d.reshape(NE * DE // 128, 128)
    Wbd = jnp.kron(jnp.eye(128 // DE, dtype=_F32), Wee)
    ceg = jnp.tile(ce, (1, 128 // DEP))
    base8 = _tc_edge_base(in_g, Wbd, ceg)
    base = base8.reshape(NE, DEP)
    zeros = jnp.zeros((NV, DEP), _F32)
    epT, e2v_parts = _sc_edges(base, recv, send, projr, projs, zeros)
    edges_p2d = epT.T

    Wn0 = Wn[:DEP]
    Wn1 = Wn[DEP:DEP + DV]
    Wn2 = Wn[DEP + DV:]
    Wg0 = Wg[:DEP]
    Wg1 = Wg[DEP:DEP + DVP]
    Wg2 = Wg[DEP + DVP:]

    nodes_p2d, gout = _tc_node_global(nodes2d, e2v_parts, u2d,
                                      Wn0, Wn1, Wn2, bn[None, :],
                                      Wg0, Wg1, Wg2, bg[None, :])

    return nodes_p2d[None], edges_p2d[None], gout

# --- scband reference (transcript-rebuilt; emitter-appended) ---
"""Pipeline reference for scband-gnblock-9302899163820 (READ-ONLY COPY).

The authoritative reference and input builder live on the scoring server;
editing this copy changes nothing except your own understanding.
"""

import jax, jax.numpy as jnp
import numpy as np

B, NV, NE = 1, 10000, 320000
DV, DE, DU = 128, 16, 32
DEP, DVP, DUP = 16, 128, 32


def setup_inputs(seed: int = 0) -> dict:
    key = jax.random.key(seed)
    ks = jax.random.split(key, 12)
    nodes = jax.random.normal(ks[0], (B, NV, DV), dtype=jnp.float32)
    edges = jax.random.normal(ks[1], (B, NE, DE), dtype=jnp.float32)
    global_u = jax.random.normal(ks[2], (B, DU), dtype=jnp.float32)
    edge_rs = jax.random.randint(ks[3], (B, NE, 2), 0, NV, dtype=jnp.int32)
    node_masks = jnp.ones((B, NV, 1), dtype=jnp.float32)
    edge_masks = jnp.ones((B, NE, 1), dtype=jnp.float32)
    We = jax.random.normal(ks[4], (DE + 2 * DV + DU, DEP), dtype=jnp.float32) * 0.02
    be = jnp.zeros((DEP,), dtype=jnp.float32)
    Wn = jax.random.normal(ks[5], (DEP + DV + DU, DVP), dtype=jnp.float32) * 0.02
    bn = jnp.zeros((DVP,), dtype=jnp.float32)
    Wg = jax.random.normal(ks[6], (DEP + DVP + DU, DUP), dtype=jnp.float32) * 0.02
    bg = jnp.zeros((DUP,), dtype=jnp.float32)
    return {"nodes": nodes, "edges": edges, "global_u": global_u,
            "edge_rs": edge_rs, "node_masks": node_masks, "edge_masks": edge_masks,
            "We": We, "be": be, "Wn": Wn, "bn": bn, "Wg": Wg, "bg": bg}


def reference(nodes, edges, global_u, edge_rs, node_masks, edge_masks,
              We, be, Wn, bn, Wg, bg):
    Bb, Nv, Dv = nodes.shape
    _, Ne, _ = edges.shape
    Du = global_u.shape[-1]
    recv = edge_rs[:, :, 0]
    send = edge_rs[:, :, 1]
    # gather receiver/sender node attrs: (B, Ne, Dv)
    recv_nodes = jnp.take_along_axis(nodes, jnp.broadcast_to(recv[:, :, None], (Bb, Ne, Dv)), axis=1)
    send_nodes = jnp.take_along_axis(nodes, jnp.broadcast_to(send[:, :, None], (Bb, Ne, Dv)), axis=1)
    # edge block
    u_e = jnp.broadcast_to(global_u[:, None, :], (Bb, Ne, Du))
    edge_in = jnp.concatenate([edges, recv_nodes, send_nodes, u_e], axis=-1)
    edges_p = edge_in @ We + be
    # node block: e2v_merge = sum of adjacent (incoming, masked) edges per receiver node
    edges_p_masked = edges_p * edge_masks
    e2v = jax.vmap(lambda e, r: jax.ops.segment_sum(e, r, num_segments=Nv))(edges_p_masked, recv)
    u_n = jnp.broadcast_to(global_u[:, None, :], (Bb, Nv, Du))
    node_in = jnp.concatenate([e2v, nodes, u_n], axis=-1)
    nodes_p = node_in @ Wn + bn
    # global block: e2u_merge / v2u_merge = sum over edges / nodes
    edges_e2u = jnp.sum(edges_p, axis=1)
    nodes_v2u = jnp.sum(nodes_p, axis=1)
    global_in = jnp.concatenate([edges_e2u, nodes_v2u, global_u], axis=-1)
    global_u_p = global_in @ Wg + bg
    return nodes_p, edges_p, global_u_p

if __name__ == "__main__":
    import jax
    _d = setup_inputs()
    print(jax.jit(kernel)(*tuple(_d.values())))

</pallas_src>

<mosaic_0001>
#map = affine_map<(d0, d1) -> (0, 0)>
#map1 = affine_map<(d0, d1) -> (0)>
#map2 = affine_map<(d0, d1) -> (0, 0, 0)>
module attributes {stable_mosaic.version = 14 : i64} {
  func.func @k(%arg0: i32, %arg1: i32, %arg2: memref<320000x16xf32, #tpu.memory_space<hbm>>, %arg3: memref<320000xi32, #tpu.memory_space<hbm>>, %arg4: memref<320000xi32, #tpu.memory_space<hbm>>, %arg5: memref<10000x16xf32, #tpu.memory_space<hbm>>, %arg6: memref<10000x16xf32, #tpu.memory_space<hbm>>, %arg7: memref<10000x16xf32, #tpu.memory_space<hbm>>, %arg8: memref<16x320000xf32, #tpu.memory_space<hbm>>, %arg9: memref<2x10000x16xf32, #tpu.memory_space<hbm>>, %arg10: memref<128xi32, #tpu.memory_space<vmem>>, %arg11: memref<128xi32, #tpu.memory_space<vmem>>, %arg12: memref<128xi32, #tpu.memory_space<vmem>>, %arg13: memref<128xi32, #tpu.memory_space<vmem>>, %arg14: memref<128xi32, #tpu.memory_space<vmem>>, %arg15: memref<128xi32, #tpu.memory_space<vmem>>, %arg16: memref<128x16xf32, #tpu.memory_space<vmem>>, %arg17: memref<128x16xf32, #tpu.memory_space<vmem>>, %arg18: memref<128x16xf32, #tpu.memory_space<vmem>>, %arg19: memref<128x16xf32, #tpu.memory_space<vmem>>, %arg20: memref<128x16xf32, #tpu.memory_space<vmem>>, %arg21: memref<128x16xf32, #tpu.memory_space<vmem>>, %arg22: memref<128x16xf32, #tpu.memory_space<vmem>>, %arg23: memref<128x16xf32, #tpu.memory_space<vmem>>, %arg24: memref<128x16xf32, #tpu.memory_space<vmem>>, %arg25: memref<128x16xf32, #tpu.memory_space<vmem>>, %arg26: memref<128x16xf32, #tpu.memory_space<vmem>>, %arg27: memref<128x16xf32, #tpu.memory_space<vmem>>, %arg28: memref<2048xf32, #tpu.memory_space<vmem>>, %arg29: memref<2048xf32, #tpu.memory_space<vmem>>, %arg30: memref<2048xf32, #tpu.memory_space<vmem>>, %arg31: memref<!tpu.dma_semaphore, #tpu.memory_space<semaphore_mem>>, %arg32: memref<!tpu.dma_semaphore, #tpu.memory_space<semaphore_mem>>, %arg33: memref<!tpu.dma_semaphore, #tpu.memory_space<semaphore_mem>>, %arg34: memref<!tpu.dma_semaphore, #tpu.memory_space<semaphore_mem>>, %arg35: memref<!tpu.dma_semaphore, #tpu.memory_space<semaphore_mem>>, %arg36: memref<!tpu.dma_semaphore, #tpu.memory_space<semaphore_mem>>, %arg37: memref<!tpu.dma_semaphore, #tpu.memory_space<semaphore_mem>>, %arg38: memref<!tpu.dma_semaphore, #tpu.memory_space<semaphore_mem>>, %arg39: memref<!tpu.dma_semaphore, #tpu.memory_space<semaphore_mem>>, %arg40: memref<10000x16xf32, #tpu.memory_space<vmem_shared>>) attributes {dimension_semantics = [#tpu.dimension_semantics<core_parallel>, #tpu.dimension_semantics<subcore_parallel>], iteration_bounds = array<i64: 2, 16>, scalar_prefetch = 0 : i64, scratch_operands = 31 : i64, tpu.core_type = #tpu.core_type<sc_vector_subcore>, window_params = [{transform_indices = #map}, {transform_indices = #map1}, {transform_indices = #map1}, {transform_indices = #map}, {transform_indices = #map}, {transform_indices = #map}, {transform_indices = #map}, {transform_indices = #map2}]} {
    %mul3A = arith.constant 2 : i32
    %mul3A_0 = arith.muli %arg1, %mul3A : i32
    %add3A = arith.addi %mul3A_0, %arg0 : i32
    %mul3A_1 = arith.constant 78 : i32
    %mul3A_2 = arith.muli %add3A, %mul3A_1 : i32
    %min3A = arith.constant 4 : i32
    %min3A_3 = arith.minsi %add3A, %min3A : i32
    %add3A_4 = arith.addi %mul3A_2, %min3A_3 : i32
    %iota3A = tpu.iota {dimensions = array<i32: 0>} : vector<16xi32>
    %mul3A_5 = arith.constant 128 : i32
    %mul3A_6 = vector.broadcast %mul3A_5 : i32 to vector<16xi32>
    %mul3A_7 = arith.muli %iota3A, %mul3A_6 : vector<16xi32>
    %add3A_8 = arith.constant 0 : i32
    %add3A_9 = arith.addi %add3A_4, %add3A_8 : i32
    %mul3A_10 = arith.constant 128 : i32
    %mul3A_11 = arith.muli %add3A_9, %mul3A_10 : i32
    %multiple_of3A = tpu.assume_multiple %mul3A_11, 8 : i32
    %dma_start3A = tpu.memref_slice %arg3[%multiple_of3A] : memref<320000xi32, #tpu.memory_space<hbm>> -> memref<128xi32, #tpu.memory_space<hbm>>
    %dma_start3A_12 = tpu.memref_slice %arg3[%multiple_of3A] : memref<320000xi32, #tpu.memory_space<hbm>> -> memref<128xi32, #tpu.memory_space<hbm>>
    tpu.enqueue_dma source(%dma_start3A_12 : memref<128xi32, #tpu.memory_space<hbm>>) target(%arg10 : memref<128xi32, #tpu.memory_space<vmem>>) target_semaphore(%arg31 : memref<!tpu.dma_semaphore, #tpu.memory_space<semaphore_mem>>)
    %dma_start3A_13 = tpu.memref_slice %arg4[%multiple_of3A] : memref<320000xi32, #tpu.memory_space<hbm>> -> memref<128xi32, #tpu.memory_space<hbm>>
    %dma_start3A_14 = tpu.memref_slice %arg4[%multiple_of3A] : memref<320000xi32, #tpu.memory_space<hbm>> -> memref<128xi32, #tpu.memory_space<hbm>>
    tpu.enqueue_dma source(%dma_start3A_14 : memref<128xi32, #tpu.memory_space<hbm>>) target(%arg13 : memref<128xi32, #tpu.memory_space<vmem>>) target_semaphore(%arg31 : memref<!tpu.dma_semaphore, #tpu.memory_space<semaphore_mem>>)
    %dma_start3A_15 = arith.constant 0 : i32
    %dma_start3A_16 = tpu.memref_slice %arg2[%multiple_of3A, %dma_start3A_15] : memref<320000x16xf32, #tpu.memory_space<hbm>> -> memref<128x16xf32, #tpu.memory_space<hbm>>
    %dma_start3A_17 = arith.constant 0 : i32
    %dma_start3A_18 = tpu.memref_slice %arg2[%multiple_of3A, %dma_start3A_17] : memref<320000x16xf32, #tpu.memory_space<hbm>> -> memref<128x16xf32, #tpu.memory_space<hbm>>
    tpu.enqueue_dma source(%dma_start3A_18 : memref<128x16xf32, #tpu.memory_space<hbm>>) target(%arg16 : memref<128x16xf32, #tpu.memory_space<vmem>>) target_semaphore(%arg31 : memref<!tpu.dma_semaphore, #tpu.memory_space<semaphore_mem>>)
    %add3A_19 = arith.constant 1 : i32
    %add3A_20 = arith.addi %add3A_4, %add3A_19 : i32
    %mul3A_21 = arith.constant 128 : i32
    %mul3A_22 = arith.muli %add3A_20, %mul3A_21 : i32
    %multiple_of3A_23 = tpu.assume_multiple %mul3A_22, 8 : i32
    %dma_start3A_24 = tpu.memref_slice %arg3[%multiple_of3A_23] : memref<320000xi32, #tpu.memory_space<hbm>> -> memref<128xi32, #tpu.memory_space<hbm>>
    %dma_start3A_25 = tpu.memref_slice %arg3[%multiple_of3A_23] : memref<320000xi32, #tpu.memory_space<hbm>> -> memref<128xi32, #tpu.memory_space<hbm>>
    tpu.enqueue_dma source(%dma_start3A_25 : memref<128xi32, #tpu.memory_space<hbm>>) target(%arg11 : memref<128xi32, #tpu.memory_space<vmem>>) target_semaphore(%arg32 : memref<!tpu.dma_semaphore, #tpu.memory_space<semaphore_mem>>)
    %dma_start3A_26 = tpu.memref_slice %arg4[%multiple_of3A_23] : memref<320000xi32, #tpu.memory_space<hbm>> -> memref<128xi32, #tpu.memory_space<hbm>>
    %dma_start3A_27 = tpu.memref_slice %arg4[%multiple_of3A_23] : memref<320000xi32, #tpu.memory_space<hbm>> -> memref<128xi32, #tpu.memory_space<hbm>>
    tpu.enqueue_dma source(%dma_start3A_27 : memref<128xi32, #tpu.memory_space<hbm>>) target(%arg14 : memref<128xi32, #tpu.memory_space<vmem>>) target_semaphore(%arg32 : memref<!tpu.dma_semaphore, #tpu.memory_space<semaphore_mem>>)
    %dma_start3A_28 = arith.constant 0 : i32
    %dma_start3A_29 = tpu.memref_slice %arg2[%multiple_of3A_23, %dma_start3A_28] : memref<320000x16xf32, #tpu.memory_space<hbm>> -> memref<128x16xf32, #tpu.memory_space<hbm>>
    %dma_start3A_30 = arith.constant 0 : i32
    %dma_start3A_31 = tpu.memref_slice %arg2[%multiple_of3A_23, %dma_start3A_30] : memref<320000x16xf32, #tpu.memory_space<hbm>> -> memref<128x16xf32, #tpu.memory_space<hbm>>
    tpu.enqueue_dma source(%dma_start3A_31 : memref<128x16xf32, #tpu.memory_space<hbm>>) target(%arg17 : memref<128x16xf32, #tpu.memory_space<vmem>>) target_semaphore(%arg32 : memref<!tpu.dma_semaphore, #tpu.memory_space<semaphore_mem>>)
    %add3A_32 = arith.constant 2 : i32
    %add3A_33 = arith.addi %add3A_4, %add3A_32 : i32
    %mul3A_34 = arith.constant 128 : i32
    %mul3A_35 = arith.muli %add3A_33, %mul3A_34 : i32
    %multiple_of3A_36 = tpu.assume_multiple %mul3A_35, 8 : i32
    %dma_start3A_37 = tpu.memref_slice %arg3[%multiple_of3A_36] : memref<320000xi32, #tpu.memory_space<hbm>> -> memref<128xi32, #tpu.memory_space<hbm>>
    %dma_start3A_38 = tpu.memref_slice %arg3[%multiple_of3A_36] : memref<320000xi32, #tpu.memory_space<hbm>> -> memref<128xi32, #tpu.memory_space<hbm>>
    tpu.enqueue_dma source(%dma_start3A_38 : memref<128xi32, #tpu.memory_space<hbm>>) target(%arg12 : memref<128xi32, #tpu.memory_space<vmem>>) target_semaphore(%arg33 : memref<!tpu.dma_semaphore, #tpu.memory_space<semaphore_mem>>)
    %dma_start3A_39 = tpu.memref_slice %arg4[%multiple_of3A_36] : memref<320000xi32, #tpu.memory_space<hbm>> -> memref<128xi32, #tpu.memory_space<hbm>>
    %dma_start3A_40 = tpu.memref_slice %arg4[%multiple_of3A_36] : memref<320000xi32, #tpu.memory_space<hbm>> -> memref<128xi32, #tpu.memory_space<hbm>>
    tpu.enqueue_dma source(%dma_start3A_40 : memref<128xi32, #tpu.memory_space<hbm>>) target(%arg15 : memref<128xi32, #tpu.memory_space<vmem>>) target_semaphore(%arg33 : memref<!tpu.dma_semaphore, #tpu.memory_space<semaphore_mem>>)
    %dma_start3A_41 = arith.constant 0 : i32
    %dma_start3A_42 = tpu.memref_slice %arg2[%multiple_of3A_36, %dma_start3A_41] : memref<320000x16xf32, #tpu.memory_space<hbm>> -> memref<128x16xf32, #tpu.memory_space<hbm>>
    %dma_start3A_43 = arith.constant 0 : i32
    %dma_start3A_44 = tpu.memref_slice %arg2[%multiple_of3A_36, %dma_start3A_43] : memref<320000x16xf32, #tpu.memory_space<hbm>> -> memref<128x16xf32, #tpu.memory_space<hbm>>
    tpu.enqueue_dma source(%dma_start3A_44 : memref<128x16xf32, #tpu.memory_space<hbm>>) target(%arg18 : memref<128x16xf32, #tpu.memory_space<vmem>>) target_semaphore(%arg33 : memref<!tpu.dma_semaphore, #tpu.memory_space<semaphore_mem>>)
    %eq3A = arith.constant 0 : i32
    %eq3A_45 = arith.cmpi eq, %arg1, %eq3A : i32
    %convert_element_type3A = arith.extui %eq3A_45 : i1 to i32
    %cond3A = arith.constant 0 : i32
    %cond3A_46 = arith.cmpi ne, %convert_element_type3A, %cond3A : i32
    scf.if %cond3A_46 {
      "tpu.region"() ({
        %run_scoped3A = tpu.sem_alloc : memref<!tpu.dma_semaphore, #tpu.memory_space<semaphore_mem>>
        tpu.enqueue_dma source(%arg7 : memref<10000x16xf32, #tpu.memory_space<hbm>>) target(%arg40 : memref<10000x16xf32, #tpu.memory_space<vmem_shared>>) target_semaphore(%run_scoped3A : memref<!tpu.dma_semaphore, #tpu.memory_space<semaphore_mem>>)
        tpu.wait_dma2 semaphore(%run_scoped3A : memref<!tpu.dma_semaphore, #tpu.memory_space<semaphore_mem>>) src(%arg7 : memref<10000x16xf32, #tpu.memory_space<hbm>>) dst(%arg40 : memref<10000x16xf32, #tpu.memory_space<vmem_shared>>)
        tpu.yield
      }) : () -> ()
    } else {
    }
    %barrier3A = arith.constant 0 : index
    tpu.barrier barrier_id(%barrier3A)
    %scan3A = arith.constant 0 : i32
    %scan3A_47 = arith.constant 0 : i32
    %scan3A_48 = arith.constant 26 : i32
    %scan3A_49 = arith.addi %scan3A_47, %scan3A_48 : i32
    %scan3A_50 = arith.constant 1 : i32
    scf.for %scan3A_589 = %scan3A_47 to %scan3A_49 step %scan3A_50  : i32 {
      %mul3A_590 = arith.constant 3 : i32
      %mul3A_591 = arith.muli %scan3A_589, %mul3A_590 : i32
      %add3A_592 = arith.addi %add3A_4, %mul3A_591 : i32
      %add3A_593 = arith.constant 0 : i32
      %add3A_594 = arith.addi %add3A_592, %add3A_593 : i32
      %mul3A_595 = arith.constant 128 : i32
      %mul3A_596 = arith.muli %add3A_594, %mul3A_595 : i32
      %multiple_of3A_597 = tpu.assume_multiple %mul3A_596, 8 : i32
      %dma_wait3A_598 = tpu.memref_slice %arg3[%multiple_of3A_597] : memref<320000xi32, #tpu.memory_space<hbm>> -> memref<128xi32, #tpu.memory_space<hbm>>
      %dma_wait3A_599 = tpu.memref_slice %arg3[%multiple_of3A_597] : memref<320000xi32, #tpu.memory_space<hbm>> -> memref<128xi32, #tpu.memory_space<hbm>>
      tpu.wait_dma2 semaphore(%arg31 : memref<!tpu.dma_semaphore, #tpu.memory_space<semaphore_mem>>) src(%dma_wait3A_599 : memref<128xi32, #tpu.memory_space<hbm>>) dst(%arg10 : memref<128xi32, #tpu.memory_space<vmem>>)
      %dma_wait3A_600 = tpu.memref_slice %arg4[%multiple_of3A_597] : memref<320000xi32, #tpu.memory_space<hbm>> -> memref<128xi32, #tpu.memory_space<hbm>>
      %dma_wait3A_601 = tpu.memref_slice %arg4[%multiple_of3A_597] : memref<320000xi32, #tpu.memory_space<hbm>> -> memref<128xi32, #tpu.memory_space<hbm>>
      tpu.wait_dma2 semaphore(%arg31 : memref<!tpu.dma_semaphore, #tpu.memory_space<semaphore_mem>>) src(%dma_wait3A_601 : memref<128xi32, #tpu.memory_space<hbm>>) dst(%arg13 : memref<128xi32, #tpu.memory_space<vmem>>)
      %dma_wait3A_602 = arith.constant 0 : i32
      %dma_wait3A_603 = tpu.memref_slice %arg2[%multiple_of3A_597, %dma_wait3A_602] : memref<320000x16xf32, #tpu.memory_space<hbm>> -> memref<128x16xf32, #tpu.memory_space<hbm>>
      %dma_wait3A_604 = arith.constant 0 : i32
      %dma_wait3A_605 = tpu.memref_slice %arg2[%multiple_of3A_597, %dma_wait3A_604] : memref<320000x16xf32, #tpu.memory_space<hbm>> -> memref<128x16xf32, #tpu.memory_space<hbm>>
      tpu.wait_dma2 semaphore(%arg31 : memref<!tpu.dma_semaphore, #tpu.memory_space<semaphore_mem>>) src(%dma_wait3A_605 : memref<128x16xf32, #tpu.memory_space<hbm>>) dst(%arg16 : memref<128x16xf32, #tpu.memory_space<vmem>>)
      %dma_start3A_606 = arith.constant 0 : i32
      %dma_start3A_607 = arith.constant 0 : i32
      %dma_start3A_608 = tpu.memref_slice %arg5[%dma_start3A_606, %dma_start3A_607] : memref<10000x16xf32, #tpu.memory_space<hbm>> -> memref<10000x16xf32, #tpu.memory_space<hbm>>
      tpu.enqueue_indirect_dma source(%dma_start3A_608 : memref<10000x16xf32, #tpu.memory_space<hbm>>) target(%arg19 : memref<128x16xf32, #tpu.memory_space<vmem>>) offsets(%arg10 : memref<128xi32, #tpu.memory_space<vmem>>) semaphore(%arg34 : memref<!tpu.dma_semaphore, #tpu.memory_space<semaphore_mem>>)
      %dma_start3A_609 = arith.constant 0 : i32
      %dma_start3A_610 = arith.constant 0 : i32
      %dma_start3A_611 = tpu.memref_slice %arg6[%dma_start3A_609, %dma_start3A_610] : memref<10000x16xf32, #tpu.memory_space<hbm>> -> memref<10000x16xf32, #tpu.memory_space<hbm>>
      tpu.enqueue_indirect_dma source(%dma_start3A_611 : memref<10000x16xf32, #tpu.memory_space<hbm>>) target(%arg22 : memref<128x16xf32, #tpu.memory_space<vmem>>) offsets(%arg13 : memref<128xi32, #tpu.memory_space<vmem>>) semaphore(%arg34 : memref<!tpu.dma_semaphore, #tpu.memory_space<semaphore_mem>>)
      %ge3A = arith.constant 1 : i32
      %ge3A_612 = arith.cmpi sge, %scan3A_589, %ge3A : i32
      %convert_element_type3A_613 = arith.extui %ge3A_612 : i1 to i32
      %cond3A_614 = arith.constant 0 : i32
      %cond3A_615 = arith.cmpi ne, %convert_element_type3A_613, %cond3A_614 : i32
      scf.if %cond3A_615 {
        %mul3A_1162 = arith.constant 128 : i32
        %mul3A_1163 = arith.muli %add3A_594, %mul3A_1162 : i32
        %multiple_of3A_1164 = tpu.assume_multiple %mul3A_1163, 8 : i32
        %dma_wait3A_1165 = arith.constant 0 : i32
        %dma_wait3A_1166 = arith.constant 0 : i32
        %dma_wait3A_1167 = tpu.memref_slice %arg28[%dma_wait3A_1166] : memref<2048xf32, #tpu.memory_space<vmem>> -> memref<128xf32, #tpu.memory_space<vmem>>
        %dma_wait3A_1168 = tpu.memref_slice %arg8[%dma_wait3A_1165, %multiple_of3A_1164] : memref<16x320000xf32, #tpu.memory_space<hbm>> -> memref<1x128xf32, #tpu.memory_space<hbm>>
        %dma_wait3A_1169 = tpu.memref_squeeze %dma_wait3A_1168 : memref<1x128xf32, #tpu.memory_space<hbm>> -> memref<128xf32, #tpu.memory_space<hbm>>
        %dma_wait3A_1170 = tpu.memref_slice %arg8[%dma_wait3A_1165, %multiple_of3A_1164] : memref<16x320000xf32, #tpu.memory_space<hbm>> -> memref<1x128xf32, #tpu.memory_space<hbm>>
        %dma_wait3A_1171 = tpu.memref_squeeze %dma_wait3A_1170 : memref<1x128xf32, #tpu.memory_space<hbm>> -> memref<128xf32, #tpu.memory_space<hbm>>
        %dma_wait3A_1172 = arith.constant 0 : i32
        %dma_wait3A_1173 = tpu.memref_slice %arg28[%dma_wait3A_1172] : memref<2048xf32, #tpu.memory_space<vmem>> -> memref<128xf32, #tpu.memory_space<vmem>>
        tpu.wait_dma2 semaphore(%arg37 : memref<!tpu.dma_semaphore, #tpu.memory_space<semaphore_mem>>) src(%dma_wait3A_1173 : memref<128xf32, #tpu.memory_space<vmem>>) dst(%dma_wait3A_1171 : memref<128xf32, #tpu.memory_space<hbm>>)
        %dma_wait3A_1174 = arith.constant 1 : i32
        %dma_wait3A_1175 = arith.constant 128 : i32
        %dma_wait3A_1176 = tpu.memref_slice %arg28[%dma_wait3A_1175] : memref<2048xf32, #tpu.memory_space<vmem>> -> memref<128xf32, #tpu.memory_space<vmem>>
        %dma_wait3A_1177 = tpu.memref_slice %arg8[%dma_wait3A_1174, %multiple_of3A_1164] : memref<16x320000xf32, #tpu.memory_space<hbm>> -> memref<1x128xf32, #tpu.memory_space<hbm>>
        %dma_wait3A_1178 = tpu.memref_squeeze %dma_wait3A_1177 : memref<1x128xf32, #tpu.memory_space<hbm>> -> memref<128xf32, #tpu.memory_space<hbm>>
        %dma_wait3A_1179 = tpu.memref_slice %arg8[%dma_wait3A_1174, %multiple_of3A_1164] : memref<16x320000xf32, #tpu.memory_space<hbm>> -> memref<1x128xf32, #tpu.memory_space<hbm>>
        %dma_wait3A_1180 = tpu.memref_squeeze %dma_wait3A_1179 : memref<1x128xf32, #tpu.memory_space<hbm>> -> memref<128xf32, #tpu.memory_space<hbm>>
        %dma_wait3A_1181 = arith.constant 128 : i32
        %dma_wait3A_1182 = tpu.memref_slice %arg28[%dma_wait3A_1181] : memref<2048xf32, #tpu.memory_space<vmem>> -> memref<128xf32, #tpu.memory_space<vmem>>
        tpu.wait_dma2 semaphore(%arg37 : memref<!tpu.dma_semaphore, #tpu.memory_space<semaphore_mem>>) src(%dma_wait3A_1182 : memref<128xf32, #tpu.memory_space<vmem>>) dst(%dma_wait3A_1180 : memref<128xf32, #tpu.memory_space<hbm>>)
        %dma_wait3A_1183 = arith.constant 2 : i32
        %dma_wait3A_1184 = arith.constant 256 : i32
        %dma_wait3A_1185 = tpu.memref_slice %arg28[%dma_wait3A_1184] : memref<2048xf32, #tpu.memory_space<vmem>> -> memref<128xf32, #tpu.memory_space<vmem>>
        %dma_wait3A_1186 = tpu.memref_slice %arg8[%dma_wait3A_1183, %multiple_of3A_1164] : memref<16x320000xf32, #tpu.memory_space<hbm>> -> memref<1x128xf32, #tpu.memory_space<hbm>>
        %dma_wait3A_1187 = tpu.memref_squeeze %dma_wait3A_1186 : memref<1x128xf32, #tpu.memory_space<hbm>> -> memref<128xf32, #tpu.memory_space<hbm>>
        %dma_wait3A_1188 = tpu.memref_slice %arg8[%dma_wait3A_1183, %multiple_of3A_1164] : memref<16x320000xf32, #tpu.memory_space<hbm>> -> memref<1x128xf32, #tpu.memory_space<hbm>>
        %dma_wait3A_1189 = tpu.memref_squeeze %dma_wait3A_1188 : memref<1x128xf32, #tpu.memory_space<hbm>> -> memref<128xf32, #tpu.memory_space<hbm>>
        %dma_wait3A_1190 = arith.constant 256 : i32
        %dma_wait3A_1191 = tpu.memref_slice %arg28[%dma_wait3A_1190] : memref<2048xf32, #tpu.memory_space<vmem>> -> memref<128xf32, #tpu.memory_space<vmem>>
        tpu.wait_dma2 semaphore(%arg37 : memref<!tpu.dma_semaphore, #tpu.memory_space<semaphore_mem>>) src(%dma_wait3A_1191 : memref<128xf32, #tpu.memory_space<vmem>>) dst(%dma_wait3A_1189 : memref<128xf32, #tpu.memory_space<hbm>>)
        %dma_wait3A_1192 = arith.constant 3 : i32
        %dma_wait3A_1193 = arith.constant 384 : i32
        %dma_wait3A_1194 = tpu.memref_slice %arg28[%dma_wait3A_1193] : memref<2048xf32, #tpu.memory_space<vmem>> -> memref<128xf32, #tpu.memory_space<vmem>>
        %dma_wait3A_1195 = tpu.memref_slice %arg8[%dma_wait3A_1192, %multiple_of3A_1164] : memref<16x320000xf32, #tpu.memory_space<hbm>> -> memref<1x128xf32, #tpu.memory_space<hbm>>
        %dma_wait3A_1196 = tpu.memref_squeeze %dma_wait3A_1195 : memref<1x128xf32, #tpu.memory_space<hbm>> -> memref<128xf32, #tpu.memory_space<hbm>>
        %dma_wait3A_1197 = tpu.memref_slice %arg8[%dma_wait3A_1192, %multiple_of3A_1164] : memref<16x320000xf32, #tpu.memory_space<hbm>> -> memref<1x128xf32, #tpu.memory_space<hbm>>
        %dma_wait3A_1198 = tpu.memref_squeeze %dma_wait3A_1197 : memref<1x128xf32, #tpu.memory_space<hbm>> -> memref<128xf32, #tpu.memory_space<hbm>>
        %dma_wait3A_1199 = arith.constant 384 : i32
        %dma_wait3A_1200 = tpu.memref_slice %arg28[%dma_wait3A_1199] : memref<2048xf32, #tpu.memory_space<vmem>> -> memref<128xf32, #tpu.memory_space<vmem>>
        tpu.wait_dma2 semaphore(%arg37 : memref<!tpu.dma_semaphore, #tpu.memory_space<semaphore_mem>>) src(%dma_wait3A_1200 : memref<128xf32, #tpu.memory_space<vmem>>) dst(%dma_wait3A_1198 : memref<128xf32, #tpu.memory_space<hbm>>)
        %dma_wait3A_1201 = arith.constant 4 : i32
        %dma_wait3A_1202 = arith.constant 512 : i32
        %dma_wait3A_1203 = tpu.memref_slice %arg28[%dma_wait3A_1202] : memref<2048xf32, #tpu.memory_space<vmem>> -> memref<128xf32, #tpu.memory_space<vmem>>
        %dma_wait3A_1204 = tpu.memref_slice %arg8[%dma_wait3A_1201, %multiple_of3A_1164] : memref<16x320000xf32, #tpu.memory_space<hbm>> -> memref<1x128xf32, #tpu.memory_space<hbm>>
        %dma_wait3A_1205 = tpu.memref_squeeze %dma_wait3A_1204 : memref<1x128xf32, #tpu.memory_space<hbm>> -> memref<128xf32, #tpu.memory_space<hbm>>
        %dma_wait3A_1206 = tpu.memref_slice %arg8[%dma_wait3A_1201, %multiple_of3A_1164] : memref<16x320000xf32, #tpu.memory_space<hbm>> -> memref<1x128xf32, #tpu.memory_space<hbm>>
        %dma_wait3A_1207 = tpu.memref_squeeze %dma_wait3A_1206 : memref<1x128xf32, #tpu.memory_space<hbm>> -> memref<128xf32, #tpu.memory_space<hbm>>
        %dma_wait3A_1208 = arith.constant 512 : i32
        %dma_wait3A_1209 = tpu.memref_slice %arg28[%dma_wait3A_1208] : memref<2048xf32, #tpu.memory_space<vmem>> -> memref<128xf32, #tpu.memory_space<vmem>>
        tpu.wait_dma2 semaphore(%arg37 : memref<!tpu.dma_semaphore, #tpu.memory_space<semaphore_mem>>) src(%dma_wait3A_1209 : memref<128xf32, #tpu.memory_space<vmem>>) dst(%dma_wait3A_1207 : memref<128xf32, #tpu.memory_space<hbm>>)
        %dma_wait3A_1210 = arith.constant 5 : i32
        %dma_wait3A_1211 = arith.constant 640 : i32
        %dma_wait3A_1212 = tpu.memref_slice %arg28[%dma_wait3A_1211] : memref<2048xf32, #tpu.memory_space<vmem>> -> memref<128xf32, #tpu.memory_space<vmem>>
        %dma_wait3A_1213 = tpu.memref_slice %arg8[%dma_wait3A_1210, %multiple_of3A_1164] : memref<16x320000xf32, #tpu.memory_space<hbm>> -> memref<1x128xf32, #tpu.memory_space<hbm>>
        %dma_wait3A_1214 = tpu.memref_squeeze %dma_wait3A_1213 : memref<1x128xf32, #tpu.memory_space<hbm>> -> memref<128xf32, #tpu.memory_space<hbm>>
        %dma_wait3A_1215 = tpu.memref_slice %arg8[%dma_wait3A_1210, %multiple_of3A_1164] : memref<16x320000xf32, #tpu.memory_space<hbm>> -> memref<1x128xf32, #tpu.memory_space<hbm>>
        %dma_wait3A_1216 = tpu.memref_squeeze %dma_wait3A_1215 : memref<1x128xf32, #tpu.memory_space<hbm>> -> memref<128xf32, #tpu.memory_space<hbm>>
        %dma_wait3A_1217 = arith.constant 640 : i32
        %dma_wait3A_1218 = tpu.memref_slice %arg28[%dma_wait3A_1217] : memref<2048xf32, #tpu.memory_space<vmem>> -> memref<128xf32, #tpu.memory_space<vmem>>
        tpu.wait_dma2 semaphore(%arg37 : memref<!tpu.dma_semaphore, #tpu.memory_space<semaphore_mem>>) src(%dma_wait3A_1218 : memref<128xf32, #tpu.memory_space<vmem>>) dst(%dma_wait3A_1216 : memref<128xf32, #tpu.memory_space<hbm>>)
        %dma_wait3A_1219 = arith.constant 6 : i32
        %dma_wait3A_1220 = arith.constant 768 : i32
        %dma_wait3A_1221 = tpu.memref_slice %arg28[%dma_wait3A_1220] : memref<2048xf32, #tpu.memory_space<vmem>> -> memref<128xf32, #tpu.memory_space<vmem>>
        %dma_wait3A_1222 = tpu.memref_slice %arg8[%dma_wait3A_1219, %multiple_of3A_1164] : memref<16x320000xf32, #tpu.memory_space<hbm>> -> memref<1x128xf32, #tpu.memory_space<hbm>>
        %dma_wait3A_1223 = tpu.memref_squeeze %dma_wait3A_1222 : memref<1x128xf32, #tpu.memory_space<hbm>> -> memref<128xf32, #tpu.memory_space<hbm>>
        %dma_wait3A_1224 = tpu.memref_slice %arg8[%dma_wait3A_1219, %multiple_of3A_1164] : memref<16x320000xf32, #tpu.memory_space<hbm>> -> memref<1x128xf32, #tpu.memory_space<hbm>>
        %dma_wait3A_1225 = tpu.memref_squeeze %dma_wait3A_1224 : memref<1x128xf32, #tpu.memory_space<hbm>> -> memref<128xf32, #tpu.memory_space<hbm>>
        %dma_wait3A_1226 = arith.constant 768 : i32
        %dma_wait3A_1227 = tpu.memref_slice %arg28[%dma_wait3A_1226] : memref<2048xf32, #tpu.memory_space<vmem>> -> memref<128xf32, #tpu.memory_space<vmem>>
        tpu.wait_dma2 semaphore(%arg37 : memref<!tpu.dma_semaphore, #tpu.memory_space<semaphore_mem>>) src(%dma_wait3A_1227 : memref<128xf32, #tpu.memory_space<vmem>>) dst(%dma_wait3A_1225 : memref<128xf32, #tpu.memory_space<hbm>>)
        %dma_wait3A_1228 = arith.constant 7 : i32
        %dma_wait3A_1229 = arith.constant 896 : i32
        %dma_wait3A_1230 = tpu.memref_slice %arg28[%dma_wait3A_1229] : memref<2048xf32, #tpu.memory_space<vmem>> -> memref<128xf32, #tpu.memory_space<vmem>>
        %dma_wait3A_1231 = tpu.memref_slice %arg8[%dma_wait3A_1228, %multiple_of3A_1164] : memref<16x320000xf32, #tpu.memory_space<hbm>> -> memref<1x128xf32, #tpu.memory_space<hbm>>
        %dma_wait3A_1232 = tpu.memref_squeeze %dma_wait3A_1231 : memref<1x128xf32, #tpu.memory_space<hbm>> -> memref<128xf32, #tpu.memory_space<hbm>>
        %dma_wait3A_1233 = tpu.memref_slice %arg8[%dma_wait3A_1228, %multiple_of3A_1164] : memref<16x320000xf32, #tpu.memory_space<hbm>> -> memref<1x128xf32, #tpu.memory_space<hbm>>
        %dma_wait3A_1234 = tpu.memref_squeeze %dma_wait3A_1233 : memref<1x128xf32, #tpu.memory_space<hbm>> -> memref<128xf32, #tpu.memory_space<hbm>>
        %dma_wait3A_1235 = arith.constant 896 : i32
        %dma_wait3A_1236 = tpu.memref_slice %arg28[%dma_wait3A_1235] : memref<2048xf32, #tpu.memory_space<vmem>> -> memref<128xf32, #tpu.memory_space<vmem>>
        tpu.wait_dma2 semaphore(%arg37 : memref<!tpu.dma_semaphore, #tpu.memory_space<semaphore_mem>>) src(%dma_wait3A_1236 : memref<128xf32, #tpu.memory_space<vmem>>) dst(%dma_wait3A_1234 : memref<128xf32, #tpu.memory_space<hbm>>)
        %dma_wait3A_1237 = arith.constant 8 : i32
        %dma_wait3A_1238 = arith.constant 1024 : i32
        %dma_wait3A_1239 = tpu.memref_slice %arg28[%dma_wait3A_1238] : memref<2048xf32, #tpu.memory_space<vmem>> -> memref<128xf32, #tpu.memory_space<vmem>>
        %dma_wait3A_1240 = tpu.memref_slice %arg8[%dma_wait3A_1237, %multiple_of3A_1164] : memref<16x320000xf32, #tpu.memory_space<hbm>> -> memref<1x128xf32, #tpu.memory_space<hbm>>
        %dma_wait3A_1241 = tpu.memref_squeeze %dma_wait3A_1240 : memref<1x128xf32, #tpu.memory_space<hbm>> -> memref<128xf32, #tpu.memory_space<hbm>>
        %dma_wait3A_1242 = tpu.memref_slice %arg8[%dma_wait3A_1237, %multiple_of3A_1164] : memref<16x320000xf32, #tpu.memory_space<hbm>> -> memref<1x128xf32, #tpu.memory_space<hbm>>
        %dma_wait3A_1243 = tpu.memref_squeeze %dma_wait3A_1242 : memref<1x128xf32, #tpu.memory_space<hbm>> -> memref<128xf32, #tpu.memory_space<hbm>>
        %dma_wait3A_1244 = arith.constant 1024 : i32
        %dma_wait3A_1245 = tpu.memref_slice %arg28[%dma_wait3A_1244] : memref<2048xf32, #tpu.memory_space<vmem>> -> memref<128xf32, #tpu.memory_space<vmem>>
        tpu.wait_dma2 semaphore(%arg37 : memref<!tpu.dma_semaphore, #tpu.memory_space<semaphore_mem>>) src(%dma_wait3A_1245 : memref<128xf32, #tpu.memory_space<vmem>>) dst(%dma_wait3A_1243 : memref<128xf32, #tpu.memory_space<hbm>>)
        %dma_wait3A_1246 = arith.constant 9 : i32
        %dma_wait3A_1247 = arith.constant 1152 : i32
        %dma_wait3A_1248 = tpu.memref_slice %arg28[%dma_wait3A_1247] : memref<2048xf32, #tpu.memory_space<vmem>> -> memref<128xf32, #tpu.memory_space<vmem>>
        %dma_wait3A_1249 = tpu.memref_slice %arg8[%dma_wait3A_1246, %multiple_of3A_1164] : memref<16x320000xf32, #tpu.memory_space<hbm>> -> memref<1x128xf32, #tpu.memory_space<hbm>>
        %dma_wait3A_1250 = tpu.memref_squeeze %dma_wait3A_1249 : memref<1x128xf32, #tpu.memory_space<hbm>> -> memref<128xf32, #tpu.memory_space<hbm>>
        %dma_wait3A_1251 = tpu.memref_slice %arg8[%dma_wait3A_1246, %multiple_of3A_1164] : memref<16x320000xf32, #tpu.memory_space<hbm>> -> memref<1x128xf32, #tpu.memory_space<hbm>>
        %dma_wait3A_1252 = tpu.memref_squeeze %dma_wait3A_1251 : memref<1x128xf32, #tpu.memory_space<hbm>> -> memref<128xf32, #tpu.memory_space<hbm>>
        %dma_wait3A_1253 = arith.constant 1152 : i32
        %dma_wait3A_1254 = tpu.memref_slice %arg28[%dma_wait3A_1253] : memref<2048xf32, #tpu.memory_space<vmem>> -> memref<128xf32, #tpu.memory_space<vmem>>
        tpu.wait_dma2 semaphore(%arg37 : memref<!tpu.dma_semaphore, #tpu.memory_space<semaphore_mem>>) src(%dma_wait3A_1254 : memref<128xf32, #tpu.memory_space<vmem>>) dst(%dma_wait3A_1252 : memref<128xf32, #tpu.memory_space<hbm>>)
        %dma_wait3A_1255 = arith.constant 10 : i32
        %dma_wait3A_1256 = arith.constant 1280 : i32
        %dma_wait3A_1257 = tpu.memref_slice %arg28[%dma_wait3A_1256] : memref<2048xf32, #tpu.memory_space<vmem>> -> memref<128xf32, #tpu.memory_space<vmem>>
        %dma_wait3A_1258 = tpu.memref_slice %arg8[%dma_wait3A_1255, %multiple_of3A_1164] : memref<16x320000xf32, #tpu.memory_space<hbm>> -> memref<1x128xf32, #tpu.memory_space<hbm>>
        %dma_wait3A_1259 = tpu.memref_squeeze %dma_wait3A_1258 : memref<1x128xf32, #tpu.memory_space<hbm>> -> memref<128xf32, #tpu.memory_space<hbm>>
        %dma_wait3A_1260 = tpu.memref_slice %arg8[%dma_wait3A_1255, %multiple_of3A_1164] : memref<16x320000xf32, #tpu.memory_space<hbm>> -> memref<1x128xf32, #tpu.memory_space<hbm>>
        %dma_wait3A_1261 = tpu.memref_squeeze %dma_wait3A_1260 : memref<1x128xf32, #tpu.memory_space<hbm>> -> memref<128xf32, #tpu.memory_space<hbm>>
        %dma_wait3A_1262 = arith.constant 1280 : i32
        %dma_wait3A_1263 = tpu.memref_slice %arg28[%dma_wait3A_1262] : memref<2048xf32, #tpu.memory_space<vmem>> -> memref<128xf32, #tpu.memory_space<vmem>>
        tpu.wait_dma2 semaphore(%arg37 : memref<!tpu.dma_semaphore, #tpu.memory_space<semaphore_mem>>) src(%dma_wait3A_1263 : memref<128xf32, #tpu.memory_space<vmem>>) dst(%dma_wait3A_1261 : memref<128xf32, #tpu.memory_space<hbm>>)
        %dma_wait3A_1264 = arith.constant 11 : i32
        %dma_wait3A_1265 = arith.constant 1408 : i32
        %dma_wait3A_1266 = tpu.memref_slice %arg28[%dma_wait3A_1265] : memref<2048xf32, #tpu.memory_space<vmem>> -> memref<128xf32, #tpu.memory_space<vmem>>
        %dma_wait3A_1267 = tpu.memref_slice %arg8[%dma_wait3A_1264, %multiple_of3A_1164] : memref<16x320000xf32, #tpu.memory_space<hbm>> -> memref<1x128xf32, #tpu.memory_space<hbm>>
        %dma_wait3A_1268 = tpu.memref_squeeze %dma_wait3A_1267 : memref<1x128xf32, #tpu.memory_space<hbm>> -> memref<128xf32, #tpu.memory_space<hbm>>
        %dma_wait3A_1269 = tpu.memref_slice %arg8[%dma_wait3A_1264, %multiple_of3A_1164] : memref<16x320000xf32, #tpu.memory_space<hbm>> -> memref<1x128xf32, #tpu.memory_space<hbm>>
        %dma_wait3A_1270 = tpu.memref_squeeze %dma_wait3A_1269 : memref<1x128xf32, #tpu.memory_space<hbm>> -> memref<128xf32, #tpu.memory_space<hbm>>
        %dma_wait3A_1271 = arith.constant 1408 : i32
        %dma_wait3A_1272 = tpu.memref_slice %arg28[%dma_wait3A_1271] : memref<2048xf32, #tpu.memory_space<vmem>> -> memref<128xf32, #tpu.memory_space<vmem>>
        tpu.wait_dma2 semaphore(%arg37 : memref<!tpu.dma_semaphore, #tpu.memory_space<semaphore_mem>>) src(%dma_wait3A_1272 : memref<128xf32, #tpu.memory_space<vmem>>) dst(%dma_wait3A_1270 : memref<128xf32, #tpu.memory_space<hbm>>)
        %dma_wait3A_1273 = arith.constant 12 : i32
        %dma_wait3A_1274 = arith.constant 1536 : i32
        %dma_wait3A_1275 = tpu.memref_slice %arg28[%dma_wait3A_1274] : memref<2048xf32, #tpu.memory_space<vmem>> -> memref<128xf32, #tpu.memory_space<vmem>>
        %dma_wait3A_1276 = tpu.memref_slice %arg8[%dma_wait3A_1273, %multiple_of3A_1164] : memref<16x320000xf32, #tpu.memory_space<hbm>> -> memref<1x128xf32, #tpu.memory_space<hbm>>
        %dma_wait3A_1277 = tpu.memref_squeeze %dma_wait3A_1276 : memref<1x128xf32, #tpu.memory_space<hbm>> -> memref<128xf32, #tpu.memory_space<hbm>>
        %dma_wait3A_1278 = tpu.memref_slice %arg8[%dma_wait3A_1273, %multiple_of3A_1164] : memref<16x320000xf32, #tpu.memory_space<hbm>> -> memref<1x128xf32, #tpu.memory_space<hbm>>
        %dma_wait3A_1279 = tpu.memref_squeeze %dma_wait3A_1278 : memref<1x128xf32, #tpu.memory_space<hbm>> -> memref<128xf32, #tpu.memory_space<hbm>>
        %dma_wait3A_1280 = arith.constant 1536 : i32
        %dma_wait3A_1281 = tpu.memref_slice %arg28[%dma_wait3A_1280] : memref<2048xf32, #tpu.memory_space<vmem>> -> memref<128xf32, #tpu.memory_space<vmem>>
        tpu.wait_dma2 semaphore(%arg37 : memref<!tpu.dma_semaphore, #tpu.memory_space<semaphore_mem>>) src(%dma_wait3A_1281 : memref<128xf32, #tpu.memory_space<vmem>>) dst(%dma_wait3A_1279 : memref<128xf32, #tpu.memory_space<hbm>>)
        %dma_wait3A_1282 = arith.constant 13 : i32
        %dma_wait3A_1283 = arith.constant 1664 : i32
        %dma_wait3A_1284 = tpu.memref_slice %arg28[%dma_wait3A_1283] : memref<2048xf32, #tpu.memory_space<vmem>> -> memref<128xf32, #tpu.memory_space<vmem>>
        %dma_wait3A_1285 = tpu.memref_slice %arg8[%dma_wait3A_1282, %multiple_of3A_1164] : memref<16x320000xf32, #tpu.memory_space<hbm>> -> memref<1x128xf32, #tpu.memory_space<hbm>>
        %dma_wait3A_1286 = tpu.memref_squeeze %dma_wait3A_1285 : memref<1x128xf32, #tpu.memory_space<hbm>> -> memref<128xf32, #tpu.memory_space<hbm>>
        %dma_wait3A_1287 = tpu.memref_slice %arg8[%dma_wait3A_1282, %multiple_of3A_1164] : memref<16x320000xf32, #tpu.memory_space<hbm>> -> memref<1x128xf32, #tpu.memory_space<hbm>>
        %dma_wait3A_1288 = tpu.memref_squeeze %dma_wait3A_1287 : memref<1x128xf32, #tpu.memory_space<hbm>> -> memref<128xf32, #tpu.memory_space<hbm>>
        %dma_wait3A_1289 = arith.constant 1664 : i32
        %dma_wait3A_1290 = tpu.memref_slice %arg28[%dma_wait3A_1289] : memref<2048xf32, #tpu.memory_space<vmem>> -> memref<128xf32, #tpu.memory_space<vmem>>
        tpu.wait_dma2 semaphore(%arg37 : memref<!tpu.dma_semaphore, #tpu.memory_space<semaphore_mem>>) src(%dma_wait3A_1290 : memref<128xf32, #tpu.memory_space<vmem>>) dst(%dma_wait3A_1288 : memref<128xf32, #tpu.memory_space<hbm>>)
        %dma_wait3A_1291 = arith.constant 14 : i32
        %dma_wait3A_1292 = arith.constant 1792 : i32
        %dma_wait3A_1293 = tpu.memref_slice %arg28[%dma_wait3A_1292] : memref<2048xf32, #tpu.memory_space<vmem>> -> memref<128xf32, #tpu.memory_space<vmem>>
        %dma_wait3A_1294 = tpu.memref_slice %arg8[%dma_wait3A_1291, %multiple_of3A_1164] : memref<16x320000xf32, #tpu.memory_space<hbm>> -> memref<1x128xf32, #tpu.memory_space<hbm>>
        %dma_wait3A_1295 = tpu.memref_squeeze %dma_wait3A_1294 : memref<1x128xf32, #tpu.memory_space<hbm>> -> memref<128xf32, #tpu.memory_space<hbm>>
        %dma_wait3A_1296 = tpu.memref_slice %arg8[%dma_wait3A_1291, %multiple_of3A_1164] : memref<16x320000xf32, #tpu.memory_space<hbm>> -> memref<1x128xf32, #tpu.memory_space<hbm>>
        %dma_wait3A_1297 = tpu.memref_squeeze %dma_wait3A_1296 : memref<1x128xf32, #tpu.memory_space<hbm>> -> memref<128xf32, #tpu.memory_space<hbm>>
        %dma_wait3A_1298 = arith.constant 1792 : i32
        %dma_wait3A_1299 = tpu.memref_slice %arg28[%dma_wait3A_1298] : memref<2048xf32, #tpu.memory_space<vmem>> -> memref<128xf32, #tpu.memory_space<vmem>>
        tpu.wait_dma2 semaphore(%arg37 : memref<!tpu.dma_semaphore, #tpu.memory_space<semaphore_mem>>) src(%dma_wait3A_1299 : memref<128xf32, #tpu.memory_space<vmem>>) dst(%dma_wait3A_1297 : memref<128xf32, #tpu.memory_space<hbm>>)
        %dma_wait3A_1300 = arith.constant 15 : i32
        %dma_wait3A_1301 = arith.constant 1920 : i32
        %dma_wait3A_1302 = tpu.memref_slice %arg28[%dma_wait3A_1301] : memref<2048xf32, #tpu.memory_space<vmem>> -> memref<128xf32, #tpu.memory_space<vmem>>
        %dma_wait3A_1303 = tpu.memref_slice %arg8[%dma_wait3A_1300, %multiple_of3A_1164] : memref<16x320000xf32, #tpu.memory_space<hbm>> -> memref<1x128xf32, #tpu.memory_space<hbm>>
        %dma_wait3A_1304 = tpu.memref_squeeze %dma_wait3A_1303 : memref<1x128xf32, #tpu.memory_space<hbm>> -> memref<128xf32, #tpu.memory_space<hbm>>
        %dma_wait3A_1305 = tpu.memref_slice %arg8[%dma_wait3A_1300, %multiple_of3A_1164] : memref<16x320000xf32, #tpu.memory_space<hbm>> -> memref<1x128xf32, #tpu.memory_space<hbm>>
        %dma_wait3A_1306 = tpu.memref_squeeze %dma_wait3A_1305 : memref<1x128xf32, #tpu.memory_space<hbm>> -> memref<128xf32, #tpu.memory_space<hbm>>
        %dma_wait3A_1307 = arith.constant 1920 : i32
        %dma_wait3A_1308 = tpu.memref_slice %arg28[%dma_wait3A_1307] : memref<2048xf32, #tpu.memory_space<vmem>> -> memref<128xf32, #tpu.memory_space<vmem>>
        tpu.wait_dma2 semaphore(%arg37 : memref<!tpu.dma_semaphore, #tpu.memory_space<semaphore_mem>>) src(%dma_wait3A_1308 : memref<128xf32, #tpu.memory_space<vmem>>) dst(%dma_wait3A_1306 : memref<128xf32, #tpu.memory_space<hbm>>)
      } else {
      }
      %dma_wait3A_616 = arith.constant 0 : i32
      %dma_wait3A_617 = arith.constant 0 : i32
      %dma_wait3A_618 = tpu.memref_slice %arg5[%dma_wait3A_616, %dma_wait3A_617] : memref<10000x16xf32, #tpu.memory_space<hbm>> -> memref<10000x16xf32, #tpu.memory_space<hbm>>
      tpu.wait_indirect_dma semaphore(%arg34 : memref<!tpu.dma_semaphore, #tpu.memory_space<semaphore_mem>>) src(%dma_wait3A_618 : memref<10000x16xf32, #tpu.memory_space<hbm>>) dst(%arg19 : memref<128x16xf32, #tpu.memory_space<vmem>>)
      %dma_wait3A_619 = arith.constant 0 : i32
      %dma_wait3A_620 = arith.constant 0 : i32
      %dma_wait3A_621 = tpu.memref_slice %arg6[%dma_wait3A_619, %dma_wait3A_620] : memref<10000x16xf32, #tpu.memory_space<hbm>> -> memref<10000x16xf32, #tpu.memory_space<hbm>>
      tpu.wait_indirect_dma semaphore(%arg34 : memref<!tpu.dma_semaphore, #tpu.memory_space<semaphore_mem>>) src(%dma_wait3A_621 : memref<10000x16xf32, #tpu.memory_space<hbm>>) dst(%arg22 : memref<128x16xf32, #tpu.memory_space<vmem>>)
      %scan3A_622 = arith.constant 0 : i32
      %scan3A_623 = arith.constant 0 : i32
      %scan3A_624 = arith.constant 128 : i32
      %scan3A_625 = arith.addi %scan3A_623, %scan3A_624 : i32
      %scan3A_626 = arith.constant 4 : i32
      scf.for %scan3A_1162 = %scan3A_623 to %scan3A_625 step %scan3A_626  : i32 {
        %get3A = arith.index_cast %scan3A_1162 : i32 to index
        %get3A_1163 = arith.constant 0 : index
        %get3A_1164 = tpu.vector_load %arg16[%get3A, %get3A_1163] {strides = array<i32>} : memref<128x16xf32, #tpu.memory_space<vmem>>, vector<16xf32>,
        %get3A_1165 = arith.index_cast %scan3A_1162 : i32 to index
        %get3A_1166 = arith.constant 0 : index
        %get3A_1167 = tpu.vector_load %arg19[%get3A_1165, %get3A_1166] {strides = array<i32>} : memref<128x16xf32, #tpu.memory_space<vmem>>, vector<16xf32>,
        %add3A_1168 = arith.addf %get3A_1164, %get3A_1167 : vector<16xf32>
        %get3A_1169 = arith.index_cast %scan3A_1162 : i32 to index
        %get3A_1170 = arith.constant 0 : index
        %get3A_1171 = tpu.vector_load %arg22[%get3A_1169, %get3A_1170] {strides = array<i32>} : memref<128x16xf32, #tpu.memory_space<vmem>>, vector<16xf32>,
        %add3A_1172 = arith.addf %add3A_1168, %get3A_1171 : vector<16xf32>
        %swap3A = arith.index_cast %scan3A_1162 : i32 to index
        %swap3A_1173 = arith.constant 0 : index
        %swap3A_1174 = tpu.vector_load %arg25[%swap3A, %swap3A_1173] {strides = array<i32>} : memref<128x16xf32, #tpu.memory_space<vmem>>, vector<16xf32>,
        tpu.vector_store %arg25[%swap3A, %swap3A_1173], %add3A_1172 {strides = array<i32>} : memref<128x16xf32, #tpu.memory_space<vmem>>, vector<16xf32>,
        %add3A_1175 = vector.broadcast %scan3A_1162 : i32 to vector<16xi32>
        %add3A_1176 = arith.addi %mul3A_7, %add3A_1175 : vector<16xi32>
        tpu.vector_store_idx %arg28[%add3A_1176], %add3A_1172 : memref<2048xf32, #tpu.memory_space<vmem>>[vector<16xi32>], vector<16xf32>,
        %scan3A_1177 = arith.constant 1 : i32
        %scan3A_1178 = arith.addi %scan3A_1162, %scan3A_1177 : i32
        %get3A_1179 = arith.index_cast %scan3A_1178 : i32 to index
        %get3A_1180 = arith.constant 0 : index
        %get3A_1181 = tpu.vector_load %arg16[%get3A_1179, %get3A_1180] {strides = array<i32>} : memref<128x16xf32, #tpu.memory_space<vmem>>, vector<16xf32>,
        %get3A_1182 = arith.index_cast %scan3A_1178 : i32 to index
        %get3A_1183 = arith.constant 0 : index
        %get3A_1184 = tpu.vector_load %arg19[%get3A_1182, %get3A_1183] {strides = array<i32>} : memref<128x16xf32, #tpu.memory_space<vmem>>, vector<16xf32>,
        %add3A_1185 = arith.addf %get3A_1181, %get3A_1184 : vector<16xf32>
        %get3A_1186 = arith.index_cast %scan3A_1178 : i32 to index
        %get3A_1187 = arith.constant 0 : index
        %get3A_1188 = tpu.vector_load %arg22[%get3A_1186, %get3A_1187] {strides = array<i32>} : memref<128x16xf32, #tpu.memory_space<vmem>>, vector<16xf32>,
        %add3A_1189 = arith.addf %add3A_1185, %get3A_1188 : vector<16xf32>
        %swap3A_1190 = arith.index_cast %scan3A_1178 : i32 to index
        %swap3A_1191 = arith.constant 0 : index
        %swap3A_1192 = tpu.vector_load %arg25[%swap3A_1190, %swap3A_1191] {strides = array<i32>} : memref<128x16xf32, #tpu.memory_space<vmem>>, vector<16xf32>,
        tpu.vector_store %arg25[%swap3A_1190, %swap3A_1191], %add3A_1189 {strides = array<i32>} : memref<128x16xf32, #tpu.memory_space<vmem>>, vector<16xf32>,
        %add3A_1193 = vector.broadcast %scan3A_1178 : i32 to vector<16xi32>
        %add3A_1194 = arith.addi %mul3A_7, %add3A_1193 : vector<16xi32>
        tpu.vector_store_idx %arg28[%add3A_1194], %add3A_1189 : memref<2048xf32, #tpu.memory_space<vmem>>[vector<16xi32>], vector<16xf32>,
        %scan3A_1195 = arith.constant 2 : i32
        %scan3A_1196 = arith.addi %scan3A_1162, %scan3A_1195 : i32
        %get3A_1197 = arith.index_cast %scan3A_1196 : i32 to index
        %get3A_1198 = arith.constant 0 : index
        %get3A_1199 = tpu.vector_load %arg16[%get3A_1197, %get3A_1198] {strides = array<i32>} : memref<128x16xf32, #tpu.memory_space<vmem>>, vector<16xf32>,
        %get3A_1200 = arith.index_cast %scan3A_1196 : i32 to index
        %get3A_1201 = arith.constant 0 : index
        %get3A_1202 = tpu.vector_load %arg19[%get3A_1200, %get3A_1201] {strides = array<i32>} : memref<128x16xf32, #tpu.memory_space<vmem>>, vector<16xf32>,
        %add3A_1203 = arith.addf %get3A_1199, %get3A_1202 : vector<16xf32>
        %get3A_1204 = arith.index_cast %scan3A_1196 : i32 to index
        %get3A_1205 = arith.constant 0 : index
        %get3A_1206 = tpu.vector_load %arg22[%get3A_1204, %get3A_1205] {strides = array<i32>} : memref<128x16xf32, #tpu.memory_space<vmem>>, vector<16xf32>,
        %add3A_1207 = arith.addf %add3A_1203, %get3A_1206 : vector<16xf32>
        %swap3A_1208 = arith.index_cast %scan3A_1196 : i32 to index
        %swap3A_1209 = arith.constant 0 : index
        %swap3A_1210 = tpu.vector_load %arg25[%swap3A_1208, %swap3A_1209] {strides = array<i32>} : memref<128x16xf32, #tpu.memory_space<vmem>>, vector<16xf32>,
        tpu.vector_store %arg25[%swap3A_1208, %swap3A_1209], %add3A_1207 {strides = array<i32>} : memref<128x16xf32, #tpu.memory_space<vmem>>, vector<16xf32>,
        %add3A_1211 = vector.broadcast %scan3A_1196 : i32 to vector<16xi32>
        %add3A_1212 = arith.addi %mul3A_7, %add3A_1211 : vector<16xi32>
        tpu.vector_store_idx %arg28[%add3A_1212], %add3A_1207 : memref<2048xf32, #tpu.memory_space<vmem>>[vector<16xi32>], vector<16xf32>,
        %scan3A_1213 = arith.constant 3 : i32
        %scan3A_1214 = arith.addi %scan3A_1162, %scan3A_1213 : i32
        %get3A_1215 = arith.index_cast %scan3A_1214 : i32 to index
        %get3A_1216 = arith.constant 0 : index
        %get3A_1217 = tpu.vector_load %arg16[%get3A_1215, %get3A_1216] {strides = array<i32>} : memref<128x16xf32, #tpu.memory_space<vmem>>, vector<16xf32>,
        %get3A_1218 = arith.index_cast %scan3A_1214 : i32 to index
        %get3A_1219 = arith.constant 0 : index
        %get3A_1220 = tpu.vector_load %arg19[%get3A_1218, %get3A_1219] {strides = array<i32>} : memref<128x16xf32, #tpu.memory_space<vmem>>, vector<16xf32>,
        %add3A_1221 = arith.addf %get3A_1217, %get3A_1220 : vector<16xf32>
        %get3A_1222 = arith.index_cast %scan3A_1214 : i32 to index
        %get3A_1223 = arith.constant 0 : index
        %get3A_1224 = tpu.vector_load %arg22[%get3A_1222, %get3A_1223] {strides = array<i32>} : memref<128x16xf32, #tpu.memory_space<vmem>>, vector<16xf32>,
        %add3A_1225 = arith.addf %add3A_1221, %get3A_1224 : vector<16xf32>
        %swap3A_1226 = arith.index_cast %scan3A_1214 : i32 to index
        %swap3A_1227 = arith.constant 0 : index
        %swap3A_1228 = tpu.vector_load %arg25[%swap3A_1226, %swap3A_1227] {strides = array<i32>} : memref<128x16xf32, #tpu.memory_space<vmem>>, vector<16xf32>,
        tpu.vector_store %arg25[%swap3A_1226, %swap3A_1227], %add3A_1225 {strides = array<i32>} : memref<128x16xf32, #tpu.memory_space<vmem>>, vector<16xf32>,
        %add3A_1229 = vector.broadcast %scan3A_1214 : i32 to vector<16xi32>
        %add3A_1230 = arith.addi %mul3A_7, %add3A_1229 : vector<16xi32>
        tpu.vector_store_idx %arg28[%add3A_1230], %add3A_1225 : memref<2048xf32, #tpu.memory_space<vmem>>[vector<16xi32>], vector<16xf32>,
      }
      %scan3A_627 = arith.constant 128 : i32
      %mul3A_628 = arith.constant 128 : i32
      %mul3A_629 = arith.muli %add3A_594, %mul3A_628 : i32
      %multiple_of3A_630 = tpu.assume_multiple %mul3A_629, 8 : i32
      %dma_start3A_631 = arith.constant 0 : i32
      %dma_start3A_632 = arith.constant 0 : i32
      %dma_start3A_633 = tpu.memref_slice %arg28[%dma_start3A_632] : memref<2048xf32, #tpu.memory_space<vmem>> -> memref<128xf32, #tpu.memory_space<vmem>>
      %dma_start3A_634 = tpu.memref_slice %arg8[%dma_start3A_631, %multiple_of3A_630] : memref<16x320000xf32, #tpu.memory_space<hbm>> -> memref<1x128xf32, #tpu.memory_space<hbm>>
      %dma_start3A_635 = tpu.memref_squeeze %dma_start3A_634 : memref<1x128xf32, #tpu.memory_space<hbm>> -> memref<128xf32, #tpu.memory_space<hbm>>
      %dma_start3A_636 = tpu.memref_slice %arg8[%dma_start3A_631, %multiple_of3A_630] : memref<16x320000xf32, #tpu.memory_space<hbm>> -> memref<1x128xf32, #tpu.memory_space<hbm>>
      %dma_start3A_637 = tpu.memref_squeeze %dma_start3A_636 : memref<1x128xf32, #tpu.memory_space<hbm>> -> memref<128xf32, #tpu.memory_space<hbm>>
      %dma_start3A_638 = arith.constant 0 : i32
      %dma_start3A_639 = tpu.memref_slice %arg28[%dma_start3A_638] : memref<2048xf32, #tpu.memory_space<vmem>> -> memref<128xf32, #tpu.memory_space<vmem>>
      tpu.enqueue_dma source(%dma_start3A_639 : memref<128xf32, #tpu.memory_space<vmem>>) target(%dma_start3A_637 : memref<128xf32, #tpu.memory_space<hbm>>) target_semaphore(%arg37 : memref<!tpu.dma_semaphore, #tpu.memory_space<semaphore_mem>>)
      %dma_start3A_640 = arith.constant 1 : i32
      %dma_start3A_641 = arith.constant 128 : i32
      %dma_start3A_642 = tpu.memref_slice %arg28[%dma_start3A_641] : memref<2048xf32, #tpu.memory_space<vmem>> -> memref<128xf32, #tpu.memory_space<vmem>>
      %dma_start3A_643 = tpu.memref_slice %arg8[%dma_start3A_640, %multiple_of3A_630] : memref<16x320000xf32, #tpu.memory_space<hbm>> -> memref<1x128xf32, #tpu.memory_space<hbm>>
      %dma_start3A_644 = tpu.memref_squeeze %dma_start3A_643 : memref<1x128xf32, #tpu.memory_space<hbm>> -> memref<128xf32, #tpu.memory_space<hbm>>
      %dma_start3A_645 = tpu.memref_slice %arg8[%dma_start3A_640, %multiple_of3A_630] : memref<16x320000xf32, #tpu.memory_space<hbm>> -> memref<1x128xf32, #tpu.memory_space<hbm>>
      %dma_start3A_646 = tpu.memref_squeeze %dma_start3A_645 : memref<1x128xf32, #tpu.memory_space<hbm>> -> memref<128xf32, #tpu.memory_space<hbm>>
      %dma_start3A_647 = arith.constant 128 : i32
      %dma_start3A_648 = tpu.memref_slice %arg28[%dma_start3A_647] : memref<2048xf32, #tpu.memory_space<vmem>> -> memref<128xf32, #tpu.memory_space<vmem>>
      tpu.enqueue_dma source(%dma_start3A_648 : memref<128xf32, #tpu.memory_space<vmem>>) target(%dma_start3A_646 : memref<128xf32, #tpu.memory_space<hbm>>) target_semaphore(%arg37 : memref<!tpu.dma_semaphore, #tpu.memory_space<semaphore_mem>>)
      %dma_start3A_649 = arith.constant 2 : i32
      %dma_start3A_650 = arith.constant 256 : i32
      %dma_start3A_651 = tpu.memref_slice %arg28[%dma_start3A_650] : memref<2048xf32, #tpu.memory_space<vmem>> -> memref<128xf32, #tpu.memory_space<vmem>>
      %dma_start3A_652 = tpu.memref_slice %arg8[%dma_start3A_649, %multiple_of3A_630] : memref<16x320000xf32, #tpu.memory_space<hbm>> -> memref<1x128xf32, #tpu.memory_space<hbm>>
      %dma_start3A_653 = tpu.memref_squeeze %dma_start3A_652 : memref<1x128xf32, #tpu.memory_space<hbm>> -> memref<128xf32, #tpu.memory_space<hbm>>
      %dma_start3A_654 = tpu.memref_slice %arg8[%dma_start3A_649, %multiple_of3A_630] : memref<16x320000xf32, #tpu.memory_space<hbm>> -> memref<1x128xf32, #tpu.memory_space<hbm>>
      %dma_start3A_655 = tpu.memref_squeeze %dma_start3A_654 : memref<1x128xf32, #tpu.memory_space<hbm>> -> memref<128xf32, #tpu.memory_space<hbm>>
      %dma_start3A_656 = arith.constant 256 : i32
      %dma_start3A_657 = tpu.memref_slice %arg28[%dma_start3A_656] : memref<2048xf32, #tpu.memory_space<vmem>> -> memref<128xf32, #tpu.memory_space<vmem>>
      tpu.enqueue_dma source(%dma_start3A_657 : memref<128xf32, #tpu.memory_space<vmem>>) target(%dma_start3A_655 : memref<128xf32, #tpu.memory_space<hbm>>) target_semaphore(%arg37 : memref<!tpu.dma_semaphore, #tpu.memory_space<semaphore_mem>>)
      %dma_start3A_658 = arith.constant 3 : i32
      %dma_start3A_659 = arith.constant 384 : i32
      %dma_start3A_660 = tpu.memref_slice %arg28[%dma_start3A_659] : memref<2048xf32, #tpu.memory_space<vmem>> -> memref<128xf32, #tpu.memory_space<vmem>>
      %dma_start3A_661 = tpu.memref_slice %arg8[%dma_start3A_658, %multiple_of3A_630] : memref<16x320000xf32, #tpu.memory_space<hbm>> -> memref<1x128xf32, #tpu.memory_space<hbm>>
      %dma_start3A_662 = tpu.memref_squeeze %dma_start3A_661 : memref<1x128xf32, #tpu.memory_space<hbm>> -> memref<128xf32, #tpu.memory_space<hbm>>
      %dma_start3A_663 = tpu.memref_slice %arg8[%dma_start3A_658, %multiple_of3A_630] : memref<16x320000xf32, #tpu.memory_space<hbm>> -> memref<1x128xf32, #tpu.memory_space<hbm>>
      %dma_start3A_664 = tpu.memref_squeeze %dma_start3A_663 : memref<1x128xf32, #tpu.memory_space<hbm>> -> memref<128xf32, #tpu.memory_space<hbm>>
      %dma_start3A_665 = arith.constant 384 : i32
      %dma_start3A_666 = tpu.memref_slice %arg28[%dma_start3A_665] : memref<2048xf32, #tpu.memory_space<vmem>> -> memref<128xf32, #tpu.memory_space<vmem>>
      tpu.enqueue_dma source(%dma_start3A_666 : memref<128xf32, #tpu.memory_space<vmem>>) target(%dma_start3A_664 : memref<128xf32, #tpu.memory_space<hbm>>) target_semaphore(%arg37 : memref<!tpu.dma_semaphore, #tpu.memory_space<semaphore_mem>>)
      %dma_start3A_667 = arith.constant 4 : i32
      %dma_start3A_668 = arith.constant 512 : i32
      %dma_start3A_669 = tpu.memref_slice %arg28[%dma_start3A_668] : memref<2048xf32, #tpu.memory_space<vmem>> -> memref<128xf32, #tpu.memory_space<vmem>>
      %dma_start3A_670 = tpu.memref_slice %arg8[%dma_start3A_667, %multiple_of3A_630] : memref<16x320000xf32, #tpu.memory_space<hbm>> -> memref<1x128xf32, #tpu.memory_space<hbm>>
      %dma_start3A_671 = tpu.memref_squeeze %dma_start3A_670 : memref<1x128xf32, #tpu.memory_space<hbm>> -> memref<128xf32, #tpu.memory_space<hbm>>
      %dma_start3A_672 = tpu.memref_slice %arg8[%dma_start3A_667, %multiple_of3A_630] : memref<16x320000xf32, #tpu.memory_space<hbm>> -> memref<1x128xf32, #tpu.memory_space<hbm>>
      %dma_start3A_673 = tpu.memref_squeeze %dma_start3A_672 : memref<1x128xf32, #tpu.memory_space<hbm>> -> memref<128xf32, #tpu.memory_space<hbm>>
      %dma_start3A_674 = arith.constant 512 : i32
      %dma_start3A_675 = tpu.memref_slice %arg28[%dma_start3A_674] : memref<2048xf32, #tpu.memory_space<vmem>> -> memref<128xf32, #tpu.memory_space<vmem>>
      tpu.enqueue_dma source(%dma_start3A_675 : memref<128xf32, #tpu.memory_space<vmem>>) target(%dma_start3A_673 : memref<128xf32, #tpu.memory_space<hbm>>) target_semaphore(%arg37 : memref<!tpu.dma_semaphore, #tpu.memory_space<semaphore_mem>>)
      %dma_start3A_676 = arith.constant 5 : i32
      %dma_start3A_677 = arith.constant 640 : i32
      %dma_start3A_678 = tpu.memref_slice %arg28[%dma_start3A_677] : memref<2048xf32, #tpu.memory_space<vmem>> -> memref<128xf32, #tpu.memory_space<vmem>>
      %dma_start3A_679 = tpu.memref_slice %arg8[%dma_start3A_676, %multiple_of3A_630] : memref<16x320000xf32, #tpu.memory_space<hbm>> -> memref<1x128xf32, #tpu.memory_space<hbm>>
      %dma_start3A_680 = tpu.memref_squeeze %dma_start3A_679 : memref<1x128xf32, #tpu.memory_space<hbm>> -> memref<128xf32, #tpu.memory_space<hbm>>
      %dma_start3A_681 = tpu.memref_slice %arg8[%dma_start3A_676, %multiple_of3A_630] : memref<16x320000xf32, #tpu.memory_space<hbm>> -> memref<1x128xf32, #tpu.memory_space<hbm>>
      %dma_start3A_682 = tpu.memref_squeeze %dma_start3A_681 : memref<1x128xf32, #tpu.memory_space<hbm>> -> memref<128xf32, #tpu.memory_space<hbm>>
      %dma_start3A_683 = arith.constant 640 : i32
      %dma_start3A_684 = tpu.memref_slice %arg28[%dma_start3A_683] : memref<2048xf32, #tpu.memory_space<vmem>> -> memref<128xf32, #tpu.memory_space<vmem>>
      tpu.enqueue_dma source(%dma_start3A_684 : memref<128xf32, #tpu.memory_space<vmem>>) target(%dma_start3A_682 : memref<128xf32, #tpu.memory_space<hbm>>) target_semaphore(%arg37 : memref<!tpu.dma_semaphore, #tpu.memory_space<semaphore_mem>>)
      %dma_start3A_685 = arith.constant 6 : i32
      %dma_start3A_686 = arith.constant 768 : i32
      %dma_start3A_687 = tpu.memref_slice %arg28[%dma_start3A_686] : memref<2048xf32, #tpu.memory_space<vmem>> -> memref<128xf32, #tpu.memory_space<vmem>>
      %dma_start3A_688 = tpu.memref_slice %arg8[%dma_start3A_685, %multiple_of3A_630] : memref<16x320000xf32, #tpu.memory_space<hbm>> -> memref<1x128xf32, #tpu.memory_space<hbm>>
      %dma_start3A_689 = tpu.memref_squeeze %dma_start3A_688 : memref<1x128xf32, #tpu.memory_space<hbm>> -> memref<128xf32, #tpu.memory_space<hbm>>
      %dma_start3A_690 = tpu.memref_slice %arg8[%dma_start3A_685, %multiple_of3A_630] : memref<16x320000xf32, #tpu.memory_space<hbm>> -> memref<1x128xf32, #tpu.memory_space<hbm>>
      %dma_start3A_691 = tpu.memref_squeeze %dma_start3A_690 : memref<1x128xf32, #tpu.memory_space<hbm>> -> memref<128xf32, #tpu.memory_space<hbm>>
      %dma_start3A_692 = arith.constant 768 : i32
      %dma_start3A_693 = tpu.memref_slice %arg28[%dma_start3A_692] : memref<2048xf32, #tpu.memory_space<vmem>> -> memref<128xf32, #tpu.memory_space<vmem>>
      tpu.enqueue_dma source(%dma_start3A_693 : memref<128xf32, #tpu.memory_space<vmem>>) target(%dma_start3A_691 : memref<128xf32, #tpu.memory_space<hbm>>) target_semaphore(%arg37 : memref<!tpu.dma_semaphore, #tpu.memory_space<semaphore_mem>>)
      %dma_start3A_694 = arith.constant 7 : i32
      %dma_start3A_695 = arith.constant 896 : i32
      %dma_start3A_696 = tpu.memref_slice %arg28[%dma_start3A_695] : memref<2048xf32, #tpu.memory_space<vmem>> -> memref<128xf32, #tpu.memory_space<vmem>>
      %dma_start3A_697 = tpu.memref_slice %arg8[%dma_start3A_694, %multiple_of3A_630] : memref<16x320000xf32, #tpu.memory_space<hbm>> -> memref<1x128xf32, #tpu.memory_space<hbm>>
      %dma_start3A_698 = tpu.memref_squeeze %dma_start3A_697 : memref<1x128xf32, #tpu.memory_space<hbm>> -> memref<128xf32, #tpu.memory_space<hbm>>
      %dma_start3A_699 = tpu.memref_slice %arg8[%dma_start3A_694, %multiple_of3A_630] : memref<16x320000xf32, #tpu.memory_space<hbm>> -> memref<1x128xf32, #tpu.memory_space<hbm>>
      %dma_start3A_700 = tpu.memref_squeeze %dma_start3A_699 : memref<1x128xf32, #tpu.memory_space<hbm>> -> memref<128xf32, #tpu.memory_space<hbm>>
      %dma_start3A_701 = arith.constant 896 : i32
      %dma_start3A_702 = tpu.memref_slice %arg28[%dma_start3A_701] : memref<2048xf32, #tpu.memory_space<vmem>> -> memref<128xf32, #tpu.memory_space<vmem>>
      tpu.enqueue_dma source(%dma_start3A_702 : memref<128xf32, #tpu.memory_space<vmem>>) target(%dma_start3A_700 : memref<128xf32, #tpu.memory_space<hbm>>) target_semaphore(%arg37 : memref<!tpu.dma_semaphore, #tpu.memory_space<semaphore_mem>>)
      %dma_start3A_703 = arith.constant 8 : i32
      %dma_start3A_704 = arith.constant 1024 : i32
      %dma_start3A_705 = tpu.memref_slice %arg28[%dma_start3A_704] : memref<2048xf32, #tpu.memory_space<vmem>> -> memref<128xf32, #tpu.memory_space<vmem>>
      %dma_start3A_706 = tpu.memref_slice %arg8[%dma_start3A_703, %multiple_of3A_630] : memref<16x320000xf32, #tpu.memory_space<hbm>> -> memref<1x128xf32, #tpu.memory_space<hbm>>
      %dma_start3A_707 = tpu.memref_squeeze %dma_start3A_706 : memref<1x128xf32, #tpu.memory_space<hbm>> -> memref<128xf32, #tpu.memory_space<hbm>>
      %dma_start3A_708 = tpu.memref_slice %arg8[%dma_start3A_703, %multiple_of3A_630] : memref<16x320000xf32, #tpu.memory_space<hbm>> -> memref<1x128xf32, #tpu.memory_space<hbm>>
      %dma_start3A_709 = tpu.memref_squeeze %dma_start3A_708 : memref<1x128xf32, #tpu.memory_space<hbm>> -> memref<128xf32, #tpu.memory_space<hbm>>
      %dma_start3A_710 = arith.constant 1024 : i32
      %dma_start3A_711 = tpu.memref_slice %arg28[%dma_start3A_710] : memref<2048xf32, #tpu.memory_space<vmem>> -> memref<128xf32, #tpu.memory_space<vmem>>
      tpu.enqueue_dma source(%dma_start3A_711 : memref<128xf32, #tpu.memory_space<vmem>>) target(%dma_start3A_709 : memref<128xf32, #tpu.memory_space<hbm>>) target_semaphore(%arg37 : memref<!tpu.dma_semaphore, #tpu.memory_space<semaphore_mem>>)
      %dma_start3A_712 = arith.constant 9 : i32
      %dma_start3A_713 = arith.constant 1152 : i32
      %dma_start3A_714 = tpu.memref_slice %arg28[%dma_start3A_713] : memref<2048xf32, #tpu.memory_space<vmem>> -> memref<128xf32, #tpu.memory_space<vmem>>
      %dma_start3A_715 = tpu.memref_slice %arg8[%dma_start3A_712, %multiple_of3A_630] : memref<16x320000xf32, #tpu.memory_space<hbm>> -> memref<1x128xf32, #tpu.memory_space<hbm>>
      %dma_start3A_716 = tpu.memref_squeeze %dma_start3A_715 : memref<1x128xf32, #tpu.memory_space<hbm>> -> memref<128xf32, #tpu.memory_space<hbm>>
      %dma_start3A_717 = tpu.memref_slice %arg8[%dma_start3A_712, %multiple_of3A_630] : memref<16x320000xf32, #tpu.memory_space<hbm>> -> memref<1x128xf32, #tpu.memory_space<hbm>>
      %dma_start3A_718 = tpu.memref_squeeze %dma_start3A_717 : memref<1x128xf32, #tpu.memory_space<hbm>> -> memref<128xf32, #tpu.memory_space<hbm>>
      %dma_start3A_719 = arith.constant 1152 : i32
      %dma_start3A_720 = tpu.memref_slice %arg28[%dma_start3A_719] : memref<2048xf32, #tpu.memory_space<vmem>> -> memref<128xf32, #tpu.memory_space<vmem>>
      tpu.enqueue_dma source(%dma_start3A_720 : memref<128xf32, #tpu.memory_space<vmem>>) target(%dma_start3A_718 : memref<128xf32, #tpu.memory_space<hbm>>) target_semaphore(%arg37 : memref<!tpu.dma_semaphore, #tpu.memory_space<semaphore_mem>>)
      %dma_start3A_721 = arith.constant 10 : i32
      %dma_start3A_722 = arith.constant 1280 : i32
      %dma_start3A_723 = tpu.memref_slice %arg28[%dma_start3A_722] : memref<2048xf32, #tpu.memory_space<vmem>> -> memref<128xf32, #tpu.memory_space<vmem>>
      %dma_start3A_724 = tpu.memref_slice %arg8[%dma_start3A_721, %multiple_of3A_630] : memref<16x320000xf32, #tpu.memory_space<hbm>> -> memref<1x128xf32, #tpu.memory_space<hbm>>
      %dma_start3A_725 = tpu.memref_squeeze %dma_start3A_724 : memref<1x128xf32, #tpu.memory_space<hbm>> -> memref<128xf32, #tpu.memory_space<hbm>>
      %dma_start3A_726 = tpu.memref_slice %arg8[%dma_start3A_721, %multiple_of3A_630] : memref<16x320000xf32, #tpu.memory_space<hbm>> -> memref<1x128xf32, #tpu.memory_space<hbm>>
      %dma_start3A_727 = tpu.memref_squeeze %dma_start3A_726 : memref<1x128xf32, #tpu.memory_space<hbm>> -> memref<128xf32, #tpu.memory_space<hbm>>
      %dma_start3A_728 = arith.constant 1280 : i32
      %dma_start3A_729 = tpu.memref_slice %arg28[%dma_start3A_728] : memref<2048xf32, #tpu.memory_space<vmem>> -> memref<128xf32, #tpu.memory_space<vmem>>
      tpu.enqueue_dma source(%dma_start3A_729 : memref<128xf32, #tpu.memory_space<vmem>>) target(%dma_start3A_727 : memref<128xf32, #tpu.memory_space<hbm>>) target_semaphore(%arg37 : memref<!tpu.dma_semaphore, #tpu.memory_space<semaphore_mem>>)
      %dma_start3A_730 = arith.constant 11 : i32
      %dma_start3A_731 = arith.constant 1408 : i32
      %dma_start3A_732 = tpu.memref_slice %arg28[%dma_start3A_731] : memref<2048xf32, #tpu.memory_space<vmem>> -> memref<128xf32, #tpu.memory_space<vmem>>
      %dma_start3A_733 = tpu.memref_slice %arg8[%dma_start3A_730, %multiple_of3A_630] : memref<16x320000xf32, #tpu.memory_space<hbm>> -> memref<1x128xf32, #tpu.memory_space<hbm>>
      %dma_start3A_734 = tpu.memref_squeeze %dma_start3A_733 : memref<1x128xf32, #tpu.memory_space<hbm>> -> memref<128xf32, #tpu.memory_space<hbm>>
      %dma_start3A_735 = tpu.memref_slice %arg8[%dma_start3A_730, %multiple_of3A_630] : memref<16x320000xf32, #tpu.memory_space<hbm>> -> memref<1x128xf32, #tpu.memory_space<hbm>>
      %dma_start3A_736 = tpu.memref_squeeze %dma_start3A_735 : memref<1x128xf32, #tpu.memory_space<hbm>> -> memref<128xf32, #tpu.memory_space<hbm>>
      %dma_start3A_737 = arith.constant 1408 : i32
      %dma_start3A_738 = tpu.memref_slice %arg28[%dma_start3A_737] : memref<2048xf32, #tpu.memory_space<vmem>> -> memref<128xf32, #tpu.memory_space<vmem>>
      tpu.enqueue_dma source(%dma_start3A_738 : memref<128xf32, #tpu.memory_space<vmem>>) target(%dma_start3A_736 : memref<128xf32, #tpu.memory_space<hbm>>) target_semaphore(%arg37 : memref<!tpu.dma_semaphore, #tpu.memory_space<semaphore_mem>>)
      %dma_start3A_739 = arith.constant 12 : i32
      %dma_start3A_740 = arith.constant 1536 : i32
      %dma_start3A_741 = tpu.memref_slice %arg28[%dma_start3A_740] : memref<2048xf32, #tpu.memory_space<vmem>> -> memref<128xf32, #tpu.memory_space<vmem>>
      %dma_start3A_742 = tpu.memref_slice %arg8[%dma_start3A_739, %multiple_of3A_630] : memref<16x320000xf32, #tpu.memory_space<hbm>> -> memref<1x128xf32, #tpu.memory_space<hbm>>
      %dma_start3A_743 = tpu.memref_squeeze %dma_start3A_742 : memref<1x128xf32, #tpu.memory_space<hbm>> -> memref<128xf32, #tpu.memory_space<hbm>>
      %dma_start3A_744 = tpu.memref_slice %arg8[%dma_start3A_739, %multiple_of3A_630] : memref<16x320000xf32, #tpu.memory_space<hbm>> -> memref<1x128xf32, #tpu.memory_space<hbm>>
      %dma_start3A_745 = tpu.memref_squeeze %dma_start3A_744 : memref<1x128xf32, #tpu.memory_space<hbm>> -> memref<128xf32, #tpu.memory_space<hbm>>
      %dma_start3A_746 = arith.constant 1536 : i32
      %dma_start3A_747 = tpu.memref_slice %arg28[%dma_start3A_746] : memref<2048xf32, #tpu.memory_space<vmem>> -> memref<128xf32, #tpu.memory_space<vmem>>
      tpu.enqueue_dma source(%dma_start3A_747 : memref<128xf32, #tpu.memory_space<vmem>>) target(%dma_start3A_745 : memref<128xf32, #tpu.memory_space<hbm>>) target_semaphore(%arg37 : memref<!tpu.dma_semaphore, #tpu.memory_space<semaphore_mem>>)
      %dma_start3A_748 = arith.constant 13 : i32
      %dma_start3A_749 = arith.constant 1664 : i32
      %dma_start3A_750 = tpu.memref_slice %arg28[%dma_start3A_749] : memref<2048xf32, #tpu.memory_space<vmem>> -> memref<128xf32, #tpu.memory_space<vmem>>
      %dma_start3A_751 = tpu.memref_slice %arg8[%dma_start3A_748, %multiple_of3A_630] : memref<16x320000xf32, #tpu.memory_space<hbm>> -> memref<1x128xf32, #tpu.memory_space<hbm>>
      %dma_start3A_752 = tpu.memref_squeeze %dma_start3A_751 : memref<1x128xf32, #tpu.memory_space<hbm>> -> memref<128xf32, #tpu.memory_space<hbm>>
      %dma_start3A_753 = tpu.memref_slice %arg8[%dma_start3A_748, %multiple_of3A_630] : memref<16x320000xf32, #tpu.memory_space<hbm>> -> memref<1x128xf32, #tpu.memory_space<hbm>>
      %dma_start3A_754 = tpu.memref_squeeze %dma_start3A_753 : memref<1x128xf32, #tpu.memory_space<hbm>> -> memref<128xf32, #tpu.memory_space<hbm>>
      %dma_start3A_755 = arith.constant 1664 : i32
      %dma_start3A_756 = tpu.memref_slice %arg28[%dma_start3A_755] : memref<2048xf32, #tpu.memory_space<vmem>> -> memref<128xf32, #tpu.memory_space<vmem>>
      tpu.enqueue_dma source(%dma_start3A_756 : memref<128xf32, #tpu.memory_space<vmem>>) target(%dma_start3A_754 : memref<128xf32, #tpu.memory_space<hbm>>) target_semaphore(%arg37 : memref<!tpu.dma_semaphore, #tpu.memory_space<semaphore_mem>>)
      %dma_start3A_757 = arith.constant 14 : i32
      %dma_start3A_758 = arith.constant 1792 : i32
      %dma_start3A_759 = tpu.memref_slice %arg28[%dma_start3A_758] : memref<2048xf32, #tpu.memory_space<vmem>> -> memref<128xf32, #tpu.memory_space<vmem>>
      %dma_start3A_760 = tpu.memref_slice %arg8[%dma_start3A_757, %multiple_of3A_630] : memref<16x320000xf32, #tpu.memory_space<hbm>> -> memref<1x128xf32, #tpu.memory_space<hbm>>
      %dma_start3A_761 = tpu.memref_squeeze %dma_start3A_760 : memref<1x128xf32, #tpu.memory_space<hbm>> -> memref<128xf32, #tpu.memory_space<hbm>>
      %dma_start3A_762 = tpu.memref_slice %arg8[%dma_start3A_757, %multiple_of3A_630] : memref<16x320000xf32, #tpu.memory_space<hbm>> -> memref<1x128xf32, #tpu.memory_space<hbm>>
      %dma_start3A_763 = tpu.memref_squeeze %dma_start3A_762 : memref<1x128xf32, #tpu.memory_space<hbm>> -> memref<128xf32, #tpu.memory_space<hbm>>
      %dma_start3A_764 = arith.constant 1792 : i32
      %dma_start3A_765 = tpu.memref_slice %arg28[%dma_start3A_764] : memref<2048xf32, #tpu.memory_space<vmem>> -> memref<128xf32, #tpu.memory_space<vmem>>
      tpu.enqueue_dma source(%dma_start3A_765 : memref<128xf32, #tpu.memory_space<vmem>>) target(%dma_start3A_763 : memref<128xf32, #tpu.memory_space<hbm>>) target_semaphore(%arg37 : memref<!tpu.dma_semaphore, #tpu.memory_space<semaphore_mem>>)
      %dma_start3A_766 = arith.constant 15 : i32
      %dma_start3A_767 = arith.constant 1920 : i32
      %dma_start3A_768 = tpu.memref_slice %arg28[%dma_start3A_767] : memref<2048xf32, #tpu.memory_space<vmem>> -> memref<128xf32, #tpu.memory_space<vmem>>
      %dma_start3A_769 = tpu.memref_slice %arg8[%dma_start3A_766, %multiple_of3A_630] : memref<16x320000xf32, #tpu.memory_space<hbm>> -> memref<1x128xf32, #tpu.memory_space<hbm>>
      %dma_start3A_770 = tpu.memref_squeeze %dma_start3A_769 : memref<1x128xf32, #tpu.memory_space<hbm>> -> memref<128xf32, #tpu.memory_space<hbm>>
      %dma_start3A_771 = tpu.memref_slice %arg8[%dma_start3A_766, %multiple_of3A_630] : memref<16x320000xf32, #tpu.memory_space<hbm>> -> memref<1x128xf32, #tpu.memory_space<hbm>>
      %dma_start3A_772 = tpu.memref_squeeze %dma_start3A_771 : memref<1x128xf32, #tpu.memory_space<hbm>> -> memref<128xf32, #tpu.memory_space<hbm>>
      %dma_start3A_773 = arith.constant 1920 : i32
      %dma_start3A_774 = tpu.memref_slice %arg28[%dma_start3A_773] : memref<2048xf32, #tpu.memory_space<vmem>> -> memref<128xf32, #tpu.memory_space<vmem>>
      tpu.enqueue_dma source(%dma_start3A_774 : memref<128xf32, #tpu.memory_space<vmem>>) target(%dma_start3A_772 : memref<128xf32, #tpu.memory_space<hbm>>) target_semaphore(%arg37 : memref<!tpu.dma_semaphore, #tpu.memory_space<semaphore_mem>>)
      "tpu.region"() ({
        %run_scoped3A = tpu.sem_alloc : memref<!tpu.dma_semaphore, #tpu.memory_space<semaphore_mem>>
        %dma_start3A_1162 = arith.constant 0 : i32
        %dma_start3A_1163 = arith.constant 0 : i32
        %dma_start3A_1164 = tpu.memref_slice %arg40[%dma_start3A_1162, %dma_start3A_1163] : memref<10000x16xf32, #tpu.memory_space<vmem_shared>> -> memref<10000x16xf32, #tpu.memory_space<vmem_shared>>
        tpu.enqueue_indirect_dma source(%arg25 : memref<128x16xf32, #tpu.memory_space<vmem>>) target(%dma_start3A_1164 : memref<10000x16xf32, #tpu.memory_space<vmem_shared>>) offsets(%arg10 : memref<128xi32, #tpu.memory_space<vmem>>) semaphore(%run_scoped3A : memref<!tpu.dma_semaphore, #tpu.memory_space<semaphore_mem>>) {add = true}
        %dma_wait3A_1165 = arith.constant 0 : i32
        %dma_wait3A_1166 = arith.constant 0 : i32
        %dma_wait3A_1167 = tpu.memref_slice %arg40[%dma_wait3A_1165, %dma_wait3A_1166] : memref<10000x16xf32, #tpu.memory_space<vmem_shared>> -> memref<10000x16xf32, #tpu.memory_space<vmem_shared>>
        tpu.wait_indirect_dma semaphore(%run_scoped3A : memref<!tpu.dma_semaphore, #tpu.memory_space<semaphore_mem>>) src(%arg25 : memref<128x16xf32, #tpu.memory_space<vmem>>) dst(%dma_wait3A_1167 : memref<10000x16xf32, #tpu.memory_space<vmem_shared>>)
        tpu.yield
      }) : () -> ()
      %lt3A_775 = arith.constant 25 : i32
      %lt3A_776 = arith.cmpi slt, %scan3A_589, %lt3A_775 : i32
      %convert_element_type3A_777 = arith.extui %lt3A_776 : i1 to i32
      %cond3A_778 = arith.constant 0 : i32
      %cond3A_779 = arith.cmpi ne, %convert_element_type3A_777, %cond3A_778 : i32
      scf.if %cond3A_779 {
        %add3A_1162 = arith.constant 3 : i32
        %add3A_1163 = arith.addi %add3A_594, %add3A_1162 : i32
        %mul3A_1164 = arith.constant 128 : i32
        %mul3A_1165 = arith.muli %add3A_1163, %mul3A_1164 : i32
        %multiple_of3A_1166 = tpu.assume_multiple %mul3A_1165, 8 : i32
        %dma_start3A_1167 = tpu.memref_slice %arg3[%multiple_of3A_1166] : memref<320000xi32, #tpu.memory_space<hbm>> -> memref<128xi32, #tpu.memory_space<hbm>>
        %dma_start3A_1168 = tpu.memref_slice %arg3[%multiple_of3A_1166] : memref<320000xi32, #tpu.memory_space<hbm>> -> memref<128xi32, #tpu.memory_space<hbm>>
        tpu.enqueue_dma source(%dma_start3A_1168 : memref<128xi32, #tpu.memory_space<hbm>>) target(%arg10 : memref<128xi32, #tpu.memory_space<vmem>>) target_semaphore(%arg31 : memref<!tpu.dma_semaphore, #tpu.memory_space<semaphore_mem>>)
        %dma_start3A_1169 = tpu.memref_slice %arg4[%multiple_of3A_1166] : memref<320000xi32, #tpu.memory_space<hbm>> -> memref<128xi32, #tpu.memory_space<hbm>>
        %dma_start3A_1170 = tpu.memref_slice %arg4[%multiple_of3A_1166] : memref<320000xi32, #tpu.memory_space<hbm>> -> memref<128xi32, #tpu.memory_space<hbm>>
        tpu.enqueue_dma source(%dma_start3A_1170 : memref<128xi32, #tpu.memory_space<hbm>>) target(%arg13 : memref<128xi32, #tpu.memory_space<vmem>>) target_semaphore(%arg31 : memref<!tpu.dma_semaphore, #tpu.memory_space<semaphore_mem>>)
        %dma_start3A_1171 = arith.constant 0 : i32
        %dma_start3A_1172 = tpu.memref_slice %arg2[%multiple_of3A_1166, %dma_start3A_1171] : memref<320000x16xf32, #tpu.memory_space<hbm>> -> memref<128x16xf32, #tpu.memory_space<hbm>>
        %dma_start3A_1173 = arith.constant 0 : i32
        %dma_start3A_1174 = tpu.memref_slice %arg2[%multiple_of3A_1166, %dma_start3A_1173] : memref<320000x16xf32, #tpu.memory_space<hbm>> -> memref<128x16xf32, #tpu.memory_space<hbm>>
        tpu.enqueue_dma source(%dma_start3A_1174 : memref<128x16xf32, #tpu.memory_space<hbm>>) target(%arg16 : memref<128x16xf32, #tpu.memory_space<vmem>>) target_semaphore(%arg31 : memref<!tpu.dma_semaphore, #tpu.memory_space<semaphore_mem>>)
      } else {
      }
      %mul3A_780 = arith.constant 3 : i32
      %mul3A_781 = arith.muli %scan3A_589, %mul3A_780 : i32
      %add3A_782 = arith.addi %add3A_4, %mul3A_781 : i32
      %add3A_783 = arith.constant 1 : i32
      %add3A_784 = arith.addi %add3A_782, %add3A_783 : i32
      %mul3A_785 = arith.constant 128 : i32
      %mul3A_786 = arith.muli %add3A_784, %mul3A_785 : i32
      %multiple_of3A_787 = tpu.assume_multiple %mul3A_786, 8 : i32
      %dma_wait3A_788 = tpu.memref_slice %arg3[%multiple_of3A_787] : memref<320000xi32, #tpu.memory_space<hbm>> -> memref<128xi32, #tpu.memory_space<hbm>>
      %dma_wait3A_789 = tpu.memref_slice %arg3[%multiple_of3A_787] : memref<320000xi32, #tpu.memory_space<hbm>> -> memref<128xi32, #tpu.memory_space<hbm>>
      tpu.wait_dma2 semaphore(%arg32 : memref<!tpu.dma_semaphore, #tpu.memory_space<semaphore_mem>>) src(%dma_wait3A_789 : memref<128xi32, #tpu.memory_space<hbm>>) dst(%arg11 : memref<128xi32, #tpu.memory_space<vmem>>)
      %dma_wait3A_790 = tpu.memref_slice %arg4[%multiple_of3A_787] : memref<320000xi32, #tpu.memory_space<hbm>> -> memref<128xi32, #tpu.memory_space<hbm>>
      %dma_wait3A_791 = tpu.memref_slice %arg4[%multiple_of3A_787] : memref<320000xi32, #tpu.memory_space<hbm>> -> memref<128xi32, #tpu.memory_space<hbm>>
      tpu.wait_dma2 semaphore(%arg32 : memref<!tpu.dma_semaphore, #tpu.memory_space<semaphore_mem>>) src(%dma_wait3A_791 : memref<128xi32, #tpu.memory_space<hbm>>) dst(%arg14 : memref<128xi32, #tpu.memory_space<vmem>>)
      %dma_wait3A_792 = arith.constant 0 : i32
      %dma_wait3A_793 = tpu.memref_slice %arg2[%multiple_of3A_787, %dma_wait3A_792] : memref<320000x16xf32, #tpu.memory_space<hbm>> -> memref<128x16xf32, #tpu.memory_space<hbm>>
      %dma_wait3A_794 = arith.constant 0 : i32
      %dma_wait3A_795 = tpu.memref_slice %arg2[%multiple_of3A_787, %dma_wait3A_794] : memref<320000x16xf32, #tpu.memory_space<hbm>> -> memref<128x16xf32, #tpu.memory_space<hbm>>
      tpu.wait_dma2 semaphore(%arg32 : memref<!tpu.dma_semaphore, #tpu.memory_space<semaphore_mem>>) src(%dma_wait3A_795 : memref<128x16xf32, #tpu.memory_space<hbm>>) dst(%arg17 : memref<128x16xf32, #tpu.memory_space<vmem>>)
      %dma_start3A_796 = arith.constant 0 : i32
      %dma_start3A_797 = arith.constant 0 : i32
      %dma_start3A_798 = tpu.memref_slice %arg5[%dma_start3A_796, %dma_start3A_797] : memref<10000x16xf32, #tpu.memory_space<hbm>> -> memref<10000x16xf32, #tpu.memory_space<hbm>>
      tpu.enqueue_indirect_dma source(%dma_start3A_798 : memref<10000x16xf32, #tpu.memory_space<hbm>>) target(%arg20 : memref<128x16xf32, #tpu.memory_space<vmem>>) offsets(%arg11 : memref<128xi32, #tpu.memory_space<vmem>>) semaphore(%arg35 : memref<!tpu.dma_semaphore, #tpu.memory_space<semaphore_mem>>)
      %dma_start3A_799 = arith.constant 0 : i32
      %dma_start3A_800 = arith.constant 0 : i32
      %dma_start3A_801 = tpu.memref_slice %arg6[%dma_start3A_799, %dma_start3A_800] : memref<10000x16xf32, #tpu.memory_space<hbm>> -> memref<10000x16xf32, #tpu.memory_space<hbm>>
      tpu.enqueue_indirect_dma source(%dma_start3A_801 : memref<10000x16xf32, #tpu.memory_space<hbm>>) target(%arg23 : memref<128x16xf32, #tpu.memory_space<vmem>>) offsets(%arg14 : memref<128xi32, #tpu.memory_space<vmem>>) semaphore(%arg35 : memref<!tpu.dma_semaphore, #tpu.memory_space<semaphore_mem>>)
      %ge3A_802 = arith.constant 1 : i32
      %ge3A_803 = arith.cmpi sge, %scan3A_589, %ge3A_802 : i32
      %convert_element_type3A_804 = arith.extui %ge3A_803 : i1 to i32
      %cond3A_805 = arith.constant 0 : i32
      %cond3A_806 = arith.cmpi ne, %convert_element_type3A_804, %cond3A_805 : i32
      scf.if %cond3A_806 {
        %mul3A_1162 = arith.constant 128 : i32
        %mul3A_1163 = arith.muli %add3A_784, %mul3A_1162 : i32
        %multiple_of3A_1164 = tpu.assume_multiple %mul3A_1163, 8 : i32
        %dma_wait3A_1165 = arith.constant 0 : i32
        %dma_wait3A_1166 = arith.constant 0 : i32
        %dma_wait3A_1167 = tpu.memref_slice %arg29[%dma_wait3A_1166] : memref<2048xf32, #tpu.memory_space<vmem>> -> memref<128xf32, #tpu.memory_space<vmem>>
        %dma_wait3A_1168 = tpu.memref_slice %arg8[%dma_wait3A_1165, %multiple_of3A_1164] : memref<16x320000xf32, #tpu.memory_space<hbm>> -> memref<1x128xf32, #tpu.memory_space<hbm>>
        %dma_wait3A_1169 = tpu.memref_squeeze %dma_wait3A_1168 : memref<1x128xf32, #tpu.memory_space<hbm>> -> memref<128xf32, #tpu.memory_space<hbm>>
        %dma_wait3A_1170 = tpu.memref_slice %arg8[%dma_wait3A_1165, %multiple_of3A_1164] : memref<16x320000xf32, #tpu.memory_space<hbm>> -> memref<1x128xf32, #tpu.memory_space<hbm>>
        %dma_wait3A_1171 = tpu.memref_squeeze %dma_wait3A_1170 : memref<1x128xf32, #tpu.memory_space<hbm>> -> memref<128xf32, #tpu.memory_space<hbm>>
        %dma_wait3A_1172 = arith.constant 0 : i32
        %dma_wait3A_1173 = tpu.memref_slice %arg29[%dma_wait3A_1172] : memref<2048xf32, #tpu.memory_space<vmem>> -> memref<128xf32, #tpu.memory_space<vmem>>
        tpu.wait_dma2 semaphore(%arg38 : memref<!tpu.dma_semaphore, #tpu.memory_space<semaphore_mem>>) src(%dma_wait3A_1173 : memref<128xf32, #tpu.memory_space<vmem>>) dst(%dma_wait3A_1171 : memref<128xf32, #tpu.memory_space<hbm>>)
        %dma_wait3A_1174 = arith.constant 1 : i32
        %dma_wait3A_1175 = arith.constant 128 : i32
        %dma_wait3A_1176 = tpu.memref_slice %arg29[%dma_wait3A_1175] : memref<2048xf32, #tpu.memory_space<vmem>> -> memref<128xf32, #tpu.memory_space<vmem>>
        %dma_wait3A_1177 = tpu.memref_slice %arg8[%dma_wait3A_1174, %multiple_of3A_1164] : memref<16x320000xf32, #tpu.memory_space<hbm>> -> memref<1x128xf32, #tpu.memory_space<hbm>>
        %dma_wait3A_1178 = tpu.memref_squeeze %dma_wait3A_1177 : memref<1x128xf32, #tpu.memory_space<hbm>> -> memref<128xf32, #tpu.memory_space<hbm>>
        %dma_wait3A_1179 = tpu.memref_slice %arg8[%dma_wait3A_1174, %multiple_of3A_1164] : memref<16x320000xf32, #tpu.memory_space<hbm>> -> memref<1x128xf32, #tpu.memory_space<hbm>>
        %dma_wait3A_1180 = tpu.memref_squeeze %dma_wait3A_1179 : memref<1x128xf32, #tpu.memory_space<hbm>> -> memref<128xf32, #tpu.memory_space<hbm>>
        %dma_wait3A_1181 = arith.constant 128 : i32
        %dma_wait3A_1182 = tpu.memref_slice %arg29[%dma_wait3A_1181] : memref<2048xf32, #tpu.memory_space<vmem>> -> memref<128xf32, #tpu.memory_space<vmem>>
        tpu.wait_dma2 semaphore(%arg38 : memref<!tpu.dma_semaphore, #tpu.memory_space<semaphore_mem>>) src(%dma_wait3A_1182 : memref<128xf32, #tpu.memory_space<vmem>>) dst(%dma_wait3A_1180 : memref<128xf32, #tpu.memory_space<hbm>>)
        %dma_wait3A_1183 = arith.constant 2 : i32
        %dma_wait3A_1184 = arith.constant 256 : i32
        %dma_wait3A_1185 = tpu.memref_slice %arg29[%dma_wait3A_1184] : memref<2048xf32, #tpu.memory_space<vmem>> -> memref<128xf32, #tpu.memory_space<vmem>>
        %dma_wait3A_1186 = tpu.memref_slice %arg8[%dma_wait3A_1183, %multiple_of3A_1164] : memref<16x320000xf32, #tpu.memory_space<hbm>> -> memref<1x128xf32, #tpu.memory_space<hbm>>
        %dma_wait3A_1187 = tpu.memref_squeeze %dma_wait3A_1186 : memref<1x128xf32, #tpu.memory_space<hbm>> -> memref<128xf32, #tpu.memory_space<hbm>>
        %dma_wait3A_1188 = tpu.memref_slice %arg8[%dma_wait3A_1183, %multiple_of3A_1164] : memref<16x320000xf32, #tpu.memory_space<hbm>> -> memref<1x128xf32, #tpu.memory_space<hbm>>
        %dma_wait3A_1189 = tpu.memref_squeeze %dma_wait3A_1188 : memref<1x128xf32, #tpu.memory_space<hbm>> -> memref<128xf32, #tpu.memory_space<hbm>>
        %dma_wait3A_1190 = arith.constant 256 : i32
        %dma_wait3A_1191 = tpu.memref_slice %arg29[%dma_wait3A_1190] : memref<2048xf32, #tpu.memory_space<vmem>> -> memref<128xf32, #tpu.memory_space<vmem>>
        tpu.wait_dma2 semaphore(%arg38 : memref<!tpu.dma_semaphore, #tpu.memory_space<semaphore_mem>>) src(%dma_wait3A_1191 : memref<128xf32, #tpu.memory_space<vmem>>) dst(%dma_wait3A_1189 : memref<128xf32, #tpu.memory_space<hbm>>)
        %dma_wait3A_1192 = arith.constant 3 : i32
        %dma_wait3A_1193 = arith.constant 384 : i32
        %dma_wait3A_1194 = tpu.memref_slice %arg29[%dma_wait3A_1193] : memref<2048xf32, #tpu.memory_space<vmem>> -> memref<128xf32, #tpu.memory_space<vmem>>
        %dma_wait3A_1195 = tpu.memref_slice %arg8[%dma_wait3A_1192, %multiple_of3A_1164] : memref<16x320000xf32, #tpu.memory_space<hbm>> -> memref<1x128xf32, #tpu.memory_space<hbm>>
        %dma_wait3A_1196 = tpu.memref_squeeze %dma_wait3A_1195 : memref<1x128xf32, #tpu.memory_space<hbm>> -> memref<128xf32, #tpu.memory_space<hbm>>
        %dma_wait3A_1197 = tpu.memref_slice %arg8[%dma_wait3A_1192, %multiple_of3A_1164] : memref<16x320000xf32, #tpu.memory_space<hbm>> -> memref<1x128xf32, #tpu.memory_space<hbm>>
        %dma_wait3A_1198 = tpu.memref_squeeze %dma_wait3A_1197 : memref<1x128xf32, #tpu.memory_space<hbm>> -> memref<128xf32, #tpu.memory_space<hbm>>
        %dma_wait3A_1199 = arith.constant 384 : i32
        %dma_wait3A_1200 = tpu.memref_slice %arg29[%dma_wait3A_1199] : memref<2048xf32, #tpu.memory_space<vmem>> -> memref<128xf32, #tpu.memory_space<vmem>>
        tpu.wait_dma2 semaphore(%arg38 : memref<!tpu.dma_semaphore, #tpu.memory_space<semaphore_mem>>) src(%dma_wait3A_1200 : memref<128xf32, #tpu.memory_space<vmem>>) dst(%dma_wait3A_1198 : memref<128xf32, #tpu.memory_space<hbm>>)
        %dma_wait3A_1201 = arith.constant 4 : i32
        %dma_wait3A_1202 = arith.constant 512 : i32
        %dma_wait3A_1203 = tpu.memref_slice %arg29[%dma_wait3A_1202] : memref<2048xf32, #tpu.memory_space<vmem>> -> memref<128xf32, #tpu.memory_space<vmem>>
        %dma_wait3A_1204 = tpu.memref_slice %arg8[%dma_wait3A_1201, %multiple_of3A_1164] : memref<16x320000xf32, #tpu.memory_space<hbm>> -> memref<1x128xf32, #tpu.memory_space<hbm>>
        %dma_wait3A_1205 = tpu.memref_squeeze %dma_wait3A_1204 : memref<1x128xf32, #tpu.memory_space<hbm>> -> memref<128xf32, #tpu.memory_space<hbm>>
        %dma_wait3A_1206 = tpu.memref_slice %arg8[%dma_wait3A_1201, %multiple_of3A_1164] : memref<16x320000xf32, #tpu.memory_space<hbm>> -> memref<1x128xf32, #tpu.memory_space<hbm>>
        %dma_wait3A_1207 = tpu.memref_squeeze %dma_wait3A_1206 : memref<1x128xf32, #tpu.memory_space<hbm>> -> memref<128xf32, #tpu.memory_space<hbm>>
        %dma_wait3A_1208 = arith.constant 512 : i32
        %dma_wait3A_1209 = tpu.memref_slice %arg29[%dma_wait3A_1208] : memref<2048xf32, #tpu.memory_space<vmem>> -> memref<128xf32, #tpu.memory_space<vmem>>
        tpu.wait_dma2 semaphore(%arg38 : memref<!tpu.dma_semaphore, #tpu.memory_space<semaphore_mem>>) src(%dma_wait3A_1209 : memref<128xf32, #tpu.memory_space<vmem>>) dst(%dma_wait3A_1207 : memref<128xf32, #tpu.memory_space<hbm>>)
        %dma_wait3A_1210 = arith.constant 5 : i32
        %dma_wait3A_1211 = arith.constant 640 : i32
        %dma_wait3A_1212 = tpu.memref_slice %arg29[%dma_wait3A_1211] : memref<2048xf32, #tpu.memory_space<vmem>> -> memref<128xf32, #tpu.memory_space<vmem>>
        %dma_wait3A_1213 = tpu.memref_slice %arg8[%dma_wait3A_1210, %multiple_of3A_1164] : memref<16x320000xf32, #tpu.memory_space<hbm>> -> memref<1x128xf32, #tpu.memory_space<hbm>>
        %dma_wait3A_1214 = tpu.memref_squeeze %dma_wait3A_1213 : memref<1x128xf32, #tpu.memory_space<hbm>> -> memref<128xf32, #tpu.memory_space<hbm>>
        %dma_wait3A_1215 = tpu.memref_slice %arg8[%dma_wait3A_1210, %multiple_of3A_1164] : memref<16x320000xf32, #tpu.memory_space<hbm>> -> memref<1x128xf32, #tpu.memory_space<hbm>>
        %dma_wait3A_1216 = tpu.memref_squeeze %dma_wait3A_1215 : memref<1x128xf32, #tpu.memory_space<hbm>> -> memref<128xf32, #tpu.memory_space<hbm>>
        %dma_wait3A_1217 = arith.constant 640 : i32
        %dma_wait3A_1218 = tpu.memref_slice %arg29[%dma_wait3A_1217] : memref<2048xf32, #tpu.memory_space<vmem>> -> memref<128xf32, #tpu.memory_space<vmem>>
        tpu.wait_dma2 semaphore(%arg38 : memref<!tpu.dma_semaphore, #tpu.memory_space<semaphore_mem>>) src(%dma_wait3A_1218 : memref<128xf32, #tpu.memory_space<vmem>>) dst(%dma_wait3A_1216 : memref<128xf32, #tpu.memory_space<hbm>>)
        %dma_wait3A_1219 = arith.constant 6 : i32
        %dma_wait3A_1220 = arith.constant 768 : i32
        %dma_wait3A_1221 = tpu.memref_slice %arg29[%dma_wait3A_1220] : memref<2048xf32, #tpu.memory_space<vmem>> -> memref<128xf32, #tpu.memory_space<vmem>>
        %dma_wait3A_1222 = tpu.memref_slice %arg8[%dma_wait3A_1219, %multiple_of3A_1164] : memref<16x320000xf32, #tpu.memory_space<hbm>> -> memref<1x128xf32, #tpu.memory_space<hbm>>
        %dma_wait3A_1223 = tpu.memref_squeeze %dma_wait3A_1222 : memref<1x128xf32, #tpu.memory_space<hbm>> -> memref<128xf32, #tpu.memory_space<hbm>>
        %dma_wait3A_1224 = tpu.memref_slice %arg8[%dma_wait3A_1219, %multiple_of3A_1164] : memref<16x320000xf32, #tpu.memory_space<hbm>> -> memref<1x128xf32, #tpu.memory_space<hbm>>
        %dma_wait3A_1225 = tpu.memref_squeeze %dma_wait3A_1224 : memref<1x128xf32, #tpu.memory_space<hbm>> -> memref<128xf32, #tpu.memory_space<hbm>>
        %dma_wait3A_1226 = arith.constant 768 : i32
        %dma_wait3A_1227 = tpu.memref_slice %arg29[%dma_wait3A_1226] : memref<2048xf32, #tpu.memory_space<vmem>> -> memref<128xf32, #tpu.memory_space<vmem>>
        tpu.wait_dma2 semaphore(%arg38 : memref<!tpu.dma_semaphore, #tpu.memory_space<semaphore_mem>>) src(%dma_wait3A_1227 : memref<128xf32, #tpu.memory_space<vmem>>) dst(%dma_wait3A_1225 : memref<128xf32, #tpu.memory_space<hbm>>)
        %dma_wait3A_1228 = arith.constant 7 : i32
        %dma_wait3A_1229 = arith.constant 896 : i32
        %dma_wait3A_1230 = tpu.memref_slice %arg29[%dma_wait3A_1229] : memref<2048xf32, #tpu.memory_space<vmem>> -> memref<128xf32, #tpu.memory_space<vmem>>
        %dma_wait3A_1231 = tpu.memref_slice %arg8[%dma_wait3A_1228, %multiple_of3A_1164] : memref<16x320000xf32, #tpu.memory_space<hbm>> -> memref<1x128xf32, #tpu.memory_space<hbm>>
        %dma_wait3A_1232 = tpu.memref_squeeze %dma_wait3A_1231 : memref<1x128xf32, #tpu.memory_space<hbm>> -> memref<128xf32, #tpu.memory_space<hbm>>
        %dma_wait3A_1233 = tpu.memref_slice %arg8[%dma_wait3A_1228, %multiple_of3A_1164] : memref<16x320000xf32, #tpu.memory_space<hbm>> -> memref<1x128xf32, #tpu.memory_space<hbm>>
        %dma_wait3A_1234 = tpu.memref_squeeze %dma_wait3A_1233 : memref<1x128xf32, #tpu.memory_space<hbm>> -> memref<128xf32, #tpu.memory_space<hbm>>
        %dma_wait3A_1235 = arith.constant 896 : i32
        %dma_wait3A_1236 = tpu.memref_slice %arg29[%dma_wait3A_1235] : memref<2048xf32, #tpu.memory_space<vmem>> -> memref<128xf32, #tpu.memory_space<vmem>>
        tpu.wait_dma2 semaphore(%arg38 : memref<!tpu.dma_semaphore, #tpu.memory_space<semaphore_mem>>) src(%dma_wait3A_1236 : memref<128xf32, #tpu.memory_space<vmem>>) dst(%dma_wait3A_1234 : memref<128xf32, #tpu.memory_space<hbm>>)
        %dma_wait3A_1237 = arith.constant 8 : i32
        %dma_wait3A_1238 = arith.constant 1024 : i32
        %dma_wait3A_1239 = tpu.memref_slice %arg29[%dma_wait3A_1238] : memref<2048xf32, #tpu.memory_space<vmem>> -> memref<128xf32, #tpu.memory_space<vmem>>
        %dma_wait3A_1240 = tpu.memref_slice %arg8[%dma_wait3A_1237, %multiple_of3A_1164] : memref<16x320000xf32, #tpu.memory_space<hbm>> -> memref<1x128xf32, #tpu.memory_space<hbm>>
        %dma_wait3A_1241 = tpu.memref_squeeze %dma_wait3A_1240 : memref<1x128xf32, #tpu.memory_space<hbm>> -> memref<128xf32, #tpu.memory_space<hbm>>
        %dma_wait3A_1242 = tpu.memref_slice %arg8[%dma_wait3A_1237, %multiple_of3A_1164] : memref<16x320000xf32, #tpu.memory_space<hbm>> -> memref<1x128xf32, #tpu.memory_space<hbm>>
        %dma_wait3A_1243 = tpu.memref_squeeze %dma_wait3A_1242 : memref<1x128xf32, #tpu.memory_space<hbm>> -> memref<128xf32, #tpu.memory_space<hbm>>
        %dma_wait3A_1244 = arith.constant 1024 : i32
        %dma_wait3A_1245 = tpu.memref_slice %arg29[%dma_wait3A_1244] : memref<2048xf32, #tpu.memory_space<vmem>> -> memref<128xf32, #tpu.memory_space<vmem>>
        tpu.wait_dma2 semaphore(%arg38 : memref<!tpu.dma_semaphore, #tpu.memory_space<semaphore_mem>>) src(%dma_wait3A_1245 : memref<128xf32, #tpu.memory_space<vmem>>) dst(%dma_wait3A_1243 : memref<128xf32, #tpu.memory_space<hbm>>)
        %dma_wait3A_1246 = arith.constant 9 : i32
        %dma_wait3A_1247 = arith.constant 1152 : i32
        %dma_wait3A_1248 = tpu.memref_slice %arg29[%dma_wait3A_1247] : memref<2048xf32, #tpu.memory_space<vmem>> -> memref<128xf32, #tpu.memory_space<vmem>>
        %dma_wait3A_1249 = tpu.memref_slice %arg8[%dma_wait3A_1246, %multiple_of3A_1164] : memref<16x320000xf32, #tpu.memory_space<hbm>> -> memref<1x128xf32, #tpu.memory_space<hbm>>
        %dma_wait3A_1250 = tpu.memref_squeeze %dma_wait3A_1249 : memref<1x128xf32, #tpu.memory_space<hbm>> -> memref<128xf32, #tpu.memory_space<hbm>>
        %dma_wait3A_1251 = tpu.memref_slice %arg8[%dma_wait3A_1246, %multiple_of3A_1164] : memref<16x320000xf32, #tpu.memory_space<hbm>> -> memref<1x128xf32, #tpu.memory_space<hbm>>
        %dma_wait3A_1252 = tpu.memref_squeeze %dma_wait3A_1251 : memref<1x128xf32, #tpu.memory_space<hbm>> -> memref<128xf32, #tpu.memory_space<hbm>>
        %dma_wait3A_1253 = arith.constant 1152 : i32
        %dma_wait3A_1254 = tpu.memref_slice %arg29[%dma_wait3A_1253] : memref<2048xf32, #tpu.memory_space<vmem>> -> memref<128xf32, #tpu.memory_space<vmem>>
        tpu.wait_dma2 semaphore(%arg38 : memref<!tpu.dma_semaphore, #tpu.memory_space<semaphore_mem>>) src(%dma_wait3A_1254 : memref<128xf32, #tpu.memory_space<vmem>>) dst(%dma_wait3A_1252 : memref<128xf32, #tpu.memory_space<hbm>>)
        %dma_wait3A_1255 = arith.constant 10 : i32
        %dma_wait3A_1256 = arith.constant 1280 : i32
        %dma_wait3A_1257 = tpu.memref_slice %arg29[%dma_wait3A_1256] : memref<2048xf32, #tpu.memory_space<vmem>> -> memref<128xf32, #tpu.memory_space<vmem>>
        %dma_wait3A_1258 = tpu.memref_slice %arg8[%dma_wait3A_1255, %multiple_of3A_1164] : memref<16x320000xf32, #tpu.memory_space<hbm>> -> memref<1x128xf32, #tpu.memory_space<hbm>>
        %dma_wait3A_1259 = tpu.memref_squeeze %dma_wait3A_1258 : memref<1x128xf32, #tpu.memory_space<hbm>> -> memref<128xf32, #tpu.memory_space<hbm>>
        %dma_wait3A_1260 = tpu.memref_slice %arg8[%dma_wait3A_1255, %multiple_of3A_1164] : memref<16x320000xf32, #tpu.memory_space<hbm>> -> memref<1x128xf32, #tpu.memory_space<hbm>>
        %dma_wait3A_1261 = tpu.memref_squeeze %dma_wait3A_1260 : memref<1x128xf32, #tpu.memory_space<hbm>> -> memref<128xf32, #tpu.memory_space<hbm>>
        %dma_wait3A_1262 = arith.constant 1280 : i32
        %dma_wait3A_1263 = tpu.memref_slice %arg29[%dma_wait3A_1262] : memref<2048xf32, #tpu.memory_space<vmem>> -> memref<128xf32, #tpu.memory_space<vmem>>
        tpu.wait_dma2 semaphore(%arg38 : memref<!tpu.dma_semaphore, #tpu.memory_space<semaphore_mem>>) src(%dma_wait3A_1263 : memref<128xf32, #tpu.memory_space<vmem>>) dst(%dma_wait3A_1261 : memref<128xf32, #tpu.memory_space<hbm>>)
        %dma_wait3A_1264 = arith.constant 11 : i32
        %dma_wait3A_1265 = arith.constant 1408 : i32
        %dma_wait3A_1266 = tpu.memref_slice %arg29[%dma_wait3A_1265] : memref<2048xf32, #tpu.memory_space<vmem>> -> memref<128xf32, #tpu.memory_space<vmem>>
        %dma_wait3A_1267 = tpu.memref_slice %arg8[%dma_wait3A_1264, %multiple_of3A_1164] : memref<16x320000xf32, #tpu.memory_space<hbm>> -> memref<1x128xf32, #tpu.memory_space<hbm>>
        %dma_wait3A_1268 = tpu.memref_squeeze %dma_wait3A_1267 : memref<1x128xf32, #tpu.memory_space<hbm>> -> memref<128xf32, #tpu.memory_space<hbm>>
        %dma_wait3A_1269 = tpu.memref_slice %arg8[%dma_wait3A_1264, %multiple_of3A_1164] : memref<16x320000xf32, #tpu.memory_space<hbm>> -> memref<1x128xf32, #tpu.memory_space<hbm>>
        %dma_wait3A_1270 = tpu.memref_squeeze %dma_wait3A_1269 : memref<1x128xf32, #tpu.memory_space<hbm>> -> memref<128xf32, #tpu.memory_space<hbm>>
        %dma_wait3A_1271 = arith.constant 1408 : i32
        %dma_wait3A_1272 = tpu.memref_slice %arg29[%dma_wait3A_1271] : memref<2048xf32, #tpu.memory_space<vmem>> -> memref<128xf32, #tpu.memory_space<vmem>>
        tpu.wait_dma2 semaphore(%arg38 : memref<!tpu.dma_semaphore, #tpu.memory_space<semaphore_mem>>) src(%dma_wait3A_1272 : memref<128xf32, #tpu.memory_space<vmem>>) dst(%dma_wait3A_1270 : memref<128xf32, #tpu.memory_space<hbm>>)
        %dma_wait3A_1273 = arith.constant 12 : i32
        %dma_wait3A_1274 = arith.constant 1536 : i32
        %dma_wait3A_1275 = tpu.memref_slice %arg29[%dma_wait3A_1274] : memref<2048xf32, #tpu.memory_space<vmem>> -> memref<128xf32, #tpu.memory_space<vmem>>
        %dma_wait3A_1276 = tpu.memref_slice %arg8[%dma_wait3A_1273, %multiple_of3A_1164] : memref<16x320000xf32, #tpu.memory_space<hbm>> -> memref<1x128xf32, #tpu.memory_space<hbm>>
        %dma_wait3A_1277 = tpu.memref_squeeze %dma_wait3A_1276 : memref<1x128xf32, #tpu.memory_space<hbm>> -> memref<128xf32, #tpu.memory_space<hbm>>
        %dma_wait3A_1278 = tpu.memref_slice %arg8[%dma_wait3A_1273, %multiple_of3A_1164] : memref<16x320000xf32, #tpu.memory_space<hbm>> -> memref<1x128xf32, #tpu.memory_space<hbm>>
        %dma_wait3A_1279 = tpu.memref_squeeze %dma_wait3A_1278 : memref<1x128xf32, #tpu.memory_space<hbm>> -> memref<128xf32, #tpu.memory_space<hbm>>
        %dma_wait3A_1280 = arith.constant 1536 : i32
        %dma_wait3A_1281 = tpu.memref_slice %arg29[%dma_wait3A_1280] : memref<2048xf32, #tpu.memory_space<vmem>> -> memref<128xf32, #tpu.memory_space<vmem>>
        tpu.wait_dma2 semaphore(%arg38 : memref<!tpu.dma_semaphore, #tpu.memory_space<semaphore_mem>>) src(%dma_wait3A_1281 : memref<128xf32, #tpu.memory_space<vmem>>) dst(%dma_wait3A_1279 : memref<128xf32, #tpu.memory_space<hbm>>)
        %dma_wait3A_1282 = arith.constant 13 : i32
        %dma_wait3A_1283 = arith.constant 1664 : i32
        %dma_wait3A_1284 = tpu.memref_slice %arg29[%dma_wait3A_1283] : memref<2048xf32, #tpu.memory_space<vmem>> -> memref<128xf32, #tpu.memory_space<vmem>>
        %dma_wait3A_1285 = tpu.memref_slice %arg8[%dma_wait3A_1282, %multiple_of3A_1164] : memref<16x320000xf32, #tpu.memory_space<hbm>> -> memref<1x128xf32, #tpu.memory_space<hbm>>
        %dma_wait3A_1286 = tpu.memref_squeeze %dma_wait3A_1285 : memref<1x128xf32, #tpu.memory_space<hbm>> -> memref<128xf32, #tpu.memory_space<hbm>>
        %dma_wait3A_1287 = tpu.memref_slice %arg8[%dma_wait3A_1282, %multiple_of3A_1164] : memref<16x320000xf32, #tpu.memory_space<hbm>> -> memref<1x128xf32, #tpu.memory_space<hbm>>
        %dma_wait3A_1288 = tpu.memref_squeeze %dma_wait3A_1287 : memref<1x128xf32, #tpu.memory_space<hbm>> -> memref<128xf32, #tpu.memory_space<hbm>>
        %dma_wait3A_1289 = arith.constant 1664 : i32
        %dma_wait3A_1290 = tpu.memref_slice %arg29[%dma_wait3A_1289] : memref<2048xf32, #tpu.memory_space<vmem>> -> memref<128xf32, #tpu.memory_space<vmem>>
        tpu.wait_dma2 semaphore(%arg38 : memref<!tpu.dma_semaphore, #tpu.memory_space<semaphore_mem>>) src(%dma_wait3A_1290 : memref<128xf32, #tpu.memory_space<vmem>>) dst(%dma_wait3A_1288 : memref<128xf32, #tpu.memory_space<hbm>>)
        %dma_wait3A_1291 = arith.constant 14 : i32
        %dma_wait3A_1292 = arith.constant 1792 : i32
        %dma_wait3A_1293 = tpu.memref_slice %arg29[%dma_wait3A_1292] : memref<2048xf32, #tpu.memory_space<vmem>> -> memref<128xf32, #tpu.memory_space<vmem>>
        %dma_wait3A_1294 = tpu.memref_slice %arg8[%dma_wait3A_1291, %multiple_of3A_1164] : memref<16x320000xf32, #tpu.memory_space<hbm>> -> memref<1x128xf32, #tpu.memory_space<hbm>>
        %dma_wait3A_1295 = tpu.memref_squeeze %dma_wait3A_1294 : memref<1x128xf32, #tpu.memory_space<hbm>> -> memref<128xf32, #tpu.memory_space<hbm>>
        %dma_wait3A_1296 = tpu.memref_slice %arg8[%dma_wait3A_1291, %multiple_of3A_1164] : memref<16x320000xf32, #tpu.memory_space<hbm>> -> memref<1x128xf32, #tpu.memory_space<hbm>>
        %dma_wait3A_1297 = tpu.memref_squeeze %dma_wait3A_1296 : memref<1x128xf32, #tpu.memory_space<hbm>> -> memref<128xf32, #tpu.memory_space<hbm>>
        %dma_wait3A_1298 = arith.constant 1792 : i32
        %dma_wait3A_1299 = tpu.memref_slice %arg29[%dma_wait3A_1298] : memref<2048xf32, #tpu.memory_space<vmem>> -> memref<128xf32, #tpu.memory_space<vmem>>
        tpu.wait_dma2 semaphore(%arg38 : memref<!tpu.dma_semaphore, #tpu.memory_space<semaphore_mem>>) src(%dma_wait3A_1299 : memref<128xf32, #tpu.memory_space<vmem>>) dst(%dma_wait3A_1297 : memref<128xf32, #tpu.memory_space<hbm>>)
        %dma_wait3A_1300 = arith.constant 15 : i32
        %dma_wait3A_1301 = arith.constant 1920 : i32
        %dma_wait3A_1302 = tpu.memref_slice %arg29[%dma_wait3A_1301] : memref<2048xf32, #tpu.memory_space<vmem>> -> memref<128xf32, #tpu.memory_space<vmem>>
        %dma_wait3A_1303 = tpu.memref_slice %arg8[%dma_wait3A_1300, %multiple_of3A_1164] : memref<16x320000xf32, #tpu.memory_space<hbm>> -> memref<1x128xf32, #tpu.memory_space<hbm>>
        %dma_wait3A_1304 = tpu.memref_squeeze %dma_wait3A_1303 : memref<1x128xf32, #tpu.memory_space<hbm>> -> memref<128xf32, #tpu.memory_space<hbm>>
        %dma_wait3A_1305 = tpu.memref_slice %arg8[%dma_wait3A_1300, %multiple_of3A_1164] : memref<16x320000xf32, #tpu.memory_space<hbm>> -> memref<1x128xf32, #tpu.memory_space<hbm>>
        %dma_wait3A_1306 = tpu.memref_squeeze %dma_wait3A_1305 : memref<1x128xf32, #tpu.memory_space<hbm>> -> memref<128xf32, #tpu.memory_space<hbm>>
        %dma_wait3A_1307 = arith.constant 1920 : i32
        %dma_wait3A_1308 = tpu.memref_slice %arg29[%dma_wait3A_1307] : memref<2048xf32, #tpu.memory_space<vmem>> -> memref<128xf32, #tpu.memory_space<vmem>>
        tpu.wait_dma2 semaphore(%arg38 : memref<!tpu.dma_semaphore, #tpu.memory_space<semaphore_mem>>) src(%dma_wait3A_1308 : memref<128xf32, #tpu.memory_space<vmem>>) dst(%dma_wait3A_1306 : memref<128xf32, #tpu.memory_space<hbm>>)
      } else {
      }
      %dma_wait3A_807 = arith.constant 0 : i32
      %dma_wait3A_808 = arith.constant 0 : i32
      %dma_wait3A_809 = tpu.memref_slice %arg5[%dma_wait3A_807, %dma_wait3A_808] : memref<10000x16xf32, #tpu.memory_space<hbm>> -> memref<10000x16xf32, #tpu.memory_space<hbm>>
      tpu.wait_indirect_dma semaphore(%arg35 : memref<!tpu.dma_semaphore, #tpu.memory_space<semaphore_mem>>) src(%dma_wait3A_809 : memref<10000x16xf32, #tpu.memory_space<hbm>>) dst(%arg20 : memref<128x16xf32, #tpu.memory_space<vmem>>)
      %dma_wait3A_810 = arith.constant 0 : i32
      %dma_wait3A_811 = arith.constant 0 : i32
      %dma_wait3A_812 = tpu.memref_slice %arg6[%dma_wait3A_810, %dma_wait3A_811] : memref<10000x16xf32, #tpu.memory_space<hbm>> -> memref<10000x16xf32, #tpu.memory_space<hbm>>
      tpu.wait_indirect_dma semaphore(%arg35 : memref<!tpu.dma_semaphore, #tpu.memory_space<semaphore_mem>>) src(%dma_wait3A_812 : memref<10000x16xf32, #tpu.memory_space<hbm>>) dst(%arg23 : memref<128x16xf32, #tpu.memory_space<vmem>>)
      %scan3A_813 = arith.constant 0 : i32
      %scan3A_814 = arith.constant 0 : i32
      %scan3A_815 = arith.constant 128 : i32
      %scan3A_816 = arith.addi %scan3A_814, %scan3A_815 : i32
      %scan3A_817 = arith.constant 4 : i32
      scf.for %scan3A_1162 = %scan3A_814 to %scan3A_816 step %scan3A_817  : i32 {
        %get3A = arith.index_cast %scan3A_1162 : i32 to index
        %get3A_1163 = arith.constant 0 : index
        %get3A_1164 = tpu.vector_load %arg17[%get3A, %get3A_1163] {strides = array<i32>} : memref<128x16xf32, #tpu.memory_space<vmem>>, vector<16xf32>,
        %get3A_1165 = arith.index_cast %scan3A_1162 : i32 to index
        %get3A_1166 = arith.constant 0 : index
        %get3A_1167 = tpu.vector_load %arg20[%get3A_1165, %get3A_1166] {strides = array<i32>} : memref<128x16xf32, #tpu.memory_space<vmem>>, vector<16xf32>,
        %add3A_1168 = arith.addf %get3A_1164, %get3A_1167 : vector<16xf32>
        %get3A_1169 = arith.index_cast %scan3A_1162 : i32 to index
        %get3A_1170 = arith.constant 0 : index
        %get3A_1171 = tpu.vector_load %arg23[%get3A_1169, %get3A_1170] {strides = array<i32>} : memref<128x16xf32, #tpu.memory_space<vmem>>, vector<16xf32>,
        %add3A_1172 = arith.addf %add3A_1168, %get3A_1171 : vector<16xf32>
        %swap3A = arith.index_cast %scan3A_1162 : i32 to index
        %swap3A_1173 = arith.constant 0 : index
        %swap3A_1174 = tpu.vector_load %arg26[%swap3A, %swap3A_1173] {strides = array<i32>} : memref<128x16xf32, #tpu.memory_space<vmem>>, vector<16xf32>,
        tpu.vector_store %arg26[%swap3A, %swap3A_1173], %add3A_1172 {strides = array<i32>} : memref<128x16xf32, #tpu.memory_space<vmem>>, vector<16xf32>,
        %add3A_1175 = vector.broadcast %scan3A_1162 : i32 to vector<16xi32>
        %add3A_1176 = arith.addi %mul3A_7, %add3A_1175 : vector<16xi32>
        tpu.vector_store_idx %arg29[%add3A_1176], %add3A_1172 : memref<2048xf32, #tpu.memory_space<vmem>>[vector<16xi32>], vector<16xf32>,
        %scan3A_1177 = arith.constant 1 : i32
        %scan3A_1178 = arith.addi %scan3A_1162, %scan3A_1177 : i32
        %get3A_1179 = arith.index_cast %scan3A_1178 : i32 to index
        %get3A_1180 = arith.constant 0 : index
        %get3A_1181 = tpu.vector_load %arg17[%get3A_1179, %get3A_1180] {strides = array<i32>} : memref<128x16xf32, #tpu.memory_space<vmem>>, vector<16xf32>,
        %get3A_1182 = arith.index_cast %scan3A_1178 : i32 to index
        %get3A_1183 = arith.constant 0 : index
        %get3A_1184 = tpu.vector_load %arg20[%get3A_1182, %get3A_1183] {strides = array<i32>} : memref<128x16xf32, #tpu.memory_space<vmem>>, vector<16xf32>,
        %add3A_1185 = arith.addf %get3A_1181, %get3A_1184 : vector<16xf32>
        %get3A_1186 = arith.index_cast %scan3A_1178 : i32 to index
        %get3A_1187 = arith.constant 0 : index
        %get3A_1188 = tpu.vector_load %arg23[%get3A_1186, %get3A_1187] {strides = array<i32>} : memref<128x16xf32, #tpu.memory_space<vmem>>, vector<16xf32>,
        %add3A_1189 = arith.addf %add3A_1185, %get3A_1188 : vector<16xf32>
        %swap3A_1190 = arith.index_cast %scan3A_1178 : i32 to index
        %swap3A_1191 = arith.constant 0 : index
        %swap3A_1192 = tpu.vector_load %arg26[%swap3A_1190, %swap3A_1191] {strides = array<i32>} : memref<128x16xf32, #tpu.memory_space<vmem>>, vector<16xf32>,
        tpu.vector_store %arg26[%swap3A_1190, %swap3A_1191], %add3A_1189 {strides = array<i32>} : memref<128x16xf32, #tpu.memory_space<vmem>>, vector<16xf32>,
        %add3A_1193 = vector.broadcast %scan3A_1178 : i32 to vector<16xi32>
        %add3A_1194 = arith.addi %mul3A_7, %add3A_1193 : vector<16xi32>
        tpu.vector_store_idx %arg29[%add3A_1194], %add3A_1189 : memref<2048xf32, #tpu.memory_space<vmem>>[vector<16xi32>], vector<16xf32>,
        %scan3A_1195 = arith.constant 2 : i32
        %scan3A_1196 = arith.addi %scan3A_1162, %scan3A_1195 : i32
        %get3A_1197 = arith.index_cast %scan3A_1196 : i32 to index
        %get3A_1198 = arith.constant 0 : index
        %get3A_1199 = tpu.vector_load %arg17[%get3A_1197, %get3A_1198] {strides = array<i32>} : memref<128x16xf32, #tpu.memory_space<vmem>>, vector<16xf32>,
        %get3A_1200 = arith.index_cast %scan3A_1196 : i32 to index
        %get3A_1201 = arith.constant 0 : index
        %get3A_1202 = tpu.vector_load %arg20[%get3A_1200, %get3A_1201] {strides = array<i32>} : memref<128x16xf32, #tpu.memory_space<vmem>>, vector<16xf32>,
        %add3A_1203 = arith.addf %get3A_1199, %get3A_1202 : vector<16xf32>
        %get3A_1204 = arith.index_cast %scan3A_1196 : i32 to index
        %get3A_1205 = arith.constant 0 : index
        %get3A_1206 = tpu.vector_load %arg23[%get3A_1204, %get3A_1205] {strides = array<i32>} : memref<128x16xf32, #tpu.memory_space<vmem>>, vector<16xf32>,
        %add3A_1207 = arith.addf %add3A_1203, %get3A_1206 : vector<16xf32>
        %swap3A_1208 = arith.index_cast %scan3A_1196 : i32 to index
        %swap3A_1209 = arith.constant 0 : index
        %swap3A_1210 = tpu.vector_load %arg26[%swap3A_1208, %swap3A_1209] {strides = array<i32>} : memref<128x16xf32, #tpu.memory_space<vmem>>, vector<16xf32>,
        tpu.vector_store %arg26[%swap3A_1208, %swap3A_1209], %add3A_1207 {strides = array<i32>} : memref<128x16xf32, #tpu.memory_space<vmem>>, vector<16xf32>,
        %add3A_1211 = vector.broadcast %scan3A_1196 : i32 to vector<16xi32>
        %add3A_1212 = arith.addi %mul3A_7, %add3A_1211 : vector<16xi32>
        tpu.vector_store_idx %arg29[%add3A_1212], %add3A_1207 : memref<2048xf32, #tpu.memory_space<vmem>>[vector<16xi32>], vector<16xf32>,
        %scan3A_1213 = arith.constant 3 : i32
        %scan3A_1214 = arith.addi %scan3A_1162, %scan3A_1213 : i32
        %get3A_1215 = arith.index_cast %scan3A_1214 : i32 to index
        %get3A_1216 = arith.constant 0 : index
        %get3A_1217 = tpu.vector_load %arg17[%get3A_1215, %get3A_1216] {strides = array<i32>} : memref<128x16xf32, #tpu.memory_space<vmem>>, vector<16xf32>,
        %get3A_1218 = arith.index_cast %scan3A_1214 : i32 to index
        %get3A_1219 = arith.constant 0 : index
        %get3A_1220 = tpu.vector_load %arg20[%get3A_1218, %get3A_1219] {strides = array<i32>} : memref<128x16xf32, #tpu.memory_space<vmem>>, vector<16xf32>,
        %add3A_1221 = arith.addf %get3A_1217, %get3A_1220 : vector<16xf32>
        %get3A_1222 = arith.index_cast %scan3A_1214 : i32 to index
        %get3A_1223 = arith.constant 0 : index
        %get3A_1224 = tpu.vector_load %arg23[%get3A_1222, %get3A_1223] {strides = array<i32>} : memref<128x16xf32, #tpu.memory_space<vmem>>, vector<16xf32>,
        %add3A_1225 = arith.addf %add3A_1221, %get3A_1224 : vector<16xf32>
        %swap3A_1226 = arith.index_cast %scan3A_1214 : i32 to index
        %swap3A_1227 = arith.constant 0 : index
        %swap3A_1228 = tpu.vector_load %arg26[%swap3A_1226, %swap3A_1227] {strides = array<i32>} : memref<128x16xf32, #tpu.memory_space<vmem>>, vector<16xf32>,
        tpu.vector_store %arg26[%swap3A_1226, %swap3A_1227], %add3A_1225 {strides = array<i32>} : memref<128x16xf32, #tpu.memory_space<vmem>>, vector<16xf32>,
        %add3A_1229 = vector.broadcast %scan3A_1214 : i32 to vector<16xi32>
        %add3A_1230 = arith.addi %mul3A_7, %add3A_1229 : vector<16xi32>
        tpu.vector_store_idx %arg29[%add3A_1230], %add3A_1225 : memref<2048xf32, #tpu.memory_space<vmem>>[vector<16xi32>], vector<16xf32>,
      }
      %scan3A_818 = arith.constant 128 : i32
      %mul3A_819 = arith.constant 128 : i32
      %mul3A_820 = arith.muli %add3A_784, %mul3A_819 : i32
      %multiple_of3A_821 = tpu.assume_multiple %mul3A_820, 8 : i32
      %dma_start3A_822 = arith.constant 0 : i32
      %dma_start3A_823 = arith.constant 0 : i32
      %dma_start3A_824 = tpu.memref_slice %arg29[%dma_start3A_823] : memref<2048xf32, #tpu.memory_space<vmem>> -> memref<128xf32, #tpu.memory_space<vmem>>
      %dma_start3A_825 = tpu.memref_slice %arg8[%dma_start3A_822, %multiple_of3A_821] : memref<16x320000xf32, #tpu.memory_space<hbm>> -> memref<1x128xf32, #tpu.memory_space<hbm>>
      %dma_start3A_826 = tpu.memref_squeeze %dma_start3A_825 : memref<1x128xf32, #tpu.memory_space<hbm>> -> memref<128xf32, #tpu.memory_space<hbm>>
      %dma_start3A_827 = tpu.memref_slice %arg8[%dma_start3A_822, %multiple_of3A_821] : memref<16x320000xf32, #tpu.memory_space<hbm>> -> memref<1x128xf32, #tpu.memory_space<hbm>>
      %dma_start3A_828 = tpu.memref_squeeze %dma_start3A_827 : memref<1x128xf32, #tpu.memory_space<hbm>> -> memref<128xf32, #tpu.memory_space<hbm>>
      %dma_start3A_829 = arith.constant 0 : i32
      %dma_start3A_830 = tpu.memref_slice %arg29[%dma_start3A_829] : memref<2048xf32, #tpu.memory_space<vmem>> -> memref<128xf32, #tpu.memory_space<vmem>>
      tpu.enqueue_dma source(%dma_start3A_830 : memref<128xf32, #tpu.memory_space<vmem>>) target(%dma_start3A_828 : memref<128xf32, #tpu.memory_space<hbm>>) target_semaphore(%arg38 : memref<!tpu.dma_semaphore, #tpu.memory_space<semaphore_mem>>)
      %dma_start3A_831 = arith.constant 1 : i32
      %dma_start3A_832 = arith.constant 128 : i32
      %dma_start3A_833 = tpu.memref_slice %arg29[%dma_start3A_832] : memref<2048xf32, #tpu.memory_space<vmem>> -> memref<128xf32, #tpu.memory_space<vmem>>
      %dma_start3A_834 = tpu.memref_slice %arg8[%dma_start3A_831, %multiple_of3A_821] : memref<16x320000xf32, #tpu.memory_space<hbm>> -> memref<1x128xf32, #tpu.memory_space<hbm>>
      %dma_start3A_835 = tpu.memref_squeeze %dma_start3A_834 : memref<1x128xf32, #tpu.memory_space<hbm>> -> memref<128xf32, #tpu.memory_space<hbm>>
      %dma_start3A_836 = tpu.memref_slice %arg8[%dma_start3A_831, %multiple_of3A_821] : memref<16x320000xf32, #tpu.memory_space<hbm>> -> memref<1x128xf32, #tpu.memory_space<hbm>>
      %dma_start3A_837 = tpu.memref_squeeze %dma_start3A_836 : memref<1x128xf32, #tpu.memory_space<hbm>> -> memref<128xf32, #tpu.memory_space<hbm>>
      %dma_start3A_838 = arith.constant 128 : i32
      %dma_start3A_839 = tpu.memref_slice %arg29[%dma_start3A_838] : memref<2048xf32, #tpu.memory_space<vmem>> -> memref<128xf32, #tpu.memory_space<vmem>>
      tpu.enqueue_dma source(%dma_start3A_839 : memref<128xf32, #tpu.memory_space<vmem>>) target(%dma_start3A_837 : memref<128xf32, #tpu.memory_space<hbm>>) target_semaphore(%arg38 : memref<!tpu.dma_semaphore, #tpu.memory_space<semaphore_mem>>)
      %dma_start3A_840 = arith.constant 2 : i32
      %dma_start3A_841 = arith.constant 256 : i32
      %dma_start3A_842 = tpu.memref_slice %arg29[%dma_start3A_841] : memref<2048xf32, #tpu.memory_space<vmem>> -> memref<128xf32, #tpu.memory_space<vmem>>
      %dma_start3A_843 = tpu.memref_slice %arg8[%dma_start3A_840, %multiple_of3A_821] : memref<16x320000xf32, #tpu.memory_space<hbm>> -> memref<1x128xf32, #tpu.memory_space<hbm>>
      %dma_start3A_844 = tpu.memref_squeeze %dma_start3A_843 : memref<1x128xf32, #tpu.memory_space<hbm>> -> memref<128xf32, #tpu.memory_space<hbm>>
      %dma_start3A_845 = tpu.memref_slice %arg8[%dma_start3A_840, %multiple_of3A_821] : memref<16x320000xf32, #tpu.memory_space<hbm>> -> memref<1x128xf32, #tpu.memory_space<hbm>>
      %dma_start3A_846 = tpu.memref_squeeze %dma_start3A_845 : memref<1x128xf32, #tpu.memory_space<hbm>> -> memref<128xf32, #tpu.memory_space<hbm>>
      %dma_start3A_847 = arith.constant 256 : i32
      %dma_start3A_848 = tpu.memref_slice %arg29[%dma_start3A_847] : memref<2048xf32, #tpu.memory_space<vmem>> -> memref<128xf32, #tpu.memory_space<vmem>>
      tpu.enqueue_dma source(%dma_start3A_848 : memref<128xf32, #tpu.memory_space<vmem>>) target(%dma_start3A_846 : memref<128xf32, #tpu.memory_space<hbm>>) target_semaphore(%arg38 : memref<!tpu.dma_semaphore, #tpu.memory_space<semaphore_mem>>)
      %dma_start3A_849 = arith.constant 3 : i32
      %dma_start3A_850 = arith.constant 384 : i32
      %dma_start3A_851 = tpu.memref_slice %arg29[%dma_start3A_850] : memref<2048xf32, #tpu.memory_space<vmem>> -> memref<128xf32, #tpu.memory_space<vmem>>
      %dma_start3A_852 = tpu.memref_slice %arg8[%dma_start3A_849, %multiple_of3A_821] : memref<16x320000xf32, #tpu.memory_space<hbm>> -> memref<1x128xf32, #tpu.memory_space<hbm>>
      %dma_start3A_853 = tpu.memref_squeeze %dma_start3A_852 : memref<1x128xf32, #tpu.memory_space<hbm>> -> memref<128xf32, #tpu.memory_space<hbm>>
      %dma_start3A_854 = tpu.memref_slice %arg8[%dma_start3A_849, %multiple_of3A_821] : memref<16x320000xf32, #tpu.memory_space<hbm>> -> memref<1x128xf32, #tpu.memory_space<hbm>>
      %dma_start3A_855 = tpu.memref_squeeze %dma_start3A_854 : memref<1x128xf32, #tpu.memory_space<hbm>> -> memref<128xf32, #tpu.memory_space<hbm>>
      %dma_start3A_856 = arith.constant 384 : i32
      %dma_start3A_857 = tpu.memref_slice %arg29[%dma_start3A_856] : memref<2048xf32, #tpu.memory_space<vmem>> -> memref<128xf32, #tpu.memory_space<vmem>>
      tpu.enqueue_dma source(%dma_start3A_857 : memref<128xf32, #tpu.memory_space<vmem>>) target(%dma_start3A_855 : memref<128xf32, #tpu.memory_space<hbm>>) target_semaphore(%arg38 : memref<!tpu.dma_semaphore, #tpu.memory_space<semaphore_mem>>)
      %dma_start3A_858 = arith.constant 4 : i32
      %dma_start3A_859 = arith.constant 512 : i32
      %dma_start3A_860 = tpu.memref_slice %arg29[%dma_start3A_859] : memref<2048xf32, #tpu.memory_space<vmem>> -> memref<128xf32, #tpu.memory_space<vmem>>
      %dma_start3A_861 = tpu.memref_slice %arg8[%dma_start3A_858, %multiple_of3A_821] : memref<16x320000xf32, #tpu.memory_space<hbm>> -> memref<1x128xf32, #tpu.memory_space<hbm>>
      %dma_start3A_862 = tpu.memref_squeeze %dma_start3A_861 : memref<1x128xf32, #tpu.memory_space<hbm>> -> memref<128xf32, #tpu.memory_space<hbm>>
      %dma_start3A_863 = tpu.memref_slice %arg8[%dma_start3A_858, %multiple_of3A_821] : memref<16x320000xf32, #tpu.memory_space<hbm>> -> memref<1x128xf32, #tpu.memory_space<hbm>>
      %dma_start3A_864 = tpu.memref_squeeze %dma_start3A_863 : memref<1x128xf32, #tpu.memory_space<hbm>> -> memref<128xf32, #tpu.memory_space<hbm>>
      %dma_start3A_865 = arith.constant 512 : i32
      %dma_start3A_866 = tpu.memref_slice %arg29[%dma_start3A_865] : memref<2048xf32, #tpu.memory_space<vmem>> -> memref<128xf32, #tpu.memory_space<vmem>>
      tpu.enqueue_dma source(%dma_start3A_866 : memref<128xf32, #tpu.memory_space<vmem>>) target(%dma_start3A_864 : memref<128xf32, #tpu.memory_space<hbm>>) target_semaphore(%arg38 : memref<!tpu.dma_semaphore, #tpu.memory_space<semaphore_mem>>)
      %dma_start3A_867 = arith.constant 5 : i32
      %dma_start3A_868 = arith.constant 640 : i32
      %dma_start3A_869 = tpu.memref_slice %arg29[%dma_start3A_868] : memref<2048xf32, #tpu.memory_space<vmem>> -> memref<128xf32, #tpu.memory_space<vmem>>
      %dma_start3A_870 = tpu.memref_slice %arg8[%dma_start3A_867, %multiple_of3A_821] : memref<16x320000xf32, #tpu.memory_space<hbm>> -> memref<1x128xf32, #tpu.memory_space<hbm>>
      %dma_start3A_871 = tpu.memref_squeeze %dma_start3A_870 : memref<1x128xf32, #tpu.memory_space<hbm>> -> memref<128xf32, #tpu.memory_space<hbm>>
      %dma_start3A_872 = tpu.memref_slice %arg8[%dma_start3A_867, %multiple_of3A_821] : memref<16x320000xf32, #tpu.memory_space<hbm>> -> memref<1x128xf32, #tpu.memory_space<hbm>>
      %dma_start3A_873 = tpu.memref_squeeze %dma_start3A_872 : memref<1x128xf32, #tpu.memory_space<hbm>> -> memref<128xf32, #tpu.memory_space<hbm>>
      %dma_start3A_874 = arith.constant 640 : i32
      %dma_start3A_875 = tpu.memref_slice %arg29[%dma_start3A_874] : memref<2048xf32, #tpu.memory_space<vmem>> -> memref<128xf32, #tpu.memory_space<vmem>>
      tpu.enqueue_dma source(%dma_start3A_875 : memref<128xf32, #tpu.memory_space<vmem>>) target(%dma_start3A_873 : memref<128xf32, #tpu.memory_space<hbm>>) target_semaphore(%arg38 : memref<!tpu.dma_semaphore, #tpu.memory_space<semaphore_mem>>)
      %dma_start3A_876 = arith.constant 6 : i32
      %dma_start3A_877 = arith.constant 768 : i32
      %dma_start3A_878 = tpu.memref_slice %arg29[%dma_start3A_877] : memref<2048xf32, #tpu.memory_space<vmem>> -> memref<128xf32, #tpu.memory_space<vmem>>
      %dma_start3A_879 = tpu.memref_slice %arg8[%dma_start3A_876, %multiple_of3A_821] : memref<16x320000xf32, #tpu.memory_space<hbm>> -> memref<1x128xf32, #tpu.memory_space<hbm>>
      %dma_start3A_880 = tpu.memref_squeeze %dma_start3A_879 : memref<1x128xf32, #tpu.memory_space<hbm>> -> memref<128xf32, #tpu.memory_space<hbm>>
      %dma_start3A_881 = tpu.memref_slice %arg8[%dma_start3A_876, %multiple_of3A_821] : memref<16x320000xf32, #tpu.memory_space<hbm>> -> memref<1x128xf32, #tpu.memory_space<hbm>>
      %dma_start3A_882 = tpu.memref_squeeze %dma_start3A_881 : memref<1x128xf32, #tpu.memory_space<hbm>> -> memref<128xf32, #tpu.memory_space<hbm>>
      %dma_start3A_883 = arith.constant 768 : i32
      %dma_start3A_884 = tpu.memref_slice %arg29[%dma_start3A_883] : memref<2048xf32, #tpu.memory_space<vmem>> -> memref<128xf32, #tpu.memory_space<vmem>>
      tpu.enqueue_dma source(%dma_start3A_884 : memref<128xf32, #tpu.memory_space<vmem>>) target(%dma_start3A_882 : memref<128xf32, #tpu.memory_space<hbm>>) target_semaphore(%arg38 : memref<!tpu.dma_semaphore, #tpu.memory_space<semaphore_mem>>)
      %dma_start3A_885 = arith.constant 7 : i32
      %dma_start3A_886 = arith.constant 896 : i32
      %dma_start3A_887 = tpu.memref_slice %arg29[%dma_start3A_886] : memref<2048xf32, #tpu.memory_space<vmem>> -> memref<128xf32, #tpu.memory_space<vmem>>
      %dma_start3A_888 = tpu.memref_slice %arg8[%dma_start3A_885, %multiple_of3A_821] : memref<16x320000xf32, #tpu.memory_space<hbm>> -> memref<1x128xf32, #tpu.memory_space<hbm>>
      %dma_start3A_889 = tpu.memref_squeeze %dma_start3A_888 : memref<1x128xf32, #tpu.memory_space<hbm>> -> memref<128xf32, #tpu.memory_space<hbm>>
      %dma_start3A_890 = tpu.memref_slice %arg8[%dma_start3A_885, %multiple_of3A_821] : memref<16x320000xf32, #tpu.memory_space<hbm>> -> memref<1x128xf32, #tpu.memory_space<hbm>>
      %dma_start3A_891 = tpu.memref_squeeze %dma_start3A_890 : memref<1x128xf32, #tpu.memory_space<hbm>> -> memref<128xf32, #tpu.memory_space<hbm>>
      %dma_start3A_892 = arith.constant 896 : i32
      %dma_start3A_893 = tpu.memref_slice %arg29[%dma_start3A_892] : memref<2048xf32, #tpu.memory_space<vmem>> -> memref<128xf32, #tpu.memory_space<vmem>>
      tpu.enqueue_dma source(%dma_start3A_893 : memref<128xf32, #tpu.memory_space<vmem>>) target(%dma_start3A_891 : memref<128xf32, #tpu.memory_space<hbm>>) target_semaphore(%arg38 : memref<!tpu.dma_semaphore, #tpu.memory_space<semaphore_mem>>)
      %dma_start3A_894 = arith.constant 8 : i32
      %dma_start3A_895 = arith.constant 1024 : i32
      %dma_start3A_896 = tpu.memref_slice %arg29[%dma_start3A_895] : memref<2048xf32, #tpu.memory_space<vmem>> -> memref<128xf32, #tpu.memory_space<vmem>>
      %dma_start3A_897 = tpu.memref_slice %arg8[%dma_start3A_894, %multiple_of3A_821] : memref<16x320000xf32, #tpu.memory_space<hbm>> -> memref<1x128xf32, #tpu.memory_space<hbm>>
      %dma_start3A_898 = tpu.memref_squeeze %dma_start3A_897 : memref<1x128xf32, #tpu.memory_space<hbm>> -> memref<128xf32, #tpu.memory_space<hbm>>
      %dma_start3A_899 = tpu.memref_slice %arg8[%dma_start3A_894, %multiple_of3A_821] : memref<16x320000xf32, #tpu.memory_space<hbm>> -> memref<1x128xf32, #tpu.memory_space<hbm>>
      %dma_start3A_900 = tpu.memref_squeeze %dma_start3A_899 : memref<1x128xf32, #tpu.memory_space<hbm>> -> memref<128xf32, #tpu.memory_space<hbm>>
      %dma_start3A_901 = arith.constant 1024 : i32
      %dma_start3A_902 = tpu.memref_slice %arg29[%dma_start3A_901] : memref<2048xf32, #tpu.memory_space<vmem>> -> memref<128xf32, #tpu.memory_space<vmem>>
      tpu.enqueue_dma source(%dma_start3A_902 : memref<128xf32, #tpu.memory_space<vmem>>) target(%dma_start3A_900 : memref<128xf32, #tpu.memory_space<hbm>>) target_semaphore(%arg38 : memref<!tpu.dma_semaphore, #tpu.memory_space<semaphore_mem>>)
      %dma_start3A_903 = arith.constant 9 : i32
      %dma_start3A_904 = arith.constant 1152 : i32
      %dma_start3A_905 = tpu.memref_slice %arg29[%dma_start3A_904] : memref<2048xf32, #tpu.memory_space<vmem>> -> memref<128xf32, #tpu.memory_space<vmem>>
      %dma_start3A_906 = tpu.memref_slice %arg8[%dma_start3A_903, %multiple_of3A_821] : memref<16x320000xf32, #tpu.memory_space<hbm>> -> memref<1x128xf32, #tpu.memory_space<hbm>>
      %dma_start3A_907 = tpu.memref_squeeze %dma_start3A_906 : memref<1x128xf32, #tpu.memory_space<hbm>> -> memref<128xf32, #tpu.memory_space<hbm>>
      %dma_start3A_908 = tpu.memref_slice %arg8[%dma_start3A_903, %multiple_of3A_821] : memref<16x320000xf32, #tpu.memory_space<hbm>> -> memref<1x128xf32, #tpu.memory_space<hbm>>
      %dma_start3A_909 = tpu.memref_squeeze %dma_start3A_908 : memref<1x128xf32, #tpu.memory_space<hbm>> -> memref<128xf32, #tpu.memory_space<hbm>>
      %dma_start3A_910 = arith.constant 1152 : i32
      %dma_start3A_911 = tpu.memref_slice %arg29[%dma_start3A_910] : memref<2048xf32, #tpu.memory_space<vmem>> -> memref<128xf32, #tpu.memory_space<vmem>>
      tpu.enqueue_dma source(%dma_start3A_911 : memref<128xf32, #tpu.memory_space<vmem>>) target(%dma_start3A_909 : memref<128xf32, #tpu.memory_space<hbm>>) target_semaphore(%arg38 : memref<!tpu.dma_semaphore, #tpu.memory_space<semaphore_mem>>)
      %dma_start3A_912 = arith.constant 10 : i32
      %dma_start3A_913 = arith.constant 1280 : i32
      %dma_start3A_914 = tpu.memref_slice %arg29[%dma_start3A_913] : memref<2048xf32, #tpu.memory_space<vmem>> -> memref<128xf32, #tpu.memory_space<vmem>>
      %dma_start3A_915 = tpu.memref_slice %arg8[%dma_start3A_912, %multiple_of3A_821] : memref<16x320000xf32, #tpu.memory_space<hbm>> -> memref<1x128xf32, #tpu.memory_space<hbm>>
      %dma_start3A_916 = tpu.memref_squeeze %dma_start3A_915 : memref<1x128xf32, #tpu.memory_space<hbm>> -> memref<128xf32, #tpu.memory_space<hbm>>
      %dma_start3A_917 = tpu.memref_slice %arg8[%dma_start3A_912, %multiple_of3A_821] : memref<16x320000xf32, #tpu.memory_space<hbm>> -> memref<1x128xf32, #tpu.memory_space<hbm>>
      %dma_start3A_918 = tpu.memref_squeeze %dma_start3A_917 : memref<1x128xf32, #tpu.memory_space<hbm>> -> memref<128xf32, #tpu.memory_space<hbm>>
      %dma_start3A_919 = arith.constant 1280 : i32
      %dma_start3A_920 = tpu.memref_slice %arg29[%dma_start3A_919] : memref<2048xf32, #tpu.memory_space<vmem>> -> memref<128xf32, #tpu.memory_space<vmem>>
      tpu.enqueue_dma source(%dma_start3A_920 : memref<128xf32, #tpu.memory_space<vmem>>) target(%dma_start3A_918 : memref<128xf32, #tpu.memory_space<hbm>>) target_semaphore(%arg38 : memref<!tpu.dma_semaphore, #tpu.memory_space<semaphore_mem>>)
      %dma_start3A_921 = arith.constant 11 : i32
      %dma_start3A_922 = arith.constant 1408 : i32
      %dma_start3A_923 = tpu.memref_slice %arg29[%dma_start3A_922] : memref<2048xf32, #tpu.memory_space<vmem>> -> memref<128xf32, #tpu.memory_space<vmem>>
      %dma_start3A_924 = tpu.memref_slice %arg8[%dma_start3A_921, %multiple_of3A_821] : memref<16x320000xf32, #tpu.memory_space<hbm>> -> memref<1x128xf32, #tpu.memory_space<hbm>>
      %dma_start3A_925 = tpu.memref_squeeze %dma_start3A_924 : memref<1x128xf32, #tpu.memory_space<hbm>> -> memref<128xf32, #tpu.memory_space<hbm>>
      %dma_start3A_926 = tpu.memref_slice %arg8[%dma_start3A_921, %multiple_of3A_821] : memref<16x320000xf32, #tpu.memory_space<hbm>> -> memref<1x128xf32, #tpu.memory_space<hbm>>
      %dma_start3A_927 = tpu.memref_squeeze %dma_start3A_926 : memref<1x128xf32, #tpu.memory_space<hbm>> -> memref<128xf32, #tpu.memory_space<hbm>>
      %dma_start3A_928 = arith.constant 1408 : i32
      %dma_start3A_929 = tpu.memref_slice %arg29[%dma_start3A_928] : memref<2048xf32, #tpu.memory_space<vmem>> -> memref<128xf32, #tpu.memory_space<vmem>>
      tpu.enqueue_dma source(%dma_start3A_929 : memref<128xf32, #tpu.memory_space<vmem>>) target(%dma_start3A_927 : memref<128xf32, #tpu.memory_space<hbm>>) target_semaphore(%arg38 : memref<!tpu.dma_semaphore, #tpu.memory_space<semaphore_mem>>)
      %dma_start3A_930 = arith.constant 12 : i32
      %dma_start3A_931 = arith.constant 1536 : i32
      %dma_start3A_932 = tpu.memref_slice %arg29[%dma_start3A_931] : memref<2048xf32, #tpu.memory_space<vmem>> -> memref<128xf32, #tpu.memory_space<vmem>>
      %dma_start3A_933 = tpu.memref_slice %arg8[%dma_start3A_930, %multiple_of3A_821] : memref<16x320000xf32, #tpu.memory_space<hbm>> -> memref<1x128xf32, #tpu.memory_space<hbm>>
      %dma_start3A_934 = tpu.memref_squeeze %dma_start3A_933 : memref<1x128xf32, #tpu.memory_space<hbm>> -> memref<128xf32, #tpu.memory_space<hbm>>
      %dma_start3A_935 = tpu.memref_slice %arg8[%dma_start3A_930, %multiple_of3A_821] : memref<16x320000xf32, #tpu.memory_space<hbm>> -> memref<1x128xf32, #tpu.memory_space<hbm>>
      %dma_start3A_936 = tpu.memref_squeeze %dma_start3A_935 : memref<1x128xf32, #tpu.memory_space<hbm>> -> memref<128xf32, #tpu.memory_space<hbm>>
      %dma_start3A_937 = arith.constant 1536 : i32
      %dma_start3A_938 = tpu.memref_slice %arg29[%dma_start3A_937] : memref<2048xf32, #tpu.memory_space<vmem>> -> memref<128xf32, #tpu.memory_space<vmem>>
      tpu.enqueue_dma source(%dma_start3A_938 : memref<128xf32, #tpu.memory_space<vmem>>) target(%dma_start3A_936 : memref<128xf32, #tpu.memory_space<hbm>>) target_semaphore(%arg38 : memref<!tpu.dma_semaphore, #tpu.memory_space<semaphore_mem>>)
      %dma_start3A_939 = arith.constant 13 : i32
      %dma_start3A_940 = arith.constant 1664 : i32
      %dma_start3A_941 = tpu.memref_slice %arg29[%dma_start3A_940] : memref<2048xf32, #tpu.memory_space<vmem>> -> memref<128xf32, #tpu.memory_space<vmem>>
      %dma_start3A_942 = tpu.memref_slice %arg8[%dma_start3A_939, %multiple_of3A_821] : memref<16x320000xf32, #tpu.memory_space<hbm>> -> memref<1x128xf32, #tpu.memory_space<hbm>>
      %dma_start3A_943 = tpu.memref_squeeze %dma_start3A_942 : memref<1x128xf32, #tpu.memory_space<hbm>> -> memref<128xf32, #tpu.memory_space<hbm>>
      %dma_start3A_944 = tpu.memref_slice %arg8[%dma_start3A_939, %multiple_of3A_821] : memref<16x320000xf32, #tpu.memory_space<hbm>> -> memref<1x128xf32, #tpu.memory_space<hbm>>
      %dma_start3A_945 = tpu.memref_squeeze %dma_start3A_944 : memref<1x128xf32, #tpu.memory_space<hbm>> -> memref<128xf32, #tpu.memory_space<hbm>>
      %dma_start3A_946 = arith.constant 1664 : i32
      %dma_start3A_947 = tpu.memref_slice %arg29[%dma_start3A_946] : memref<2048xf32, #tpu.memory_space<vmem>> -> memref<128xf32, #tpu.memory_space<vmem>>
      tpu.enqueue_dma source(%dma_start3A_947 : memref<128xf32, #tpu.memory_space<vmem>>) target(%dma_start3A_945 : memref<128xf32, #tpu.memory_space<hbm>>) target_semaphore(%arg38 : memref<!tpu.dma_semaphore, #tpu.memory_space<semaphore_mem>>)
      %dma_start3A_948 = arith.constant 14 : i32
      %dma_start3A_949 = arith.constant 1792 : i32
      %dma_start3A_950 = tpu.memref_slice %arg29[%dma_start3A_949] : memref<2048xf32, #tpu.memory_space<vmem>> -> memref<128xf32, #tpu.memory_space<vmem>>
      %dma_start3A_951 = tpu.memref_slice %arg8[%dma_start3A_948, %multiple_of3A_821] : memref<16x320000xf32, #tpu.memory_space<hbm>> -> memref<1x128xf32, #tpu.memory_space<hbm>>
      %dma_start3A_952 = tpu.memref_squeeze %dma_start3A_951 : memref<1x128xf32, #tpu.memory_space<hbm>> -> memref<128xf32, #tpu.memory_space<hbm>>
      %dma_start3A_953 = tpu.memref_slice %arg8[%dma_start3A_948, %multiple_of3A_821] : memref<16x320000xf32, #tpu.memory_space<hbm>> -> memref<1x128xf32, #tpu.memory_space<hbm>>
      %dma_start3A_954 = tpu.memref_squeeze %dma_start3A_953 : memref<1x128xf32, #tpu.memory_space<hbm>> -> memref<128xf32, #tpu.memory_space<hbm>>
      %dma_start3A_955 = arith.constant 1792 : i32
      %dma_start3A_956 = tpu.memref_slice %arg29[%dma_start3A_955] : memref<2048xf32, #tpu.memory_space<vmem>> -> memref<128xf32, #tpu.memory_space<vmem>>
      tpu.enqueue_dma source(%dma_start3A_956 : memref<128xf32, #tpu.memory_space<vmem>>) target(%dma_start3A_954 : memref<128xf32, #tpu.memory_space<hbm>>) target_semaphore(%arg38 : memref<!tpu.dma_semaphore, #tpu.memory_space<semaphore_mem>>)
      %dma_start3A_957 = arith.constant 15 : i32
      %dma_start3A_958 = arith.constant 1920 : i32
      %dma_start3A_959 = tpu.memref_slice %arg29[%dma_start3A_958] : memref<2048xf32, #tpu.memory_space<vmem>> -> memref<128xf32, #tpu.memory_space<vmem>>
      %dma_start3A_960 = tpu.memref_slice %arg8[%dma_start3A_957, %multiple_of3A_821] : memref<16x320000xf32, #tpu.memory_space<hbm>> -> memref<1x128xf32, #tpu.memory_space<hbm>>
      %dma_start3A_961 = tpu.memref_squeeze %dma_start3A_960 : memref<1x128xf32, #tpu.memory_space<hbm>> -> memref<128xf32, #tpu.memory_space<hbm>>
      %dma_start3A_962 = tpu.memref_slice %arg8[%dma_start3A_957, %multiple_of3A_821] : memref<16x320000xf32, #tpu.memory_space<hbm>> -> memref<1x128xf32, #tpu.memory_space<hbm>>
      %dma_start3A_963 = tpu.memref_squeeze %dma_start3A_962 : memref<1x128xf32, #tpu.memory_space<hbm>> -> memref<128xf32, #tpu.memory_space<hbm>>
      %dma_start3A_964 = arith.constant 1920 : i32
      %dma_start3A_965 = tpu.memref_slice %arg29[%dma_start3A_964] : memref<2048xf32, #tpu.memory_space<vmem>> -> memref<128xf32, #tpu.memory_space<vmem>>
      tpu.enqueue_dma source(%dma_start3A_965 : memref<128xf32, #tpu.memory_space<vmem>>) target(%dma_start3A_963 : memref<128xf32, #tpu.memory_space<hbm>>) target_semaphore(%arg38 : memref<!tpu.dma_semaphore, #tpu.memory_space<semaphore_mem>>)
      "tpu.region"() ({
        %run_scoped3A = tpu.sem_alloc : memref<!tpu.dma_semaphore, #tpu.memory_space<semaphore_mem>>
        %dma_start3A_1162 = arith.constant 0 : i32
        %dma_start3A_1163 = arith.constant 0 : i32
        %dma_start3A_1164 = tpu.memref_slice %arg40[%dma_start3A_1162, %dma_start3A_1163] : memref<10000x16xf32, #tpu.memory_space<vmem_shared>> -> memref<10000x16xf32, #tpu.memory_space<vmem_shared>>
        tpu.enqueue_indirect_dma source(%arg26 : memref<128x16xf32, #tpu.memory_space<vmem>>) target(%dma_start3A_1164 : memref<10000x16xf32, #tpu.memory_space<vmem_shared>>) offsets(%arg11 : memref<128xi32, #tpu.memory_space<vmem>>) semaphore(%run_scoped3A : memref<!tpu.dma_semaphore, #tpu.memory_space<semaphore_mem>>) {add = true}
        %dma_wait3A_1165 = arith.constant 0 : i32
        %dma_wait3A_1166 = arith.constant 0 : i32
        %dma_wait3A_1167 = tpu.memref_slice %arg40[%dma_wait3A_1165, %dma_wait3A_1166] : memref<10000x16xf32, #tpu.memory_space<vmem_shared>> -> memref<10000x16xf32, #tpu.memory_space<vmem_shared>>
        tpu.wait_indirect_dma semaphore(%run_scoped3A : memref<!tpu.dma_semaphore, #tpu.memory_space<semaphore_mem>>) src(%arg26 : memref<128x16xf32, #tpu.memory_space<vmem>>) dst(%dma_wait3A_1167 : memref<10000x16xf32, #tpu.memory_space<vmem_shared>>)
        tpu.yield
      }) : () -> ()
      %lt3A_966 = arith.constant 25 : i32
      %lt3A_967 = arith.cmpi slt, %scan3A_589, %lt3A_966 : i32
      %convert_element_type3A_968 = arith.extui %lt3A_967 : i1 to i32
      %cond3A_969 = arith.constant 0 : i32
      %cond3A_970 = arith.cmpi ne, %convert_element_type3A_968, %cond3A_969 : i32
      scf.if %cond3A_970 {
        %add3A_1162 = arith.constant 3 : i32
        %add3A_1163 = arith.addi %add3A_784, %add3A_1162 : i32
        %mul3A_1164 = arith.constant 128 : i32
        %mul3A_1165 = arith.muli %add3A_1163, %mul3A_1164 : i32
        %multiple_of3A_1166 = tpu.assume_multiple %mul3A_1165, 8 : i32
        %dma_start3A_1167 = tpu.memref_slice %arg3[%multiple_of3A_1166] : memref<320000xi32, #tpu.memory_space<hbm>> -> memref<128xi32, #tpu.memory_space<hbm>>
        %dma_start3A_1168 = tpu.memref_slice %arg3[%multiple_of3A_1166] : memref<320000xi32, #tpu.memory_space<hbm>> -> memref<128xi32, #tpu.memory_space<hbm>>
        tpu.enqueue_dma source(%dma_start3A_1168 : memref<128xi32, #tpu.memory_space<hbm>>) target(%arg11 : memref<128xi32, #tpu.memory_space<vmem>>) target_semaphore(%arg32 : memref<!tpu.dma_semaphore, #tpu.memory_space<semaphore_mem>>)
        %dma_start3A_1169 = tpu.memref_slice %arg4[%multiple_of3A_1166] : memref<320000xi32, #tpu.memory_space<hbm>> -> memref<128xi32, #tpu.memory_space<hbm>>
        %dma_start3A_1170 = tpu.memref_slice %arg4[%multiple_of3A_1166] : memref<320000xi32, #tpu.memory_space<hbm>> -> memref<128xi32, #tpu.memory_space<hbm>>
        tpu.enqueue_dma source(%dma_start3A_1170 : memref<128xi32, #tpu.memory_space<hbm>>) target(%arg14 : memref<128xi32, #tpu.memory_space<vmem>>) target_semaphore(%arg32 : memref<!tpu.dma_semaphore, #tpu.memory_space<semaphore_mem>>)
        %dma_start3A_1171 = arith.constant 0 : i32
        %dma_start3A_1172 = tpu.memref_slice %arg2[%multiple_of3A_1166, %dma_start3A_1171] : memref<320000x16xf32, #tpu.memory_space<hbm>> -> memref<128x16xf32, #tpu.memory_space<hbm>>
        %dma_start3A_1173 = arith.constant 0 : i32
        %dma_start3A_1174 = tpu.memref_slice %arg2[%multiple_of3A_1166, %dma_start3A_1173] : memref<320000x16xf32, #tpu.memory_space<hbm>> -> memref<128x16xf32, #tpu.memory_space<hbm>>
        tpu.enqueue_dma source(%dma_start3A_1174 : memref<128x16xf32, #tpu.memory_space<hbm>>) target(%arg17 : memref<128x16xf32, #tpu.memory_space<vmem>>) target_semaphore(%arg32 : memref<!tpu.dma_semaphore, #tpu.memory_space<semaphore_mem>>)
      } else {
      }
      %mul3A_971 = arith.constant 3 : i32
      %mul3A_972 = arith.muli %scan3A_589, %mul3A_971 : i32
      %add3A_973 = arith.addi %add3A_4, %mul3A_972 : i32
      %add3A_974 = arith.constant 2 : i32
      %add3A_975 = arith.addi %add3A_973, %add3A_974 : i32
      %mul3A_976 = arith.constant 128 : i32
      %mul3A_977 = arith.muli %add3A_975, %mul3A_976 : i32
      %multiple_of3A_978 = tpu.assume_multiple %mul3A_977, 8 : i32
      %dma_wait3A_979 = tpu.memref_slice %arg3[%multiple_of3A_978] : memref<320000xi32, #tpu.memory_space<hbm>> -> memref<128xi32, #tpu.memory_space<hbm>>
      %dma_wait3A_980 = tpu.memref_slice %arg3[%multiple_of3A_978] : memref<320000xi32, #tpu.memory_space<hbm>> -> memref<128xi32, #tpu.memory_space<hbm>>
      tpu.wait_dma2 semaphore(%arg33 : memref<!tpu.dma_semaphore, #tpu.memory_space<semaphore_mem>>) src(%dma_wait3A_980 : memref<128xi32, #tpu.memory_space<hbm>>) dst(%arg12 : memref<128xi32, #tpu.memory_space<vmem>>)
      %dma_wait3A_981 = tpu.memref_slice %arg4[%multiple_of3A_978] : memref<320000xi32, #tpu.memory_space<hbm>> -> memref<128xi32, #tpu.memory_space<hbm>>
      %dma_wait3A_982 = tpu.memref_slice %arg4[%multiple_of3A_978] : memref<320000xi32, #tpu.memory_space<hbm>> -> memref<128xi32, #tpu.memory_space<hbm>>
      tpu.wait_dma2 semaphore(%arg33 : memref<!tpu.dma_semaphore, #tpu.memory_space<semaphore_mem>>) src(%dma_wait3A_982 : memref<128xi32, #tpu.memory_space<hbm>>) dst(%arg15 : memref<128xi32, #tpu.memory_space<vmem>>)
      %dma_wait3A_983 = arith.constant 0 : i32
      %dma_wait3A_984 = tpu.memref_slice %arg2[%multiple_of3A_978, %dma_wait3A_983] : memref<320000x16xf32, #tpu.memory_space<hbm>> -> memref<128x16xf32, #tpu.memory_space<hbm>>
      %dma_wait3A_985 = arith.constant 0 : i32
      %dma_wait3A_986 = tpu.memref_slice %arg2[%multiple_of3A_978, %dma_wait3A_985] : memref<320000x16xf32, #tpu.memory_space<hbm>> -> memref<128x16xf32, #tpu.memory_space<hbm>>
      tpu.wait_dma2 semaphore(%arg33 : memref<!tpu.dma_semaphore, #tpu.memory_space<semaphore_mem>>) src(%dma_wait3A_986 : memref<128x16xf32, #tpu.memory_space<hbm>>) dst(%arg18 : memref<128x16xf32, #tpu.memory_space<vmem>>)
      %dma_start3A_987 = arith.constant 0 : i32
      %dma_start3A_988 = arith.constant 0 : i32
      %dma_start3A_989 = tpu.memref_slice %arg5[%dma_start3A_987, %dma_start3A_988] : memref<10000x16xf32, #tpu.memory_space<hbm>> -> memref<10000x16xf32, #tpu.memory_space<hbm>>
      tpu.enqueue_indirect_dma source(%dma_start3A_989 : memref<10000x16xf32, #tpu.memory_space<hbm>>) target(%arg21 : memref<128x16xf32, #tpu.memory_space<vmem>>) offsets(%arg12 : memref<128xi32, #tpu.memory_space<vmem>>) semaphore(%arg36 : memref<!tpu.dma_semaphore, #tpu.memory_space<semaphore_mem>>)
      %dma_start3A_990 = arith.constant 0 : i32
      %dma_start3A_991 = arith.constant 0 : i32
      %dma_start3A_992 = tpu.memref_slice %arg6[%dma_start3A_990, %dma_start3A_991] : memref<10000x16xf32, #tpu.memory_space<hbm>> -> memref<10000x16xf32, #tpu.memory_space<hbm>>
      tpu.enqueue_indirect_dma source(%dma_start3A_992 : memref<10000x16xf32, #tpu.memory_space<hbm>>) target(%arg24 : memref<128x16xf32, #tpu.memory_space<vmem>>) offsets(%arg15 : memref<128xi32, #tpu.memory_space<vmem>>) semaphore(%arg36 : memref<!tpu.dma_semaphore, #tpu.memory_space<semaphore_mem>>)
      %ge3A_993 = arith.constant 1 : i32
      %ge3A_994 = arith.cmpi sge, %scan3A_589, %ge3A_993 : i32
      %convert_element_type3A_995 = arith.extui %ge3A_994 : i1 to i32
      %cond3A_996 = arith.constant 0 : i32
      %cond3A_997 = arith.cmpi ne, %convert_element_type3A_995, %cond3A_996 : i32
      scf.if %cond3A_997 {
        %mul3A_1162 = arith.constant 128 : i32
        %mul3A_1163 = arith.muli %add3A_975, %mul3A_1162 : i32
        %multiple_of3A_1164 = tpu.assume_multiple %mul3A_1163, 8 : i32
        %dma_wait3A_1165 = arith.constant 0 : i32
        %dma_wait3A_1166 = arith.constant 0 : i32
        %dma_wait3A_1167 = tpu.memref_slice %arg30[%dma_wait3A_1166] : memref<2048xf32, #tpu.memory_space<vmem>> -> memref<128xf32, #tpu.memory_space<vmem>>
        %dma_wait3A_1168 = tpu.memref_slice %arg8[%dma_wait3A_1165, %multiple_of3A_1164] : memref<16x320000xf32, #tpu.memory_space<hbm>> -> memref<1x128xf32, #tpu.memory_space<hbm>>
        %dma_wait3A_1169 = tpu.memref_squeeze %dma_wait3A_1168 : memref<1x128xf32, #tpu.memory_space<hbm>> -> memref<128xf32, #tpu.memory_space<hbm>>
        %dma_wait3A_1170 = tpu.memref_slice %arg8[%dma_wait3A_1165, %multiple_of3A_1164] : memref<16x320000xf32, #tpu.memory_space<hbm>> -> memref<1x128xf32, #tpu.memory_space<hbm>>
        %dma_wait3A_1171 = tpu.memref_squeeze %dma_wait3A_1170 : memref<1x128xf32, #tpu.memory_space<hbm>> -> memref<128xf32, #tpu.memory_space<hbm>>
        %dma_wait3A_1172 = arith.constant 0 : i32
        %dma_wait3A_1173 = tpu.memref_slice %arg30[%dma_wait3A_1172] : memref<2048xf32, #tpu.memory_space<vmem>> -> memref<128xf32, #tpu.memory_space<vmem>>
        tpu.wait_dma2 semaphore(%arg39 : memref<!tpu.dma_semaphore, #tpu.memory_space<semaphore_mem>>) src(%dma_wait3A_1173 : memref<128xf32, #tpu.memory_space<vmem>>) dst(%dma_wait3A_1171 : memref<128xf32, #tpu.memory_space<hbm>>)
        %dma_wait3A_1174 = arith.constant 1 : i32
        %dma_wait3A_1175 = arith.constant 128 : i32
        %dma_wait3A_1176 = tpu.memref_slice %arg30[%dma_wait3A_1175] : memref<2048xf32, #tpu.memory_space<vmem>> -> memref<128xf32, #tpu.memory_space<vmem>>
        %dma_wait3A_1177 = tpu.memref_slice %arg8[%dma_wait3A_1174, %multiple_of3A_1164] : memref<16x320000xf32, #tpu.memory_space<hbm>> -> memref<1x128xf32, #tpu.memory_space<hbm>>
        %dma_wait3A_1178 = tpu.memref_squeeze %dma_wait3A_1177 : memref<1x128xf32, #tpu.memory_space<hbm>> -> memref<128xf32, #tpu.memory_space<hbm>>
        %dma_wait3A_1179 = tpu.memref_slice %arg8[%dma_wait3A_1174, %multiple_of3A_1164] : memref<16x320000xf32, #tpu.memory_space<hbm>> -> memref<1x128xf32, #tpu.memory_space<hbm>>
        %dma_wait3A_1180 = tpu.memref_squeeze %dma_wait3A_1179 : memref<1x128xf32, #tpu.memory_space<hbm>> -> memref<128xf32, #tpu.memory_space<hbm>>
        %dma_wait3A_1181 = arith.constant 128 : i32
        %dma_wait3A_1182 = tpu.memref_slice %arg30[%dma_wait3A_1181] : memref<2048xf32, #tpu.memory_space<vmem>> -> memref<128xf32, #tpu.memory_space<vmem>>
        tpu.wait_dma2 semaphore(%arg39 : memref<!tpu.dma_semaphore, #tpu.memory_space<semaphore_mem>>) src(%dma_wait3A_1182 : memref<128xf32, #tpu.memory_space<vmem>>) dst(%dma_wait3A_1180 : memref<128xf32, #tpu.memory_space<hbm>>)
        %dma_wait3A_1183 = arith.constant 2 : i32
        %dma_wait3A_1184 = arith.constant 256 : i32
        %dma_wait3A_1185 = tpu.memref_slice %arg30[%dma_wait3A_1184] : memref<2048xf32, #tpu.memory_space<vmem>> -> memref<128xf32, #tpu.memory_space<vmem>>
        %dma_wait3A_1186 = tpu.memref_slice %arg8[%dma_wait3A_1183, %multiple_of3A_1164] : memref<16x320000xf32, #tpu.memory_space<hbm>> -> memref<1x128xf32, #tpu.memory_space<hbm>>
        %dma_wait3A_1187 = tpu.memref_squeeze %dma_wait3A_1186 : memref<1x128xf32, #tpu.memory_space<hbm>> -> memref<128xf32, #tpu.memory_space<hbm>>
        %dma_wait3A_1188 = tpu.memref_slice %arg8[%dma_wait3A_1183, %multiple_of3A_1164] : memref<16x320000xf32, #tpu.memory_space<hbm>> -> memref<1x128xf32, #tpu.memory_space<hbm>>
        %dma_wait3A_1189 = tpu.memref_squeeze %dma_wait3A_1188 : memref<1x128xf32, #tpu.memory_space<hbm>> -> memref<128xf32, #tpu.memory_space<hbm>>
        %dma_wait3A_1190 = arith.constant 256 : i32
        %dma_wait3A_1191 = tpu.memref_slice %arg30[%dma_wait3A_1190] : memref<2048xf32, #tpu.memory_space<vmem>> -> memref<128xf32, #tpu.memory_space<vmem>>
        tpu.wait_dma2 semaphore(%arg39 : memref<!tpu.dma_semaphore, #tpu.memory_space<semaphore_mem>>) src(%dma_wait3A_1191 : memref<128xf32, #tpu.memory_space<vmem>>) dst(%dma_wait3A_1189 : memref<128xf32, #tpu.memory_space<hbm>>)
        %dma_wait3A_1192 = arith.constant 3 : i32
        %dma_wait3A_1193 = arith.constant 384 : i32
        %dma_wait3A_1194 = tpu.memref_slice %arg30[%dma_wait3A_1193] : memref<2048xf32, #tpu.memory_space<vmem>> -> memref<128xf32, #tpu.memory_space<vmem>>
        %dma_wait3A_1195 = tpu.memref_slice %arg8[%dma_wait3A_1192, %multiple_of3A_1164] : memref<16x320000xf32, #tpu.memory_space<hbm>> -> memref<1x128xf32, #tpu.memory_space<hbm>>
        %dma_wait3A_1196 = tpu.memref_squeeze %dma_wait3A_1195 : memref<1x128xf32, #tpu.memory_space<hbm>> -> memref<128xf32, #tpu.memory_space<hbm>>
        %dma_wait3A_1197 = tpu.memref_slice %arg8[%dma_wait3A_1192, %multiple_of3A_1164] : memref<16x320000xf32, #tpu.memory_space<hbm>> -> memref<1x128xf32, #tpu.memory_space<hbm>>
        %dma_wait3A_1198 = tpu.memref_squeeze %dma_wait3A_1197 : memref<1x128xf32, #tpu.memory_space<hbm>> -> memref<128xf32, #tpu.memory_space<hbm>>
        %dma_wait3A_1199 = arith.constant 384 : i32
        %dma_wait3A_1200 = tpu.memref_slice %arg30[%dma_wait3A_1199] : memref<2048xf32, #tpu.memory_space<vmem>> -> memref<128xf32, #tpu.memory_space<vmem>>
        tpu.wait_dma2 semaphore(%arg39 : memref<!tpu.dma_semaphore, #tpu.memory_space<semaphore_mem>>) src(%dma_wait3A_1200 : memref<128xf32, #tpu.memory_space<vmem>>) dst(%dma_wait3A_1198 : memref<128xf32, #tpu.memory_space<hbm>>)
        %dma_wait3A_1201 = arith.constant 4 : i32
        %dma_wait3A_1202 = arith.constant 512 : i32
        %dma_wait3A_1203 = tpu.memref_slice %arg30[%dma_wait3A_1202] : memref<2048xf32, #tpu.memory_space<vmem>> -> memref<128xf32, #tpu.memory_space<vmem>>
        %dma_wait3A_1204 = tpu.memref_slice %arg8[%dma_wait3A_1201, %multiple_of3A_1164] : memref<16x320000xf32, #tpu.memory_space<hbm>> -> memref<1x128xf32, #tpu.memory_space<hbm>>
        %dma_wait3A_1205 = tpu.memref_squeeze %dma_wait3A_1204 : memref<1x128xf32, #tpu.memory_space<hbm>> -> memref<128xf32, #tpu.memory_space<hbm>>
        %dma_wait3A_1206 = tpu.memref_slice %arg8[%dma_wait3A_1201, %multiple_of3A_1164] : memref<16x320000xf32, #tpu.memory_space<hbm>> -> memref<1x128xf32, #tpu.memory_space<hbm>>
        %dma_wait3A_1207 = tpu.memref_squeeze %dma_wait3A_1206 : memref<1x128xf32, #tpu.memory_space<hbm>> -> memref<128xf32, #tpu.memory_space<hbm>>
        %dma_wait3A_1208 = arith.constant 512 : i32
        %dma_wait3A_1209 = tpu.memref_slice %arg30[%dma_wait3A_1208] : memref<2048xf32, #tpu.memory_space<vmem>> -> memref<128xf32, #tpu.memory_space<vmem>>
        tpu.wait_dma2 semaphore(%arg39 : memref<!tpu.dma_semaphore, #tpu.memory_space<semaphore_mem>>) src(%dma_wait3A_1209 : memref<128xf32, #tpu.memory_space<vmem>>) dst(%dma_wait3A_1207 : memref<128xf32, #tpu.memory_space<hbm>>)
        %dma_wait3A_1210 = arith.constant 5 : i32
        %dma_wait3A_1211 = arith.constant 640 : i32
        %dma_wait3A_1212 = tpu.memref_slice %arg30[%dma_wait3A_1211] : memref<2048xf32, #tpu.memory_space<vmem>> -> memref<128xf32, #tpu.memory_space<vmem>>
        %dma_wait3A_1213 = tpu.memref_slice %arg8[%dma_wait3A_1210, %multiple_of3A_1164] : memref<16x320000xf32, #tpu.memory_space<hbm>> -> memref<1x128xf32, #tpu.memory_space<hbm>>
        %dma_wait3A_1214 = tpu.memref_squeeze %dma_wait3A_1213 : memref<1x128xf32, #tpu.memory_space<hbm>> -> memref<128xf32, #tpu.memory_space<hbm>>
        %dma_wait3A_1215 = tpu.memref_slice %arg8[%dma_wait3A_1210, %multiple_of3A_1164] : memref<16x320000xf32, #tpu.memory_space<hbm>> -> memref<1x128xf32, #tpu.memory_space<hbm>>
        %dma_wait3A_1216 = tpu.memref_squeeze %dma_wait3A_1215 : memref<1x128xf32, #tpu.memory_space<hbm>> -> memref<128xf32, #tpu.memory_space<hbm>>
        %dma_wait3A_1217 = arith.constant 640 : i32
        %dma_wait3A_1218 = tpu.memref_slice %arg30[%dma_wait3A_1217] : memref<2048xf32, #tpu.memory_space<vmem>> -> memref<128xf32, #tpu.memory_space<vmem>>
        tpu.wait_dma2 semaphore(%arg39 : memref<!tpu.dma_semaphore, #tpu.memory_space<semaphore_mem>>) src(%dma_wait3A_1218 : memref<128xf32, #tpu.memory_space<vmem>>) dst(%dma_wait3A_1216 : memref<128xf32, #tpu.memory_space<hbm>>)
        %dma_wait3A_1219 = arith.constant 6 : i32
        %dma_wait3A_1220 = arith.constant 768 : i32
        %dma_wait3A_1221 = tpu.memref_slice %arg30[%dma_wait3A_1220] : memref<2048xf32, #tpu.memory_space<vmem>> -> memref<128xf32, #tpu.memory_space<vmem>>
        %dma_wait3A_1222 = tpu.memref_slice %arg8[%dma_wait3A_1219, %multiple_of3A_1164] : memref<16x320000xf32, #tpu.memory_space<hbm>> -> memref<1x128xf32, #tpu.memory_space<hbm>>
        %dma_wait3A_1223 = tpu.memref_squeeze %dma_wait3A_1222 : memref<1x128xf32, #tpu.memory_space<hbm>> -> memref<128xf32, #tpu.memory_space<hbm>>
        %dma_wait3A_1224 = tpu.memref_slice %arg8[%dma_wait3A_1219, %multiple_of3A_1164] : memref<16x320000xf32, #tpu.memory_space<hbm>> -> memref<1x128xf32, #tpu.memory_space<hbm>>
        %dma_wait3A_1225 = tpu.memref_squeeze %dma_wait3A_1224 : memref<1x128xf32, #tpu.memory_space<hbm>> -> memref<128xf32, #tpu.memory_space<hbm>>
        %dma_wait3A_1226 = arith.constant 768 : i32
        %dma_wait3A_1227 = tpu.memref_slice %arg30[%dma_wait3A_1226] : memref<2048xf32, #tpu.memory_space<vmem>> -> memref<128xf32, #tpu.memory_space<vmem>>
        tpu.wait_dma2 semaphore(%arg39 : memref<!tpu.dma_semaphore, #tpu.memory_space<semaphore_mem>>) src(%dma_wait3A_1227 : memref<128xf32, #tpu.memory_space<vmem>>) dst(%dma_wait3A_1225 : memref<128xf32, #tpu.memory_space<hbm>>)
        %dma_wait3A_1228 = arith.constant 7 : i32
        %dma_wait3A_1229 = arith.constant 896 : i32
        %dma_wait3A_1230 = tpu.memref_slice %arg30[%dma_wait3A_1229] : memref<2048xf32, #tpu.memory_space<vmem>> -> memref<128xf32, #tpu.memory_space<vmem>>
        %dma_wait3A_1231 = tpu.memref_slice %arg8[%dma_wait3A_1228, %multiple_of3A_1164] : memref<16x320000xf32, #tpu.memory_space<hbm>> -> memref<1x128xf32, #tpu.memory_space<hbm>>
        %dma_wait3A_1232 = tpu.memref_squeeze %dma_wait3A_1231 : memref<1x128xf32, #tpu.memory_space<hbm>> -> memref<128xf32, #tpu.memory_space<hbm>>
        %dma_wait3A_1233 = tpu.memref_slice %arg8[%dma_wait3A_1228, %multiple_of3A_1164] : memref<16x320000xf32, #tpu.memory_space<hbm>> -> memref<1x128xf32, #tpu.memory_space<hbm>>
        %dma_wait3A_1234 = tpu.memref_squeeze %dma_wait3A_1233 : memref<1x128xf32, #tpu.memory_space<hbm>> -> memref<128xf32, #tpu.memory_space<hbm>>
        %dma_wait3A_1235 = arith.constant 896 : i32
        %dma_wait3A_1236 = tpu.memref_slice %arg30[%dma_wait3A_1235] : memref<2048xf32, #tpu.memory_space<vmem>> -> memref<128xf32, #tpu.memory_space<vmem>>
        tpu.wait_dma2 semaphore(%arg39 : memref<!tpu.dma_semaphore, #tpu.memory_space<semaphore_mem>>) src(%dma_wait3A_1236 : memref<128xf32, #tpu.memory_space<vmem>>) dst(%dma_wait3A_1234 : memref<128xf32, #tpu.memory_space<hbm>>)
        %dma_wait3A_1237 = arith.constant 8 : i32
        %dma_wait3A_1238 = arith.constant 1024 : i32
        %dma_wait3A_1239 = tpu.memref_slice %arg30[%dma_wait3A_1238] : memref<2048xf32, #tpu.memory_space<vmem>> -> memref<128xf32, #tpu.memory_space<vmem>>
        %dma_wait3A_1240 = tpu.memref_slice %arg8[%dma_wait3A_1237, %multiple_of3A_1164] : memref<16x320000xf32, #tpu.memory_space<hbm>> -> memref<1x128xf32, #tpu.memory_space<hbm>>
        %dma_wait3A_1241 = tpu.memref_squeeze %dma_wait3A_1240 : memref<1x128xf32, #tpu.memory_space<hbm>> -> memref<128xf32, #tpu.memory_space<hbm>>
        %dma_wait3A_1242 = tpu.memref_slice %arg8[%dma_wait3A_1237, %multiple_of3A_1164] : memref<16x320000xf32, #tpu.memory_space<hbm>> -> memref<1x128xf32, #tpu.memory_space<hbm>>
        %dma_wait3A_1243 = tpu.memref_squeeze %dma_wait3A_1242 : memref<1x128xf32, #tpu.memory_space<hbm>> -> memref<128xf32, #tpu.memory_space<hbm>>
        %dma_wait3A_1244 = arith.constant 1024 : i32
        %dma_wait3A_1245 = tpu.memref_slice %arg30[%dma_wait3A_1244] : memref<2048xf32, #tpu.memory_space<vmem>> -> memref<128xf32, #tpu.memory_space<vmem>>
        tpu.wait_dma2 semaphore(%arg39 : memref<!tpu.dma_semaphore, #tpu.memory_space<semaphore_mem>>) src(%dma_wait3A_1245 : memref<128xf32, #tpu.memory_space<vmem>>) dst(%dma_wait3A_1243 : memref<128xf32, #tpu.memory_space<hbm>>)
        %dma_wait3A_1246 = arith.constant 9 : i32
        %dma_wait3A_1247 = arith.constant 1152 : i32
        %dma_wait3A_1248 = tpu.memref_slice %arg30[%dma_wait3A_1247] : memref<2048xf32, #tpu.memory_space<vmem>> -> memref<128xf32, #tpu.memory_space<vmem>>
        %dma_wait3A_1249 = tpu.memref_slice %arg8[%dma_wait3A_1246, %multiple_of3A_1164] : memref<16x320000xf32, #tpu.memory_space<hbm>> -> memref<1x128xf32, #tpu.memory_space<hbm>>
        %dma_wait3A_1250 = tpu.memref_squeeze %dma_wait3A_1249 : memref<1x128xf32, #tpu.memory_space<hbm>> -> memref<128xf32, #tpu.memory_space<hbm>>
        %dma_wait3A_1251 = tpu.memref_slice %arg8[%dma_wait3A_1246, %multiple_of3A_1164] : memref<16x320000xf32, #tpu.memory_space<hbm>> -> memref<1x128xf32, #tpu.memory_space<hbm>>
        %dma_wait3A_1252 = tpu.memref_squeeze %dma_wait3A_1251 : memref<1x128xf32, #tpu.memory_space<hbm>> -> memref<128xf32, #tpu.memory_space<hbm>>
        %dma_wait3A_1253 = arith.constant 1152 : i32
        %dma_wait3A_1254 = tpu.memref_slice %arg30[%dma_wait3A_1253] : memref<2048xf32, #tpu.memory_space<vmem>> -> memref<128xf32, #tpu.memory_space<vmem>>
        tpu.wait_dma2 semaphore(%arg39 : memref<!tpu.dma_semaphore, #tpu.memory_space<semaphore_mem>>) src(%dma_wait3A_1254 : memref<128xf32, #tpu.memory_space<vmem>>) dst(%dma_wait3A_1252 : memref<128xf32, #tpu.memory_space<hbm>>)
        %dma_wait3A_1255 = arith.constant 10 : i32
        %dma_wait3A_1256 = arith.constant 1280 : i32
        %dma_wait3A_1257 = tpu.memref_slice %arg30[%dma_wait3A_1256] : memref<2048xf32, #tpu.memory_space<vmem>> -> memref<128xf32, #tpu.memory_space<vmem>>
        %dma_wait3A_1258 = tpu.memref_slice %arg8[%dma_wait3A_1255, %multiple_of3A_1164] : memref<16x320000xf32, #tpu.memory_space<hbm>> -> memref<1x128xf32, #tpu.memory_space<hbm>>
        %dma_wait3A_1259 = tpu.memref_squeeze %dma_wait3A_1258 : memref<1x128xf32, #tpu.memory_space<hbm>> -> memref<128xf32, #tpu.memory_space<hbm>>
        %dma_wait3A_1260 = tpu.memref_slice %arg8[%dma_wait3A_1255, %multiple_of3A_1164] : memref<16x320000xf32, #tpu.memory_space<hbm>> -> memref<1x128xf32, #tpu.memory_space<hbm>>
        %dma_wait3A_1261 = tpu.memref_squeeze %dma_wait3A_1260 : memref<1x128xf32, #tpu.memory_space<hbm>> -> memref<128xf32, #tpu.memory_space<hbm>>
        %dma_wait3A_1262 = arith.constant 1280 : i32
        %dma_wait3A_1263 = tpu.memref_slice %arg30[%dma_wait3A_1262] : memref<2048xf32, #tpu.memory_space<vmem>> -> memref<128xf32, #tpu.memory_space<vmem>>
        tpu.wait_dma2 semaphore(%arg39 : memref<!tpu.dma_semaphore, #tpu.memory_space<semaphore_mem>>) src(%dma_wait3A_1263 : memref<128xf32, #tpu.memory_space<vmem>>) dst(%dma_wait3A_1261 : memref<128xf32, #tpu.memory_space<hbm>>)
        %dma_wait3A_1264 = arith.constant 11 : i32
        %dma_wait3A_1265 = arith.constant 1408 : i32
        %dma_wait3A_1266 = tpu.memref_slice %arg30[%dma_wait3A_1265] : memref<2048xf32, #tpu.memory_space<vmem>> -> memref<128xf32, #tpu.memory_space<vmem>>
        %dma_wait3A_1267 = tpu.memref_slice %arg8[%dma_wait3A_1264, %multiple_of3A_1164] : memref<16x320000xf32, #tpu.memory_space<hbm>> -> memref<1x128xf32, #tpu.memory_space<hbm>>
        %dma_wait3A_1268 = tpu.memref_squeeze %dma_wait3A_1267 : memref<1x128xf32, #tpu.memory_space<hbm>> -> memref<128xf32, #tpu.memory_space<hbm>>
        %dma_wait3A_1269 = tpu.memref_slice %arg8[%dma_wait3A_1264, %multiple_of3A_1164] : memref<16x320000xf32, #tpu.memory_space<hbm>> -> memref<1x128xf32, #tpu.memory_space<hbm>>
        %dma_wait3A_1270 = tpu.memref_squeeze %dma_wait3A_1269 : memref<1x128xf32, #tpu.memory_space<hbm>> -> memref<128xf32, #tpu.memory_space<hbm>>
        %dma_wait3A_1271 = arith.constant 1408 : i32
        %dma_wait3A_1272 = tpu.memref_slice %arg30[%dma_wait3A_1271] : memref<2048xf32, #tpu.memory_space<vmem>> -> memref<128xf32, #tpu.memory_space<vmem>>
        tpu.wait_dma2 semaphore(%arg39 : memref<!tpu.dma_semaphore, #tpu.memory_space<semaphore_mem>>) src(%dma_wait3A_1272 : memref<128xf32, #tpu.memory_space<vmem>>) dst(%dma_wait3A_1270 : memref<128xf32, #tpu.memory_space<hbm>>)
        %dma_wait3A_1273 = arith.constant 12 : i32
        %dma_wait3A_1274 = arith.constant 1536 : i32
        %dma_wait3A_1275 = tpu.memref_slice %arg30[%dma_wait3A_1274] : memref<2048xf32, #tpu.memory_space<vmem>> -> memref<128xf32, #tpu.memory_space<vmem>>
        %dma_wait3A_1276 = tpu.memref_slice %arg8[%dma_wait3A_1273, %multiple_of3A_1164] : memref<16x320000xf32, #tpu.memory_space<hbm>> -> memref<1x128xf32, #tpu.memory_space<hbm>>
        %dma_wait3A_1277 = tpu.memref_squeeze %dma_wait3A_1276 : memref<1x128xf32, #tpu.memory_space<hbm>> -> memref<128xf32, #tpu.memory_space<hbm>>
        %dma_wait3A_1278 = tpu.memref_slice %arg8[%dma_wait3A_1273, %multiple_of3A_1164] : memref<16x320000xf32, #tpu.memory_space<hbm>> -> memref<1x128xf32, #tpu.memory_space<hbm>>
        %dma_wait3A_1279 = tpu.memref_squeeze %dma_wait3A_1278 : memref<1x128xf32, #tpu.memory_space<hbm>> -> memref<128xf32, #tpu.memory_space<hbm>>
        %dma_wait3A_1280 = arith.constant 1536 : i32
        %dma_wait3A_1281 = tpu.memref_slice %arg30[%dma_wait3A_1280] : memref<2048xf32, #tpu.memory_space<vmem>> -> memref<128xf32, #tpu.memory_space<vmem>>
        tpu.wait_dma2 semaphore(%arg39 : memref<!tpu.dma_semaphore, #tpu.memory_space<semaphore_mem>>) src(%dma_wait3A_1281 : memref<128xf32, #tpu.memory_space<vmem>>) dst(%dma_wait3A_1279 : memref<128xf32, #tpu.memory_space<hbm>>)
        %dma_wait3A_1282 = arith.constant 13 : i32
        %dma_wait3A_1283 = arith.constant 1664 : i32
        %dma_wait3A_1284 = tpu.memref_slice %arg30[%dma_wait3A_1283] : memref<2048xf32, #tpu.memory_space<vmem>> -> memref<128xf32, #tpu.memory_space<vmem>>
        %dma_wait3A_1285 = tpu.memref_slice %arg8[%dma_wait3A_1282, %multiple_of3A_1164] : memref<16x320000xf32, #tpu.memory_space<hbm>> -> memref<1x128xf32, #tpu.memory_space<hbm>>
        %dma_wait3A_1286 = tpu.memref_squeeze %dma_wait3A_1285 : memref<1x128xf32, #tpu.memory_space<hbm>> -> memref<128xf32, #tpu.memory_space<hbm>>
        %dma_wait3A_1287 = tpu.memref_slice %arg8[%dma_wait3A_1282, %multiple_of3A_1164] : memref<16x320000xf32, #tpu.memory_space<hbm>> -> memref<1x128xf32, #tpu.memory_space<hbm>>
        %dma_wait3A_1288 = tpu.memref_squeeze %dma_wait3A_1287 : memref<1x128xf32, #tpu.memory_space<hbm>> -> memref<128xf32, #tpu.memory_space<hbm>>
        %dma_wait3A_1289 = arith.constant 1664 : i32
        %dma_wait3A_1290 = tpu.memref_slice %arg30[%dma_wait3A_1289] : memref<2048xf32, #tpu.memory_space<vmem>> -> memref<128xf32, #tpu.memory_space<vmem>>
        tpu.wait_dma2 semaphore(%arg39 : memref<!tpu.dma_semaphore, #tpu.memory_space<semaphore_mem>>) src(%dma_wait3A_1290 : memref<128xf32, #tpu.memory_space<vmem>>) dst(%dma_wait3A_1288 : memref<128xf32, #tpu.memory_space<hbm>>)
        %dma_wait3A_1291 = arith.constant 14 : i32
        %dma_wait3A_1292 = arith.constant 1792 : i32
        %dma_wait3A_1293 = tpu.memref_slice %arg30[%dma_wait3A_1292] : memref<2048xf32, #tpu.memory_space<vmem>> -> memref<128xf32, #tpu.memory_space<vmem>>
        %dma_wait3A_1294 = tpu.memref_slice %arg8[%dma_wait3A_1291, %multiple_of3A_1164] : memref<16x320000xf32, #tpu.memory_space<hbm>> -> memref<1x128xf32, #tpu.memory_space<hbm>>
        %dma_wait3A_1295 = tpu.memref_squeeze %dma_wait3A_1294 : memref<1x128xf32, #tpu.memory_space<hbm>> -> memref<128xf32, #tpu.memory_space<hbm>>
        %dma_wait3A_1296 = tpu.memref_slice %arg8[%dma_wait3A_1291, %multiple_of3A_1164] : memref<16x320000xf32, #tpu.memory_space<hbm>> -> memref<1x128xf32, #tpu.memory_space<hbm>>
        %dma_wait3A_1297 = tpu.memref_squeeze %dma_wait3A_1296 : memref<1x128xf32, #tpu.memory_space<hbm>> -> memref<128xf32, #tpu.memory_space<hbm>>
        %dma_wait3A_1298 = arith.constant 1792 : i32
        %dma_wait3A_1299 = tpu.memref_slice %arg30[%dma_wait3A_1298] : memref<2048xf32, #tpu.memory_space<vmem>> -> memref<128xf32, #tpu.memory_space<vmem>>
        tpu.wait_dma2 semaphore(%arg39 : memref<!tpu.dma_semaphore, #tpu.memory_space<semaphore_mem>>) src(%dma_wait3A_1299 : memref<128xf32, #tpu.memory_space<vmem>>) dst(%dma_wait3A_1297 : memref<128xf32, #tpu.memory_space<hbm>>)
        %dma_wait3A_1300 = arith.constant 15 : i32
        %dma_wait3A_1301 = arith.constant 1920 : i32
        %dma_wait3A_1302 = tpu.memref_slice %arg30[%dma_wait3A_1301] : memref<2048xf32, #tpu.memory_space<vmem>> -> memref<128xf32, #tpu.memory_space<vmem>>
        %dma_wait3A_1303 = tpu.memref_slice %arg8[%dma_wait3A_1300, %multiple_of3A_1164] : memref<16x320000xf32, #tpu.memory_space<hbm>> -> memref<1x128xf32, #tpu.memory_space<hbm>>
        %dma_wait3A_1304 = tpu.memref_squeeze %dma_wait3A_1303 : memref<1x128xf32, #tpu.memory_space<hbm>> -> memref<128xf32, #tpu.memory_space<hbm>>
        %dma_wait3A_1305 = tpu.memref_slice %arg8[%dma_wait3A_1300, %multiple_of3A_1164] : memref<16x320000xf32, #tpu.memory_space<hbm>> -> memref<1x128xf32, #tpu.memory_space<hbm>>
        %dma_wait3A_1306 = tpu.memref_squeeze %dma_wait3A_1305 : memref<1x128xf32, #tpu.memory_space<hbm>> -> memref<128xf32, #tpu.memory_space<hbm>>
        %dma_wait3A_1307 = arith.constant 1920 : i32
        %dma_wait3A_1308 = tpu.memref_slice %arg30[%dma_wait3A_1307] : memref<2048xf32, #tpu.memory_space<vmem>> -> memref<128xf32, #tpu.memory_space<vmem>>
        tpu.wait_dma2 semaphore(%arg39 : memref<!tpu.dma_semaphore, #tpu.memory_space<semaphore_mem>>) src(%dma_wait3A_1308 : memref<128xf32, #tpu.memory_space<vmem>>) dst(%dma_wait3A_1306 : memref<128xf32, #tpu.memory_space<hbm>>)
      } else {
      }
      %dma_wait3A_998 = arith.constant 0 : i32
      %dma_wait3A_999 = arith.constant 0 : i32
      %dma_wait3A_1000 = tpu.memref_slice %arg5[%dma_wait3A_998, %dma_wait3A_999] : memref<10000x16xf32, #tpu.memory_space<hbm>> -> memref<10000x16xf32, #tpu.memory_space<hbm>>
      tpu.wait_indirect_dma semaphore(%arg36 : memref<!tpu.dma_semaphore, #tpu.memory_space<semaphore_mem>>) src(%dma_wait3A_1000 : memref<10000x16xf32, #tpu.memory_space<hbm>>) dst(%arg21 : memref<128x16xf32, #tpu.memory_space<vmem>>)
      %dma_wait3A_1001 = arith.constant 0 : i32
      %dma_wait3A_1002 = arith.constant 0 : i32
      %dma_wait3A_1003 = tpu.memref_slice %arg6[%dma_wait3A_1001, %dma_wait3A_1002] : memref<10000x16xf32, #tpu.memory_space<hbm>> -> memref<10000x16xf32, #tpu.memory_space<hbm>>
      tpu.wait_indirect_dma semaphore(%arg36 : memref<!tpu.dma_semaphore, #tpu.memory_space<semaphore_mem>>) src(%dma_wait3A_1003 : memref<10000x16xf32, #tpu.memory_space<hbm>>) dst(%arg24 : memref<128x16xf32, #tpu.memory_space<vmem>>)
      %scan3A_1004 = arith.constant 0 : i32
      %scan3A_1005 = arith.constant 0 : i32
      %scan3A_1006 = arith.constant 128 : i32
      %scan3A_1007 = arith.addi %scan3A_1005, %scan3A_1006 : i32
      %scan3A_1008 = arith.constant 4 : i32
      scf.for %scan3A_1162 = %scan3A_1005 to %scan3A_1007 step %scan3A_1008  : i32 {
        %get3A = arith.index_cast %scan3A_1162 : i32 to index
        %get3A_1163 = arith.constant 0 : index
        %get3A_1164 = tpu.vector_load %arg18[%get3A, %get3A_1163] {strides = array<i32>} : memref<128x16xf32, #tpu.memory_space<vmem>>, vector<16xf32>,
        %get3A_1165 = arith.index_cast %scan3A_1162 : i32 to index
        %get3A_1166 = arith.constant 0 : index
        %get3A_1167 = tpu.vector_load %arg21[%get3A_1165, %get3A_1166] {strides = array<i32>} : memref<128x16xf32, #tpu.memory_space<vmem>>, vector<16xf32>,
        %add3A_1168 = arith.addf %get3A_1164, %get3A_1167 : vector<16xf32>
        %get3A_1169 = arith.index_cast %scan3A_1162 : i32 to index
        %get3A_1170 = arith.constant 0 : index
        %get3A_1171 = tpu.vector_load %arg24[%get3A_1169, %get3A_1170] {strides = array<i32>} : memref<128x16xf32, #tpu.memory_space<vmem>>, vector<16xf32>,
        %add3A_1172 = arith.addf %add3A_1168, %get3A_1171 : vector<16xf32>
        %swap3A = arith.index_cast %scan3A_1162 : i32 to index
        %swap3A_1173 = arith.constant 0 : index
        %swap3A_1174 = tpu.vector_load %arg27[%swap3A, %swap3A_1173] {strides = array<i32>} : memref<128x16xf32, #tpu.memory_space<vmem>>, vector<16xf32>,
        tpu.vector_store %arg27[%swap3A, %swap3A_1173], %add3A_1172 {strides = array<i32>} : memref<128x16xf32, #tpu.memory_space<vmem>>, vector<16xf32>,
        %add3A_1175 = vector.broadcast %scan3A_1162 : i32 to vector<16xi32>
        %add3A_1176 = arith.addi %mul3A_7, %add3A_1175 : vector<16xi32>
        tpu.vector_store_idx %arg30[%add3A_1176], %add3A_1172 : memref<2048xf32, #tpu.memory_space<vmem>>[vector<16xi32>], vector<16xf32>,
        %scan3A_1177 = arith.constant 1 : i32
        %scan3A_1178 = arith.addi %scan3A_1162, %scan3A_1177 : i32
        %get3A_1179 = arith.index_cast %scan3A_1178 : i32 to index
        %get3A_1180 = arith.constant 0 : index
        %get3A_1181 = tpu.vector_load %arg18[%get3A_1179, %get3A_1180] {strides = array<i32>} : memref<128x16xf32, #tpu.memory_space<vmem>>, vector<16xf32>,
        %get3A_1182 = arith.index_cast %scan3A_1178 : i32 to index
        %get3A_1183 = arith.constant 0 : index
        %get3A_1184 = tpu.vector_load %arg21[%get3A_1182, %get3A_1183] {strides = array<i32>} : memref<128x16xf32, #tpu.memory_space<vmem>>, vector<16xf32>,
        %add3A_1185 = arith.addf %get3A_1181, %get3A_1184 : vector<16xf32>
        %get3A_1186 = arith.index_cast %scan3A_1178 : i32 to index
        %get3A_1187 = arith.constant 0 : index
        %get3A_1188 = tpu.vector_load %arg24[%get3A_1186, %get3A_1187] {strides = array<i32>} : memref<128x16xf32, #tpu.memory_space<vmem>>, vector<16xf32>,
        %add3A_1189 = arith.addf %add3A_1185, %get3A_1188 : vector<16xf32>
        %swap3A_1190 = arith.index_cast %scan3A_1178 : i32 to index
        %swap3A_1191 = arith.constant 0 : index
        %swap3A_1192 = tpu.vector_load %arg27[%swap3A_1190, %swap3A_1191] {strides = array<i32>} : memref<128x16xf32, #tpu.memory_space<vmem>>, vector<16xf32>,
        tpu.vector_store %arg27[%swap3A_1190, %swap3A_1191], %add3A_1189 {strides = array<i32>} : memref<128x16xf32, #tpu.memory_space<vmem>>, vector<16xf32>,
        %add3A_1193 = vector.broadcast %scan3A_1178 : i32 to vector<16xi32>
        %add3A_1194 = arith.addi %mul3A_7, %add3A_1193 : vector<16xi32>
        tpu.vector_store_idx %arg30[%add3A_1194], %add3A_1189 : memref<2048xf32, #tpu.memory_space<vmem>>[vector<16xi32>], vector<16xf32>,
        %scan3A_1195 = arith.constant 2 : i32
        %scan3A_1196 = arith.addi %scan3A_1162, %scan3A_1195 : i32
        %get3A_1197 = arith.index_cast %scan3A_1196 : i32 to index
        %get3A_1198 = arith.constant 0 : index
        %get3A_1199 = tpu.vector_load %arg18[%get3A_1197, %get3A_1198] {strides = array<i32>} : memref<128x16xf32, #tpu.memory_space<vmem>>, vector<16xf32>,
        %get3A_1200 = arith.index_cast %scan3A_1196 : i32 to index
        %get3A_1201 = arith.constant 0 : index
        %get3A_1202 = tpu.vector_load %arg21[%get3A_1200, %get3A_1201] {strides = array<i32>} : memref<128x16xf32, #tpu.memory_space<vmem>>, vector<16xf32>,
        %add3A_1203 = arith.addf %get3A_1199, %get3A_1202 : vector<16xf32>
        %get3A_1204 = arith.index_cast %scan3A_1196 : i32 to index
        %get3A_1205 = arith.constant 0 : index
        %get3A_1206 = tpu.vector_load %arg24[%get3A_1204, %get3A_1205] {strides = array<i32>} : memref<128x16xf32, #tpu.memory_space<vmem>>, vector<16xf32>,
        %add3A_1207 = arith.addf %add3A_1203, %get3A_1206 : vector<16xf32>
        %swap3A_1208 = arith.index_cast %scan3A_1196 : i32 to index
        %swap3A_1209 = arith.constant 0 : index
        %swap3A_1210 = tpu.vector_load %arg27[%swap3A_1208, %swap3A_1209] {strides = array<i32>} : memref<128x16xf32, #tpu.memory_space<vmem>>, vector<16xf32>,
        tpu.vector_store %arg27[%swap3A_1208, %swap3A_1209], %add3A_1207 {strides = array<i32>} : memref<128x16xf32, #tpu.memory_space<vmem>>, vector<16xf32>,
        %add3A_1211 = vector.broadcast %scan3A_1196 : i32 to vector<16xi32>
        %add3A_1212 = arith.addi %mul3A_7, %add3A_1211 : vector<16xi32>
        tpu.vector_store_idx %arg30[%add3A_1212], %add3A_1207 : memref<2048xf32, #tpu.memory_space<vmem>>[vector<16xi32>], vector<16xf32>,
        %scan3A_1213 = arith.constant 3 : i32
        %scan3A_1214 = arith.addi %scan3A_1162, %scan3A_1213 : i32
        %get3A_1215 = arith.index_cast %scan3A_1214 : i32 to index
        %get3A_1216 = arith.constant 0 : index
        %get3A_1217 = tpu.vector_load %arg18[%get3A_1215, %get3A_1216] {strides = array<i32>} : memref<128x16xf32, #tpu.memory_space<vmem>>, vector<16xf32>,
        %get3A_1218 = arith.index_cast %scan3A_1214 : i32 to index
        %get3A_1219 = arith.constant 0 : index
        %get3A_1220 = tpu.vector_load %arg21[%get3A_1218, %get3A_1219] {strides = array<i32>} : memref<128x16xf32, #tpu.memory_space<vmem>>, vector<16xf32>,
        %add3A_1221 = arith.addf %get3A_1217, %get3A_1220 : vector<16xf32>
        %get3A_1222 = arith.index_cast %scan3A_1214 : i32 to index
        %get3A_1223 = arith.constant 0 : index
        %get3A_1224 = tpu.vector_load %arg24[%get3A_1222, %get3A_1223] {strides = array<i32>} : memref<128x16xf32, #tpu.memory_space<vmem>>, vector<16xf32>,
        %add3A_1225 = arith.addf %add3A_1221, %get3A_1224 : vector<16xf32>
        %swap3A_1226 = arith.index_cast %scan3A_1214 : i32 to index
        %swap3A_1227 = arith.constant 0 : index
        %swap3A_1228 = tpu.vector_load %arg27[%swap3A_1226, %swap3A_1227] {strides = array<i32>} : memref<128x16xf32, #tpu.memory_space<vmem>>, vector<16xf32>,
        tpu.vector_store %arg27[%swap3A_1226, %swap3A_1227], %add3A_1225 {strides = array<i32>} : memref<128x16xf32, #tpu.memory_space<vmem>>, vector<16xf32>,
        %add3A_1229 = vector.broadcast %scan3A_1214 : i32 to vector<16xi32>
        %add3A_1230 = arith.addi %mul3A_7, %add3A_1229 : vector<16xi32>
        tpu.vector_store_idx %arg30[%add3A_1230], %add3A_1225 : memref<2048xf32, #tpu.memory_space<vmem>>[vector<16xi32>], vector<16xf32>,
      }
      %scan3A_1009 = arith.constant 128 : i32
      %mul3A_1010 = arith.constant 128 : i32
      %mul3A_1011 = arith.muli %add3A_975, %mul3A_1010 : i32
      %multiple_of3A_1012 = tpu.assume_multiple %mul3A_1011, 8 : i32
      %dma_start3A_1013 = arith.constant 0 : i32
      %dma_start3A_1014 = arith.constant 0 : i32
      %dma_start3A_1015 = tpu.memref_slice %arg30[%dma_start3A_1014] : memref<2048xf32, #tpu.memory_space<vmem>> -> memref<128xf32, #tpu.memory_space<vmem>>
      %dma_start3A_1016 = tpu.memref_slice %arg8[%dma_start3A_1013, %multiple_of3A_1012] : memref<16x320000xf32, #tpu.memory_space<hbm>> -> memref<1x128xf32, #tpu.memory_space<hbm>>
      %dma_start3A_1017 = tpu.memref_squeeze %dma_start3A_1016 : memref<1x128xf32, #tpu.memory_space<hbm>> -> memref<128xf32, #tpu.memory_space<hbm>>
      %dma_start3A_1018 = tpu.memref_slice %arg8[%dma_start3A_1013, %multiple_of3A_1012] : memref<16x320000xf32, #tpu.memory_space<hbm>> -> memref<1x128xf32, #tpu.memory_space<hbm>>
      %dma_start3A_1019 = tpu.memref_squeeze %dma_start3A_1018 : memref<1x128xf32, #tpu.memory_space<hbm>> -> memref<128xf32, #tpu.memory_space<hbm>>
      %dma_start3A_1020 = arith.constant 0 : i32
      %dma_start3A_1021 = tpu.memref_slice %arg30[%dma_start3A_1020] : memref<2048xf32, #tpu.memory_space<vmem>> -> memref<128xf32, #tpu.memory_space<vmem>>
      tpu.enqueue_dma source(%dma_start3A_1021 : memref<128xf32, #tpu.memory_space<vmem>>) target(%dma_start3A_1019 : memref<128xf32, #tpu.memory_space<hbm>>) target_semaphore(%arg39 : memref<!tpu.dma_semaphore, #tpu.memory_space<semaphore_mem>>)
      %dma_start3A_1022 = arith.constant 1 : i32
      %dma_start3A_1023 = arith.constant 128 : i32
      %dma_start3A_1024 = tpu.memref_slice %arg30[%dma_start3A_1023] : memref<2048xf32, #tpu.memory_space<vmem>> -> memref<128xf32, #tpu.memory_space<vmem>>
      %dma_start3A_1025 = tpu.memref_slice %arg8[%dma_start3A_1022, %multiple_of3A_1012] : memref<16x320000xf32, #tpu.memory_space<hbm>> -> memref<1x128xf32, #tpu.memory_space<hbm>>
      %dma_start3A_1026 = tpu.memref_squeeze %dma_start3A_1025 : memref<1x128xf32, #tpu.memory_space<hbm>> -> memref<128xf32, #tpu.memory_space<hbm>>
      %dma_start3A_1027 = tpu.memref_slice %arg8[%dma_start3A_1022, %multiple_of3A_1012] : memref<16x320000xf32, #tpu.memory_space<hbm>> -> memref<1x128xf32, #tpu.memory_space<hbm>>
      %dma_start3A_1028 = tpu.memref_squeeze %dma_start3A_1027 : memref<1x128xf32, #tpu.memory_space<hbm>> -> memref<128xf32, #tpu.memory_space<hbm>>
      %dma_start3A_1029 = arith.constant 128 : i32
      %dma_start3A_1030 = tpu.memref_slice %arg30[%dma_start3A_1029] : memref<2048xf32, #tpu.memory_space<vmem>> -> memref<128xf32, #tpu.memory_space<vmem>>
      tpu.enqueue_dma source(%dma_start3A_1030 : memref<128xf32, #tpu.memory_space<vmem>>) target(%dma_start3A_1028 : memref<128xf32, #tpu.memory_space<hbm>>) target_semaphore(%arg39 : memref<!tpu.dma_semaphore, #tpu.memory_space<semaphore_mem>>)
      %dma_start3A_1031 = arith.constant 2 : i32
      %dma_start3A_1032 = arith.constant 256 : i32
      %dma_start3A_1033 = tpu.memref_slice %arg30[%dma_start3A_1032] : memref<2048xf32, #tpu.memory_space<vmem>> -> memref<128xf32, #tpu.memory_space<vmem>>
      %dma_start3A_1034 = tpu.memref_slice %arg8[%dma_start3A_1031, %multiple_of3A_1012] : memref<16x320000xf32, #tpu.memory_space<hbm>> -> memref<1x128xf32, #tpu.memory_space<hbm>>
      %dma_start3A_1035 = tpu.memref_squeeze %dma_start3A_1034 : memref<1x128xf32, #tpu.memory_space<hbm>> -> memref<128xf32, #tpu.memory_space<hbm>>
      %dma_start3A_1036 = tpu.memref_slice %arg8[%dma_start3A_1031, %multiple_of3A_1012] : memref<16x320000xf32, #tpu.memory_space<hbm>> -> memref<1x128xf32, #tpu.memory_space<hbm>>
      %dma_start3A_1037 = tpu.memref_squeeze %dma_start3A_1036 : memref<1x128xf32, #tpu.memory_space<hbm>> -> memref<128xf32, #tpu.memory_space<hbm>>
      %dma_start3A_1038 = arith.constant 256 : i32
      %dma_start3A_1039 = tpu.memref_slice %arg30[%dma_start3A_1038] : memref<2048xf32, #tpu.memory_space<vmem>> -> memref<128xf32, #tpu.memory_space<vmem>>
      tpu.enqueue_dma source(%dma_start3A_1039 : memref<128xf32, #tpu.memory_space<vmem>>) target(%dma_start3A_1037 : memref<128xf32, #tpu.memory_space<hbm>>) target_semaphore(%arg39 : memref<!tpu.dma_semaphore, #tpu.memory_space<semaphore_mem>>)
      %dma_start3A_1040 = arith.constant 3 : i32
      %dma_start3A_1041 = arith.constant 384 : i32
      %dma_start3A_1042 = tpu.memref_slice %arg30[%dma_start3A_1041] : memref<2048xf32, #tpu.memory_space<vmem>> -> memref<128xf32, #tpu.memory_space<vmem>>
      %dma_start3A_1043 = tpu.memref_slice %arg8[%dma_start3A_1040, %multiple_of3A_1012] : memref<16x320000xf32, #tpu.memory_space<hbm>> -> memref<1x128xf32, #tpu.memory_space<hbm>>
      %dma_start3A_1044 = tpu.memref_squeeze %dma_start3A_1043 : memref<1x128xf32, #tpu.memory_space<hbm>> -> memref<128xf32, #tpu.memory_space<hbm>>
      %dma_start3A_1045 = tpu.memref_slice %arg8[%dma_start3A_1040, %multiple_of3A_1012] : memref<16x320000xf32, #tpu.memory_space<hbm>> -> memref<1x128xf32, #tpu.memory_space<hbm>>
      %dma_start3A_1046 = tpu.memref_squeeze %dma_start3A_1045 : memref<1x128xf32, #tpu.memory_space<hbm>> -> memref<128xf32, #tpu.memory_space<hbm>>
      %dma_start3A_1047 = arith.constant 384 : i32
      %dma_start3A_1048 = tpu.memref_slice %arg30[%dma_start3A_1047] : memref<2048xf32, #tpu.memory_space<vmem>> -> memref<128xf32, #tpu.memory_space<vmem>>
      tpu.enqueue_dma source(%dma_start3A_1048 : memref<128xf32, #tpu.memory_space<vmem>>) target(%dma_start3A_1046 : memref<128xf32, #tpu.memory_space<hbm>>) target_semaphore(%arg39 : memref<!tpu.dma_semaphore, #tpu.memory_space<semaphore_mem>>)
      %dma_start3A_1049 = arith.constant 4 : i32
      %dma_start3A_1050 = arith.constant 512 : i32
      %dma_start3A_1051 = tpu.memref_slice %arg30[%dma_start3A_1050] : memref<2048xf32, #tpu.memory_space<vmem>> -> memref<128xf32, #tpu.memory_space<vmem>>
      %dma_start3A_1052 = tpu.memref_slice %arg8[%dma_start3A_1049, %multiple_of3A_1012] : memref<16x320000xf32, #tpu.memory_space<hbm>> -> memref<1x128xf32, #tpu.memory_space<hbm>>
      %dma_start3A_1053 = tpu.memref_squeeze %dma_start3A_1052 : memref<1x128xf32, #tpu.memory_space<hbm>> -> memref<128xf32, #tpu.memory_space<hbm>>
      %dma_start3A_1054 = tpu.memref_slice %arg8[%dma_start3A_1049, %multiple_of3A_1012] : memref<16x320000xf32, #tpu.memory_space<hbm>> -> memref<1x128xf32, #tpu.memory_space<hbm>>
      %dma_start3A_1055 = tpu.memref_squeeze %dma_start3A_1054 : memref<1x128xf32, #tpu.memory_space<hbm>> -> memref<128xf32, #tpu.memory_space<hbm>>
      %dma_start3A_1056 = arith.constant 512 : i32
      %dma_start3A_1057 = tpu.memref_slice %arg30[%dma_start3A_1056] : memref<2048xf32, #tpu.memory_space<vmem>> -> memref<128xf32, #tpu.memory_space<vmem>>
      tpu.enqueue_dma source(%dma_start3A_1057 : memref<128xf32, #tpu.memory_space<vmem>>) target(%dma_start3A_1055 : memref<128xf32, #tpu.memory_space<hbm>>) target_semaphore(%arg39 : memref<!tpu.dma_semaphore, #tpu.memory_space<semaphore_mem>>)
      %dma_start3A_1058 = arith.constant 5 : i32
      %dma_start3A_1059 = arith.constant 640 : i32
      %dma_start3A_1060 = tpu.memref_slice %arg30[%dma_start3A_1059] : memref<2048xf32, #tpu.memory_space<vmem>> -> memref<128xf32, #tpu.memory_space<vmem>>
      %dma_start3A_1061 = tpu.memref_slice %arg8[%dma_start3A_1058, %multiple_of3A_1012] : memref<16x320000xf32, #tpu.memory_space<hbm>> -> memref<1x128xf32, #tpu.memory_space<hbm>>
      %dma_start3A_1062 = tpu.memref_squeeze %dma_start3A_1061 : memref<1x128xf32, #tpu.memory_space<hbm>> -> memref<128xf32, #tpu.memory_space<hbm>>
      %dma_start3A_1063 = tpu.memref_slice %arg8[%dma_start3A_1058, %multiple_of3A_1012] : memref<16x320000xf32, #tpu.memory_space<hbm>> -> memref<1x128xf32, #tpu.memory_space<hbm>>
      %dma_start3A_1064 = tpu.memref_squeeze %dma_start3A_1063 : memref<1x128xf32, #tpu.memory_space<hbm>> -> memref<128xf32, #tpu.memory_space<hbm>>
      %dma_start3A_1065 = arith.constant 640 : i32
      %dma_start3A_1066 = tpu.memref_slice %arg30[%dma_start3A_1065] : memref<2048xf32, #tpu.memory_space<vmem>> -> memref<128xf32, #tpu.memory_space<vmem>>
      tpu.enqueue_dma source(%dma_start3A_1066 : memref<128xf32, #tpu.memory_space<vmem>>) target(%dma_start3A_1064 : memref<128xf32, #tpu.memory_space<hbm>>) target_semaphore(%arg39 : memref<!tpu.dma_semaphore, #tpu.memory_space<semaphore_mem>>)
      %dma_start3A_1067 = arith.constant 6 : i32
      %dma_start3A_1068 = arith.constant 768 : i32
      %dma_start3A_1069 = tpu.memref_slice %arg30[%dma_start3A_1068] : memref<2048xf32, #tpu.memory_space<vmem>> -> memref<128xf32, #tpu.memory_space<vmem>>
      %dma_start3A_1070 = tpu.memref_slice %arg8[%dma_start3A_1067, %multiple_of3A_1012] : memref<16x320000xf32, #tpu.memory_space<hbm>> -> memref<1x128xf32, #tpu.memory_space<hbm>>
      %dma_start3A_1071 = tpu.memref_squeeze %dma_start3A_1070 : memref<1x128xf32, #tpu.memory_space<hbm>> -> memref<128xf32, #tpu.memory_space<hbm>>
      %dma_start3A_1072 = tpu.memref_slice %arg8[%dma_start3A_1067, %multiple_of3A_1012] : memref<16x320000xf32, #tpu.memory_space<hbm>> -> memref<1x128xf32, #tpu.memory_space<hbm>>
      %dma_start3A_1073 = tpu.memref_squeeze %dma_start3A_1072 : memref<1x128xf32, #tpu.memory_space<hbm>> -> memref<128xf32, #tpu.memory_space<hbm>>
      %dma_start3A_1074 = arith.constant 768 : i32
      %dma_start3A_1075 = tpu.memref_slice %arg30[%dma_start3A_1074] : memref<2048xf32, #tpu.memory_space<vmem>> -> memref<128xf32, #tpu.memory_space<vmem>>
      tpu.enqueue_dma source(%dma_start3A_1075 : memref<128xf32, #tpu.memory_space<vmem>>) target(%dma_start3A_1073 : memref<128xf32, #tpu.memory_space<hbm>>) target_semaphore(%arg39 : memref<!tpu.dma_semaphore, #tpu.memory_space<semaphore_mem>>)
      %dma_start3A_1076 = arith.constant 7 : i32
      %dma_start3A_1077 = arith.constant 896 : i32
      %dma_start3A_1078 = tpu.memref_slice %arg30[%dma_start3A_1077] : memref<2048xf32, #tpu.memory_space<vmem>> -> memref<128xf32, #tpu.memory_space<vmem>>
      %dma_start3A_1079 = tpu.memref_slice %arg8[%dma_start3A_1076, %multiple_of3A_1012] : memref<16x320000xf32, #tpu.memory_space<hbm>> -> memref<1x128xf32, #tpu.memory_space<hbm>>
      %dma_start3A_1080 = tpu.memref_squeeze %dma_start3A_1079 : memref<1x128xf32, #tpu.memory_space<hbm>> -> memref<128xf32, #tpu.memory_space<hbm>>
      %dma_start3A_1081 = tpu.memref_slice %arg8[%dma_start3A_1076, %multiple_of3A_1012] : memref<16x320000xf32, #tpu.memory_space<hbm>> -> memref<1x128xf32, #tpu.memory_space<hbm>>
      %dma_start3A_1082 = tpu.memref_squeeze %dma_start3A_1081 : memref<1x128xf32, #tpu.memory_space<hbm>> -> memref<128xf32, #tpu.memory_space<hbm>>
      %dma_start3A_1083 = arith.constant 896 : i32
      %dma_start3A_1084 = tpu.memref_slice %arg30[%dma_start3A_1083] : memref<2048xf32, #tpu.memory_space<vmem>> -> memref<128xf32, #tpu.memory_space<vmem>>
      tpu.enqueue_dma source(%dma_start3A_1084 : memref<128xf32, #tpu.memory_space<vmem>>) target(%dma_start3A_1082 : memref<128xf32, #tpu.memory_space<hbm>>) target_semaphore(%arg39 : memref<!tpu.dma_semaphore, #tpu.memory_space<semaphore_mem>>)
      %dma_start3A_1085 = arith.constant 8 : i32
      %dma_start3A_1086 = arith.constant 1024 : i32
      %dma_start3A_1087 = tpu.memref_slice %arg30[%dma_start3A_1086] : memref<2048xf32, #tpu.memory_space<vmem>> -> memref<128xf32, #tpu.memory_space<vmem>>
      %dma_start3A_1088 = tpu.memref_slice %arg8[%dma_start3A_1085, %multiple_of3A_1012] : memref<16x320000xf32, #tpu.memory_space<hbm>> -> memref<1x128xf32, #tpu.memory_space<hbm>>
      %dma_start3A_1089 = tpu.memref_squeeze %dma_start3A_1088 : memref<1x128xf32, #tpu.memory_space<hbm>> -> memref<128xf32, #tpu.memory_space<hbm>>
      %dma_start3A_1090 = tpu.memref_slice %arg8[%dma_start3A_1085, %multiple_of3A_1012] : memref<16x320000xf32, #tpu.memory_space<hbm>> -> memref<1x128xf32, #tpu.memory_space<hbm>>
      %dma_start3A_1091 = tpu.memref_squeeze %dma_start3A_1090 : memref<1x128xf32, #tpu.memory_space<hbm>> -> memref<128xf32, #tpu.memory_space<hbm>>
      %dma_start3A_1092 = arith.constant 1024 : i32
      %dma_start3A_1093 = tpu.memref_slice %arg30[%dma_start3A_1092] : memref<2048xf32, #tpu.memory_space<vmem>> -> memref<128xf32, #tpu.memory_space<vmem>>
      tpu.enqueue_dma source(%dma_start3A_1093 : memref<128xf32, #tpu.memory_space<vmem>>) target(%dma_start3A_1091 : memref<128xf32, #tpu.memory_space<hbm>>) target_semaphore(%arg39 : memref<!tpu.dma_semaphore, #tpu.memory_space<semaphore_mem>>)
      %dma_start3A_1094 = arith.constant 9 : i32
      %dma_start3A_1095 = arith.constant 1152 : i32
      %dma_start3A_1096 = tpu.memref_slice %arg30[%dma_start3A_1095] : memref<2048xf32, #tpu.memory_space<vmem>> -> memref<128xf32, #tpu.memory_space<vmem>>
      %dma_start3A_1097 = tpu.memref_slice %arg8[%dma_start3A_1094, %multiple_of3A_1012] : memref<16x320000xf32, #tpu.memory_space<hbm>> -> memref<1x128xf32, #tpu.memory_space<hbm>>
      %dma_start3A_1098 = tpu.memref_squeeze %dma_start3A_1097 : memref<1x128xf32, #tpu.memory_space<hbm>> -> memref<128xf32, #tpu.memory_space<hbm>>
      %dma_start3A_1099 = tpu.memref_slice %arg8[%dma_start3A_1094, %multiple_of3A_1012] : memref<16x320000xf32, #tpu.memory_space<hbm>> -> memref<1x128xf32, #tpu.memory_space<hbm>>
      %dma_start3A_1100 = tpu.memref_squeeze %dma_start3A_1099 : memref<1x128xf32, #tpu.memory_space<hbm>> -> memref<128xf32, #tpu.memory_space<hbm>>
      %dma_start3A_1101 = arith.constant 1152 : i32
      %dma_start3A_1102 = tpu.memref_slice %arg30[%dma_start3A_1101] : memref<2048xf32, #tpu.memory_space<vmem>> -> memref<128xf32, #tpu.memory_space<vmem>>
      tpu.enqueue_dma source(%dma_start3A_1102 : memref<128xf32, #tpu.memory_space<vmem>>) target(%dma_start3A_1100 : memref<128xf32, #tpu.memory_space<hbm>>) target_semaphore(%arg39 : memref<!tpu.dma_semaphore, #tpu.memory_space<semaphore_mem>>)
      %dma_start3A_1103 = arith.constant 10 : i32
      %dma_start3A_1104 = arith.constant 1280 : i32
      %dma_start3A_1105 = tpu.memref_slice %arg30[%dma_start3A_1104] : memref<2048xf32, #tpu.memory_space<vmem>> -> memref<128xf32, #tpu.memory_space<vmem>>
      %dma_start3A_1106 = tpu.memref_slice %arg8[%dma_start3A_1103, %multiple_of3A_1012] : memref<16x320000xf32, #tpu.memory_space<hbm>> -> memref<1x128xf32, #tpu.memory_space<hbm>>
      %dma_start3A_1107 = tpu.memref_squeeze %dma_start3A_1106 : memref<1x128xf32, #tpu.memory_space<hbm>> -> memref<128xf32, #tpu.memory_space<hbm>>
      %dma_start3A_1108 = tpu.memref_slice %arg8[%dma_start3A_1103, %multiple_of3A_1012] : memref<16x320000xf32, #tpu.memory_space<hbm>> -> memref<1x128xf32, #tpu.memory_space<hbm>>
      %dma_start3A_1109 = tpu.memref_squeeze %dma_start3A_1108 : memref<1x128xf32, #tpu.memory_space<hbm>> -> memref<128xf32, #tpu.memory_space<hbm>>
      %dma_start3A_1110 = arith.constant 1280 : i32
      %dma_start3A_1111 = tpu.memref_slice %arg30[%dma_start3A_1110] : memref<2048xf32, #tpu.memory_space<vmem>> -> memref<128xf32, #tpu.memory_space<vmem>>
      tpu.enqueue_dma source(%dma_start3A_1111 : memref<128xf32, #tpu.memory_space<vmem>>) target(%dma_start3A_1109 : memref<128xf32, #tpu.memory_space<hbm>>) target_semaphore(%arg39 : memref<!tpu.dma_semaphore, #tpu.memory_space<semaphore_mem>>)
      %dma_start3A_1112 = arith.constant 11 : i32
      %dma_start3A_1113 = arith.constant 1408 : i32
      %dma_start3A_1114 = tpu.memref_slice %arg30[%dma_start3A_1113] : memref<2048xf32, #tpu.memory_space<vmem>> -> memref<128xf32, #tpu.memory_space<vmem>>
      %dma_start3A_1115 = tpu.memref_slice %arg8[%dma_start3A_1112, %multiple_of3A_1012] : memref<16x320000xf32, #tpu.memory_space<hbm>> -> memref<1x128xf32, #tpu.memory_space<hbm>>
      %dma_start3A_1116 = tpu.memref_squeeze %dma_start3A_1115 : memref<1x128xf32, #tpu.memory_space<hbm>> -> memref<128xf32, #tpu.memory_space<hbm>>
      %dma_start3A_1117 = tpu.memref_slice %arg8[%dma_start3A_1112, %multiple_of3A_1012] : memref<16x320000xf32, #tpu.memory_space<hbm>> -> memref<1x128xf32, #tpu.memory_space<hbm>>
      %dma_start3A_1118 = tpu.memref_squeeze %dma_start3A_1117 : memref<1x128xf32, #tpu.memory_space<hbm>> -> memref<128xf32, #tpu.memory_space<hbm>>
      %dma_start3A_1119 = arith.constant 1408 : i32
      %dma_start3A_1120 = tpu.memref_slice %arg30[%dma_start3A_1119] : memref<2048xf32, #tpu.memory_space<vmem>> -> memref<128xf32, #tpu.memory_space<vmem>>
      tpu.enqueue_dma source(%dma_start3A_1120 : memref<128xf32, #tpu.memory_space<vmem>>) target(%dma_start3A_1118 : memref<128xf32, #tpu.memory_space<hbm>>) target_semaphore(%arg39 : memref<!tpu.dma_semaphore, #tpu.memory_space<semaphore_mem>>)
      %dma_start3A_1121 = arith.constant 12 : i32
      %dma_start3A_1122 = arith.constant 1536 : i32
      %dma_start3A_1123 = tpu.memref_slice %arg30[%dma_start3A_1122] : memref<2048xf32, #tpu.memory_space<vmem>> -> memref<128xf32, #tpu.memory_space<vmem>>
      %dma_start3A_1124 = tpu.memref_slice %arg8[%dma_start3A_1121, %multiple_of3A_1012] : memref<16x320000xf32, #tpu.memory_space<hbm>> -> memref<1x128xf32, #tpu.memory_space<hbm>>
      %dma_start3A_1125 = tpu.memref_squeeze %dma_start3A_1124 : memref<1x128xf32, #tpu.memory_space<hbm>> -> memref<128xf32, #tpu.memory_space<hbm>>
      %dma_start3A_1126 = tpu.memref_slice %arg8[%dma_start3A_1121, %multiple_of3A_1012] : memref<16x320000xf32, #tpu.memory_space<hbm>> -> memref<1x128xf32, #tpu.memory_space<hbm>>
      %dma_start3A_1127 = tpu.memref_squeeze %dma_start3A_1126 : memref<1x128xf32, #tpu.memory_space<hbm>> -> memref<128xf32, #tpu.memory_space<hbm>>
      %dma_start3A_1128 = arith.constant 1536 : i32
      %dma_start3A_1129 = tpu.memref_slice %arg30[%dma_start3A_1128] : memref<2048xf32, #tpu.memory_space<vmem>> -> memref<128xf32, #tpu.memory_space<vmem>>
      tpu.enqueue_dma source(%dma_start3A_1129 : memref<128xf32, #tpu.memory_space<vmem>>) target(%dma_start3A_1127 : memref<128xf32, #tpu.memory_space<hbm>>) target_semaphore(%arg39 : memref<!tpu.dma_semaphore, #tpu.memory_space<semaphore_mem>>)
      %dma_start3A_1130 = arith.constant 13 : i32
      %dma_start3A_1131 = arith.constant 1664 : i32
      %dma_start3A_1132 = tpu.memref_slice %arg30[%dma_start3A_1131] : memref<2048xf32, #tpu.memory_space<vmem>> -> memref<128xf32, #tpu.memory_space<vmem>>
      %dma_start3A_1133 = tpu.memref_slice %arg8[%dma_start3A_1130, %multiple_of3A_1012] : memref<16x320000xf32, #tpu.memory_space<hbm>> -> memref<1x128xf32, #tpu.memory_space<hbm>>
      %dma_start3A_1134 = tpu.memref_squeeze %dma_start3A_1133 : memref<1x128xf32, #tpu.memory_space<hbm>> -> memref<128xf32, #tpu.memory_space<hbm>>
      %dma_start3A_1135 = tpu.memref_slice %arg8[%dma_start3A_1130, %multiple_of3A_1012] : memref<16x320000xf32, #tpu.memory_space<hbm>> -> memref<1x128xf32, #tpu.memory_space<hbm>>
      %dma_start3A_1136 = tpu.memref_squeeze %dma_start3A_1135 : memref<1x128xf32, #tpu.memory_space<hbm>> -> memref<128xf32, #tpu.memory_space<hbm>>
      %dma_start3A_1137 = arith.constant 1664 : i32
      %dma_start3A_1138 = tpu.memref_slice %arg30[%dma_start3A_1137] : memref<2048xf32, #tpu.memory_space<vmem>> -> memref<128xf32, #tpu.memory_space<vmem>>
      tpu.enqueue_dma source(%dma_start3A_1138 : memref<128xf32, #tpu.memory_space<vmem>>) target(%dma_start3A_1136 : memref<128xf32, #tpu.memory_space<hbm>>) target_semaphore(%arg39 : memref<!tpu.dma_semaphore, #tpu.memory_space<semaphore_mem>>)
      %dma_start3A_1139 = arith.constant 14 : i32
      %dma_start3A_1140 = arith.constant 1792 : i32
      %dma_start3A_1141 = tpu.memref_slice %arg30[%dma_start3A_1140] : memref<2048xf32, #tpu.memory_space<vmem>> -> memref<128xf32, #tpu.memory_space<vmem>>
      %dma_start3A_1142 = tpu.memref_slice %arg8[%dma_start3A_1139, %multiple_of3A_1012] : memref<16x320000xf32, #tpu.memory_space<hbm>> -> memref<1x128xf32, #tpu.memory_space<hbm>>
      %dma_start3A_1143 = tpu.memref_squeeze %dma_start3A_1142 : memref<1x128xf32, #tpu.memory_space<hbm>> -> memref<128xf32, #tpu.memory_space<hbm>>
      %dma_start3A_1144 = tpu.memref_slice %arg8[%dma_start3A_1139, %multiple_of3A_1012] : memref<16x320000xf32, #tpu.memory_space<hbm>> -> memref<1x128xf32, #tpu.memory_space<hbm>>
      %dma_start3A_1145 = tpu.memref_squeeze %dma_start3A_1144 : memref<1x128xf32, #tpu.memory_space<hbm>> -> memref<128xf32, #tpu.memory_space<hbm>>
      %dma_start3A_1146 = arith.constant 1792 : i32
      %dma_start3A_1147 = tpu.memref_slice %arg30[%dma_start3A_1146] : memref<2048xf32, #tpu.memory_space<vmem>> -> memref<128xf32, #tpu.memory_space<vmem>>
      tpu.enqueue_dma source(%dma_start3A_1147 : memref<128xf32, #tpu.memory_space<vmem>>) target(%dma_start3A_1145 : memref<128xf32, #tpu.memory_space<hbm>>) target_semaphore(%arg39 : memref<!tpu.dma_semaphore, #tpu.memory_space<semaphore_mem>>)
      %dma_start3A_1148 = arith.constant 15 : i32
      %dma_start3A_1149 = arith.constant 1920 : i32
      %dma_start3A_1150 = tpu.memref_slice %arg30[%dma_start3A_1149] : memref<2048xf32, #tpu.memory_space<vmem>> -> memref<128xf32, #tpu.memory_space<vmem>>
      %dma_start3A_1151 = tpu.memref_slice %arg8[%dma_start3A_1148, %multiple_of3A_1012] : memref<16x320000xf32, #tpu.memory_space<hbm>> -> memref<1x128xf32, #tpu.memory_space<hbm>>
      %dma_start3A_1152 = tpu.memref_squeeze %dma_start3A_1151 : memref<1x128xf32, #tpu.memory_space<hbm>> -> memref<128xf32, #tpu.memory_space<hbm>>
      %dma_start3A_1153 = tpu.memref_slice %arg8[%dma_start3A_1148, %multiple_of3A_1012] : memref<16x320000xf32, #tpu.memory_space<hbm>> -> memref<1x128xf32, #tpu.memory_space<hbm>>
      %dma_start3A_1154 = tpu.memref_squeeze %dma_start3A_1153 : memref<1x128xf32, #tpu.memory_space<hbm>> -> memref<128xf32, #tpu.memory_space<hbm>>
      %dma_start3A_1155 = arith.constant 1920 : i32
      %dma_start3A_1156 = tpu.memref_slice %arg30[%dma_start3A_1155] : memref<2048xf32, #tpu.memory_space<vmem>> -> memref<128xf32, #tpu.memory_space<vmem>>
      tpu.enqueue_dma source(%dma_start3A_1156 : memref<128xf32, #tpu.memory_space<vmem>>) target(%dma_start3A_1154 : memref<128xf32, #tpu.memory_space<hbm>>) target_semaphore(%arg39 : memref<!tpu.dma_semaphore, #tpu.memory_space<semaphore_mem>>)
      "tpu.region"() ({
        %run_scoped3A = tpu.sem_alloc : memref<!tpu.dma_semaphore, #tpu.memory_space<semaphore_mem>>
        %dma_start3A_1162 = arith.constant 0 : i32
        %dma_start3A_1163 = arith.constant 0 : i32
        %dma_start3A_1164 = tpu.memref_slice %arg40[%dma_start3A_1162, %dma_start3A_1163] : memref<10000x16xf32, #tpu.memory_space<vmem_shared>> -> memref<10000x16xf32, #tpu.memory_space<vmem_shared>>
        tpu.enqueue_indirect_dma source(%arg27 : memref<128x16xf32, #tpu.memory_space<vmem>>) target(%dma_start3A_1164 : memref<10000x16xf32, #tpu.memory_space<vmem_shared>>) offsets(%arg12 : memref<128xi32, #tpu.memory_space<vmem>>) semaphore(%run_scoped3A : memref<!tpu.dma_semaphore, #tpu.memory_space<semaphore_mem>>) {add = true}
        %dma_wait3A_1165 = arith.constant 0 : i32
        %dma_wait3A_1166 = arith.constant 0 : i32
        %dma_wait3A_1167 = tpu.memref_slice %arg40[%dma_wait3A_1165, %dma_wait3A_1166] : memref<10000x16xf32, #tpu.memory_space<vmem_shared>> -> memref<10000x16xf32, #tpu.memory_space<vmem_shared>>
        tpu.wait_indirect_dma semaphore(%run_scoped3A : memref<!tpu.dma_semaphore, #tpu.memory_space<semaphore_mem>>) src(%arg27 : memref<128x16xf32, #tpu.memory_space<vmem>>) dst(%dma_wait3A_1167 : memref<10000x16xf32, #tpu.memory_space<vmem_shared>>)
        tpu.yield
      }) : () -> ()
      %lt3A_1157 = arith.constant 25 : i32
      %lt3A_1158 = arith.cmpi slt, %scan3A_589, %lt3A_1157 : i32
      %convert_element_type3A_1159 = arith.extui %lt3A_1158 : i1 to i32
      %cond3A_1160 = arith.constant 0 : i32
      %cond3A_1161 = arith.cmpi ne, %convert_element_type3A_1159, %cond3A_1160 : i32
      scf.if %cond3A_1161 {
        %add3A_1162 = arith.constant 3 : i32
        %add3A_1163 = arith.addi %add3A_975, %add3A_1162 : i32
        %mul3A_1164 = arith.constant 128 : i32
        %mul3A_1165 = arith.muli %add3A_1163, %mul3A_1164 : i32
        %multiple_of3A_1166 = tpu.assume_multiple %mul3A_1165, 8 : i32
        %dma_start3A_1167 = tpu.memref_slice %arg3[%multiple_of3A_1166] : memref<320000xi32, #tpu.memory_space<hbm>> -> memref<128xi32, #tpu.memory_space<hbm>>
        %dma_start3A_1168 = tpu.memref_slice %arg3[%multiple_of3A_1166] : memref<320000xi32, #tpu.memory_space<hbm>> -> memref<128xi32, #tpu.memory_space<hbm>>
        tpu.enqueue_dma source(%dma_start3A_1168 : memref<128xi32, #tpu.memory_space<hbm>>) target(%arg12 : memref<128xi32, #tpu.memory_space<vmem>>) target_semaphore(%arg33 : memref<!tpu.dma_semaphore, #tpu.memory_space<semaphore_mem>>)
        %dma_start3A_1169 = tpu.memref_slice %arg4[%multiple_of3A_1166] : memref<320000xi32, #tpu.memory_space<hbm>> -> memref<128xi32, #tpu.memory_space<hbm>>
        %dma_start3A_1170 = tpu.memref_slice %arg4[%multiple_of3A_1166] : memref<320000xi32, #tpu.memory_space<hbm>> -> memref<128xi32, #tpu.memory_space<hbm>>
        tpu.enqueue_dma source(%dma_start3A_1170 : memref<128xi32, #tpu.memory_space<hbm>>) target(%arg15 : memref<128xi32, #tpu.memory_space<vmem>>) target_semaphore(%arg33 : memref<!tpu.dma_semaphore, #tpu.memory_space<semaphore_mem>>)
        %dma_start3A_1171 = arith.constant 0 : i32
        %dma_start3A_1172 = tpu.memref_slice %arg2[%multiple_of3A_1166, %dma_start3A_1171] : memref<320000x16xf32, #tpu.memory_space<hbm>> -> memref<128x16xf32, #tpu.memory_space<hbm>>
        %dma_start3A_1173 = arith.constant 0 : i32
        %dma_start3A_1174 = tpu.memref_slice %arg2[%multiple_of3A_1166, %dma_start3A_1173] : memref<320000x16xf32, #tpu.memory_space<hbm>> -> memref<128x16xf32, #tpu.memory_space<hbm>>
        tpu.enqueue_dma source(%dma_start3A_1174 : memref<128x16xf32, #tpu.memory_space<hbm>>) target(%arg18 : memref<128x16xf32, #tpu.memory_space<vmem>>) target_semaphore(%arg33 : memref<!tpu.dma_semaphore, #tpu.memory_space<semaphore_mem>>)
      } else {
      }
    }
    %scan3A_51 = arith.constant 26 : i32
    %dma_wait3A = arith.constant 0 : i32
    %dma_wait3A_52 = arith.constant 0 : i32
    %dma_wait3A_53 = tpu.memref_slice %arg28[%dma_wait3A_52] : memref<2048xf32, #tpu.memory_space<vmem>> -> memref<128xf32, #tpu.memory_space<vmem>>
    %dma_wait3A_54 = arith.constant 0 : i32
    %dma_wait3A_55 = tpu.memref_slice %arg8[%dma_wait3A, %dma_wait3A_54] : memref<16x320000xf32, #tpu.memory_space<hbm>> -> memref<1x128xf32, #tpu.memory_space<hbm>>
    %dma_wait3A_56 = tpu.memref_squeeze %dma_wait3A_55 : memref<1x128xf32, #tpu.memory_space<hbm>> -> memref<128xf32, #tpu.memory_space<hbm>>
    %dma_wait3A_57 = arith.constant 0 : i32
    %dma_wait3A_58 = tpu.memref_slice %arg8[%dma_wait3A, %dma_wait3A_57] : memref<16x320000xf32, #tpu.memory_space<hbm>> -> memref<1x128xf32, #tpu.memory_space<hbm>>
    %dma_wait3A_59 = tpu.memref_squeeze %dma_wait3A_58 : memref<1x128xf32, #tpu.memory_space<hbm>> -> memref<128xf32, #tpu.memory_space<hbm>>
    %dma_wait3A_60 = arith.constant 0 : i32
    %dma_wait3A_61 = tpu.memref_slice %arg28[%dma_wait3A_60] : memref<2048xf32, #tpu.memory_space<vmem>> -> memref<128xf32, #tpu.memory_space<vmem>>
    tpu.wait_dma2 semaphore(%arg37 : memref<!tpu.dma_semaphore, #tpu.memory_space<semaphore_mem>>) src(%dma_wait3A_61 : memref<128xf32, #tpu.memory_space<vmem>>) dst(%dma_wait3A_59 : memref<128xf32, #tpu.memory_space<hbm>>)
    %dma_wait3A_62 = arith.constant 1 : i32
    %dma_wait3A_63 = arith.constant 128 : i32
    %dma_wait3A_64 = tpu.memref_slice %arg28[%dma_wait3A_63] : memref<2048xf32, #tpu.memory_space<vmem>> -> memref<128xf32, #tpu.memory_space<vmem>>
    %dma_wait3A_65 = arith.constant 0 : i32
    %dma_wait3A_66 = tpu.memref_slice %arg8[%dma_wait3A_62, %dma_wait3A_65] : memref<16x320000xf32, #tpu.memory_space<hbm>> -> memref<1x128xf32, #tpu.memory_space<hbm>>
    %dma_wait3A_67 = tpu.memref_squeeze %dma_wait3A_66 : memref<1x128xf32, #tpu.memory_space<hbm>> -> memref<128xf32, #tpu.memory_space<hbm>>
    %dma_wait3A_68 = arith.constant 0 : i32
    %dma_wait3A_69 = tpu.memref_slice %arg8[%dma_wait3A_62, %dma_wait3A_68] : memref<16x320000xf32, #tpu.memory_space<hbm>> -> memref<1x128xf32, #tpu.memory_space<hbm>>
    %dma_wait3A_70 = tpu.memref_squeeze %dma_wait3A_69 : memref<1x128xf32, #tpu.memory_space<hbm>> -> memref<128xf32, #tpu.memory_space<hbm>>
    %dma_wait3A_71 = arith.constant 128 : i32
    %dma_wait3A_72 = tpu.memref_slice %arg28[%dma_wait3A_71] : memref<2048xf32, #tpu.memory_space<vmem>> -> memref<128xf32, #tpu.memory_space<vmem>>
    tpu.wait_dma2 semaphore(%arg37 : memref<!tpu.dma_semaphore, #tpu.memory_space<semaphore_mem>>) src(%dma_wait3A_72 : memref<128xf32, #tpu.memory_space<vmem>>) dst(%dma_wait3A_70 : memref<128xf32, #tpu.memory_space<hbm>>)
    %dma_wait3A_73 = arith.constant 2 : i32
    %dma_wait3A_74 = arith.constant 256 : i32
    %dma_wait3A_75 = tpu.memref_slice %arg28[%dma_wait3A_74] : memref<2048xf32, #tpu.memory_space<vmem>> -> memref<128xf32, #tpu.memory_space<vmem>>
    %dma_wait3A_76 = arith.constant 0 : i32
    %dma_wait3A_77 = tpu.memref_slice %arg8[%dma_wait3A_73, %dma_wait3A_76] : memref<16x320000xf32, #tpu.memory_space<hbm>> -> memref<1x128xf32, #tpu.memory_space<hbm>>
    %dma_wait3A_78 = tpu.memref_squeeze %dma_wait3A_77 : memref<1x128xf32, #tpu.memory_space<hbm>> -> memref<128xf32, #tpu.memory_space<hbm>>
    %dma_wait3A_79 = arith.constant 0 : i32
    %dma_wait3A_80 = tpu.memref_slice %arg8[%dma_wait3A_73, %dma_wait3A_79] : memref<16x320000xf32, #tpu.memory_space<hbm>> -> memref<1x128xf32, #tpu.memory_space<hbm>>
    %dma_wait3A_81 = tpu.memref_squeeze %dma_wait3A_80 : memref<1x128xf32, #tpu.memory_space<hbm>> -> memref<128xf32, #tpu.memory_space<hbm>>
    %dma_wait3A_82 = arith.constant 256 : i32
    %dma_wait3A_83 = tpu.memref_slice %arg28[%dma_wait3A_82] : memref<2048xf32, #tpu.memory_space<vmem>> -> memref<128xf32, #tpu.memory_space<vmem>>
    tpu.wait_dma2 semaphore(%arg37 : memref<!tpu.dma_semaphore, #tpu.memory_space<semaphore_mem>>) src(%dma_wait3A_83 : memref<128xf32, #tpu.memory_space<vmem>>) dst(%dma_wait3A_81 : memref<128xf32, #tpu.memory_space<hbm>>)
    %dma_wait3A_84 = arith.constant 3 : i32
    %dma_wait3A_85 = arith.constant 384 : i32
    %dma_wait3A_86 = tpu.memref_slice %arg28[%dma_wait3A_85] : memref<2048xf32, #tpu.memory_space<vmem>> -> memref<128xf32, #tpu.memory_space<vmem>>
    %dma_wait3A_87 = arith.constant 0 : i32
    %dma_wait3A_88 = tpu.memref_slice %arg8[%dma_wait3A_84, %dma_wait3A_87] : memref<16x320000xf32, #tpu.memory_space<hbm>> -> memref<1x128xf32, #tpu.memory_space<hbm>>
    %dma_wait3A_89 = tpu.memref_squeeze %dma_wait3A_88 : memref<1x128xf32, #tpu.memory_space<hbm>> -> memref<128xf32, #tpu.memory_space<hbm>>
    %dma_wait3A_90 = arith.constant 0 : i32
    %dma_wait3A_91 = tpu.memref_slice %arg8[%dma_wait3A_84, %dma_wait3A_90] : memref<16x320000xf32, #tpu.memory_space<hbm>> -> memref<1x128xf32, #tpu.memory_space<hbm>>
    %dma_wait3A_92 = tpu.memref_squeeze %dma_wait3A_91 : memref<1x128xf32, #tpu.memory_space<hbm>> -> memref<128xf32, #tpu.memory_space<hbm>>
    %dma_wait3A_93 = arith.constant 384 : i32
    %dma_wait3A_94 = tpu.memref_slice %arg28[%dma_wait3A_93] : memref<2048xf32, #tpu.memory_space<vmem>> -> memref<128xf32, #tpu.memory_space<vmem>>
    tpu.wait_dma2 semaphore(%arg37 : memref<!tpu.dma_semaphore, #tpu.memory_space<semaphore_mem>>) src(%dma_wait3A_94 : memref<128xf32, #tpu.memory_space<vmem>>) dst(%dma_wait3A_92 : memref<128xf32, #tpu.memory_space<hbm>>)
    %dma_wait3A_95 = arith.constant 4 : i32
    %dma_wait3A_96 = arith.constant 512 : i32
    %dma_wait3A_97 = tpu.memref_slice %arg28[%dma_wait3A_96] : memref<2048xf32, #tpu.memory_space<vmem>> -> memref<128xf32, #tpu.memory_space<vmem>>
    %dma_wait3A_98 = arith.constant 0 : i32
    %dma_wait3A_99 = tpu.memref_slice %arg8[%dma_wait3A_95, %dma_wait3A_98] : memref<16x320000xf32, #tpu.memory_space<hbm>> -> memref<1x128xf32, #tpu.memory_space<hbm>>
    %dma_wait3A_100 = tpu.memref_squeeze %dma_wait3A_99 : memref<1x128xf32, #tpu.memory_space<hbm>> -> memref<128xf32, #tpu.memory_space<hbm>>
    %dma_wait3A_101 = arith.constant 0 : i32
    %dma_wait3A_102 = tpu.memref_slice %arg8[%dma_wait3A_95, %dma_wait3A_101] : memref<16x320000xf32, #tpu.memory_space<hbm>> -> memref<1x128xf32, #tpu.memory_space<hbm>>
    %dma_wait3A_103 = tpu.memref_squeeze %dma_wait3A_102 : memref<1x128xf32, #tpu.memory_space<hbm>> -> memref<128xf32, #tpu.memory_space<hbm>>
    %dma_wait3A_104 = arith.constant 512 : i32
    %dma_wait3A_105 = tpu.memref_slice %arg28[%dma_wait3A_104] : memref<2048xf32, #tpu.memory_space<vmem>> -> memref<128xf32, #tpu.memory_space<vmem>>
    tpu.wait_dma2 semaphore(%arg37 : memref<!tpu.dma_semaphore, #tpu.memory_space<semaphore_mem>>) src(%dma_wait3A_105 : memref<128xf32, #tpu.memory_space<vmem>>) dst(%dma_wait3A_103 : memref<128xf32, #tpu.memory_space<hbm>>)
    %dma_wait3A_106 = arith.constant 5 : i32
    %dma_wait3A_107 = arith.constant 640 : i32
    %dma_wait3A_108 = tpu.memref_slice %arg28[%dma_wait3A_107] : memref<2048xf32, #tpu.memory_space<vmem>> -> memref<128xf32, #tpu.memory_space<vmem>>
    %dma_wait3A_109 = arith.constant 0 : i32
    %dma_wait3A_110 = tpu.memref_slice %arg8[%dma_wait3A_106, %dma_wait3A_109] : memref<16x320000xf32, #tpu.memory_space<hbm>> -> memref<1x128xf32, #tpu.memory_space<hbm>>
    %dma_wait3A_111 = tpu.memref_squeeze %dma_wait3A_110 : memref<1x128xf32, #tpu.memory_space<hbm>> -> memref<128xf32, #tpu.memory_space<hbm>>
    %dma_wait3A_112 = arith.constant 0 : i32
    %dma_wait3A_113 = tpu.memref_slice %arg8[%dma_wait3A_106, %dma_wait3A_112] : memref<16x320000xf32, #tpu.memory_space<hbm>> -> memref<1x128xf32, #tpu.memory_space<hbm>>
    %dma_wait3A_114 = tpu.memref_squeeze %dma_wait3A_113 : memref<1x128xf32, #tpu.memory_space<hbm>> -> memref<128xf32, #tpu.memory_space<hbm>>
    %dma_wait3A_115 = arith.constant 640 : i32
    %dma_wait3A_116 = tpu.memref_slice %arg28[%dma_wait3A_115] : memref<2048xf32, #tpu.memory_space<vmem>> -> memref<128xf32, #tpu.memory_space<vmem>>
    tpu.wait_dma2 semaphore(%arg37 : memref<!tpu.dma_semaphore, #tpu.memory_space<semaphore_mem>>) src(%dma_wait3A_116 : memref<128xf32, #tpu.memory_space<vmem>>) dst(%dma_wait3A_114 : memref<128xf32, #tpu.memory_space<hbm>>)
    %dma_wait3A_117 = arith.constant 6 : i32
    %dma_wait3A_118 = arith.constant 768 : i32
    %dma_wait3A_119 = tpu.memref_slice %arg28[%dma_wait3A_118] : memref<2048xf32, #tpu.memory_space<vmem>> -> memref<128xf32, #tpu.memory_space<vmem>>
    %dma_wait3A_120 = arith.constant 0 : i32
    %dma_wait3A_121 = tpu.memref_slice %arg8[%dma_wait3A_117, %dma_wait3A_120] : memref<16x320000xf32, #tpu.memory_space<hbm>> -> memref<1x128xf32, #tpu.memory_space<hbm>>
    %dma_wait3A_122 = tpu.memref_squeeze %dma_wait3A_121 : memref<1x128xf32, #tpu.memory_space<hbm>> -> memref<128xf32, #tpu.memory_space<hbm>>
    %dma_wait3A_123 = arith.constant 0 : i32
    %dma_wait3A_124 = tpu.memref_slice %arg8[%dma_wait3A_117, %dma_wait3A_123] : memref<16x320000xf32, #tpu.memory_space<hbm>> -> memref<1x128xf32, #tpu.memory_space<hbm>>
    %dma_wait3A_125 = tpu.memref_squeeze %dma_wait3A_124 : memref<1x128xf32, #tpu.memory_space<hbm>> -> memref<128xf32, #tpu.memory_space<hbm>>
    %dma_wait3A_126 = arith.constant 768 : i32
    %dma_wait3A_127 = tpu.memref_slice %arg28[%dma_wait3A_126] : memref<2048xf32, #tpu.memory_space<vmem>> -> memref<128xf32, #tpu.memory_space<vmem>>
    tpu.wait_dma2 semaphore(%arg37 : memref<!tpu.dma_semaphore, #tpu.memory_space<semaphore_mem>>) src(%dma_wait3A_127 : memref<128xf32, #tpu.memory_space<vmem>>) dst(%dma_wait3A_125 : memref<128xf32, #tpu.memory_space<hbm>>)
    %dma_wait3A_128 = arith.constant 7 : i32
    %dma_wait3A_129 = arith.constant 896 : i32
    %dma_wait3A_130 = tpu.memref_slice %arg28[%dma_wait3A_129] : memref<2048xf32, #tpu.memory_space<vmem>> -> memref<128xf32, #tpu.memory_space<vmem>>
    %dma_wait3A_131 = arith.constant 0 : i32
    %dma_wait3A_132 = tpu.memref_slice %arg8[%dma_wait3A_128, %dma_wait3A_131] : memref<16x320000xf32, #tpu.memory_space<hbm>> -> memref<1x128xf32, #tpu.memory_space<hbm>>
    %dma_wait3A_133 = tpu.memref_squeeze %dma_wait3A_132 : memref<1x128xf32, #tpu.memory_space<hbm>> -> memref<128xf32, #tpu.memory_space<hbm>>
    %dma_wait3A_134 = arith.constant 0 : i32
    %dma_wait3A_135 = tpu.memref_slice %arg8[%dma_wait3A_128, %dma_wait3A_134] : memref<16x320000xf32, #tpu.memory_space<hbm>> -> memref<1x128xf32, #tpu.memory_space<hbm>>
    %dma_wait3A_136 = tpu.memref_squeeze %dma_wait3A_135 : memref<1x128xf32, #tpu.memory_space<hbm>> -> memref<128xf32, #tpu.memory_space<hbm>>
    %dma_wait3A_137 = arith.constant 896 : i32
    %dma_wait3A_138 = tpu.memref_slice %arg28[%dma_wait3A_137] : memref<2048xf32, #tpu.memory_space<vmem>> -> memref<128xf32, #tpu.memory_space<vmem>>
    tpu.wait_dma2 semaphore(%arg37 : memref<!tpu.dma_semaphore, #tpu.memory_space<semaphore_mem>>) src(%dma_wait3A_138 : memref<128xf32, #tpu.memory_space<vmem>>) dst(%dma_wait3A_136 : memref<128xf32, #tpu.memory_space<hbm>>)
    %dma_wait3A_139 = arith.constant 8 : i32
    %dma_wait3A_140 = arith.constant 1024 : i32
    %dma_wait3A_141 = tpu.memref_slice %arg28[%dma_wait3A_140] : memref<2048xf32, #tpu.memory_space<vmem>> -> memref<128xf32, #tpu.memory_space<vmem>>
    %dma_wait3A_142 = arith.constant 0 : i32
    %dma_wait3A_143 = tpu.memref_slice %arg8[%dma_wait3A_139, %dma_wait3A_142] : memref<16x320000xf32, #tpu.memory_space<hbm>> -> memref<1x128xf32, #tpu.memory_space<hbm>>
    %dma_wait3A_144 = tpu.memref_squeeze %dma_wait3A_143 : memref<1x128xf32, #tpu.memory_space<hbm>> -> memref<128xf32, #tpu.memory_space<hbm>>
    %dma_wait3A_145 = arith.constant 0 : i32
    %dma_wait3A_146 = tpu.memref_slice %arg8[%dma_wait3A_139, %dma_wait3A_145] : memref<16x320000xf32, #tpu.memory_space<hbm>> -> memref<1x128xf32, #tpu.memory_space<hbm>>
    %dma_wait3A_147 = tpu.memref_squeeze %dma_wait3A_146 : memref<1x128xf32, #tpu.memory_space<hbm>> -> memref<128xf32, #tpu.memory_space<hbm>>
    %dma_wait3A_148 = arith.constant 1024 : i32
    %dma_wait3A_149 = tpu.memref_slice %arg28[%dma_wait3A_148] : memref<2048xf32, #tpu.memory_space<vmem>> -> memref<128xf32, #tpu.memory_space<vmem>>
    tpu.wait_dma2 semaphore(%arg37 : memref<!tpu.dma_semaphore, #tpu.memory_space<semaphore_mem>>) src(%dma_wait3A_149 : memref<128xf32, #tpu.memory_space<vmem>>) dst(%dma_wait3A_147 : memref<128xf32, #tpu.memory_space<hbm>>)
    %dma_wait3A_150 = arith.constant 9 : i32
    %dma_wait3A_151 = arith.constant 1152 : i32
    %dma_wait3A_152 = tpu.memref_slice %arg28[%dma_wait3A_151] : memref<2048xf32, #tpu.memory_space<vmem>> -> memref<128xf32, #tpu.memory_space<vmem>>
    %dma_wait3A_153 = arith.constant 0 : i32
    %dma_wait3A_154 = tpu.memref_slice %arg8[%dma_wait3A_150, %dma_wait3A_153] : memref<16x320000xf32, #tpu.memory_space<hbm>> -> memref<1x128xf32, #tpu.memory_space<hbm>>
    %dma_wait3A_155 = tpu.memref_squeeze %dma_wait3A_154 : memref<1x128xf32, #tpu.memory_space<hbm>> -> memref<128xf32, #tpu.memory_space<hbm>>
    %dma_wait3A_156 = arith.constant 0 : i32
    %dma_wait3A_157 = tpu.memref_slice %arg8[%dma_wait3A_150, %dma_wait3A_156] : memref<16x320000xf32, #tpu.memory_space<hbm>> -> memref<1x128xf32, #tpu.memory_space<hbm>>
    %dma_wait3A_158 = tpu.memref_squeeze %dma_wait3A_157 : memref<1x128xf32, #tpu.memory_space<hbm>> -> memref<128xf32, #tpu.memory_space<hbm>>
    %dma_wait3A_159 = arith.constant 1152 : i32
    %dma_wait3A_160 = tpu.memref_slice %arg28[%dma_wait3A_159] : memref<2048xf32, #tpu.memory_space<vmem>> -> memref<128xf32, #tpu.memory_space<vmem>>
    tpu.wait_dma2 semaphore(%arg37 : memref<!tpu.dma_semaphore, #tpu.memory_space<semaphore_mem>>) src(%dma_wait3A_160 : memref<128xf32, #tpu.memory_space<vmem>>) dst(%dma_wait3A_158 : memref<128xf32, #tpu.memory_space<hbm>>)
    %dma_wait3A_161 = arith.constant 10 : i32
    %dma_wait3A_162 = arith.constant 1280 : i32
    %dma_wait3A_163 = tpu.memref_slice %arg28[%dma_wait3A_162] : memref<2048xf32, #tpu.memory_space<vmem>> -> memref<128xf32, #tpu.memory_space<vmem>>
    %dma_wait3A_164 = arith.constant 0 : i32
    %dma_wait3A_165 = tpu.memref_slice %arg8[%dma_wait3A_161, %dma_wait3A_164] : memref<16x320000xf32, #tpu.memory_space<hbm>> -> memref<1x128xf32, #tpu.memory_space<hbm>>
    %dma_wait3A_166 = tpu.memref_squeeze %dma_wait3A_165 : memref<1x128xf32, #tpu.memory_space<hbm>> -> memref<128xf32, #tpu.memory_space<hbm>>
    %dma_wait3A_167 = arith.constant 0 : i32
    %dma_wait3A_168 = tpu.memref_slice %arg8[%dma_wait3A_161, %dma_wait3A_167] : memref<16x320000xf32, #tpu.memory_space<hbm>> -> memref<1x128xf32, #tpu.memory_space<hbm>>
    %dma_wait3A_169 = tpu.memref_squeeze %dma_wait3A_168 : memref<1x128xf32, #tpu.memory_space<hbm>> -> memref<128xf32, #tpu.memory_space<hbm>>
    %dma_wait3A_170 = arith.constant 1280 : i32
    %dma_wait3A_171 = tpu.memref_slice %arg28[%dma_wait3A_170] : memref<2048xf32, #tpu.memory_space<vmem>> -> memref<128xf32, #tpu.memory_space<vmem>>
    tpu.wait_dma2 semaphore(%arg37 : memref<!tpu.dma_semaphore, #tpu.memory_space<semaphore_mem>>) src(%dma_wait3A_171 : memref<128xf32, #tpu.memory_space<vmem>>) dst(%dma_wait3A_169 : memref<128xf32, #tpu.memory_space<hbm>>)
    %dma_wait3A_172 = arith.constant 11 : i32
    %dma_wait3A_173 = arith.constant 1408 : i32
    %dma_wait3A_174 = tpu.memref_slice %arg28[%dma_wait3A_173] : memref<2048xf32, #tpu.memory_space<vmem>> -> memref<128xf32, #tpu.memory_space<vmem>>
    %dma_wait3A_175 = arith.constant 0 : i32
    %dma_wait3A_176 = tpu.memref_slice %arg8[%dma_wait3A_172, %dma_wait3A_175] : memref<16x320000xf32, #tpu.memory_space<hbm>> -> memref<1x128xf32, #tpu.memory_space<hbm>>
    %dma_wait3A_177 = tpu.memref_squeeze %dma_wait3A_176 : memref<1x128xf32, #tpu.memory_space<hbm>> -> memref<128xf32, #tpu.memory_space<hbm>>
    %dma_wait3A_178 = arith.constant 0 : i32
    %dma_wait3A_179 = tpu.memref_slice %arg8[%dma_wait3A_172, %dma_wait3A_178] : memref<16x320000xf32, #tpu.memory_space<hbm>> -> memref<1x128xf32, #tpu.memory_space<hbm>>
    %dma_wait3A_180 = tpu.memref_squeeze %dma_wait3A_179 : memref<1x128xf32, #tpu.memory_space<hbm>> -> memref<128xf32, #tpu.memory_space<hbm>>
    %dma_wait3A_181 = arith.constant 1408 : i32
    %dma_wait3A_182 = tpu.memref_slice %arg28[%dma_wait3A_181] : memref<2048xf32, #tpu.memory_space<vmem>> -> memref<128xf32, #tpu.memory_space<vmem>>
    tpu.wait_dma2 semaphore(%arg37 : memref<!tpu.dma_semaphore, #tpu.memory_space<semaphore_mem>>) src(%dma_wait3A_182 : memref<128xf32, #tpu.memory_space<vmem>>) dst(%dma_wait3A_180 : memref<128xf32, #tpu.memory_space<hbm>>)
    %dma_wait3A_183 = arith.constant 12 : i32
    %dma_wait3A_184 = arith.constant 1536 : i32
    %dma_wait3A_185 = tpu.memref_slice %arg28[%dma_wait3A_184] : memref<2048xf32, #tpu.memory_space<vmem>> -> memref<128xf32, #tpu.memory_space<vmem>>
    %dma_wait3A_186 = arith.constant 0 : i32
    %dma_wait3A_187 = tpu.memref_slice %arg8[%dma_wait3A_183, %dma_wait3A_186] : memref<16x320000xf32, #tpu.memory_space<hbm>> -> memref<1x128xf32, #tpu.memory_space<hbm>>
    %dma_wait3A_188 = tpu.memref_squeeze %dma_wait3A_187 : memref<1x128xf32, #tpu.memory_space<hbm>> -> memref<128xf32, #tpu.memory_space<hbm>>
    %dma_wait3A_189 = arith.constant 0 : i32
    %dma_wait3A_190 = tpu.memref_slice %arg8[%dma_wait3A_183, %dma_wait3A_189] : memref<16x320000xf32, #tpu.memory_space<hbm>> -> memref<1x128xf32, #tpu.memory_space<hbm>>
    %dma_wait3A_191 = tpu.memref_squeeze %dma_wait3A_190 : memref<1x128xf32, #tpu.memory_space<hbm>> -> memref<128xf32, #tpu.memory_space<hbm>>
    %dma_wait3A_192 = arith.constant 1536 : i32
    %dma_wait3A_193 = tpu.memref_slice %arg28[%dma_wait3A_192] : memref<2048xf32, #tpu.memory_space<vmem>> -> memref<128xf32, #tpu.memory_space<vmem>>
    tpu.wait_dma2 semaphore(%arg37 : memref<!tpu.dma_semaphore, #tpu.memory_space<semaphore_mem>>) src(%dma_wait3A_193 : memref<128xf32, #tpu.memory_space<vmem>>) dst(%dma_wait3A_191 : memref<128xf32, #tpu.memory_space<hbm>>)
    %dma_wait3A_194 = arith.constant 13 : i32
    %dma_wait3A_195 = arith.constant 1664 : i32
    %dma_wait3A_196 = tpu.memref_slice %arg28[%dma_wait3A_195] : memref<2048xf32, #tpu.memory_space<vmem>> -> memref<128xf32, #tpu.memory_space<vmem>>
    %dma_wait3A_197 = arith.constant 0 : i32
    %dma_wait3A_198 = tpu.memref_slice %arg8[%dma_wait3A_194, %dma_wait3A_197] : memref<16x320000xf32, #tpu.memory_space<hbm>> -> memref<1x128xf32, #tpu.memory_space<hbm>>
    %dma_wait3A_199 = tpu.memref_squeeze %dma_wait3A_198 : memref<1x128xf32, #tpu.memory_space<hbm>> -> memref<128xf32, #tpu.memory_space<hbm>>
    %dma_wait3A_200 = arith.constant 0 : i32
    %dma_wait3A_201 = tpu.memref_slice %arg8[%dma_wait3A_194, %dma_wait3A_200] : memref<16x320000xf32, #tpu.memory_space<hbm>> -> memref<1x128xf32, #tpu.memory_space<hbm>>
    %dma_wait3A_202 = tpu.memref_squeeze %dma_wait3A_201 : memref<1x128xf32, #tpu.memory_space<hbm>> -> memref<128xf32, #tpu.memory_space<hbm>>
    %dma_wait3A_203 = arith.constant 1664 : i32
    %dma_wait3A_204 = tpu.memref_slice %arg28[%dma_wait3A_203] : memref<2048xf32, #tpu.memory_space<vmem>> -> memref<128xf32, #tpu.memory_space<vmem>>
    tpu.wait_dma2 semaphore(%arg37 : memref<!tpu.dma_semaphore, #tpu.memory_space<semaphore_mem>>) src(%dma_wait3A_204 : memref<128xf32, #tpu.memory_space<vmem>>) dst(%dma_wait3A_202 : memref<128xf32, #tpu.memory_space<hbm>>)
    %dma_wait3A_205 = arith.constant 14 : i32
    %dma_wait3A_206 = arith.constant 1792 : i32
    %dma_wait3A_207 = tpu.memref_slice %arg28[%dma_wait3A_206] : memref<2048xf32, #tpu.memory_space<vmem>> -> memref<128xf32, #tpu.memory_space<vmem>>
    %dma_wait3A_208 = arith.constant 0 : i32
    %dma_wait3A_209 = tpu.memref_slice %arg8[%dma_wait3A_205, %dma_wait3A_208] : memref<16x320000xf32, #tpu.memory_space<hbm>> -> memref<1x128xf32, #tpu.memory_space<hbm>>
    %dma_wait3A_210 = tpu.memref_squeeze %dma_wait3A_209 : memref<1x128xf32, #tpu.memory_space<hbm>> -> memref<128xf32, #tpu.memory_space<hbm>>
    %dma_wait3A_211 = arith.constant 0 : i32
    %dma_wait3A_212 = tpu.memref_slice %arg8[%dma_wait3A_205, %dma_wait3A_211] : memref<16x320000xf32, #tpu.memory_space<hbm>> -> memref<1x128xf32, #tpu.memory_space<hbm>>
    %dma_wait3A_213 = tpu.memref_squeeze %dma_wait3A_212 : memref<1x128xf32, #tpu.memory_space<hbm>> -> memref<128xf32, #tpu.memory_space<hbm>>
    %dma_wait3A_214 = arith.constant 1792 : i32
    %dma_wait3A_215 = tpu.memref_slice %arg28[%dma_wait3A_214] : memref<2048xf32, #tpu.memory_space<vmem>> -> memref<128xf32, #tpu.memory_space<vmem>>
    tpu.wait_dma2 semaphore(%arg37 : memref<!tpu.dma_semaphore, #tpu.memory_space<semaphore_mem>>) src(%dma_wait3A_215 : memref<128xf32, #tpu.memory_space<vmem>>) dst(%dma_wait3A_213 : memref<128xf32, #tpu.memory_space<hbm>>)
    %dma_wait3A_216 = arith.constant 15 : i32
    %dma_wait3A_217 = arith.constant 1920 : i32
    %dma_wait3A_218 = tpu.memref_slice %arg28[%dma_wait3A_217] : memref<2048xf32, #tpu.memory_space<vmem>> -> memref<128xf32, #tpu.memory_space<vmem>>
    %dma_wait3A_219 = arith.constant 0 : i32
    %dma_wait3A_220 = tpu.memref_slice %arg8[%dma_wait3A_216, %dma_wait3A_219] : memref<16x320000xf32, #tpu.memory_space<hbm>> -> memref<1x128xf32, #tpu.memory_space<hbm>>
    %dma_wait3A_221 = tpu.memref_squeeze %dma_wait3A_220 : memref<1x128xf32, #tpu.memory_space<hbm>> -> memref<128xf32, #tpu.memory_space<hbm>>
    %dma_wait3A_222 = arith.constant 0 : i32
    %dma_wait3A_223 = tpu.memref_slice %arg8[%dma_wait3A_216, %dma_wait3A_222] : memref<16x320000xf32, #tpu.memory_space<hbm>> -> memref<1x128xf32, #tpu.memory_space<hbm>>
    %dma_wait3A_224 = tpu.memref_squeeze %dma_wait3A_223 : memref<1x128xf32, #tpu.memory_space<hbm>> -> memref<128xf32, #tpu.memory_space<hbm>>
    %dma_wait3A_225 = arith.constant 1920 : i32
    %dma_wait3A_226 = tpu.memref_slice %arg28[%dma_wait3A_225] : memref<2048xf32, #tpu.memory_space<vmem>> -> memref<128xf32, #tpu.memory_space<vmem>>
    tpu.wait_dma2 semaphore(%arg37 : memref<!tpu.dma_semaphore, #tpu.memory_space<semaphore_mem>>) src(%dma_wait3A_226 : memref<128xf32, #tpu.memory_space<vmem>>) dst(%dma_wait3A_224 : memref<128xf32, #tpu.memory_space<hbm>>)
    %dma_wait3A_227 = arith.constant 0 : i32
    %dma_wait3A_228 = arith.constant 0 : i32
    %dma_wait3A_229 = tpu.memref_slice %arg29[%dma_wait3A_228] : memref<2048xf32, #tpu.memory_space<vmem>> -> memref<128xf32, #tpu.memory_space<vmem>>
    %dma_wait3A_230 = arith.constant 0 : i32
    %dma_wait3A_231 = tpu.memref_slice %arg8[%dma_wait3A_227, %dma_wait3A_230] : memref<16x320000xf32, #tpu.memory_space<hbm>> -> memref<1x128xf32, #tpu.memory_space<hbm>>
    %dma_wait3A_232 = tpu.memref_squeeze %dma_wait3A_231 : memref<1x128xf32, #tpu.memory_space<hbm>> -> memref<128xf32, #tpu.memory_space<hbm>>
    %dma_wait3A_233 = arith.constant 0 : i32
    %dma_wait3A_234 = tpu.memref_slice %arg8[%dma_wait3A_227, %dma_wait3A_233] : memref<16x320000xf32, #tpu.memory_space<hbm>> -> memref<1x128xf32, #tpu.memory_space<hbm>>
    %dma_wait3A_235 = tpu.memref_squeeze %dma_wait3A_234 : memref<1x128xf32, #tpu.memory_space<hbm>> -> memref<128xf32, #tpu.memory_space<hbm>>
    %dma_wait3A_236 = arith.constant 0 : i32
    %dma_wait3A_237 = tpu.memref_slice %arg29[%dma_wait3A_236] : memref<2048xf32, #tpu.memory_space<vmem>> -> memref<128xf32, #tpu.memory_space<vmem>>
    tpu.wait_dma2 semaphore(%arg38 : memref<!tpu.dma_semaphore, #tpu.memory_space<semaphore_mem>>) src(%dma_wait3A_237 : memref<128xf32, #tpu.memory_space<vmem>>) dst(%dma_wait3A_235 : memref<128xf32, #tpu.memory_space<hbm>>)
    %dma_wait3A_238 = arith.constant 1 : i32
    %dma_wait3A_239 = arith.constant 128 : i32
    %dma_wait3A_240 = tpu.memref_slice %arg29[%dma_wait3A_239] : memref<2048xf32, #tpu.memory_space<vmem>> -> memref<128xf32, #tpu.memory_space<vmem>>
    %dma_wait3A_241 = arith.constant 0 : i32
    %dma_wait3A_242 = tpu.memref_slice %arg8[%dma_wait3A_238, %dma_wait3A_241] : memref<16x320000xf32, #tpu.memory_space<hbm>> -> memref<1x128xf32, #tpu.memory_space<hbm>>
    %dma_wait3A_243 = tpu.memref_squeeze %dma_wait3A_242 : memref<1x128xf32, #tpu.memory_space<hbm>> -> memref<128xf32, #tpu.memory_space<hbm>>
    %dma_wait3A_244 = arith.constant 0 : i32
    %dma_wait3A_245 = tpu.memref_slice %arg8[%dma_wait3A_238, %dma_wait3A_244] : memref<16x320000xf32, #tpu.memory_space<hbm>> -> memref<1x128xf32, #tpu.memory_space<hbm>>
    %dma_wait3A_246 = tpu.memref_squeeze %dma_wait3A_245 : memref<1x128xf32, #tpu.memory_space<hbm>> -> memref<128xf32, #tpu.memory_space<hbm>>
    %dma_wait3A_247 = arith.constant 128 : i32
    %dma_wait3A_248 = tpu.memref_slice %arg29[%dma_wait3A_247] : memref<2048xf32, #tpu.memory_space<vmem>> -> memref<128xf32, #tpu.memory_space<vmem>>
    tpu.wait_dma2 semaphore(%arg38 : memref<!tpu.dma_semaphore, #tpu.memory_space<semaphore_mem>>) src(%dma_wait3A_248 : memref<128xf32, #tpu.memory_space<vmem>>) dst(%dma_wait3A_246 : memref<128xf32, #tpu.memory_space<hbm>>)
    %dma_wait3A_249 = arith.constant 2 : i32
    %dma_wait3A_250 = arith.constant 256 : i32
    %dma_wait3A_251 = tpu.memref_slice %arg29[%dma_wait3A_250] : memref<2048xf32, #tpu.memory_space<vmem>> -> memref<128xf32, #tpu.memory_space<vmem>>
    %dma_wait3A_252 = arith.constant 0 : i32
    %dma_wait3A_253 = tpu.memref_slice %arg8[%dma_wait3A_249, %dma_wait3A_252] : memref<16x320000xf32, #tpu.memory_space<hbm>> -> memref<1x128xf32, #tpu.memory_space<hbm>>
    %dma_wait3A_254 = tpu.memref_squeeze %dma_wait3A_253 : memref<1x128xf32, #tpu.memory_space<hbm>> -> memref<128xf32, #tpu.memory_space<hbm>>
    %dma_wait3A_255 = arith.constant 0 : i32
    %dma_wait3A_256 = tpu.memref_slice %arg8[%dma_wait3A_249, %dma_wait3A_255] : memref<16x320000xf32, #tpu.memory_space<hbm>> -> memref<1x128xf32, #tpu.memory_space<hbm>>
    %dma_wait3A_257 = tpu.memref_squeeze %dma_wait3A_256 : memref<1x128xf32, #tpu.memory_space<hbm>> -> memref<128xf32, #tpu.memory_space<hbm>>
    %dma_wait3A_258 = arith.constant 256 : i32
    %dma_wait3A_259 = tpu.memref_slice %arg29[%dma_wait3A_258] : memref<2048xf32, #tpu.memory_space<vmem>> -> memref<128xf32, #tpu.memory_space<vmem>>
    tpu.wait_dma2 semaphore(%arg38 : memref<!tpu.dma_semaphore, #tpu.memory_space<semaphore_mem>>) src(%dma_wait3A_259 : memref<128xf32, #tpu.memory_space<vmem>>) dst(%dma_wait3A_257 : memref<128xf32, #tpu.memory_space<hbm>>)
    %dma_wait3A_260 = arith.constant 3 : i32
    %dma_wait3A_261 = arith.constant 384 : i32
    %dma_wait3A_262 = tpu.memref_slice %arg29[%dma_wait3A_261] : memref<2048xf32, #tpu.memory_space<vmem>> -> memref<128xf32, #tpu.memory_space<vmem>>
    %dma_wait3A_263 = arith.constant 0 : i32
    %dma_wait3A_264 = tpu.memref_slice %arg8[%dma_wait3A_260, %dma_wait3A_263] : memref<16x320000xf32, #tpu.memory_space<hbm>> -> memref<1x128xf32, #tpu.memory_space<hbm>>
    %dma_wait3A_265 = tpu.memref_squeeze %dma_wait3A_264 : memref<1x128xf32, #tpu.memory_space<hbm>> -> memref<128xf32, #tpu.memory_space<hbm>>
    %dma_wait3A_266 = arith.constant 0 : i32
    %dma_wait3A_267 = tpu.memref_slice %arg8[%dma_wait3A_260, %dma_wait3A_266] : memref<16x320000xf32, #tpu.memory_space<hbm>> -> memref<1x128xf32, #tpu.memory_space<hbm>>
    %dma_wait3A_268 = tpu.memref_squeeze %dma_wait3A_267 : memref<1x128xf32, #tpu.memory_space<hbm>> -> memref<128xf32, #tpu.memory_space<hbm>>
    %dma_wait3A_269 = arith.constant 384 : i32
    %dma_wait3A_270 = tpu.memref_slice %arg29[%dma_wait3A_269] : memref<2048xf32, #tpu.memory_space<vmem>> -> memref<128xf32, #tpu.memory_space<vmem>>
    tpu.wait_dma2 semaphore(%arg38 : memref<!tpu.dma_semaphore, #tpu.memory_space<semaphore_mem>>) src(%dma_wait3A_270 : memref<128xf32, #tpu.memory_space<vmem>>) dst(%dma_wait3A_268 : memref<128xf32, #tpu.memory_space<hbm>>)
    %dma_wait3A_271 = arith.constant 4 : i32
    %dma_wait3A_272 = arith.constant 512 : i32
    %dma_wait3A_273 = tpu.memref_slice %arg29[%dma_wait3A_272] : memref<2048xf32, #tpu.memory_space<vmem>> -> memref<128xf32, #tpu.memory_space<vmem>>
    %dma_wait3A_274 = arith.constant 0 : i32
    %dma_wait3A_275 = tpu.memref_slice %arg8[%dma_wait3A_271, %dma_wait3A_274] : memref<16x320000xf32, #tpu.memory_space<hbm>> -> memref<1x128xf32, #tpu.memory_space<hbm>>
    %dma_wait3A_276 = tpu.memref_squeeze %dma_wait3A_275 : memref<1x128xf32, #tpu.memory_space<hbm>> -> memref<128xf32, #tpu.memory_space<hbm>>
    %dma_wait3A_277 = arith.constant 0 : i32
    %dma_wait3A_278 = tpu.memref_slice %arg8[%dma_wait3A_271, %dma_wait3A_277] : memref<16x320000xf32, #tpu.memory_space<hbm>> -> memref<1x128xf32, #tpu.memory_space<hbm>>
    %dma_wait3A_279 = tpu.memref_squeeze %dma_wait3A_278 : memref<1x128xf32, #tpu.memory_space<hbm>> -> memref<128xf32, #tpu.memory_space<hbm>>
    %dma_wait3A_280 = arith.constant 512 : i32
    %dma_wait3A_281 = tpu.memref_slice %arg29[%dma_wait3A_280] : memref<2048xf32, #tpu.memory_space<vmem>> -> memref<128xf32, #tpu.memory_space<vmem>>
    tpu.wait_dma2 semaphore(%arg38 : memref<!tpu.dma_semaphore, #tpu.memory_space<semaphore_mem>>) src(%dma_wait3A_281 : memref<128xf32, #tpu.memory_space<vmem>>) dst(%dma_wait3A_279 : memref<128xf32, #tpu.memory_space<hbm>>)
    %dma_wait3A_282 = arith.constant 5 : i32
    %dma_wait3A_283 = arith.constant 640 : i32
    %dma_wait3A_284 = tpu.memref_slice %arg29[%dma_wait3A_283] : memref<2048xf32, #tpu.memory_space<vmem>> -> memref<128xf32, #tpu.memory_space<vmem>>
    %dma_wait3A_285 = arith.constant 0 : i32
    %dma_wait3A_286 = tpu.memref_slice %arg8[%dma_wait3A_282, %dma_wait3A_285] : memref<16x320000xf32, #tpu.memory_space<hbm>> -> memref<1x128xf32, #tpu.memory_space<hbm>>
    %dma_wait3A_287 = tpu.memref_squeeze %dma_wait3A_286 : memref<1x128xf32, #tpu.memory_space<hbm>> -> memref<128xf32, #tpu.memory_space<hbm>>
    %dma_wait3A_288 = arith.constant 0 : i32
    %dma_wait3A_289 = tpu.memref_slice %arg8[%dma_wait3A_282, %dma_wait3A_288] : memref<16x320000xf32, #tpu.memory_space<hbm>> -> memref<1x128xf32, #tpu.memory_space<hbm>>
    %dma_wait3A_290 = tpu.memref_squeeze %dma_wait3A_289 : memref<1x128xf32, #tpu.memory_space<hbm>> -> memref<128xf32, #tpu.memory_space<hbm>>
    %dma_wait3A_291 = arith.constant 640 : i32
    %dma_wait3A_292 = tpu.memref_slice %arg29[%dma_wait3A_291] : memref<2048xf32, #tpu.memory_space<vmem>> -> memref<128xf32, #tpu.memory_space<vmem>>
    tpu.wait_dma2 semaphore(%arg38 : memref<!tpu.dma_semaphore, #tpu.memory_space<semaphore_mem>>) src(%dma_wait3A_292 : memref<128xf32, #tpu.memory_space<vmem>>) dst(%dma_wait3A_290 : memref<128xf32, #tpu.memory_space<hbm>>)
    %dma_wait3A_293 = arith.constant 6 : i32
    %dma_wait3A_294 = arith.constant 768 : i32
    %dma_wait3A_295 = tpu.memref_slice %arg29[%dma_wait3A_294] : memref<2048xf32, #tpu.memory_space<vmem>> -> memref<128xf32, #tpu.memory_space<vmem>>
    %dma_wait3A_296 = arith.constant 0 : i32
    %dma_wait3A_297 = tpu.memref_slice %arg8[%dma_wait3A_293, %dma_wait3A_296] : memref<16x320000xf32, #tpu.memory_space<hbm>> -> memref<1x128xf32, #tpu.memory_space<hbm>>
    %dma_wait3A_298 = tpu.memref_squeeze %dma_wait3A_297 : memref<1x128xf32, #tpu.memory_space<hbm>> -> memref<128xf32, #tpu.memory_space<hbm>>
    %dma_wait3A_299 = arith.constant 0 : i32
    %dma_wait3A_300 = tpu.memref_slice %arg8[%dma_wait3A_293, %dma_wait3A_299] : memref<16x320000xf32, #tpu.memory_space<hbm>> -> memref<1x128xf32, #tpu.memory_space<hbm>>
    %dma_wait3A_301 = tpu.memref_squeeze %dma_wait3A_300 : memref<1x128xf32, #tpu.memory_space<hbm>> -> memref<128xf32, #tpu.memory_space<hbm>>
    %dma_wait3A_302 = arith.constant 768 : i32
    %dma_wait3A_303 = tpu.memref_slice %arg29[%dma_wait3A_302] : memref<2048xf32, #tpu.memory_space<vmem>> -> memref<128xf32, #tpu.memory_space<vmem>>
    tpu.wait_dma2 semaphore(%arg38 : memref<!tpu.dma_semaphore, #tpu.memory_space<semaphore_mem>>) src(%dma_wait3A_303 : memref<128xf32, #tpu.memory_space<vmem>>) dst(%dma_wait3A_301 : memref<128xf32, #tpu.memory_space<hbm>>)
    %dma_wait3A_304 = arith.constant 7 : i32
    %dma_wait3A_305 = arith.constant 896 : i32
    %dma_wait3A_306 = tpu.memref_slice %arg29[%dma_wait3A_305] : memref<2048xf32, #tpu.memory_space<vmem>> -> memref<128xf32, #tpu.memory_space<vmem>>
    %dma_wait3A_307 = arith.constant 0 : i32
    %dma_wait3A_308 = tpu.memref_slice %arg8[%dma_wait3A_304, %dma_wait3A_307] : memref<16x320000xf32, #tpu.memory_space<hbm>> -> memref<1x128xf32, #tpu.memory_space<hbm>>
    %dma_wait3A_309 = tpu.memref_squeeze %dma_wait3A_308 : memref<1x128xf32, #tpu.memory_space<hbm>> -> memref<128xf32, #tpu.memory_space<hbm>>
    %dma_wait3A_310 = arith.constant 0 : i32
    %dma_wait3A_311 = tpu.memref_slice %arg8[%dma_wait3A_304, %dma_wait3A_310] : memref<16x320000xf32, #tpu.memory_space<hbm>> -> memref<1x128xf32, #tpu.memory_space<hbm>>
    %dma_wait3A_312 = tpu.memref_squeeze %dma_wait3A_311 : memref<1x128xf32, #tpu.memory_space<hbm>> -> memref<128xf32, #tpu.memory_space<hbm>>
    %dma_wait3A_313 = arith.constant 896 : i32
    %dma_wait3A_314 = tpu.memref_slice %arg29[%dma_wait3A_313] : memref<2048xf32, #tpu.memory_space<vmem>> -> memref<128xf32, #tpu.memory_space<vmem>>
    tpu.wait_dma2 semaphore(%arg38 : memref<!tpu.dma_semaphore, #tpu.memory_space<semaphore_mem>>) src(%dma_wait3A_314 : memref<128xf32, #tpu.memory_space<vmem>>) dst(%dma_wait3A_312 : memref<128xf32, #tpu.memory_space<hbm>>)
    %dma_wait3A_315 = arith.constant 8 : i32
    %dma_wait3A_316 = arith.constant 1024 : i32
    %dma_wait3A_317 = tpu.memref_slice %arg29[%dma_wait3A_316] : memref<2048xf32, #tpu.memory_space<vmem>> -> memref<128xf32, #tpu.memory_space<vmem>>
    %dma_wait3A_318 = arith.constant 0 : i32
    %dma_wait3A_319 = tpu.memref_slice %arg8[%dma_wait3A_315, %dma_wait3A_318] : memref<16x320000xf32, #tpu.memory_space<hbm>> -> memref<1x128xf32, #tpu.memory_space<hbm>>
    %dma_wait3A_320 = tpu.memref_squeeze %dma_wait3A_319 : memref<1x128xf32, #tpu.memory_space<hbm>> -> memref<128xf32, #tpu.memory_space<hbm>>
    %dma_wait3A_321 = arith.constant 0 : i32
    %dma_wait3A_322 = tpu.memref_slice %arg8[%dma_wait3A_315, %dma_wait3A_321] : memref<16x320000xf32, #tpu.memory_space<hbm>> -> memref<1x128xf32, #tpu.memory_space<hbm>>
    %dma_wait3A_323 = tpu.memref_squeeze %dma_wait3A_322 : memref<1x128xf32, #tpu.memory_space<hbm>> -> memref<128xf32, #tpu.memory_space<hbm>>
    %dma_wait3A_324 = arith.constant 1024 : i32
    %dma_wait3A_325 = tpu.memref_slice %arg29[%dma_wait3A_324] : memref<2048xf32, #tpu.memory_space<vmem>> -> memref<128xf32, #tpu.memory_space<vmem>>
    tpu.wait_dma2 semaphore(%arg38 : memref<!tpu.dma_semaphore, #tpu.memory_space<semaphore_mem>>) src(%dma_wait3A_325 : memref<128xf32, #tpu.memory_space<vmem>>) dst(%dma_wait3A_323 : memref<128xf32, #tpu.memory_space<hbm>>)
    %dma_wait3A_326 = arith.constant 9 : i32
    %dma_wait3A_327 = arith.constant 1152 : i32
    %dma_wait3A_328 = tpu.memref_slice %arg29[%dma_wait3A_327] : memref<2048xf32, #tpu.memory_space<vmem>> -> memref<128xf32, #tpu.memory_space<vmem>>
    %dma_wait3A_329 = arith.constant 0 : i32
    %dma_wait3A_330 = tpu.memref_slice %arg8[%dma_wait3A_326, %dma_wait3A_329] : memref<16x320000xf32, #tpu.memory_space<hbm>> -> memref<1x128xf32, #tpu.memory_space<hbm>>
    %dma_wait3A_331 = tpu.memref_squeeze %dma_wait3A_330 : memref<1x128xf32, #tpu.memory_space<hbm>> -> memref<128xf32, #tpu.memory_space<hbm>>
    %dma_wait3A_332 = arith.constant 0 : i32
    %dma_wait3A_333 = tpu.memref_slice %arg8[%dma_wait3A_326, %dma_wait3A_332] : memref<16x320000xf32, #tpu.memory_space<hbm>> -> memref<1x128xf32, #tpu.memory_space<hbm>>
    %dma_wait3A_334 = tpu.memref_squeeze %dma_wait3A_333 : memref<1x128xf32, #tpu.memory_space<hbm>> -> memref<128xf32, #tpu.memory_space<hbm>>
    %dma_wait3A_335 = arith.constant 1152 : i32
    %dma_wait3A_336 = tpu.memref_slice %arg29[%dma_wait3A_335] : memref<2048xf32, #tpu.memory_space<vmem>> -> memref<128xf32, #tpu.memory_space<vmem>>
    tpu.wait_dma2 semaphore(%arg38 : memref<!tpu.dma_semaphore, #tpu.memory_space<semaphore_mem>>) src(%dma_wait3A_336 : memref<128xf32, #tpu.memory_space<vmem>>) dst(%dma_wait3A_334 : memref<128xf32, #tpu.memory_space<hbm>>)
    %dma_wait3A_337 = arith.constant 10 : i32
    %dma_wait3A_338 = arith.constant 1280 : i32
    %dma_wait3A_339 = tpu.memref_slice %arg29[%dma_wait3A_338] : memref<2048xf32, #tpu.memory_space<vmem>> -> memref<128xf32, #tpu.memory_space<vmem>>
    %dma_wait3A_340 = arith.constant 0 : i32
    %dma_wait3A_341 = tpu.memref_slice %arg8[%dma_wait3A_337, %dma_wait3A_340] : memref<16x320000xf32, #tpu.memory_space<hbm>> -> memref<1x128xf32, #tpu.memory_space<hbm>>
    %dma_wait3A_342 = tpu.memref_squeeze %dma_wait3A_341 : memref<1x128xf32, #tpu.memory_space<hbm>> -> memref<128xf32, #tpu.memory_space<hbm>>
    %dma_wait3A_343 = arith.constant 0 : i32
    %dma_wait3A_344 = tpu.memref_slice %arg8[%dma_wait3A_337, %dma_wait3A_343] : memref<16x320000xf32, #tpu.memory_space<hbm>> -> memref<1x128xf32, #tpu.memory_space<hbm>>
    %dma_wait3A_345 = tpu.memref_squeeze %dma_wait3A_344 : memref<1x128xf32, #tpu.memory_space<hbm>> -> memref<128xf32, #tpu.memory_space<hbm>>
    %dma_wait3A_346 = arith.constant 1280 : i32
    %dma_wait3A_347 = tpu.memref_slice %arg29[%dma_wait3A_346] : memref<2048xf32, #tpu.memory_space<vmem>> -> memref<128xf32, #tpu.memory_space<vmem>>
    tpu.wait_dma2 semaphore(%arg38 : memref<!tpu.dma_semaphore, #tpu.memory_space<semaphore_mem>>) src(%dma_wait3A_347 : memref<128xf32, #tpu.memory_space<vmem>>) dst(%dma_wait3A_345 : memref<128xf32, #tpu.memory_space<hbm>>)
    %dma_wait3A_348 = arith.constant 11 : i32
    %dma_wait3A_349 = arith.constant 1408 : i32
    %dma_wait3A_350 = tpu.memref_slice %arg29[%dma_wait3A_349] : memref<2048xf32, #tpu.memory_space<vmem>> -> memref<128xf32, #tpu.memory_space<vmem>>
    %dma_wait3A_351 = arith.constant 0 : i32
    %dma_wait3A_352 = tpu.memref_slice %arg8[%dma_wait3A_348, %dma_wait3A_351] : memref<16x320000xf32, #tpu.memory_space<hbm>> -> memref<1x128xf32, #tpu.memory_space<hbm>>
    %dma_wait3A_353 = tpu.memref_squeeze %dma_wait3A_352 : memref<1x128xf32, #tpu.memory_space<hbm>> -> memref<128xf32, #tpu.memory_space<hbm>>
    %dma_wait3A_354 = arith.constant 0 : i32
    %dma_wait3A_355 = tpu.memref_slice %arg8[%dma_wait3A_348, %dma_wait3A_354] : memref<16x320000xf32, #tpu.memory_space<hbm>> -> memref<1x128xf32, #tpu.memory_space<hbm>>
    %dma_wait3A_356 = tpu.memref_squeeze %dma_wait3A_355 : memref<1x128xf32, #tpu.memory_space<hbm>> -> memref<128xf32, #tpu.memory_space<hbm>>
    %dma_wait3A_357 = arith.constant 1408 : i32
    %dma_wait3A_358 = tpu.memref_slice %arg29[%dma_wait3A_357] : memref<2048xf32, #tpu.memory_space<vmem>> -> memref<128xf32, #tpu.memory_space<vmem>>
    tpu.wait_dma2 semaphore(%arg38 : memref<!tpu.dma_semaphore, #tpu.memory_space<semaphore_mem>>) src(%dma_wait3A_358 : memref<128xf32, #tpu.memory_space<vmem>>) dst(%dma_wait3A_356 : memref<128xf32, #tpu.memory_space<hbm>>)
    %dma_wait3A_359 = arith.constant 12 : i32
    %dma_wait3A_360 = arith.constant 1536 : i32
    %dma_wait3A_361 = tpu.memref_slice %arg29[%dma_wait3A_360] : memref<2048xf32, #tpu.memory_space<vmem>> -> memref<128xf32, #tpu.memory_space<vmem>>
    %dma_wait3A_362 = arith.constant 0 : i32
    %dma_wait3A_363 = tpu.memref_slice %arg8[%dma_wait3A_359, %dma_wait3A_362] : memref<16x320000xf32, #tpu.memory_space<hbm>> -> memref<1x128xf32, #tpu.memory_space<hbm>>
    %dma_wait3A_364 = tpu.memref_squeeze %dma_wait3A_363 : memref<1x128xf32, #tpu.memory_space<hbm>> -> memref<128xf32, #tpu.memory_space<hbm>>
    %dma_wait3A_365 = arith.constant 0 : i32
    %dma_wait3A_366 = tpu.memref_slice %arg8[%dma_wait3A_359, %dma_wait3A_365] : memref<16x320000xf32, #tpu.memory_space<hbm>> -> memref<1x128xf32, #tpu.memory_space<hbm>>
    %dma_wait3A_367 = tpu.memref_squeeze %dma_wait3A_366 : memref<1x128xf32, #tpu.memory_space<hbm>> -> memref<128xf32, #tpu.memory_space<hbm>>
    %dma_wait3A_368 = arith.constant 1536 : i32
    %dma_wait3A_369 = tpu.memref_slice %arg29[%dma_wait3A_368] : memref<2048xf32, #tpu.memory_space<vmem>> -> memref<128xf32, #tpu.memory_space<vmem>>
    tpu.wait_dma2 semaphore(%arg38 : memref<!tpu.dma_semaphore, #tpu.memory_space<semaphore_mem>>) src(%dma_wait3A_369 : memref<128xf32, #tpu.memory_space<vmem>>) dst(%dma_wait3A_367 : memref<128xf32, #tpu.memory_space<hbm>>)
    %dma_wait3A_370 = arith.constant 13 : i32
    %dma_wait3A_371 = arith.constant 1664 : i32
    %dma_wait3A_372 = tpu.memref_slice %arg29[%dma_wait3A_371] : memref<2048xf32, #tpu.memory_space<vmem>> -> memref<128xf32, #tpu.memory_space<vmem>>
    %dma_wait3A_373 = arith.constant 0 : i32
    %dma_wait3A_374 = tpu.memref_slice %arg8[%dma_wait3A_370, %dma_wait3A_373] : memref<16x320000xf32, #tpu.memory_space<hbm>> -> memref<1x128xf32, #tpu.memory_space<hbm>>
    %dma_wait3A_375 = tpu.memref_squeeze %dma_wait3A_374 : memref<1x128xf32, #tpu.memory_space<hbm>> -> memref<128xf32, #tpu.memory_space<hbm>>
    %dma_wait3A_376 = arith.constant 0 : i32
    %dma_wait3A_377 = tpu.memref_slice %arg8[%dma_wait3A_370, %dma_wait3A_376] : memref<16x320000xf32, #tpu.memory_space<hbm>> -> memref<1x128xf32, #tpu.memory_space<hbm>>
    %dma_wait3A_378 = tpu.memref_squeeze %dma_wait3A_377 : memref<1x128xf32, #tpu.memory_space<hbm>> -> memref<128xf32, #tpu.memory_space<hbm>>
    %dma_wait3A_379 = arith.constant 1664 : i32
    %dma_wait3A_380 = tpu.memref_slice %arg29[%dma_wait3A_379] : memref<2048xf32, #tpu.memory_space<vmem>> -> memref<128xf32, #tpu.memory_space<vmem>>
    tpu.wait_dma2 semaphore(%arg38 : memref<!tpu.dma_semaphore, #tpu.memory_space<semaphore_mem>>) src(%dma_wait3A_380 : memref<128xf32, #tpu.memory_space<vmem>>) dst(%dma_wait3A_378 : memref<128xf32, #tpu.memory_space<hbm>>)
    %dma_wait3A_381 = arith.constant 14 : i32
    %dma_wait3A_382 = arith.constant 1792 : i32
    %dma_wait3A_383 = tpu.memref_slice %arg29[%dma_wait3A_382] : memref<2048xf32, #tpu.memory_space<vmem>> -> memref<128xf32, #tpu.memory_space<vmem>>
    %dma_wait3A_384 = arith.constant 0 : i32
    %dma_wait3A_385 = tpu.memref_slice %arg8[%dma_wait3A_381, %dma_wait3A_384] : memref<16x320000xf32, #tpu.memory_space<hbm>> -> memref<1x128xf32, #tpu.memory_space<hbm>>
    %dma_wait3A_386 = tpu.memref_squeeze %dma_wait3A_385 : memref<1x128xf32, #tpu.memory_space<hbm>> -> memref<128xf32, #tpu.memory_space<hbm>>
    %dma_wait3A_387 = arith.constant 0 : i32
    %dma_wait3A_388 = tpu.memref_slice %arg8[%dma_wait3A_381, %dma_wait3A_387] : memref<16x320000xf32, #tpu.memory_space<hbm>> -> memref<1x128xf32, #tpu.memory_space<hbm>>
    %dma_wait3A_389 = tpu.memref_squeeze %dma_wait3A_388 : memref<1x128xf32, #tpu.memory_space<hbm>> -> memref<128xf32, #tpu.memory_space<hbm>>
    %dma_wait3A_390 = arith.constant 1792 : i32
    %dma_wait3A_391 = tpu.memref_slice %arg29[%dma_wait3A_390] : memref<2048xf32, #tpu.memory_space<vmem>> -> memref<128xf32, #tpu.memory_space<vmem>>
    tpu.wait_dma2 semaphore(%arg38 : memref<!tpu.dma_semaphore, #tpu.memory_space<semaphore_mem>>) src(%dma_wait3A_391 : memref<128xf32, #tpu.memory_space<vmem>>) dst(%dma_wait3A_389 : memref<128xf32, #tpu.memory_space<hbm>>)
    %dma_wait3A_392 = arith.constant 15 : i32
    %dma_wait3A_393 = arith.constant 1920 : i32
    %dma_wait3A_394 = tpu.memref_slice %arg29[%dma_wait3A_393] : memref<2048xf32, #tpu.memory_space<vmem>> -> memref<128xf32, #tpu.memory_space<vmem>>
    %dma_wait3A_395 = arith.constant 0 : i32
    %dma_wait3A_396 = tpu.memref_slice %arg8[%dma_wait3A_392, %dma_wait3A_395] : memref<16x320000xf32, #tpu.memory_space<hbm>> -> memref<1x128xf32, #tpu.memory_space<hbm>>
    %dma_wait3A_397 = tpu.memref_squeeze %dma_wait3A_396 : memref<1x128xf32, #tpu.memory_space<hbm>> -> memref<128xf32, #tpu.memory_space<hbm>>
    %dma_wait3A_398 = arith.constant 0 : i32
    %dma_wait3A_399 = tpu.memref_slice %arg8[%dma_wait3A_392, %dma_wait3A_398] : memref<16x320000xf32, #tpu.memory_space<hbm>> -> memref<1x128xf32, #tpu.memory_space<hbm>>
    %dma_wait3A_400 = tpu.memref_squeeze %dma_wait3A_399 : memref<1x128xf32, #tpu.memory_space<hbm>> -> memref<128xf32, #tpu.memory_space<hbm>>
    %dma_wait3A_401 = arith.constant 1920 : i32
    %dma_wait3A_402 = tpu.memref_slice %arg29[%dma_wait3A_401] : memref<2048xf32, #tpu.memory_space<vmem>> -> memref<128xf32, #tpu.memory_space<vmem>>
    tpu.wait_dma2 semaphore(%arg38 : memref<!tpu.dma_semaphore, #tpu.memory_space<semaphore_mem>>) src(%dma_wait3A_402 : memref<128xf32, #tpu.memory_space<vmem>>) dst(%dma_wait3A_400 : memref<128xf32, #tpu.memory_space<hbm>>)
    %dma_wait3A_403 = arith.constant 0 : i32
    %dma_wait3A_404 = arith.constant 0 : i32
    %dma_wait3A_405 = tpu.memref_slice %arg30[%dma_wait3A_404] : memref<2048xf32, #tpu.memory_space<vmem>> -> memref<128xf32, #tpu.memory_space<vmem>>
    %dma_wait3A_406 = arith.constant 0 : i32
    %dma_wait3A_407 = tpu.memref_slice %arg8[%dma_wait3A_403, %dma_wait3A_406] : memref<16x320000xf32, #tpu.memory_space<hbm>> -> memref<1x128xf32, #tpu.memory_space<hbm>>
    %dma_wait3A_408 = tpu.memref_squeeze %dma_wait3A_407 : memref<1x128xf32, #tpu.memory_space<hbm>> -> memref<128xf32, #tpu.memory_space<hbm>>
    %dma_wait3A_409 = arith.constant 0 : i32
    %dma_wait3A_410 = tpu.memref_slice %arg8[%dma_wait3A_403, %dma_wait3A_409] : memref<16x320000xf32, #tpu.memory_space<hbm>> -> memref<1x128xf32, #tpu.memory_space<hbm>>
    %dma_wait3A_411 = tpu.memref_squeeze %dma_wait3A_410 : memref<1x128xf32, #tpu.memory_space<hbm>> -> memref<128xf32, #tpu.memory_space<hbm>>
    %dma_wait3A_412 = arith.constant 0 : i32
    %dma_wait3A_413 = tpu.memref_slice %arg30[%dma_wait3A_412] : memref<2048xf32, #tpu.memory_space<vmem>> -> memref<128xf32, #tpu.memory_space<vmem>>
    tpu.wait_dma2 semaphore(%arg39 : memref<!tpu.dma_semaphore, #tpu.memory_space<semaphore_mem>>) src(%dma_wait3A_413 : memref<128xf32, #tpu.memory_space<vmem>>) dst(%dma_wait3A_411 : memref<128xf32, #tpu.memory_space<hbm>>)
    %dma_wait3A_414 = arith.constant 1 : i32
    %dma_wait3A_415 = arith.constant 128 : i32
    %dma_wait3A_416 = tpu.memref_slice %arg30[%dma_wait3A_415] : memref<2048xf32, #tpu.memory_space<vmem>> -> memref<128xf32, #tpu.memory_space<vmem>>
    %dma_wait3A_417 = arith.constant 0 : i32
    %dma_wait3A_418 = tpu.memref_slice %arg8[%dma_wait3A_414, %dma_wait3A_417] : memref<16x320000xf32, #tpu.memory_space<hbm>> -> memref<1x128xf32, #tpu.memory_space<hbm>>
    %dma_wait3A_419 = tpu.memref_squeeze %dma_wait3A_418 : memref<1x128xf32, #tpu.memory_space<hbm>> -> memref<128xf32, #tpu.memory_space<hbm>>
    %dma_wait3A_420 = arith.constant 0 : i32
    %dma_wait3A_421 = tpu.memref_slice %arg8[%dma_wait3A_414, %dma_wait3A_420] : memref<16x320000xf32, #tpu.memory_space<hbm>> -> memref<1x128xf32, #tpu.memory_space<hbm>>
    %dma_wait3A_422 = tpu.memref_squeeze %dma_wait3A_421 : memref<1x128xf32, #tpu.memory_space<hbm>> -> memref<128xf32, #tpu.memory_space<hbm>>
    %dma_wait3A_423 = arith.constant 128 : i32
    %dma_wait3A_424 = tpu.memref_slice %arg30[%dma_wait3A_423] : memref<2048xf32, #tpu.memory_space<vmem>> -> memref<128xf32, #tpu.memory_space<vmem>>
    tpu.wait_dma2 semaphore(%arg39 : memref<!tpu.dma_semaphore, #tpu.memory_space<semaphore_mem>>) src(%dma_wait3A_424 : memref<128xf32, #tpu.memory_space<vmem>>) dst(%dma_wait3A_422 : memref<128xf32, #tpu.memory_space<hbm>>)
    %dma_wait3A_425 = arith.constant 2 : i32
    %dma_wait3A_426 = arith.constant 256 : i32
    %dma_wait3A_427 = tpu.memref_slice %arg30[%dma_wait3A_426] : memref<2048xf32, #tpu.memory_space<vmem>> -> memref<128xf32, #tpu.memory_space<vmem>>
    %dma_wait3A_428 = arith.constant 0 : i32
    %dma_wait3A_429 = tpu.memref_slice %arg8[%dma_wait3A_425, %dma_wait3A_428] : memref<16x320000xf32, #tpu.memory_space<hbm>> -> memref<1x128xf32, #tpu.memory_space<hbm>>
    %dma_wait3A_430 = tpu.memref_squeeze %dma_wait3A_429 : memref<1x128xf32, #tpu.memory_space<hbm>> -> memref<128xf32, #tpu.memory_space<hbm>>
    %dma_wait3A_431 = arith.constant 0 : i32
    %dma_wait3A_432 = tpu.memref_slice %arg8[%dma_wait3A_425, %dma_wait3A_431] : memref<16x320000xf32, #tpu.memory_space<hbm>> -> memref<1x128xf32, #tpu.memory_space<hbm>>
    %dma_wait3A_433 = tpu.memref_squeeze %dma_wait3A_432 : memref<1x128xf32, #tpu.memory_space<hbm>> -> memref<128xf32, #tpu.memory_space<hbm>>
    %dma_wait3A_434 = arith.constant 256 : i32
    %dma_wait3A_435 = tpu.memref_slice %arg30[%dma_wait3A_434] : memref<2048xf32, #tpu.memory_space<vmem>> -> memref<128xf32, #tpu.memory_space<vmem>>
    tpu.wait_dma2 semaphore(%arg39 : memref<!tpu.dma_semaphore, #tpu.memory_space<semaphore_mem>>) src(%dma_wait3A_435 : memref<128xf32, #tpu.memory_space<vmem>>) dst(%dma_wait3A_433 : memref<128xf32, #tpu.memory_space<hbm>>)
    %dma_wait3A_436 = arith.constant 3 : i32
    %dma_wait3A_437 = arith.constant 384 : i32
    %dma_wait3A_438 = tpu.memref_slice %arg30[%dma_wait3A_437] : memref<2048xf32, #tpu.memory_space<vmem>> -> memref<128xf32, #tpu.memory_space<vmem>>
    %dma_wait3A_439 = arith.constant 0 : i32
    %dma_wait3A_440 = tpu.memref_slice %arg8[%dma_wait3A_436, %dma_wait3A_439] : memref<16x320000xf32, #tpu.memory_space<hbm>> -> memref<1x128xf32, #tpu.memory_space<hbm>>
    %dma_wait3A_441 = tpu.memref_squeeze %dma_wait3A_440 : memref<1x128xf32, #tpu.memory_space<hbm>> -> memref<128xf32, #tpu.memory_space<hbm>>
    %dma_wait3A_442 = arith.constant 0 : i32
    %dma_wait3A_443 = tpu.memref_slice %arg8[%dma_wait3A_436, %dma_wait3A_442] : memref<16x320000xf32, #tpu.memory_space<hbm>> -> memref<1x128xf32, #tpu.memory_space<hbm>>
    %dma_wait3A_444 = tpu.memref_squeeze %dma_wait3A_443 : memref<1x128xf32, #tpu.memory_space<hbm>> -> memref<128xf32, #tpu.memory_space<hbm>>
    %dma_wait3A_445 = arith.constant 384 : i32
    %dma_wait3A_446 = tpu.memref_slice %arg30[%dma_wait3A_445] : memref<2048xf32, #tpu.memory_space<vmem>> -> memref<128xf32, #tpu.memory_space<vmem>>
    tpu.wait_dma2 semaphore(%arg39 : memref<!tpu.dma_semaphore, #tpu.memory_space<semaphore_mem>>) src(%dma_wait3A_446 : memref<128xf32, #tpu.memory_space<vmem>>) dst(%dma_wait3A_444 : memref<128xf32, #tpu.memory_space<hbm>>)
    %dma_wait3A_447 = arith.constant 4 : i32
    %dma_wait3A_448 = arith.constant 512 : i32
    %dma_wait3A_449 = tpu.memref_slice %arg30[%dma_wait3A_448] : memref<2048xf32, #tpu.memory_space<vmem>> -> memref<128xf32, #tpu.memory_space<vmem>>
    %dma_wait3A_450 = arith.constant 0 : i32
    %dma_wait3A_451 = tpu.memref_slice %arg8[%dma_wait3A_447, %dma_wait3A_450] : memref<16x320000xf32, #tpu.memory_space<hbm>> -> memref<1x128xf32, #tpu.memory_space<hbm>>
    %dma_wait3A_452 = tpu.memref_squeeze %dma_wait3A_451 : memref<1x128xf32, #tpu.memory_space<hbm>> -> memref<128xf32, #tpu.memory_space<hbm>>
    %dma_wait3A_453 = arith.constant 0 : i32
    %dma_wait3A_454 = tpu.memref_slice %arg8[%dma_wait3A_447, %dma_wait3A_453] : memref<16x320000xf32, #tpu.memory_space<hbm>> -> memref<1x128xf32, #tpu.memory_space<hbm>>
    %dma_wait3A_455 = tpu.memref_squeeze %dma_wait3A_454 : memref<1x128xf32, #tpu.memory_space<hbm>> -> memref<128xf32, #tpu.memory_space<hbm>>
    %dma_wait3A_456 = arith.constant 512 : i32
    %dma_wait3A_457 = tpu.memref_slice %arg30[%dma_wait3A_456] : memref<2048xf32, #tpu.memory_space<vmem>> -> memref<128xf32, #tpu.memory_space<vmem>>
    tpu.wait_dma2 semaphore(%arg39 : memref<!tpu.dma_semaphore, #tpu.memory_space<semaphore_mem>>) src(%dma_wait3A_457 : memref<128xf32, #tpu.memory_space<vmem>>) dst(%dma_wait3A_455 : memref<128xf32, #tpu.memory_space<hbm>>)
    %dma_wait3A_458 = arith.constant 5 : i32
    %dma_wait3A_459 = arith.constant 640 : i32
    %dma_wait3A_460 = tpu.memref_slice %arg30[%dma_wait3A_459] : memref<2048xf32, #tpu.memory_space<vmem>> -> memref<128xf32, #tpu.memory_space<vmem>>
    %dma_wait3A_461 = arith.constant 0 : i32
    %dma_wait3A_462 = tpu.memref_slice %arg8[%dma_wait3A_458, %dma_wait3A_461] : memref<16x320000xf32, #tpu.memory_space<hbm>> -> memref<1x128xf32, #tpu.memory_space<hbm>>
    %dma_wait3A_463 = tpu.memref_squeeze %dma_wait3A_462 : memref<1x128xf32, #tpu.memory_space<hbm>> -> memref<128xf32, #tpu.memory_space<hbm>>
    %dma_wait3A_464 = arith.constant 0 : i32
    %dma_wait3A_465 = tpu.memref_slice %arg8[%dma_wait3A_458, %dma_wait3A_464] : memref<16x320000xf32, #tpu.memory_space<hbm>> -> memref<1x128xf32, #tpu.memory_space<hbm>>
    %dma_wait3A_466 = tpu.memref_squeeze %dma_wait3A_465 : memref<1x128xf32, #tpu.memory_space<hbm>> -> memref<128xf32, #tpu.memory_space<hbm>>
    %dma_wait3A_467 = arith.constant 640 : i32
    %dma_wait3A_468 = tpu.memref_slice %arg30[%dma_wait3A_467] : memref<2048xf32, #tpu.memory_space<vmem>> -> memref<128xf32, #tpu.memory_space<vmem>>
    tpu.wait_dma2 semaphore(%arg39 : memref<!tpu.dma_semaphore, #tpu.memory_space<semaphore_mem>>) src(%dma_wait3A_468 : memref<128xf32, #tpu.memory_space<vmem>>) dst(%dma_wait3A_466 : memref<128xf32, #tpu.memory_space<hbm>>)
    %dma_wait3A_469 = arith.constant 6 : i32
    %dma_wait3A_470 = arith.constant 768 : i32
    %dma_wait3A_471 = tpu.memref_slice %arg30[%dma_wait3A_470] : memref<2048xf32, #tpu.memory_space<vmem>> -> memref<128xf32, #tpu.memory_space<vmem>>
    %dma_wait3A_472 = arith.constant 0 : i32
    %dma_wait3A_473 = tpu.memref_slice %arg8[%dma_wait3A_469, %dma_wait3A_472] : memref<16x320000xf32, #tpu.memory_space<hbm>> -> memref<1x128xf32, #tpu.memory_space<hbm>>
    %dma_wait3A_474 = tpu.memref_squeeze %dma_wait3A_473 : memref<1x128xf32, #tpu.memory_space<hbm>> -> memref<128xf32, #tpu.memory_space<hbm>>
    %dma_wait3A_475 = arith.constant 0 : i32
    %dma_wait3A_476 = tpu.memref_slice %arg8[%dma_wait3A_469, %dma_wait3A_475] : memref<16x320000xf32, #tpu.memory_space<hbm>> -> memref<1x128xf32, #tpu.memory_space<hbm>>
    %dma_wait3A_477 = tpu.memref_squeeze %dma_wait3A_476 : memref<1x128xf32, #tpu.memory_space<hbm>> -> memref<128xf32, #tpu.memory_space<hbm>>
    %dma_wait3A_478 = arith.constant 768 : i32
    %dma_wait3A_479 = tpu.memref_slice %arg30[%dma_wait3A_478] : memref<2048xf32, #tpu.memory_space<vmem>> -> memref<128xf32, #tpu.memory_space<vmem>>
    tpu.wait_dma2 semaphore(%arg39 : memref<!tpu.dma_semaphore, #tpu.memory_space<semaphore_mem>>) src(%dma_wait3A_479 : memref<128xf32, #tpu.memory_space<vmem>>) dst(%dma_wait3A_477 : memref<128xf32, #tpu.memory_space<hbm>>)
    %dma_wait3A_480 = arith.constant 7 : i32
    %dma_wait3A_481 = arith.constant 896 : i32
    %dma_wait3A_482 = tpu.memref_slice %arg30[%dma_wait3A_481] : memref<2048xf32, #tpu.memory_space<vmem>> -> memref<128xf32, #tpu.memory_space<vmem>>
    %dma_wait3A_483 = arith.constant 0 : i32
    %dma_wait3A_484 = tpu.memref_slice %arg8[%dma_wait3A_480, %dma_wait3A_483] : memref<16x320000xf32, #tpu.memory_space<hbm>> -> memref<1x128xf32, #tpu.memory_space<hbm>>
    %dma_wait3A_485 = tpu.memref_squeeze %dma_wait3A_484 : memref<1x128xf32, #tpu.memory_space<hbm>> -> memref<128xf32, #tpu.memory_space<hbm>>
    %dma_wait3A_486 = arith.constant 0 : i32
    %dma_wait3A_487 = tpu.memref_slice %arg8[%dma_wait3A_480, %dma_wait3A_486] : memref<16x320000xf32, #tpu.memory_space<hbm>> -> memref<1x128xf32, #tpu.memory_space<hbm>>
    %dma_wait3A_488 = tpu.memref_squeeze %dma_wait3A_487 : memref<1x128xf32, #tpu.memory_space<hbm>> -> memref<128xf32, #tpu.memory_space<hbm>>
    %dma_wait3A_489 = arith.constant 896 : i32
    %dma_wait3A_490 = tpu.memref_slice %arg30[%dma_wait3A_489] : memref<2048xf32, #tpu.memory_space<vmem>> -> memref<128xf32, #tpu.memory_space<vmem>>
    tpu.wait_dma2 semaphore(%arg39 : memref<!tpu.dma_semaphore, #tpu.memory_space<semaphore_mem>>) src(%dma_wait3A_490 : memref<128xf32, #tpu.memory_space<vmem>>) dst(%dma_wait3A_488 : memref<128xf32, #tpu.memory_space<hbm>>)
    %dma_wait3A_491 = arith.constant 8 : i32
    %dma_wait3A_492 = arith.constant 1024 : i32
    %dma_wait3A_493 = tpu.memref_slice %arg30[%dma_wait3A_492] : memref<2048xf32, #tpu.memory_space<vmem>> -> memref<128xf32, #tpu.memory_space<vmem>>
    %dma_wait3A_494 = arith.constant 0 : i32
    %dma_wait3A_495 = tpu.memref_slice %arg8[%dma_wait3A_491, %dma_wait3A_494] : memref<16x320000xf32, #tpu.memory_space<hbm>> -> memref<1x128xf32, #tpu.memory_space<hbm>>
    %dma_wait3A_496 = tpu.memref_squeeze %dma_wait3A_495 : memref<1x128xf32, #tpu.memory_space<hbm>> -> memref<128xf32, #tpu.memory_space<hbm>>
    %dma_wait3A_497 = arith.constant 0 : i32
    %dma_wait3A_498 = tpu.memref_slice %arg8[%dma_wait3A_491, %dma_wait3A_497] : memref<16x320000xf32, #tpu.memory_space<hbm>> -> memref<1x128xf32, #tpu.memory_space<hbm>>
    %dma_wait3A_499 = tpu.memref_squeeze %dma_wait3A_498 : memref<1x128xf32, #tpu.memory_space<hbm>> -> memref<128xf32, #tpu.memory_space<hbm>>
    %dma_wait3A_500 = arith.constant 1024 : i32
    %dma_wait3A_501 = tpu.memref_slice %arg30[%dma_wait3A_500] : memref<2048xf32, #tpu.memory_space<vmem>> -> memref<128xf32, #tpu.memory_space<vmem>>
    tpu.wait_dma2 semaphore(%arg39 : memref<!tpu.dma_semaphore, #tpu.memory_space<semaphore_mem>>) src(%dma_wait3A_501 : memref<128xf32, #tpu.memory_space<vmem>>) dst(%dma_wait3A_499 : memref<128xf32, #tpu.memory_space<hbm>>)
    %dma_wait3A_502 = arith.constant 9 : i32
    %dma_wait3A_503 = arith.constant 1152 : i32
    %dma_wait3A_504 = tpu.memref_slice %arg30[%dma_wait3A_503] : memref<2048xf32, #tpu.memory_space<vmem>> -> memref<128xf32, #tpu.memory_space<vmem>>
    %dma_wait3A_505 = arith.constant 0 : i32
    %dma_wait3A_506 = tpu.memref_slice %arg8[%dma_wait3A_502, %dma_wait3A_505] : memref<16x320000xf32, #tpu.memory_space<hbm>> -> memref<1x128xf32, #tpu.memory_space<hbm>>
    %dma_wait3A_507 = tpu.memref_squeeze %dma_wait3A_506 : memref<1x128xf32, #tpu.memory_space<hbm>> -> memref<128xf32, #tpu.memory_space<hbm>>
    %dma_wait3A_508 = arith.constant 0 : i32
    %dma_wait3A_509 = tpu.memref_slice %arg8[%dma_wait3A_502, %dma_wait3A_508] : memref<16x320000xf32, #tpu.memory_space<hbm>> -> memref<1x128xf32, #tpu.memory_space<hbm>>
    %dma_wait3A_510 = tpu.memref_squeeze %dma_wait3A_509 : memref<1x128xf32, #tpu.memory_space<hbm>> -> memref<128xf32, #tpu.memory_space<hbm>>
    %dma_wait3A_511 = arith.constant 1152 : i32
    %dma_wait3A_512 = tpu.memref_slice %arg30[%dma_wait3A_511] : memref<2048xf32, #tpu.memory_space<vmem>> -> memref<128xf32, #tpu.memory_space<vmem>>
    tpu.wait_dma2 semaphore(%arg39 : memref<!tpu.dma_semaphore, #tpu.memory_space<semaphore_mem>>) src(%dma_wait3A_512 : memref<128xf32, #tpu.memory_space<vmem>>) dst(%dma_wait3A_510 : memref<128xf32, #tpu.memory_space<hbm>>)
    %dma_wait3A_513 = arith.constant 10 : i32
    %dma_wait3A_514 = arith.constant 1280 : i32
    %dma_wait3A_515 = tpu.memref_slice %arg30[%dma_wait3A_514] : memref<2048xf32, #tpu.memory_space<vmem>> -> memref<128xf32, #tpu.memory_space<vmem>>
    %dma_wait3A_516 = arith.constant 0 : i32
    %dma_wait3A_517 = tpu.memref_slice %arg8[%dma_wait3A_513, %dma_wait3A_516] : memref<16x320000xf32, #tpu.memory_space<hbm>> -> memref<1x128xf32, #tpu.memory_space<hbm>>
    %dma_wait3A_518 = tpu.memref_squeeze %dma_wait3A_517 : memref<1x128xf32, #tpu.memory_space<hbm>> -> memref<128xf32, #tpu.memory_space<hbm>>
    %dma_wait3A_519 = arith.constant 0 : i32
    %dma_wait3A_520 = tpu.memref_slice %arg8[%dma_wait3A_513, %dma_wait3A_519] : memref<16x320000xf32, #tpu.memory_space<hbm>> -> memref<1x128xf32, #tpu.memory_space<hbm>>
    %dma_wait3A_521 = tpu.memref_squeeze %dma_wait3A_520 : memref<1x128xf32, #tpu.memory_space<hbm>> -> memref<128xf32, #tpu.memory_space<hbm>>
    %dma_wait3A_522 = arith.constant 1280 : i32
    %dma_wait3A_523 = tpu.memref_slice %arg30[%dma_wait3A_522] : memref<2048xf32, #tpu.memory_space<vmem>> -> memref<128xf32, #tpu.memory_space<vmem>>
    tpu.wait_dma2 semaphore(%arg39 : memref<!tpu.dma_semaphore, #tpu.memory_space<semaphore_mem>>) src(%dma_wait3A_523 : memref<128xf32, #tpu.memory_space<vmem>>) dst(%dma_wait3A_521 : memref<128xf32, #tpu.memory_space<hbm>>)
    %dma_wait3A_524 = arith.constant 11 : i32
    %dma_wait3A_525 = arith.constant 1408 : i32
    %dma_wait3A_526 = tpu.memref_slice %arg30[%dma_wait3A_525] : memref<2048xf32, #tpu.memory_space<vmem>> -> memref<128xf32, #tpu.memory_space<vmem>>
    %dma_wait3A_527 = arith.constant 0 : i32
    %dma_wait3A_528 = tpu.memref_slice %arg8[%dma_wait3A_524, %dma_wait3A_527] : memref<16x320000xf32, #tpu.memory_space<hbm>> -> memref<1x128xf32, #tpu.memory_space<hbm>>
    %dma_wait3A_529 = tpu.memref_squeeze %dma_wait3A_528 : memref<1x128xf32, #tpu.memory_space<hbm>> -> memref<128xf32, #tpu.memory_space<hbm>>
    %dma_wait3A_530 = arith.constant 0 : i32
    %dma_wait3A_531 = tpu.memref_slice %arg8[%dma_wait3A_524, %dma_wait3A_530] : memref<16x320000xf32, #tpu.memory_space<hbm>> -> memref<1x128xf32, #tpu.memory_space<hbm>>
    %dma_wait3A_532 = tpu.memref_squeeze %dma_wait3A_531 : memref<1x128xf32, #tpu.memory_space<hbm>> -> memref<128xf32, #tpu.memory_space<hbm>>
    %dma_wait3A_533 = arith.constant 1408 : i32
    %dma_wait3A_534 = tpu.memref_slice %arg30[%dma_wait3A_533] : memref<2048xf32, #tpu.memory_space<vmem>> -> memref<128xf32, #tpu.memory_space<vmem>>
    tpu.wait_dma2 semaphore(%arg39 : memref<!tpu.dma_semaphore, #tpu.memory_space<semaphore_mem>>) src(%dma_wait3A_534 : memref<128xf32, #tpu.memory_space<vmem>>) dst(%dma_wait3A_532 : memref<128xf32, #tpu.memory_space<hbm>>)
    %dma_wait3A_535 = arith.constant 12 : i32
    %dma_wait3A_536 = arith.constant 1536 : i32
    %dma_wait3A_537 = tpu.memref_slice %arg30[%dma_wait3A_536] : memref<2048xf32, #tpu.memory_space<vmem>> -> memref<128xf32, #tpu.memory_space<vmem>>
    %dma_wait3A_538 = arith.constant 0 : i32
    %dma_wait3A_539 = tpu.memref_slice %arg8[%dma_wait3A_535, %dma_wait3A_538] : memref<16x320000xf32, #tpu.memory_space<hbm>> -> memref<1x128xf32, #tpu.memory_space<hbm>>
    %dma_wait3A_540 = tpu.memref_squeeze %dma_wait3A_539 : memref<1x128xf32, #tpu.memory_space<hbm>> -> memref<128xf32, #tpu.memory_space<hbm>>
    %dma_wait3A_541 = arith.constant 0 : i32
    %dma_wait3A_542 = tpu.memref_slice %arg8[%dma_wait3A_535, %dma_wait3A_541] : memref<16x320000xf32, #tpu.memory_space<hbm>> -> memref<1x128xf32, #tpu.memory_space<hbm>>
    %dma_wait3A_543 = tpu.memref_squeeze %dma_wait3A_542 : memref<1x128xf32, #tpu.memory_space<hbm>> -> memref<128xf32, #tpu.memory_space<hbm>>
    %dma_wait3A_544 = arith.constant 1536 : i32
    %dma_wait3A_545 = tpu.memref_slice %arg30[%dma_wait3A_544] : memref<2048xf32, #tpu.memory_space<vmem>> -> memref<128xf32, #tpu.memory_space<vmem>>
    tpu.wait_dma2 semaphore(%arg39 : memref<!tpu.dma_semaphore, #tpu.memory_space<semaphore_mem>>) src(%dma_wait3A_545 : memref<128xf32, #tpu.memory_space<vmem>>) dst(%dma_wait3A_543 : memref<128xf32, #tpu.memory_space<hbm>>)
    %dma_wait3A_546 = arith.constant 13 : i32
    %dma_wait3A_547 = arith.constant 1664 : i32
    %dma_wait3A_548 = tpu.memref_slice %arg30[%dma_wait3A_547] : memref<2048xf32, #tpu.memory_space<vmem>> -> memref<128xf32, #tpu.memory_space<vmem>>
    %dma_wait3A_549 = arith.constant 0 : i32
    %dma_wait3A_550 = tpu.memref_slice %arg8[%dma_wait3A_546, %dma_wait3A_549] : memref<16x320000xf32, #tpu.memory_space<hbm>> -> memref<1x128xf32, #tpu.memory_space<hbm>>
    %dma_wait3A_551 = tpu.memref_squeeze %dma_wait3A_550 : memref<1x128xf32, #tpu.memory_space<hbm>> -> memref<128xf32, #tpu.memory_space<hbm>>
    %dma_wait3A_552 = arith.constant 0 : i32
    %dma_wait3A_553 = tpu.memref_slice %arg8[%dma_wait3A_546, %dma_wait3A_552] : memref<16x320000xf32, #tpu.memory_space<hbm>> -> memref<1x128xf32, #tpu.memory_space<hbm>>
    %dma_wait3A_554 = tpu.memref_squeeze %dma_wait3A_553 : memref<1x128xf32, #tpu.memory_space<hbm>> -> memref<128xf32, #tpu.memory_space<hbm>>
    %dma_wait3A_555 = arith.constant 1664 : i32
    %dma_wait3A_556 = tpu.memref_slice %arg30[%dma_wait3A_555] : memref<2048xf32, #tpu.memory_space<vmem>> -> memref<128xf32, #tpu.memory_space<vmem>>
    tpu.wait_dma2 semaphore(%arg39 : memref<!tpu.dma_semaphore, #tpu.memory_space<semaphore_mem>>) src(%dma_wait3A_556 : memref<128xf32, #tpu.memory_space<vmem>>) dst(%dma_wait3A_554 : memref<128xf32, #tpu.memory_space<hbm>>)
    %dma_wait3A_557 = arith.constant 14 : i32
    %dma_wait3A_558 = arith.constant 1792 : i32
    %dma_wait3A_559 = tpu.memref_slice %arg30[%dma_wait3A_558] : memref<2048xf32, #tpu.memory_space<vmem>> -> memref<128xf32, #tpu.memory_space<vmem>>
    %dma_wait3A_560 = arith.constant 0 : i32
    %dma_wait3A_561 = tpu.memref_slice %arg8[%dma_wait3A_557, %dma_wait3A_560] : memref<16x320000xf32, #tpu.memory_space<hbm>> -> memref<1x128xf32, #tpu.memory_space<hbm>>
    %dma_wait3A_562 = tpu.memref_squeeze %dma_wait3A_561 : memref<1x128xf32, #tpu.memory_space<hbm>> -> memref<128xf32, #tpu.memory_space<hbm>>
    %dma_wait3A_563 = arith.constant 0 : i32
    %dma_wait3A_564 = tpu.memref_slice %arg8[%dma_wait3A_557, %dma_wait3A_563] : memref<16x320000xf32, #tpu.memory_space<hbm>> -> memref<1x128xf32, #tpu.memory_space<hbm>>
    %dma_wait3A_565 = tpu.memref_squeeze %dma_wait3A_564 : memref<1x128xf32, #tpu.memory_space<hbm>> -> memref<128xf32, #tpu.memory_space<hbm>>
    %dma_wait3A_566 = arith.constant 1792 : i32
    %dma_wait3A_567 = tpu.memref_slice %arg30[%dma_wait3A_566] : memref<2048xf32, #tpu.memory_space<vmem>> -> memref<128xf32, #tpu.memory_space<vmem>>
    tpu.wait_dma2 semaphore(%arg39 : memref<!tpu.dma_semaphore, #tpu.memory_space<semaphore_mem>>) src(%dma_wait3A_567 : memref<128xf32, #tpu.memory_space<vmem>>) dst(%dma_wait3A_565 : memref<128xf32, #tpu.memory_space<hbm>>)
    %dma_wait3A_568 = arith.constant 15 : i32
    %dma_wait3A_569 = arith.constant 1920 : i32
    %dma_wait3A_570 = tpu.memref_slice %arg30[%dma_wait3A_569] : memref<2048xf32, #tpu.memory_space<vmem>> -> memref<128xf32, #tpu.memory_space<vmem>>
    %dma_wait3A_571 = arith.constant 0 : i32
    %dma_wait3A_572 = tpu.memref_slice %arg8[%dma_wait3A_568, %dma_wait3A_571] : memref<16x320000xf32, #tpu.memory_space<hbm>> -> memref<1x128xf32, #tpu.memory_space<hbm>>
    %dma_wait3A_573 = tpu.memref_squeeze %dma_wait3A_572 : memref<1x128xf32, #tpu.memory_space<hbm>> -> memref<128xf32, #tpu.memory_space<hbm>>
    %dma_wait3A_574 = arith.constant 0 : i32
    %dma_wait3A_575 = tpu.memref_slice %arg8[%dma_wait3A_568, %dma_wait3A_574] : memref<16x320000xf32, #tpu.memory_space<hbm>> -> memref<1x128xf32, #tpu.memory_space<hbm>>
    %dma_wait3A_576 = tpu.memref_squeeze %dma_wait3A_575 : memref<1x128xf32, #tpu.memory_space<hbm>> -> memref<128xf32, #tpu.memory_space<hbm>>
    %dma_wait3A_577 = arith.constant 1920 : i32
    %dma_wait3A_578 = tpu.memref_slice %arg30[%dma_wait3A_577] : memref<2048xf32, #tpu.memory_space<vmem>> -> memref<128xf32, #tpu.memory_space<vmem>>
    tpu.wait_dma2 semaphore(%arg39 : memref<!tpu.dma_semaphore, #tpu.memory_space<semaphore_mem>>) src(%dma_wait3A_578 : memref<128xf32, #tpu.memory_space<vmem>>) dst(%dma_wait3A_576 : memref<128xf32, #tpu.memory_space<hbm>>)
    %lt3A = arith.constant 4 : i32
    %lt3A_579 = arith.cmpi slt, %add3A, %lt3A : i32
    %convert_element_type3A_580 = arith.extui %lt3A_579 : i1 to i32
    %cond3A_581 = arith.constant 0 : i32
    %cond3A_582 = arith.cmpi ne, %convert_element_type3A_580, %cond3A_581 : i32
    scf.if %cond3A_582 {
      %add3A_589 = arith.constant 78 : i32
      %add3A_590 = arith.addi %add3A_4, %add3A_589 : i32
      %mul3A_591 = arith.constant 128 : i32
      %mul3A_592 = arith.muli %add3A_590, %mul3A_591 : i32
      %multiple_of3A_593 = tpu.assume_multiple %mul3A_592, 8 : i32
      "tpu.region"() ({
        %run_scoped3A_627 = tpu.sem_alloc : memref<!tpu.dma_semaphore, #tpu.memory_space<semaphore_mem>>
        %dma_start3A_628 = tpu.memref_slice %arg3[%multiple_of3A_593] : memref<320000xi32, #tpu.memory_space<hbm>> -> memref<128xi32, #tpu.memory_space<hbm>>
        %dma_start3A_629 = tpu.memref_slice %arg3[%multiple_of3A_593] : memref<320000xi32, #tpu.memory_space<hbm>> -> memref<128xi32, #tpu.memory_space<hbm>>
        tpu.enqueue_dma source(%dma_start3A_629 : memref<128xi32, #tpu.memory_space<hbm>>) target(%arg10 : memref<128xi32, #tpu.memory_space<vmem>>) target_semaphore(%run_scoped3A_627 : memref<!tpu.dma_semaphore, #tpu.memory_space<semaphore_mem>>)
        %dma_wait3A_630 = tpu.memref_slice %arg3[%multiple_of3A_593] : memref<320000xi32, #tpu.memory_space<hbm>> -> memref<128xi32, #tpu.memory_space<hbm>>
        %dma_wait3A_631 = tpu.memref_slice %arg3[%multiple_of3A_593] : memref<320000xi32, #tpu.memory_space<hbm>> -> memref<128xi32, #tpu.memory_space<hbm>>
        tpu.wait_dma2 semaphore(%run_scoped3A_627 : memref<!tpu.dma_semaphore, #tpu.memory_space<semaphore_mem>>) src(%dma_wait3A_631 : memref<128xi32, #tpu.memory_space<hbm>>) dst(%arg10 : memref<128xi32, #tpu.memory_space<vmem>>)
        tpu.yield
      }) : () -> ()
      "tpu.region"() ({
        %run_scoped3A_627 = tpu.sem_alloc : memref<!tpu.dma_semaphore, #tpu.memory_space<semaphore_mem>>
        %dma_start3A_628 = tpu.memref_slice %arg4[%multiple_of3A_593] : memref<320000xi32, #tpu.memory_space<hbm>> -> memref<128xi32, #tpu.memory_space<hbm>>
        %dma_start3A_629 = tpu.memref_slice %arg4[%multiple_of3A_593] : memref<320000xi32, #tpu.memory_space<hbm>> -> memref<128xi32, #tpu.memory_space<hbm>>
        tpu.enqueue_dma source(%dma_start3A_629 : memref<128xi32, #tpu.memory_space<hbm>>) target(%arg13 : memref<128xi32, #tpu.memory_space<vmem>>) target_semaphore(%run_scoped3A_627 : memref<!tpu.dma_semaphore, #tpu.memory_space<semaphore_mem>>)
        %dma_wait3A_630 = tpu.memref_slice %arg4[%multiple_of3A_593] : memref<320000xi32, #tpu.memory_space<hbm>> -> memref<128xi32, #tpu.memory_space<hbm>>
        %dma_wait3A_631 = tpu.memref_slice %arg4[%multiple_of3A_593] : memref<320000xi32, #tpu.memory_space<hbm>> -> memref<128xi32, #tpu.memory_space<hbm>>
        tpu.wait_dma2 semaphore(%run_scoped3A_627 : memref<!tpu.dma_semaphore, #tpu.memory_space<semaphore_mem>>) src(%dma_wait3A_631 : memref<128xi32, #tpu.memory_space<hbm>>) dst(%arg13 : memref<128xi32, #tpu.memory_space<vmem>>)
        tpu.yield
      }) : () -> ()
      "tpu.region"() ({
        %run_scoped3A_627 = tpu.sem_alloc : memref<!tpu.dma_semaphore, #tpu.memory_space<semaphore_mem>>
        %dma_start3A_628 = arith.constant 0 : i32
        %dma_start3A_629 = tpu.memref_slice %arg2[%multiple_of3A_593, %dma_start3A_628] : memref<320000x16xf32, #tpu.memory_space<hbm>> -> memref<128x16xf32, #tpu.memory_space<hbm>>
        %dma_start3A_630 = arith.constant 0 : i32
        %dma_start3A_631 = tpu.memref_slice %arg2[%multiple_of3A_593, %dma_start3A_630] : memref<320000x16xf32, #tpu.memory_space<hbm>> -> memref<128x16xf32, #tpu.memory_space<hbm>>
        tpu.enqueue_dma source(%dma_start3A_631 : memref<128x16xf32, #tpu.memory_space<hbm>>) target(%arg16 : memref<128x16xf32, #tpu.memory_space<vmem>>) target_semaphore(%run_scoped3A_627 : memref<!tpu.dma_semaphore, #tpu.memory_space<semaphore_mem>>)
        %dma_wait3A_632 = arith.constant 0 : i32
        %dma_wait3A_633 = tpu.memref_slice %arg2[%multiple_of3A_593, %dma_wait3A_632] : memref<320000x16xf32, #tpu.memory_space<hbm>> -> memref<128x16xf32, #tpu.memory_space<hbm>>
        %dma_wait3A_634 = arith.constant 0 : i32
        %dma_wait3A_635 = tpu.memref_slice %arg2[%multiple_of3A_593, %dma_wait3A_634] : memref<320000x16xf32, #tpu.memory_space<hbm>> -> memref<128x16xf32, #tpu.memory_space<hbm>>
        tpu.wait_dma2 semaphore(%run_scoped3A_627 : memref<!tpu.dma_semaphore, #tpu.memory_space<semaphore_mem>>) src(%dma_wait3A_635 : memref<128x16xf32, #tpu.memory_space<hbm>>) dst(%arg16 : memref<128x16xf32, #tpu.memory_space<vmem>>)
        tpu.yield
      }) : () -> ()
      %dma_start3A_594 = arith.constant 0 : i32
      %dma_start3A_595 = arith.constant 0 : i32
      %dma_start3A_596 = tpu.memref_slice %arg5[%dma_start3A_594, %dma_start3A_595] : memref<10000x16xf32, #tpu.memory_space<hbm>> -> memref<10000x16xf32, #tpu.memory_space<hbm>>
      tpu.enqueue_indirect_dma source(%dma_start3A_596 : memref<10000x16xf32, #tpu.memory_space<hbm>>) target(%arg19 : memref<128x16xf32, #tpu.memory_space<vmem>>) offsets(%arg10 : memref<128xi32, #tpu.memory_space<vmem>>) semaphore(%arg34 : memref<!tpu.dma_semaphore, #tpu.memory_space<semaphore_mem>>)
      %dma_wait3A_597 = arith.constant 0 : i32
      %dma_wait3A_598 = arith.constant 0 : i32
      %dma_wait3A_599 = tpu.memref_slice %arg5[%dma_wait3A_597, %dma_wait3A_598] : memref<10000x16xf32, #tpu.memory_space<hbm>> -> memref<10000x16xf32, #tpu.memory_space<hbm>>
      tpu.wait_indirect_dma semaphore(%arg34 : memref<!tpu.dma_semaphore, #tpu.memory_space<semaphore_mem>>) src(%dma_wait3A_599 : memref<10000x16xf32, #tpu.memory_space<hbm>>) dst(%arg19 : memref<128x16xf32, #tpu.memory_space<vmem>>)
      %dma_start3A_600 = arith.constant 0 : i32
      %dma_start3A_601 = arith.constant 0 : i32
      %dma_start3A_602 = tpu.memref_slice %arg6[%dma_start3A_600, %dma_start3A_601] : memref<10000x16xf32, #tpu.memory_space<hbm>> -> memref<10000x16xf32, #tpu.memory_space<hbm>>
      tpu.enqueue_indirect_dma source(%dma_start3A_602 : memref<10000x16xf32, #tpu.memory_space<hbm>>) target(%arg22 : memref<128x16xf32, #tpu.memory_space<vmem>>) offsets(%arg13 : memref<128xi32, #tpu.memory_space<vmem>>) semaphore(%arg34 : memref<!tpu.dma_semaphore, #tpu.memory_space<semaphore_mem>>)
      %dma_wait3A_603 = arith.constant 0 : i32
      %dma_wait3A_604 = arith.constant 0 : i32
      %dma_wait3A_605 = tpu.memref_slice %arg6[%dma_wait3A_603, %dma_wait3A_604] : memref<10000x16xf32, #tpu.memory_space<hbm>> -> memref<10000x16xf32, #tpu.memory_space<hbm>>
      tpu.wait_indirect_dma semaphore(%arg34 : memref<!tpu.dma_semaphore, #tpu.memory_space<semaphore_mem>>) src(%dma_wait3A_605 : memref<10000x16xf32, #tpu.memory_space<hbm>>) dst(%arg22 : memref<128x16xf32, #tpu.memory_space<vmem>>)
      %scan3A_606 = arith.constant 0 : i32
      %scan3A_607 = arith.constant 0 : i32
      %scan3A_608 = arith.constant 128 : i32
      %scan3A_609 = arith.addi %scan3A_607, %scan3A_608 : i32
      %scan3A_610 = arith.constant 4 : i32
      scf.for %scan3A_627 = %scan3A_607 to %scan3A_609 step %scan3A_610  : i32 {
        %get3A = arith.index_cast %scan3A_627 : i32 to index
        %get3A_628 = arith.constant 0 : index
        %get3A_629 = tpu.vector_load %arg16[%get3A, %get3A_628] {strides = array<i32>} : memref<128x16xf32, #tpu.memory_space<vmem>>, vector<16xf32>,
        %get3A_630 = arith.index_cast %scan3A_627 : i32 to index
        %get3A_631 = arith.constant 0 : index
        %get3A_632 = tpu.vector_load %arg19[%get3A_630, %get3A_631] {strides = array<i32>} : memref<128x16xf32, #tpu.memory_space<vmem>>, vector<16xf32>,
        %add3A_633 = arith.addf %get3A_629, %get3A_632 : vector<16xf32>
        %get3A_634 = arith.index_cast %scan3A_627 : i32 to index
        %get3A_635 = arith.constant 0 : index
        %get3A_636 = tpu.vector_load %arg22[%get3A_634, %get3A_635] {strides = array<i32>} : memref<128x16xf32, #tpu.memory_space<vmem>>, vector<16xf32>,
        %add3A_637 = arith.addf %add3A_633, %get3A_636 : vector<16xf32>
        %swap3A = arith.index_cast %scan3A_627 : i32 to index
        %swap3A_638 = arith.constant 0 : index
        %swap3A_639 = tpu.vector_load %arg25[%swap3A, %swap3A_638] {strides = array<i32>} : memref<128x16xf32, #tpu.memory_space<vmem>>, vector<16xf32>,
        tpu.vector_store %arg25[%swap3A, %swap3A_638], %add3A_637 {strides = array<i32>} : memref<128x16xf32, #tpu.memory_space<vmem>>, vector<16xf32>,
        %add3A_640 = vector.broadcast %scan3A_627 : i32 to vector<16xi32>
        %add3A_641 = arith.addi %mul3A_7, %add3A_640 : vector<16xi32>
        tpu.vector_store_idx %arg28[%add3A_641], %add3A_637 : memref<2048xf32, #tpu.memory_space<vmem>>[vector<16xi32>], vector<16xf32>,
        %scan3A_642 = arith.constant 1 : i32
        %scan3A_643 = arith.addi %scan3A_627, %scan3A_642 : i32
        %get3A_644 = arith.index_cast %scan3A_643 : i32 to index
        %get3A_645 = arith.constant 0 : index
        %get3A_646 = tpu.vector_load %arg16[%get3A_644, %get3A_645] {strides = array<i32>} : memref<128x16xf32, #tpu.memory_space<vmem>>, vector<16xf32>,
        %get3A_647 = arith.index_cast %scan3A_643 : i32 to index
        %get3A_648 = arith.constant 0 : index
        %get3A_649 = tpu.vector_load %arg19[%get3A_647, %get3A_648] {strides = array<i32>} : memref<128x16xf32, #tpu.memory_space<vmem>>, vector<16xf32>,
        %add3A_650 = arith.addf %get3A_646, %get3A_649 : vector<16xf32>
        %get3A_651 = arith.index_cast %scan3A_643 : i32 to index
        %get3A_652 = arith.constant 0 : index
        %get3A_653 = tpu.vector_load %arg22[%get3A_651, %get3A_652] {strides = array<i32>} : memref<128x16xf32, #tpu.memory_space<vmem>>, vector<16xf32>,
        %add3A_654 = arith.addf %add3A_650, %get3A_653 : vector<16xf32>
        %swap3A_655 = arith.index_cast %scan3A_643 : i32 to index
        %swap3A_656 = arith.constant 0 : index
        %swap3A_657 = tpu.vector_load %arg25[%swap3A_655, %swap3A_656] {strides = array<i32>} : memref<128x16xf32, #tpu.memory_space<vmem>>, vector<16xf32>,
        tpu.vector_store %arg25[%swap3A_655, %swap3A_656], %add3A_654 {strides = array<i32>} : memref<128x16xf32, #tpu.memory_space<vmem>>, vector<16xf32>,
        %add3A_658 = vector.broadcast %scan3A_643 : i32 to vector<16xi32>
        %add3A_659 = arith.addi %mul3A_7, %add3A_658 : vector<16xi32>
        tpu.vector_store_idx %arg28[%add3A_659], %add3A_654 : memref<2048xf32, #tpu.memory_space<vmem>>[vector<16xi32>], vector<16xf32>,
        %scan3A_660 = arith.constant 2 : i32
        %scan3A_661 = arith.addi %scan3A_627, %scan3A_660 : i32
        %get3A_662 = arith.index_cast %scan3A_661 : i32 to index
        %get3A_663 = arith.constant 0 : index
        %get3A_664 = tpu.vector_load %arg16[%get3A_662, %get3A_663] {strides = array<i32>} : memref<128x16xf32, #tpu.memory_space<vmem>>, vector<16xf32>,
        %get3A_665 = arith.index_cast %scan3A_661 : i32 to index
        %get3A_666 = arith.constant 0 : index
        %get3A_667 = tpu.vector_load %arg19[%get3A_665, %get3A_666] {strides = array<i32>} : memref<128x16xf32, #tpu.memory_space<vmem>>, vector<16xf32>,
        %add3A_668 = arith.addf %get3A_664, %get3A_667 : vector<16xf32>
        %get3A_669 = arith.index_cast %scan3A_661 : i32 to index
        %get3A_670 = arith.constant 0 : index
        %get3A_671 = tpu.vector_load %arg22[%get3A_669, %get3A_670] {strides = array<i32>} : memref<128x16xf32, #tpu.memory_space<vmem>>, vector<16xf32>,
        %add3A_672 = arith.addf %add3A_668, %get3A_671 : vector<16xf32>
        %swap3A_673 = arith.index_cast %scan3A_661 : i32 to index
        %swap3A_674 = arith.constant 0 : index
        %swap3A_675 = tpu.vector_load %arg25[%swap3A_673, %swap3A_674] {strides = array<i32>} : memref<128x16xf32, #tpu.memory_space<vmem>>, vector<16xf32>,
        tpu.vector_store %arg25[%swap3A_673, %swap3A_674], %add3A_672 {strides = array<i32>} : memref<128x16xf32, #tpu.memory_space<vmem>>, vector<16xf32>,
        %add3A_676 = vector.broadcast %scan3A_661 : i32 to vector<16xi32>
        %add3A_677 = arith.addi %mul3A_7, %add3A_676 : vector<16xi32>
        tpu.vector_store_idx %arg28[%add3A_677], %add3A_672 : memref<2048xf32, #tpu.memory_space<vmem>>[vector<16xi32>], vector<16xf32>,
        %scan3A_678 = arith.constant 3 : i32
        %scan3A_679 = arith.addi %scan3A_627, %scan3A_678 : i32
        %get3A_680 = arith.index_cast %scan3A_679 : i32 to index
        %get3A_681 = arith.constant 0 : index
        %get3A_682 = tpu.vector_load %arg16[%get3A_680, %get3A_681] {strides = array<i32>} : memref<128x16xf32, #tpu.memory_space<vmem>>, vector<16xf32>,
        %get3A_683 = arith.index_cast %scan3A_679 : i32 to index
        %get3A_684 = arith.constant 0 : index
        %get3A_685 = tpu.vector_load %arg19[%get3A_683, %get3A_684] {strides = array<i32>} : memref<128x16xf32, #tpu.memory_space<vmem>>, vector<16xf32>,
        %add3A_686 = arith.addf %get3A_682, %get3A_685 : vector<16xf32>
        %get3A_687 = arith.index_cast %scan3A_679 : i32 to index
        %get3A_688 = arith.constant 0 : index
        %get3A_689 = tpu.vector_load %arg22[%get3A_687, %get3A_688] {strides = array<i32>} : memref<128x16xf32, #tpu.memory_space<vmem>>, vector<16xf32>,
        %add3A_690 = arith.addf %add3A_686, %get3A_689 : vector<16xf32>
        %swap3A_691 = arith.index_cast %scan3A_679 : i32 to index
        %swap3A_692 = arith.constant 0 : index
        %swap3A_693 = tpu.vector_load %arg25[%swap3A_691, %swap3A_692] {strides = array<i32>} : memref<128x16xf32, #tpu.memory_space<vmem>>, vector<16xf32>,
        tpu.vector_store %arg25[%swap3A_691, %swap3A_692], %add3A_690 {strides = array<i32>} : memref<128x16xf32, #tpu.memory_space<vmem>>, vector<16xf32>,
        %add3A_694 = vector.broadcast %scan3A_679 : i32 to vector<16xi32>
        %add3A_695 = arith.addi %mul3A_7, %add3A_694 : vector<16xi32>
        tpu.vector_store_idx %arg28[%add3A_695], %add3A_690 : memref<2048xf32, #tpu.memory_space<vmem>>[vector<16xi32>], vector<16xf32>,
      }
      %scan3A_611 = arith.constant 128 : i32
      %run_scoped3A = arith.constant 0 : i32
      "tpu.region"() ({
        %run_scoped3A_627 = tpu.sem_alloc : memref<!tpu.dma_semaphore, #tpu.memory_space<semaphore_mem>>
        %dma_start3A_628 = arith.constant 0 : i32
        %dma_start3A_629 = tpu.memref_slice %arg28[%dma_start3A_628] : memref<2048xf32, #tpu.memory_space<vmem>> -> memref<128xf32, #tpu.memory_space<vmem>>
        %dma_start3A_630 = tpu.memref_slice %arg8[%run_scoped3A, %multiple_of3A_593] : memref<16x320000xf32, #tpu.memory_space<hbm>> -> memref<1x128xf32, #tpu.memory_space<hbm>>
        %dma_start3A_631 = tpu.memref_squeeze %dma_start3A_630 : memref<1x128xf32, #tpu.memory_space<hbm>> -> memref<128xf32, #tpu.memory_space<hbm>>
        %dma_start3A_632 = tpu.memref_slice %arg8[%run_scoped3A, %multiple_of3A_593] : memref<16x320000xf32, #tpu.memory_space<hbm>> -> memref<1x128xf32, #tpu.memory_space<hbm>>
        %dma_start3A_633 = tpu.memref_squeeze %dma_start3A_632 : memref<1x128xf32, #tpu.memory_space<hbm>> -> memref<128xf32, #tpu.memory_space<hbm>>
        %dma_start3A_634 = arith.constant 0 : i32
        %dma_start3A_635 = tpu.memref_slice %arg28[%dma_start3A_634] : memref<2048xf32, #tpu.memory_space<vmem>> -> memref<128xf32, #tpu.memory_space<vmem>>
        tpu.enqueue_dma source(%dma_start3A_635 : memref<128xf32, #tpu.memory_space<vmem>>) target(%dma_start3A_633 : memref<128xf32, #tpu.memory_space<hbm>>) target_semaphore(%run_scoped3A_627 : memref<!tpu.dma_semaphore, #tpu.memory_space<semaphore_mem>>)
        %dma_wait3A_636 = arith.constant 0 : i32
        %dma_wait3A_637 = tpu.memref_slice %arg28[%dma_wait3A_636] : memref<2048xf32, #tpu.memory_space<vmem>> -> memref<128xf32, #tpu.memory_space<vmem>>
        %dma_wait3A_638 = tpu.memref_slice %arg8[%run_scoped3A, %multiple_of3A_593] : memref<16x320000xf32, #tpu.memory_space<hbm>> -> memref<1x128xf32, #tpu.memory_space<hbm>>
        %dma_wait3A_639 = tpu.memref_squeeze %dma_wait3A_638 : memref<1x128xf32, #tpu.memory_space<hbm>> -> memref<128xf32, #tpu.memory_space<hbm>>
        %dma_wait3A_640 = tpu.memref_slice %arg8[%run_scoped3A, %multiple_of3A_593] : memref<16x320000xf32, #tpu.memory_space<hbm>> -> memref<1x128xf32, #tpu.memory_space<hbm>>
        %dma_wait3A_641 = tpu.memref_squeeze %dma_wait3A_640 : memref<1x128xf32, #tpu.memory_space<hbm>> -> memref<128xf32, #tpu.memory_space<hbm>>
        %dma_wait3A_642 = arith.constant 0 : i32
        %dma_wait3A_643 = tpu.memref_slice %arg28[%dma_wait3A_642] : memref<2048xf32, #tpu.memory_space<vmem>> -> memref<128xf32, #tpu.memory_space<vmem>>
        tpu.wait_dma2 semaphore(%run_scoped3A_627 : memref<!tpu.dma_semaphore, #tpu.memory_space<semaphore_mem>>) src(%dma_wait3A_643 : memref<128xf32, #tpu.memory_space<vmem>>) dst(%dma_wait3A_641 : memref<128xf32, #tpu.memory_space<hbm>>)
        tpu.yield
      }) : () -> ()
      %run_scoped3A_612 = arith.constant 1 : i32
      "tpu.region"() ({
        %run_scoped3A_627 = tpu.sem_alloc : memref<!tpu.dma_semaphore, #tpu.memory_space<semaphore_mem>>
        %dma_start3A_628 = arith.constant 128 : i32
        %dma_start3A_629 = tpu.memref_slice %arg28[%dma_start3A_628] : memref<2048xf32, #tpu.memory_space<vmem>> -> memref<128xf32, #tpu.memory_space<vmem>>
        %dma_start3A_630 = tpu.memref_slice %arg8[%run_scoped3A_612, %multiple_of3A_593] : memref<16x320000xf32, #tpu.memory_space<hbm>> -> memref<1x128xf32, #tpu.memory_space<hbm>>
        %dma_start3A_631 = tpu.memref_squeeze %dma_start3A_630 : memref<1x128xf32, #tpu.memory_space<hbm>> -> memref<128xf32, #tpu.memory_space<hbm>>
        %dma_start3A_632 = tpu.memref_slice %arg8[%run_scoped3A_612, %multiple_of3A_593] : memref<16x320000xf32, #tpu.memory_space<hbm>> -> memref<1x128xf32, #tpu.memory_space<hbm>>
        %dma_start3A_633 = tpu.memref_squeeze %dma_start3A_632 : memref<1x128xf32, #tpu.memory_space<hbm>> -> memref<128xf32, #tpu.memory_space<hbm>>
        %dma_start3A_634 = arith.constant 128 : i32
        %dma_start3A_635 = tpu.memref_slice %arg28[%dma_start3A_634] : memref<2048xf32, #tpu.memory_space<vmem>> -> memref<128xf32, #tpu.memory_space<vmem>>
        tpu.enqueue_dma source(%dma_start3A_635 : memref<128xf32, #tpu.memory_space<vmem>>) target(%dma_start3A_633 : memref<128xf32, #tpu.memory_space<hbm>>) target_semaphore(%run_scoped3A_627 : memref<!tpu.dma_semaphore, #tpu.memory_space<semaphore_mem>>)
        %dma_wait3A_636 = arith.constant 128 : i32
        %dma_wait3A_637 = tpu.memref_slice %arg28[%dma_wait3A_636] : memref<2048xf32, #tpu.memory_space<vmem>> -> memref<128xf32, #tpu.memory_space<vmem>>
        %dma_wait3A_638 = tpu.memref_slice %arg8[%run_scoped3A_612, %multiple_of3A_593] : memref<16x320000xf32, #tpu.memory_space<hbm>> -> memref<1x128xf32, #tpu.memory_space<hbm>>
        %dma_wait3A_639 = tpu.memref_squeeze %dma_wait3A_638 : memref<1x128xf32, #tpu.memory_space<hbm>> -> memref<128xf32, #tpu.memory_space<hbm>>
        %dma_wait3A_640 = tpu.memref_slice %arg8[%run_scoped3A_612, %multiple_of3A_593] : memref<16x320000xf32, #tpu.memory_space<hbm>> -> memref<1x128xf32, #tpu.memory_space<hbm>>
        %dma_wait3A_641 = tpu.memref_squeeze %dma_wait3A_640 : memref<1x128xf32, #tpu.memory_space<hbm>> -> memref<128xf32, #tpu.memory_space<hbm>>
        %dma_wait3A_642 = arith.constant 128 : i32
        %dma_wait3A_643 = tpu.memref_slice %arg28[%dma_wait3A_642] : memref<2048xf32, #tpu.memory_space<vmem>> -> memref<128xf32, #tpu.memory_space<vmem>>
        tpu.wait_dma2 semaphore(%run_scoped3A_627 : memref<!tpu.dma_semaphore, #tpu.memory_space<semaphore_mem>>) src(%dma_wait3A_643 : memref<128xf32, #tpu.memory_space<vmem>>) dst(%dma_wait3A_641 : memref<128xf32, #tpu.memory_space<hbm>>)
        tpu.yield
      }) : () -> ()
      %run_scoped3A_613 = arith.constant 2 : i32
      "tpu.region"() ({
        %run_scoped3A_627 = tpu.sem_alloc : memref<!tpu.dma_semaphore, #tpu.memory_space<semaphore_mem>>
        %dma_start3A_628 = arith.constant 256 : i32
        %dma_start3A_629 = tpu.memref_slice %arg28[%dma_start3A_628] : memref<2048xf32, #tpu.memory_space<vmem>> -> memref<128xf32, #tpu.memory_space<vmem>>
        %dma_start3A_630 = tpu.memref_slice %arg8[%run_scoped3A_613, %multiple_of3A_593] : memref<16x320000xf32, #tpu.memory_space<hbm>> -> memref<1x128xf32, #tpu.memory_space<hbm>>
        %dma_start3A_631 = tpu.memref_squeeze %dma_start3A_630 : memref<1x128xf32, #tpu.memory_space<hbm>> -> memref<128xf32, #tpu.memory_space<hbm>>
        %dma_start3A_632 = tpu.memref_slice %arg8[%run_scoped3A_613, %multiple_of3A_593] : memref<16x320000xf32, #tpu.memory_space<hbm>> -> memref<1x128xf32, #tpu.memory_space<hbm>>
        %dma_start3A_633 = tpu.memref_squeeze %dma_start3A_632 : memref<1x128xf32, #tpu.memory_space<hbm>> -> memref<128xf32, #tpu.memory_space<hbm>>
        %dma_start3A_634 = arith.constant 256 : i32
        %dma_start3A_635 = tpu.memref_slice %arg28[%dma_start3A_634] : memref<2048xf32, #tpu.memory_space<vmem>> -> memref<128xf32, #tpu.memory_space<vmem>>
        tpu.enqueue_dma source(%dma_start3A_635 : memref<128xf32, #tpu.memory_space<vmem>>) target(%dma_start3A_633 : memref<128xf32, #tpu.memory_space<hbm>>) target_semaphore(%run_scoped3A_627 : memref<!tpu.dma_semaphore, #tpu.memory_space<semaphore_mem>>)
        %dma_wait3A_636 = arith.constant 256 : i32
        %dma_wait3A_637 = tpu.memref_slice %arg28[%dma_wait3A_636] : memref<2048xf32, #tpu.memory_space<vmem>> -> memref<128xf32, #tpu.memory_space<vmem>>
        %dma_wait3A_638 = tpu.memref_slice %arg8[%run_scoped3A_613, %multiple_of3A_593] : memref<16x320000xf32, #tpu.memory_space<hbm>> -> memref<1x128xf32, #tpu.memory_space<hbm>>
        %dma_wait3A_639 = tpu.memref_squeeze %dma_wait3A_638 : memref<1x128xf32, #tpu.memory_space<hbm>> -> memref<128xf32, #tpu.memory_space<hbm>>
        %dma_wait3A_640 = tpu.memref_slice %arg8[%run_scoped3A_613, %multiple_of3A_593] : memref<16x320000xf32, #tpu.memory_space<hbm>> -> memref<1x128xf32, #tpu.memory_space<hbm>>
        %dma_wait3A_641 = tpu.memref_squeeze %dma_wait3A_640 : memref<1x128xf32, #tpu.memory_space<hbm>> -> memref<128xf32, #tpu.memory_space<hbm>>
        %dma_wait3A_642 = arith.constant 256 : i32
        %dma_wait3A_643 = tpu.memref_slice %arg28[%dma_wait3A_642] : memref<2048xf32, #tpu.memory_space<vmem>> -> memref<128xf32, #tpu.memory_space<vmem>>
        tpu.wait_dma2 semaphore(%run_scoped3A_627 : memref<!tpu.dma_semaphore, #tpu.memory_space<semaphore_mem>>) src(%dma_wait3A_643 : memref<128xf32, #tpu.memory_space<vmem>>) dst(%dma_wait3A_641 : memref<128xf32, #tpu.memory_space<hbm>>)
        tpu.yield
      }) : () -> ()
      %run_scoped3A_614 = arith.constant 3 : i32
      "tpu.region"() ({
        %run_scoped3A_627 = tpu.sem_alloc : memref<!tpu.dma_semaphore, #tpu.memory_space<semaphore_mem>>
        %dma_start3A_628 = arith.constant 384 : i32
        %dma_start3A_629 = tpu.memref_slice %arg28[%dma_start3A_628] : memref<2048xf32, #tpu.memory_space<vmem>> -> memref<128xf32, #tpu.memory_space<vmem>>
        %dma_start3A_630 = tpu.memref_slice %arg8[%run_scoped3A_614, %multiple_of3A_593] : memref<16x320000xf32, #tpu.memory_space<hbm>> -> memref<1x128xf32, #tpu.memory_space<hbm>>
        %dma_start3A_631 = tpu.memref_squeeze %dma_start3A_630 : memref<1x128xf32, #tpu.memory_space<hbm>> -> memref<128xf32, #tpu.memory_space<hbm>>
        %dma_start3A_632 = tpu.memref_slice %arg8[%run_scoped3A_614, %multiple_of3A_593] : memref<16x320000xf32, #tpu.memory_space<hbm>> -> memref<1x128xf32, #tpu.memory_space<hbm>>
        %dma_start3A_633 = tpu.memref_squeeze %dma_start3A_632 : memref<1x128xf32, #tpu.memory_space<hbm>> -> memref<128xf32, #tpu.memory_space<hbm>>
        %dma_start3A_634 = arith.constant 384 : i32
        %dma_start3A_635 = tpu.memref_slice %arg28[%dma_start3A_634] : memref<2048xf32, #tpu.memory_space<vmem>> -> memref<128xf32, #tpu.memory_space<vmem>>
        tpu.enqueue_dma source(%dma_start3A_635 : memref<128xf32, #tpu.memory_space<vmem>>) target(%dma_start3A_633 : memref<128xf32, #tpu.memory_space<hbm>>) target_semaphore(%run_scoped3A_627 : memref<!tpu.dma_semaphore, #tpu.memory_space<semaphore_mem>>)
        %dma_wait3A_636 = arith.constant 384 : i32
        %dma_wait3A_637 = tpu.memref_slice %arg28[%dma_wait3A_636] : memref<2048xf32, #tpu.memory_space<vmem>> -> memref<128xf32, #tpu.memory_space<vmem>>
        %dma_wait3A_638 = tpu.memref_slice %arg8[%run_scoped3A_614, %multiple_of3A_593] : memref<16x320000xf32, #tpu.memory_space<hbm>> -> memref<1x128xf32, #tpu.memory_space<hbm>>
        %dma_wait3A_639 = tpu.memref_squeeze %dma_wait3A_638 : memref<1x128xf32, #tpu.memory_space<hbm>> -> memref<128xf32, #tpu.memory_space<hbm>>
        %dma_wait3A_640 = tpu.memref_slice %arg8[%run_scoped3A_614, %multiple_of3A_593] : memref<16x320000xf32, #tpu.memory_space<hbm>> -> memref<1x128xf32, #tpu.memory_space<hbm>>
        %dma_wait3A_641 = tpu.memref_squeeze %dma_wait3A_640 : memref<1x128xf32, #tpu.memory_space<hbm>> -> memref<128xf32, #tpu.memory_space<hbm>>
        %dma_wait3A_642 = arith.constant 384 : i32
        %dma_wait3A_643 = tpu.memref_slice %arg28[%dma_wait3A_642] : memref<2048xf32, #tpu.memory_space<vmem>> -> memref<128xf32, #tpu.memory_space<vmem>>
        tpu.wait_dma2 semaphore(%run_scoped3A_627 : memref<!tpu.dma_semaphore, #tpu.memory_space<semaphore_mem>>) src(%dma_wait3A_643 : memref<128xf32, #tpu.memory_space<vmem>>) dst(%dma_wait3A_641 : memref<128xf32, #tpu.memory_space<hbm>>)
        tpu.yield
      }) : () -> ()
      %run_scoped3A_615 = arith.constant 4 : i32
      "tpu.region"() ({
        %run_scoped3A_627 = tpu.sem_alloc : memref<!tpu.dma_semaphore, #tpu.memory_space<semaphore_mem>>
        %dma_start3A_628 = arith.constant 512 : i32
        %dma_start3A_629 = tpu.memref_slice %arg28[%dma_start3A_628] : memref<2048xf32, #tpu.memory_space<vmem>> -> memref<128xf32, #tpu.memory_space<vmem>>
        %dma_start3A_630 = tpu.memref_slice %arg8[%run_scoped3A_615, %multiple_of3A_593] : memref<16x320000xf32, #tpu.memory_space<hbm>> -> memref<1x128xf32, #tpu.memory_space<hbm>>
        %dma_start3A_631 = tpu.memref_squeeze %dma_start3A_630 : memref<1x128xf32, #tpu.memory_space<hbm>> -> memref<128xf32, #tpu.memory_space<hbm>>
        %dma_start3A_632 = tpu.memref_slice %arg8[%run_scoped3A_615, %multiple_of3A_593] : memref<16x320000xf32, #tpu.memory_space<hbm>> -> memref<1x128xf32, #tpu.memory_space<hbm>>
        %dma_start3A_633 = tpu.memref_squeeze %dma_start3A_632 : memref<1x128xf32, #tpu.memory_space<hbm>> -> memref<128xf32, #tpu.memory_space<hbm>>
        %dma_start3A_634 = arith.constant 512 : i32
        %dma_start3A_635 = tpu.memref_slice %arg28[%dma_start3A_634] : memref<2048xf32, #tpu.memory_space<vmem>> -> memref<128xf32, #tpu.memory_space<vmem>>
        tpu.enqueue_dma source(%dma_start3A_635 : memref<128xf32, #tpu.memory_space<vmem>>) target(%dma_start3A_633 : memref<128xf32, #tpu.memory_space<hbm>>) target_semaphore(%run_scoped3A_627 : memref<!tpu.dma_semaphore, #tpu.memory_space<semaphore_mem>>)
        %dma_wait3A_636 = arith.constant 512 : i32
        %dma_wait3A_637 = tpu.memref_slice %arg28[%dma_wait3A_636] : memref<2048xf32, #tpu.memory_space<vmem>> -> memref<128xf32, #tpu.memory_space<vmem>>
        %dma_wait3A_638 = tpu.memref_slice %arg8[%run_scoped3A_615, %multiple_of3A_593] : memref<16x320000xf32, #tpu.memory_space<hbm>> -> memref<1x128xf32, #tpu.memory_space<hbm>>
        %dma_wait3A_639 = tpu.memref_squeeze %dma_wait3A_638 : memref<1x128xf32, #tpu.memory_space<hbm>> -> memref<128xf32, #tpu.memory_space<hbm>>
        %dma_wait3A_640 = tpu.memref_slice %arg8[%run_scoped3A_615, %multiple_of3A_593] : memref<16x320000xf32, #tpu.memory_space<hbm>> -> memref<1x128xf32, #tpu.memory_space<hbm>>
        %dma_wait3A_641 = tpu.memref_squeeze %dma_wait3A_640 : memref<1x128xf32, #tpu.memory_space<hbm>> -> memref<128xf32, #tpu.memory_space<hbm>>
        %dma_wait3A_642 = arith.constant 512 : i32
        %dma_wait3A_643 = tpu.memref_slice %arg28[%dma_wait3A_642] : memref<2048xf32, #tpu.memory_space<vmem>> -> memref<128xf32, #tpu.memory_space<vmem>>
        tpu.wait_dma2 semaphore(%run_scoped3A_627 : memref<!tpu.dma_semaphore, #tpu.memory_space<semaphore_mem>>) src(%dma_wait3A_643 : memref<128xf32, #tpu.memory_space<vmem>>) dst(%dma_wait3A_641 : memref<128xf32, #tpu.memory_space<hbm>>)
        tpu.yield
      }) : () -> ()
      %run_scoped3A_616 = arith.constant 5 : i32
      "tpu.region"() ({
        %run_scoped3A_627 = tpu.sem_alloc : memref<!tpu.dma_semaphore, #tpu.memory_space<semaphore_mem>>
        %dma_start3A_628 = arith.constant 640 : i32
        %dma_start3A_629 = tpu.memref_slice %arg28[%dma_start3A_628] : memref<2048xf32, #tpu.memory_space<vmem>> -> memref<128xf32, #tpu.memory_space<vmem>>
        %dma_start3A_630 = tpu.memref_slice %arg8[%run_scoped3A_616, %multiple_of3A_593] : memref<16x320000xf32, #tpu.memory_space<hbm>> -> memref<1x128xf32, #tpu.memory_space<hbm>>
        %dma_start3A_631 = tpu.memref_squeeze %dma_start3A_630 : memref<1x128xf32, #tpu.memory_space<hbm>> -> memref<128xf32, #tpu.memory_space<hbm>>
        %dma_start3A_632 = tpu.memref_slice %arg8[%run_scoped3A_616, %multiple_of3A_593] : memref<16x320000xf32, #tpu.memory_space<hbm>> -> memref<1x128xf32, #tpu.memory_space<hbm>>
        %dma_start3A_633 = tpu.memref_squeeze %dma_start3A_632 : memref<1x128xf32, #tpu.memory_space<hbm>> -> memref<128xf32, #tpu.memory_space<hbm>>
        %dma_start3A_634 = arith.constant 640 : i32
        %dma_start3A_635 = tpu.memref_slice %arg28[%dma_start3A_634] : memref<2048xf32, #tpu.memory_space<vmem>> -> memref<128xf32, #tpu.memory_space<vmem>>
        tpu.enqueue_dma source(%dma_start3A_635 : memref<128xf32, #tpu.memory_space<vmem>>) target(%dma_start3A_633 : memref<128xf32, #tpu.memory_space<hbm>>) target_semaphore(%run_scoped3A_627 : memref<!tpu.dma_semaphore, #tpu.memory_space<semaphore_mem>>)
        %dma_wait3A_636 = arith.constant 640 : i32
        %dma_wait3A_637 = tpu.memref_slice %arg28[%dma_wait3A_636] : memref<2048xf32, #tpu.memory_space<vmem>> -> memref<128xf32, #tpu.memory_space<vmem>>
        %dma_wait3A_638 = tpu.memref_slice %arg8[%run_scoped3A_616, %multiple_of3A_593] : memref<16x320000xf32, #tpu.memory_space<hbm>> -> memref<1x128xf32, #tpu.memory_space<hbm>>
        %dma_wait3A_639 = tpu.memref_squeeze %dma_wait3A_638 : memref<1x128xf32, #tpu.memory_space<hbm>> -> memref<128xf32, #tpu.memory_space<hbm>>
        %dma_wait3A_640 = tpu.memref_slice %arg8[%run_scoped3A_616, %multiple_of3A_593] : memref<16x320000xf32, #tpu.memory_space<hbm>> -> memref<1x128xf32, #tpu.memory_space<hbm>>
        %dma_wait3A_641 = tpu.memref_squeeze %dma_wait3A_640 : memref<1x128xf32, #tpu.memory_space<hbm>> -> memref<128xf32, #tpu.memory_space<hbm>>
        %dma_wait3A_642 = arith.constant 640 : i32
        %dma_wait3A_643 = tpu.memref_slice %arg28[%dma_wait3A_642] : memref<2048xf32, #tpu.memory_space<vmem>> -> memref<128xf32, #tpu.memory_space<vmem>>
        tpu.wait_dma2 semaphore(%run_scoped3A_627 : memref<!tpu.dma_semaphore, #tpu.memory_space<semaphore_mem>>) src(%dma_wait3A_643 : memref<128xf32, #tpu.memory_space<vmem>>) dst(%dma_wait3A_641 : memref<128xf32, #tpu.memory_space<hbm>>)
        tpu.yield
      }) : () -> ()
      %run_scoped3A_617 = arith.constant 6 : i32
      "tpu.region"() ({
        %run_scoped3A_627 = tpu.sem_alloc : memref<!tpu.dma_semaphore, #tpu.memory_space<semaphore_mem>>
        %dma_start3A_628 = arith.constant 768 : i32
        %dma_start3A_629 = tpu.memref_slice %arg28[%dma_start3A_628] : memref<2048xf32, #tpu.memory_space<vmem>> -> memref<128xf32, #tpu.memory_space<vmem>>
        %dma_start3A_630 = tpu.memref_slice %arg8[%run_scoped3A_617, %multiple_of3A_593] : memref<16x320000xf32, #tpu.memory_space<hbm>> -> memref<1x128xf32, #tpu.memory_space<hbm>>
        %dma_start3A_631 = tpu.memref_squeeze %dma_start3A_630 : memref<1x128xf32, #tpu.memory_space<hbm>> -> memref<128xf32, #tpu.memory_space<hbm>>
        %dma_start3A_632 = tpu.memref_slice %arg8[%run_scoped3A_617, %multiple_of3A_593] : memref<16x320000xf32, #tpu.memory_space<hbm>> -> memref<1x128xf32, #tpu.memory_space<hbm>>
        %dma_start3A_633 = tpu.memref_squeeze %dma_start3A_632 : memref<1x128xf32, #tpu.memory_space<hbm>> -> memref<128xf32, #tpu.memory_space<hbm>>
        %dma_start3A_634 = arith.constant 768 : i32
        %dma_start3A_635 = tpu.memref_slice %arg28[%dma_start3A_634] : memref<2048xf32, #tpu.memory_space<vmem>> -> memref<128xf32, #tpu.memory_space<vmem>>
        tpu.enqueue_dma source(%dma_start3A_635 : memref<128xf32, #tpu.memory_space<vmem>>) target(%dma_start3A_633 : memref<128xf32, #tpu.memory_space<hbm>>) target_semaphore(%run_scoped3A_627 : memref<!tpu.dma_semaphore, #tpu.memory_space<semaphore_mem>>)
        %dma_wait3A_636 = arith.constant 768 : i32
        %dma_wait3A_637 = tpu.memref_slice %arg28[%dma_wait3A_636] : memref<2048xf32, #tpu.memory_space<vmem>> -> memref<128xf32, #tpu.memory_space<vmem>>
        %dma_wait3A_638 = tpu.memref_slice %arg8[%run_scoped3A_617, %multiple_of3A_593] : memref<16x320000xf32, #tpu.memory_space<hbm>> -> memref<1x128xf32, #tpu.memory_space<hbm>>
        %dma_wait3A_639 = tpu.memref_squeeze %dma_wait3A_638 : memref<1x128xf32, #tpu.memory_space<hbm>> -> memref<128xf32, #tpu.memory_space<hbm>>
        %dma_wait3A_640 = tpu.memref_slice %arg8[%run_scoped3A_617, %multiple_of3A_593] : memref<16x320000xf32, #tpu.memory_space<hbm>> -> memref<1x128xf32, #tpu.memory_space<hbm>>
        %dma_wait3A_641 = tpu.memref_squeeze %dma_wait3A_640 : memref<1x128xf32, #tpu.memory_space<hbm>> -> memref<128xf32, #tpu.memory_space<hbm>>
        %dma_wait3A_642 = arith.constant 768 : i32
        %dma_wait3A_643 = tpu.memref_slice %arg28[%dma_wait3A_642] : memref<2048xf32, #tpu.memory_space<vmem>> -> memref<128xf32, #tpu.memory_space<vmem>>
        tpu.wait_dma2 semaphore(%run_scoped3A_627 : memref<!tpu.dma_semaphore, #tpu.memory_space<semaphore_mem>>) src(%dma_wait3A_643 : memref<128xf32, #tpu.memory_space<vmem>>) dst(%dma_wait3A_641 : memref<128xf32, #tpu.memory_space<hbm>>)
        tpu.yield
      }) : () -> ()
      %run_scoped3A_618 = arith.constant 7 : i32
      "tpu.region"() ({
        %run_scoped3A_627 = tpu.sem_alloc : memref<!tpu.dma_semaphore, #tpu.memory_space<semaphore_mem>>
        %dma_start3A_628 = arith.constant 896 : i32
        %dma_start3A_629 = tpu.memref_slice %arg28[%dma_start3A_628] : memref<2048xf32, #tpu.memory_space<vmem>> -> memref<128xf32, #tpu.memory_space<vmem>>
        %dma_start3A_630 = tpu.memref_slice %arg8[%run_scoped3A_618, %multiple_of3A_593] : memref<16x320000xf32, #tpu.memory_space<hbm>> -> memref<1x128xf32, #tpu.memory_space<hbm>>
        %dma_start3A_631 = tpu.memref_squeeze %dma_start3A_630 : memref<1x128xf32, #tpu.memory_space<hbm>> -> memref<128xf32, #tpu.memory_space<hbm>>
        %dma_start3A_632 = tpu.memref_slice %arg8[%run_scoped3A_618, %multiple_of3A_593] : memref<16x320000xf32, #tpu.memory_space<hbm>> -> memref<1x128xf32, #tpu.memory_space<hbm>>
        %dma_start3A_633 = tpu.memref_squeeze %dma_start3A_632 : memref<1x128xf32, #tpu.memory_space<hbm>> -> memref<128xf32, #tpu.memory_space<hbm>>
        %dma_start3A_634 = arith.constant 896 : i32
        %dma_start3A_635 = tpu.memref_slice %arg28[%dma_start3A_634] : memref<2048xf32, #tpu.memory_space<vmem>> -> memref<128xf32, #tpu.memory_space<vmem>>
        tpu.enqueue_dma source(%dma_start3A_635 : memref<128xf32, #tpu.memory_space<vmem>>) target(%dma_start3A_633 : memref<128xf32, #tpu.memory_space<hbm>>) target_semaphore(%run_scoped3A_627 : memref<!tpu.dma_semaphore, #tpu.memory_space<semaphore_mem>>)
        %dma_wait3A_636 = arith.constant 896 : i32
        %dma_wait3A_637 = tpu.memref_slice %arg28[%dma_wait3A_636] : memref<2048xf32, #tpu.memory_space<vmem>> -> memref<128xf32, #tpu.memory_space<vmem>>
        %dma_wait3A_638 = tpu.memref_slice %arg8[%run_scoped3A_618, %multiple_of3A_593] : memref<16x320000xf32, #tpu.memory_space<hbm>> -> memref<1x128xf32, #tpu.memory_space<hbm>>
        %dma_wait3A_639 = tpu.memref_squeeze %dma_wait3A_638 : memref<1x128xf32, #tpu.memory_space<hbm>> -> memref<128xf32, #tpu.memory_space<hbm>>
        %dma_wait3A_640 = tpu.memref_slice %arg8[%run_scoped3A_618, %multiple_of3A_593] : memref<16x320000xf32, #tpu.memory_space<hbm>> -> memref<1x128xf32, #tpu.memory_space<hbm>>
        %dma_wait3A_641 = tpu.memref_squeeze %dma_wait3A_640 : memref<1x128xf32, #tpu.memory_space<hbm>> -> memref<128xf32, #tpu.memory_space<hbm>>
        %dma_wait3A_642 = arith.constant 896 : i32
        %dma_wait3A_643 = tpu.memref_slice %arg28[%dma_wait3A_642] : memref<2048xf32, #tpu.memory_space<vmem>> -> memref<128xf32, #tpu.memory_space<vmem>>
        tpu.wait_dma2 semaphore(%run_scoped3A_627 : memref<!tpu.dma_semaphore, #tpu.memory_space<semaphore_mem>>) src(%dma_wait3A_643 : memref<128xf32, #tpu.memory_space<vmem>>) dst(%dma_wait3A_641 : memref<128xf32, #tpu.memory_space<hbm>>)
        tpu.yield
      }) : () -> ()
      %run_scoped3A_619 = arith.constant 8 : i32
      "tpu.region"() ({
        %run_scoped3A_627 = tpu.sem_alloc : memref<!tpu.dma_semaphore, #tpu.memory_space<semaphore_mem>>
        %dma_start3A_628 = arith.constant 1024 : i32
        %dma_start3A_629 = tpu.memref_slice %arg28[%dma_start3A_628] : memref<2048xf32, #tpu.memory_space<vmem>> -> memref<128xf32, #tpu.memory_space<vmem>>
        %dma_start3A_630 = tpu.memref_slice %arg8[%run_scoped3A_619, %multiple_of3A_593] : memref<16x320000xf32, #tpu.memory_space<hbm>> -> memref<1x128xf32, #tpu.memory_space<hbm>>
        %dma_start3A_631 = tpu.memref_squeeze %dma_start3A_630 : memref<1x128xf32, #tpu.memory_space<hbm>> -> memref<128xf32, #tpu.memory_space<hbm>>
        %dma_start3A_632 = tpu.memref_slice %arg8[%run_scoped3A_619, %multiple_of3A_593] : memref<16x320000xf32, #tpu.memory_space<hbm>> -> memref<1x128xf32, #tpu.memory_space<hbm>>
        %dma_start3A_633 = tpu.memref_squeeze %dma_start3A_632 : memref<1x128xf32, #tpu.memory_space<hbm>> -> memref<128xf32, #tpu.memory_space<hbm>>
        %dma_start3A_634 = arith.constant 1024 : i32
        %dma_start3A_635 = tpu.memref_slice %arg28[%dma_start3A_634] : memref<2048xf32, #tpu.memory_space<vmem>> -> memref<128xf32, #tpu.memory_space<vmem>>
        tpu.enqueue_dma source(%dma_start3A_635 : memref<128xf32, #tpu.memory_space<vmem>>) target(%dma_start3A_633 : memref<128xf32, #tpu.memory_space<hbm>>) target_semaphore(%run_scoped3A_627 : memref<!tpu.dma_semaphore, #tpu.memory_space<semaphore_mem>>)
        %dma_wait3A_636 = arith.constant 1024 : i32
        %dma_wait3A_637 = tpu.memref_slice %arg28[%dma_wait3A_636] : memref<2048xf32, #tpu.memory_space<vmem>> -> memref<128xf32, #tpu.memory_space<vmem>>
        %dma_wait3A_638 = tpu.memref_slice %arg8[%run_scoped3A_619, %multiple_of3A_593] : memref<16x320000xf32, #tpu.memory_space<hbm>> -> memref<1x128xf32, #tpu.memory_space<hbm>>
        %dma_wait3A_639 = tpu.memref_squeeze %dma_wait3A_638 : memref<1x128xf32, #tpu.memory_space<hbm>> -> memref<128xf32, #tpu.memory_space<hbm>>
        %dma_wait3A_640 = tpu.memref_slice %arg8[%run_scoped3A_619, %multiple_of3A_593] : memref<16x320000xf32, #tpu.memory_space<hbm>> -> memref<1x128xf32, #tpu.memory_space<hbm>>
        %dma_wait3A_641 = tpu.memref_squeeze %dma_wait3A_640 : memref<1x128xf32, #tpu.memory_space<hbm>> -> memref<128xf32, #tpu.memory_space<hbm>>
        %dma_wait3A_642 = arith.constant 1024 : i32
        %dma_wait3A_643 = tpu.memref_slice %arg28[%dma_wait3A_642] : memref<2048xf32, #tpu.memory_space<vmem>> -> memref<128xf32, #tpu.memory_space<vmem>>
        tpu.wait_dma2 semaphore(%run_scoped3A_627 : memref<!tpu.dma_semaphore, #tpu.memory_space<semaphore_mem>>) src(%dma_wait3A_643 : memref<128xf32, #tpu.memory_space<vmem>>) dst(%dma_wait3A_641 : memref<128xf32, #tpu.memory_space<hbm>>)
        tpu.yield
      }) : () -> ()
      %run_scoped3A_620 = arith.constant 9 : i32
      "tpu.region"() ({
        %run_scoped3A_627 = tpu.sem_alloc : memref<!tpu.dma_semaphore, #tpu.memory_space<semaphore_mem>>
        %dma_start3A_628 = arith.constant 1152 : i32
        %dma_start3A_629 = tpu.memref_slice %arg28[%dma_start3A_628] : memref<2048xf32, #tpu.memory_space<vmem>> -> memref<128xf32, #tpu.memory_space<vmem>>
        %dma_start3A_630 = tpu.memref_slice %arg8[%run_scoped3A_620, %multiple_of3A_593] : memref<16x320000xf32, #tpu.memory_space<hbm>> -> memref<1x128xf32, #tpu.memory_space<hbm>>
        %dma_start3A_631 = tpu.memref_squeeze %dma_start3A_630 : memref<1x128xf32, #tpu.memory_space<hbm>> -> memref<128xf32, #tpu.memory_space<hbm>>
        %dma_start3A_632 = tpu.memref_slice %arg8[%run_scoped3A_620, %multiple_of3A_593] : memref<16x320000xf32, #tpu.memory_space<hbm>> -> memref<1x128xf32, #tpu.memory_space<hbm>>
        %dma_start3A_633 = tpu.memref_squeeze %dma_start3A_632 : memref<1x128xf32, #tpu.memory_space<hbm>> -> memref<128xf32, #tpu.memory_space<hbm>>
        %dma_start3A_634 = arith.constant 1152 : i32
        %dma_start3A_635 = tpu.memref_slice %arg28[%dma_start3A_634] : memref<2048xf32, #tpu.memory_space<vmem>> -> memref<128xf32, #tpu.memory_space<vmem>>
        tpu.enqueue_dma source(%dma_start3A_635 : memref<128xf32, #tpu.memory_space<vmem>>) target(%dma_start3A_633 : memref<128xf32, #tpu.memory_space<hbm>>) target_semaphore(%run_scoped3A_627 : memref<!tpu.dma_semaphore, #tpu.memory_space<semaphore_mem>>)
        %dma_wait3A_636 = arith.constant 1152 : i32
        %dma_wait3A_637 = tpu.memref_slice %arg28[%dma_wait3A_636] : memref<2048xf32, #tpu.memory_space<vmem>> -> memref<128xf32, #tpu.memory_space<vmem>>
        %dma_wait3A_638 = tpu.memref_slice %arg8[%run_scoped3A_620, %multiple_of3A_593] : memref<16x320000xf32, #tpu.memory_space<hbm>> -> memref<1x128xf32, #tpu.memory_space<hbm>>
        %dma_wait3A_639 = tpu.memref_squeeze %dma_wait3A_638 : memref<1x128xf32, #tpu.memory_space<hbm>> -> memref<128xf32, #tpu.memory_space<hbm>>
        %dma_wait3A_640 = tpu.memref_slice %arg8[%run_scoped3A_620, %multiple_of3A_593] : memref<16x320000xf32, #tpu.memory_space<hbm>> -> memref<1x128xf32, #tpu.memory_space<hbm>>
        %dma_wait3A_641 = tpu.memref_squeeze %dma_wait3A_640 : memref<1x128xf32, #tpu.memory_space<hbm>> -> memref<128xf32, #tpu.memory_space<hbm>>
        %dma_wait3A_642 = arith.constant 1152 : i32
        %dma_wait3A_643 = tpu.memref_slice %arg28[%dma_wait3A_642] : memref<2048xf32, #tpu.memory_space<vmem>> -> memref<128xf32, #tpu.memory_space<vmem>>
        tpu.wait_dma2 semaphore(%run_scoped3A_627 : memref<!tpu.dma_semaphore, #tpu.memory_space<semaphore_mem>>) src(%dma_wait3A_643 : memref<128xf32, #tpu.memory_space<vmem>>) dst(%dma_wait3A_641 : memref<128xf32, #tpu.memory_space<hbm>>)
        tpu.yield
      }) : () -> ()
      %run_scoped3A_621 = arith.constant 10 : i32
      "tpu.region"() ({
        %run_scoped3A_627 = tpu.sem_alloc : memref<!tpu.dma_semaphore, #tpu.memory_space<semaphore_mem>>
        %dma_start3A_628 = arith.constant 1280 : i32
        %dma_start3A_629 = tpu.memref_slice %arg28[%dma_start3A_628] : memref<2048xf32, #tpu.memory_space<vmem>> -> memref<128xf32, #tpu.memory_space<vmem>>
        %dma_start3A_630 = tpu.memref_slice %arg8[%run_scoped3A_621, %multiple_of3A_593] : memref<16x320000xf32, #tpu.memory_space<hbm>> -> memref<1x128xf32, #tpu.memory_space<hbm>>
        %dma_start3A_631 = tpu.memref_squeeze %dma_start3A_630 : memref<1x128xf32, #tpu.memory_space<hbm>> -> memref<128xf32, #tpu.memory_space<hbm>>
        %dma_start3A_632 = tpu.memref_slice %arg8[%run_scoped3A_621, %multiple_of3A_593] : memref<16x320000xf32, #tpu.memory_space<hbm>> -> memref<1x128xf32, #tpu.memory_space<hbm>>
        %dma_start3A_633 = tpu.memref_squeeze %dma_start3A_632 : memref<1x128xf32, #tpu.memory_space<hbm>> -> memref<128xf32, #tpu.memory_space<hbm>>
        %dma_start3A_634 = arith.constant 1280 : i32
        %dma_start3A_635 = tpu.memref_slice %arg28[%dma_start3A_634] : memref<2048xf32, #tpu.memory_space<vmem>> -> memref<128xf32, #tpu.memory_space<vmem>>
        tpu.enqueue_dma source(%dma_start3A_635 : memref<128xf32, #tpu.memory_space<vmem>>) target(%dma_start3A_633 : memref<128xf32, #tpu.memory_space<hbm>>) target_semaphore(%run_scoped3A_627 : memref<!tpu.dma_semaphore, #tpu.memory_space<semaphore_mem>>)
        %dma_wait3A_636 = arith.constant 1280 : i32
        %dma_wait3A_637 = tpu.memref_slice %arg28[%dma_wait3A_636] : memref<2048xf32, #tpu.memory_space<vmem>> -> memref<128xf32, #tpu.memory_space<vmem>>
        %dma_wait3A_638 = tpu.memref_slice %arg8[%run_scoped3A_621, %multiple_of3A_593] : memref<16x320000xf32, #tpu.memory_space<hbm>> -> memref<1x128xf32, #tpu.memory_space<hbm>>
        %dma_wait3A_639 = tpu.memref_squeeze %dma_wait3A_638 : memref<1x128xf32, #tpu.memory_space<hbm>> -> memref<128xf32, #tpu.memory_space<hbm>>
        %dma_wait3A_640 = tpu.memref_slice %arg8[%run_scoped3A_621, %multiple_of3A_593] : memref<16x320000xf32, #tpu.memory_space<hbm>> -> memref<1x128xf32, #tpu.memory_space<hbm>>
        %dma_wait3A_641 = tpu.memref_squeeze %dma_wait3A_640 : memref<1x128xf32, #tpu.memory_space<hbm>> -> memref<128xf32, #tpu.memory_space<hbm>>
        %dma_wait3A_642 = arith.constant 1280 : i32
        %dma_wait3A_643 = tpu.memref_slice %arg28[%dma_wait3A_642] : memref<2048xf32, #tpu.memory_space<vmem>> -> memref<128xf32, #tpu.memory_space<vmem>>
        tpu.wait_dma2 semaphore(%run_scoped3A_627 : memref<!tpu.dma_semaphore, #tpu.memory_space<semaphore_mem>>) src(%dma_wait3A_643 : memref<128xf32, #tpu.memory_space<vmem>>) dst(%dma_wait3A_641 : memref<128xf32, #tpu.memory_space<hbm>>)
        tpu.yield
      }) : () -> ()
      %run_scoped3A_622 = arith.constant 11 : i32
      "tpu.region"() ({
        %run_scoped3A_627 = tpu.sem_alloc : memref<!tpu.dma_semaphore, #tpu.memory_space<semaphore_mem>>
        %dma_start3A_628 = arith.constant 1408 : i32
        %dma_start3A_629 = tpu.memref_slice %arg28[%dma_start3A_628] : memref<2048xf32, #tpu.memory_space<vmem>> -> memref<128xf32, #tpu.memory_space<vmem>>
        %dma_start3A_630 = tpu.memref_slice %arg8[%run_scoped3A_622, %multiple_of3A_593] : memref<16x320000xf32, #tpu.memory_space<hbm>> -> memref<1x128xf32, #tpu.memory_space<hbm>>
        %dma_start3A_631 = tpu.memref_squeeze %dma_start3A_630 : memref<1x128xf32, #tpu.memory_space<hbm>> -> memref<128xf32, #tpu.memory_space<hbm>>
        %dma_start3A_632 = tpu.memref_slice %arg8[%run_scoped3A_622, %multiple_of3A_593] : memref<16x320000xf32, #tpu.memory_space<hbm>> -> memref<1x128xf32, #tpu.memory_space<hbm>>
        %dma_start3A_633 = tpu.memref_squeeze %dma_start3A_632 : memref<1x128xf32, #tpu.memory_space<hbm>> -> memref<128xf32, #tpu.memory_space<hbm>>
        %dma_start3A_634 = arith.constant 1408 : i32
        %dma_start3A_635 = tpu.memref_slice %arg28[%dma_start3A_634] : memref<2048xf32, #tpu.memory_space<vmem>> -> memref<128xf32, #tpu.memory_space<vmem>>
        tpu.enqueue_dma source(%dma_start3A_635 : memref<128xf32, #tpu.memory_space<vmem>>) target(%dma_start3A_633 : memref<128xf32, #tpu.memory_space<hbm>>) target_semaphore(%run_scoped3A_627 : memref<!tpu.dma_semaphore, #tpu.memory_space<semaphore_mem>>)
        %dma_wait3A_636 = arith.constant 1408 : i32
        %dma_wait3A_637 = tpu.memref_slice %arg28[%dma_wait3A_636] : memref<2048xf32, #tpu.memory_space<vmem>> -> memref<128xf32, #tpu.memory_space<vmem>>
        %dma_wait3A_638 = tpu.memref_slice %arg8[%run_scoped3A_622, %multiple_of3A_593] : memref<16x320000xf32, #tpu.memory_space<hbm>> -> memref<1x128xf32, #tpu.memory_space<hbm>>
        %dma_wait3A_639 = tpu.memref_squeeze %dma_wait3A_638 : memref<1x128xf32, #tpu.memory_space<hbm>> -> memref<128xf32, #tpu.memory_space<hbm>>
        %dma_wait3A_640 = tpu.memref_slice %arg8[%run_scoped3A_622, %multiple_of3A_593] : memref<16x320000xf32, #tpu.memory_space<hbm>> -> memref<1x128xf32, #tpu.memory_space<hbm>>
        %dma_wait3A_641 = tpu.memref_squeeze %dma_wait3A_640 : memref<1x128xf32, #tpu.memory_space<hbm>> -> memref<128xf32, #tpu.memory_space<hbm>>
        %dma_wait3A_642 = arith.constant 1408 : i32
        %dma_wait3A_643 = tpu.memref_slice %arg28[%dma_wait3A_642] : memref<2048xf32, #tpu.memory_space<vmem>> -> memref<128xf32, #tpu.memory_space<vmem>>
        tpu.wait_dma2 semaphore(%run_scoped3A_627 : memref<!tpu.dma_semaphore, #tpu.memory_space<semaphore_mem>>) src(%dma_wait3A_643 : memref<128xf32, #tpu.memory_space<vmem>>) dst(%dma_wait3A_641 : memref<128xf32, #tpu.memory_space<hbm>>)
        tpu.yield
      }) : () -> ()
      %run_scoped3A_623 = arith.constant 12 : i32
      "tpu.region"() ({
        %run_scoped3A_627 = tpu.sem_alloc : memref<!tpu.dma_semaphore, #tpu.memory_space<semaphore_mem>>
        %dma_start3A_628 = arith.constant 1536 : i32
        %dma_start3A_629 = tpu.memref_slice %arg28[%dma_start3A_628] : memref<2048xf32, #tpu.memory_space<vmem>> -> memref<128xf32, #tpu.memory_space<vmem>>
        %dma_start3A_630 = tpu.memref_slice %arg8[%run_scoped3A_623, %multiple_of3A_593] : memref<16x320000xf32, #tpu.memory_space<hbm>> -> memref<1x128xf32, #tpu.memory_space<hbm>>
        %dma_start3A_631 = tpu.memref_squeeze %dma_start3A_630 : memref<1x128xf32, #tpu.memory_space<hbm>> -> memref<128xf32, #tpu.memory_space<hbm>>
        %dma_start3A_632 = tpu.memref_slice %arg8[%run_scoped3A_623, %multiple_of3A_593] : memref<16x320000xf32, #tpu.memory_space<hbm>> -> memref<1x128xf32, #tpu.memory_space<hbm>>
        %dma_start3A_633 = tpu.memref_squeeze %dma_start3A_632 : memref<1x128xf32, #tpu.memory_space<hbm>> -> memref<128xf32, #tpu.memory_space<hbm>>
        %dma_start3A_634 = arith.constant 1536 : i32
        %dma_start3A_635 = tpu.memref_slice %arg28[%dma_start3A_634] : memref<2048xf32, #tpu.memory_space<vmem>> -> memref<128xf32, #tpu.memory_space<vmem>>
        tpu.enqueue_dma source(%dma_start3A_635 : memref<128xf32, #tpu.memory_space<vmem>>) target(%dma_start3A_633 : memref<128xf32, #tpu.memory_space<hbm>>) target_semaphore(%run_scoped3A_627 : memref<!tpu.dma_semaphore, #tpu.memory_space<semaphore_mem>>)
        %dma_wait3A_636 = arith.constant 1536 : i32
        %dma_wait3A_637 = tpu.memref_slice %arg28[%dma_wait3A_636] : memref<2048xf32, #tpu.memory_space<vmem>> -> memref<128xf32, #tpu.memory_space<vmem>>
        %dma_wait3A_638 = tpu.memref_slice %arg8[%run_scoped3A_623, %multiple_of3A_593] : memref<16x320000xf32, #tpu.memory_space<hbm>> -> memref<1x128xf32, #tpu.memory_space<hbm>>
        %dma_wait3A_639 = tpu.memref_squeeze %dma_wait3A_638 : memref<1x128xf32, #tpu.memory_space<hbm>> -> memref<128xf32, #tpu.memory_space<hbm>>
        %dma_wait3A_640 = tpu.memref_slice %arg8[%run_scoped3A_623, %multiple_of3A_593] : memref<16x320000xf32, #tpu.memory_space<hbm>> -> memref<1x128xf32, #tpu.memory_space<hbm>>
        %dma_wait3A_641 = tpu.memref_squeeze %dma_wait3A_640 : memref<1x128xf32, #tpu.memory_space<hbm>> -> memref<128xf32, #tpu.memory_space<hbm>>
        %dma_wait3A_642 = arith.constant 1536 : i32
        %dma_wait3A_643 = tpu.memref_slice %arg28[%dma_wait3A_642] : memref<2048xf32, #tpu.memory_space<vmem>> -> memref<128xf32, #tpu.memory_space<vmem>>
        tpu.wait_dma2 semaphore(%run_scoped3A_627 : memref<!tpu.dma_semaphore, #tpu.memory_space<semaphore_mem>>) src(%dma_wait3A_643 : memref<128xf32, #tpu.memory_space<vmem>>) dst(%dma_wait3A_641 : memref<128xf32, #tpu.memory_space<hbm>>)
        tpu.yield
      }) : () -> ()
      %run_scoped3A_624 = arith.constant 13 : i32
      "tpu.region"() ({
        %run_scoped3A_627 = tpu.sem_alloc : memref<!tpu.dma_semaphore, #tpu.memory_space<semaphore_mem>>
        %dma_start3A_628 = arith.constant 1664 : i32
        %dma_start3A_629 = tpu.memref_slice %arg28[%dma_start3A_628] : memref<2048xf32, #tpu.memory_space<vmem>> -> memref<128xf32, #tpu.memory_space<vmem>>
        %dma_start3A_630 = tpu.memref_slice %arg8[%run_scoped3A_624, %multiple_of3A_593] : memref<16x320000xf32, #tpu.memory_space<hbm>> -> memref<1x128xf32, #tpu.memory_space<hbm>>
        %dma_start3A_631 = tpu.memref_squeeze %dma_start3A_630 : memref<1x128xf32, #tpu.memory_space<hbm>> -> memref<128xf32, #tpu.memory_space<hbm>>
        %dma_start3A_632 = tpu.memref_slice %arg8[%run_scoped3A_624, %multiple_of3A_593] : memref<16x320000xf32, #tpu.memory_space<hbm>> -> memref<1x128xf32, #tpu.memory_space<hbm>>
        %dma_start3A_633 = tpu.memref_squeeze %dma_start3A_632 : memref<1x128xf32, #tpu.memory_space<hbm>> -> memref<128xf32, #tpu.memory_space<hbm>>
        %dma_start3A_634 = arith.constant 1664 : i32
        %dma_start3A_635 = tpu.memref_slice %arg28[%dma_start3A_634] : memref<2048xf32, #tpu.memory_space<vmem>> -> memref<128xf32, #tpu.memory_space<vmem>>
        tpu.enqueue_dma source(%dma_start3A_635 : memref<128xf32, #tpu.memory_space<vmem>>) target(%dma_start3A_633 : memref<128xf32, #tpu.memory_space<hbm>>) target_semaphore(%run_scoped3A_627 : memref<!tpu.dma_semaphore, #tpu.memory_space<semaphore_mem>>)
        %dma_wait3A_636 = arith.constant 1664 : i32
        %dma_wait3A_637 = tpu.memref_slice %arg28[%dma_wait3A_636] : memref<2048xf32, #tpu.memory_space<vmem>> -> memref<128xf32, #tpu.memory_space<vmem>>
        %dma_wait3A_638 = tpu.memref_slice %arg8[%run_scoped3A_624, %multiple_of3A_593] : memref<16x320000xf32, #tpu.memory_space<hbm>> -> memref<1x128xf32, #tpu.memory_space<hbm>>
        %dma_wait3A_639 = tpu.memref_squeeze %dma_wait3A_638 : memref<1x128xf32, #tpu.memory_space<hbm>> -> memref<128xf32, #tpu.memory_space<hbm>>
        %dma_wait3A_640 = tpu.memref_slice %arg8[%run_scoped3A_624, %multiple_of3A_593] : memref<16x320000xf32, #tpu.memory_space<hbm>> -> memref<1x128xf32, #tpu.memory_space<hbm>>
        %dma_wait3A_641 = tpu.memref_squeeze %dma_wait3A_640 : memref<1x128xf32, #tpu.memory_space<hbm>> -> memref<128xf32, #tpu.memory_space<hbm>>
        %dma_wait3A_642 = arith.constant 1664 : i32
        %dma_wait3A_643 = tpu.memref_slice %arg28[%dma_wait3A_642] : memref<2048xf32, #tpu.memory_space<vmem>> -> memref<128xf32, #tpu.memory_space<vmem>>
        tpu.wait_dma2 semaphore(%run_scoped3A_627 : memref<!tpu.dma_semaphore, #tpu.memory_space<semaphore_mem>>) src(%dma_wait3A_643 : memref<128xf32, #tpu.memory_space<vmem>>) dst(%dma_wait3A_641 : memref<128xf32, #tpu.memory_space<hbm>>)
        tpu.yield
      }) : () -> ()
      %run_scoped3A_625 = arith.constant 14 : i32
      "tpu.region"() ({
        %run_scoped3A_627 = tpu.sem_alloc : memref<!tpu.dma_semaphore, #tpu.memory_space<semaphore_mem>>
        %dma_start3A_628 = arith.constant 1792 : i32
        %dma_start3A_629 = tpu.memref_slice %arg28[%dma_start3A_628] : memref<2048xf32, #tpu.memory_space<vmem>> -> memref<128xf32, #tpu.memory_space<vmem>>
        %dma_start3A_630 = tpu.memref_slice %arg8[%run_scoped3A_625, %multiple_of3A_593] : memref<16x320000xf32, #tpu.memory_space<hbm>> -> memref<1x128xf32, #tpu.memory_space<hbm>>
        %dma_start3A_631 = tpu.memref_squeeze %dma_start3A_630 : memref<1x128xf32, #tpu.memory_space<hbm>> -> memref<128xf32, #tpu.memory_space<hbm>>
        %dma_start3A_632 = tpu.memref_slice %arg8[%run_scoped3A_625, %multiple_of3A_593] : memref<16x320000xf32, #tpu.memory_space<hbm>> -> memref<1x128xf32, #tpu.memory_space<hbm>>
        %dma_start3A_633 = tpu.memref_squeeze %dma_start3A_632 : memref<1x128xf32, #tpu.memory_space<hbm>> -> memref<128xf32, #tpu.memory_space<hbm>>
        %dma_start3A_634 = arith.constant 1792 : i32
        %dma_start3A_635 = tpu.memref_slice %arg28[%dma_start3A_634] : memref<2048xf32, #tpu.memory_space<vmem>> -> memref<128xf32, #tpu.memory_space<vmem>>
        tpu.enqueue_dma source(%dma_start3A_635 : memref<128xf32, #tpu.memory_space<vmem>>) target(%dma_start3A_633 : memref<128xf32, #tpu.memory_space<hbm>>) target_semaphore(%run_scoped3A_627 : memref<!tpu.dma_semaphore, #tpu.memory_space<semaphore_mem>>)
        %dma_wait3A_636 = arith.constant 1792 : i32
        %dma_wait3A_637 = tpu.memref_slice %arg28[%dma_wait3A_636] : memref<2048xf32, #tpu.memory_space<vmem>> -> memref<128xf32, #tpu.memory_space<vmem>>
        %dma_wait3A_638 = tpu.memref_slice %arg8[%run_scoped3A_625, %multiple_of3A_593] : memref<16x320000xf32, #tpu.memory_space<hbm>> -> memref<1x128xf32, #tpu.memory_space<hbm>>
        %dma_wait3A_639 = tpu.memref_squeeze %dma_wait3A_638 : memref<1x128xf32, #tpu.memory_space<hbm>> -> memref<128xf32, #tpu.memory_space<hbm>>
        %dma_wait3A_640 = tpu.memref_slice %arg8[%run_scoped3A_625, %multiple_of3A_593] : memref<16x320000xf32, #tpu.memory_space<hbm>> -> memref<1x128xf32, #tpu.memory_space<hbm>>
        %dma_wait3A_641 = tpu.memref_squeeze %dma_wait3A_640 : memref<1x128xf32, #tpu.memory_space<hbm>> -> memref<128xf32, #tpu.memory_space<hbm>>
        %dma_wait3A_642 = arith.constant 1792 : i32
        %dma_wait3A_643 = tpu.memref_slice %arg28[%dma_wait3A_642] : memref<2048xf32, #tpu.memory_space<vmem>> -> memref<128xf32, #tpu.memory_space<vmem>>
        tpu.wait_dma2 semaphore(%run_scoped3A_627 : memref<!tpu.dma_semaphore, #tpu.memory_space<semaphore_mem>>) src(%dma_wait3A_643 : memref<128xf32, #tpu.memory_space<vmem>>) dst(%dma_wait3A_641 : memref<128xf32, #tpu.memory_space<hbm>>)
        tpu.yield
      }) : () -> ()
      %run_scoped3A_626 = arith.constant 15 : i32
      "tpu.region"() ({
        %run_scoped3A_627 = tpu.sem_alloc : memref<!tpu.dma_semaphore, #tpu.memory_space<semaphore_mem>>
        %dma_start3A_628 = arith.constant 1920 : i32
        %dma_start3A_629 = tpu.memref_slice %arg28[%dma_start3A_628] : memref<2048xf32, #tpu.memory_space<vmem>> -> memref<128xf32, #tpu.memory_space<vmem>>
        %dma_start3A_630 = tpu.memref_slice %arg8[%run_scoped3A_626, %multiple_of3A_593] : memref<16x320000xf32, #tpu.memory_space<hbm>> -> memref<1x128xf32, #tpu.memory_space<hbm>>
        %dma_start3A_631 = tpu.memref_squeeze %dma_start3A_630 : memref<1x128xf32, #tpu.memory_space<hbm>> -> memref<128xf32, #tpu.memory_space<hbm>>
        %dma_start3A_632 = tpu.memref_slice %arg8[%run_scoped3A_626, %multiple_of3A_593] : memref<16x320000xf32, #tpu.memory_space<hbm>> -> memref<1x128xf32, #tpu.memory_space<hbm>>
        %dma_start3A_633 = tpu.memref_squeeze %dma_start3A_632 : memref<1x128xf32, #tpu.memory_space<hbm>> -> memref<128xf32, #tpu.memory_space<hbm>>
        %dma_start3A_634 = arith.constant 1920 : i32
        %dma_start3A_635 = tpu.memref_slice %arg28[%dma_start3A_634] : memref<2048xf32, #tpu.memory_space<vmem>> -> memref<128xf32, #tpu.memory_space<vmem>>
        tpu.enqueue_dma source(%dma_start3A_635 : memref<128xf32, #tpu.memory_space<vmem>>) target(%dma_start3A_633 : memref<128xf32, #tpu.memory_space<hbm>>) target_semaphore(%run_scoped3A_627 : memref<!tpu.dma_semaphore, #tpu.memory_space<semaphore_mem>>)
        %dma_wait3A_636 = arith.constant 1920 : i32
        %dma_wait3A_637 = tpu.memref_slice %arg28[%dma_wait3A_636] : memref<2048xf32, #tpu.memory_space<vmem>> -> memref<128xf32, #tpu.memory_space<vmem>>
        %dma_wait3A_638 = tpu.memref_slice %arg8[%run_scoped3A_626, %multiple_of3A_593] : memref<16x320000xf32, #tpu.memory_space<hbm>> -> memref<1x128xf32, #tpu.memory_space<hbm>>
        %dma_wait3A_639 = tpu.memref_squeeze %dma_wait3A_638 : memref<1x128xf32, #tpu.memory_space<hbm>> -> memref<128xf32, #tpu.memory_space<hbm>>
        %dma_wait3A_640 = tpu.memref_slice %arg8[%run_scoped3A_626, %multiple_of3A_593] : memref<16x320000xf32, #tpu.memory_space<hbm>> -> memref<1x128xf32, #tpu.memory_space<hbm>>
        %dma_wait3A_641 = tpu.memref_squeeze %dma_wait3A_640 : memref<1x128xf32, #tpu.memory_space<hbm>> -> memref<128xf32, #tpu.memory_space<hbm>>
        %dma_wait3A_642 = arith.constant 1920 : i32
        %dma_wait3A_643 = tpu.memref_slice %arg28[%dma_wait3A_642] : memref<2048xf32, #tpu.memory_space<vmem>> -> memref<128xf32, #tpu.memory_space<vmem>>
        tpu.wait_dma2 semaphore(%run_scoped3A_627 : memref<!tpu.dma_semaphore, #tpu.memory_space<semaphore_mem>>) src(%dma_wait3A_643 : memref<128xf32, #tpu.memory_space<vmem>>) dst(%dma_wait3A_641 : memref<128xf32, #tpu.memory_space<hbm>>)
        tpu.yield
      }) : () -> ()
      "tpu.region"() ({
        %run_scoped3A_627 = tpu.sem_alloc : memref<!tpu.dma_semaphore, #tpu.memory_space<semaphore_mem>>
        %dma_start3A_628 = arith.constant 0 : i32
        %dma_start3A_629 = arith.constant 0 : i32
        %dma_start3A_630 = tpu.memref_slice %arg40[%dma_start3A_628, %dma_start3A_629] : memref<10000x16xf32, #tpu.memory_space<vmem_shared>> -> memref<10000x16xf32, #tpu.memory_space<vmem_shared>>
        tpu.enqueue_indirect_dma source(%arg25 : memref<128x16xf32, #tpu.memory_space<vmem>>) target(%dma_start3A_630 : memref<10000x16xf32, #tpu.memory_space<vmem_shared>>) offsets(%arg10 : memref<128xi32, #tpu.memory_space<vmem>>) semaphore(%run_scoped3A_627 : memref<!tpu.dma_semaphore, #tpu.memory_space<semaphore_mem>>) {add = true}
        %dma_wait3A_631 = arith.constant 0 : i32
        %dma_wait3A_632 = arith.constant 0 : i32
        %dma_wait3A_633 = tpu.memref_slice %arg40[%dma_wait3A_631, %dma_wait3A_632] : memref<10000x16xf32, #tpu.memory_space<vmem_shared>> -> memref<10000x16xf32, #tpu.memory_space<vmem_shared>>
        tpu.wait_indirect_dma semaphore(%run_scoped3A_627 : memref<!tpu.dma_semaphore, #tpu.memory_space<semaphore_mem>>) src(%arg25 : memref<128x16xf32, #tpu.memory_space<vmem>>) dst(%dma_wait3A_633 : memref<10000x16xf32, #tpu.memory_space<vmem_shared>>)
        tpu.yield
      }) : () -> ()
    } else {
    }
    %barrier3A_583 = arith.constant 0 : index
    tpu.barrier barrier_id(%barrier3A_583)
    %eq3A_584 = arith.constant 0 : i32
    %eq3A_585 = arith.cmpi eq, %arg1, %eq3A_584 : i32
    %convert_element_type3A_586 = arith.extui %eq3A_585 : i1 to i32
    %cond3A_587 = arith.constant 0 : i32
    %cond3A_588 = arith.cmpi ne, %convert_element_type3A_586, %cond3A_587 : i32
    scf.if %cond3A_588 {
      "tpu.region"() ({
        %run_scoped3A = tpu.sem_alloc : memref<!tpu.dma_semaphore, #tpu.memory_space<semaphore_mem>>
        %dma_start3A_589 = arith.constant 0 : i32
        %dma_start3A_590 = arith.constant 0 : i32
        %dma_start3A_591 = tpu.memref_slice %arg9[%arg0, %dma_start3A_589, %dma_start3A_590] : memref<2x10000x16xf32, #tpu.memory_space<hbm>> -> memref<1x10000x16xf32, #tpu.memory_space<hbm>>
        %dma_start3A_592 = tpu.memref_squeeze %dma_start3A_591 : memref<1x10000x16xf32, #tpu.memory_space<hbm>> -> memref<10000x16xf32, #tpu.memory_space<hbm>>
        tpu.enqueue_dma source(%arg40 : memref<10000x16xf32, #tpu.memory_space<vmem_shared>>) target(%dma_start3A_592 : memref<10000x16xf32, #tpu.memory_space<hbm>>) target_semaphore(%run_scoped3A : memref<!tpu.dma_semaphore, #tpu.memory_space<semaphore_mem>>)
        %dma_wait3A_593 = arith.constant 0 : i32
        %dma_wait3A_594 = arith.constant 0 : i32
        %dma_wait3A_595 = tpu.memref_slice %arg9[%arg0, %dma_wait3A_593, %dma_wait3A_594] : memref<2x10000x16xf32, #tpu.memory_space<hbm>> -> memref<1x10000x16xf32, #tpu.memory_space<hbm>>
        %dma_wait3A_596 = tpu.memref_squeeze %dma_wait3A_595 : memref<1x10000x16xf32, #tpu.memory_space<hbm>> -> memref<10000x16xf32, #tpu.memory_space<hbm>>
        tpu.wait_dma2 semaphore(%run_scoped3A : memref<!tpu.dma_semaphore, #tpu.memory_space<semaphore_mem>>) src(%arg40 : memref<10000x16xf32, #tpu.memory_space<vmem_shared>>) dst(%dma_wait3A_596 : memref<10000x16xf32, #tpu.memory_space<hbm>>)
        tpu.yield
      }) : () -> ()
    } else {
    }
    return
  }
}

module attributes {stable_mosaic.version = 14 : i64} {
  func.func @body(%arg0: memref<10000x128xf32, #tpu.memory_space<vmem>>, %arg1: memref<1x32xf32, #tpu.memory_space<vmem>>, %arg2: memref<128x32xf32, #tpu.memory_space<vmem>>, %arg3: memref<32x16xf32, #tpu.memory_space<vmem>>, %arg4: memref<1x16xf32, #tpu.memory_space<vmem>>, %arg5: memref<10000x16xf32, #tpu.memory_space<vmem>>, %arg6: memref<10000x16xf32, #tpu.memory_space<vmem>>, %arg7: memref<1x16xf32, #tpu.memory_space<vmem>>) attributes {dimension_semantics = [], scalar_prefetch = 0 : i64, scratch_operands = 0 : i64, tpu.core_type = #tpu.core_type<tc>} {
    %get3A = arith.constant 0 : index
    %get3A_0 = arith.constant 0 : index
    %get3A_1 = vector.load %arg0[%get3A, %get3A_0] : memref<10000x128xf32, #tpu.memory_space<vmem>>, vector<10000x128xf32>
    %get3A_2 = arith.constant 0 : index
    %get3A_3 = arith.constant 0 : index
    %get3A_4 = vector.load %arg2[%get3A_2, %get3A_3] : memref<128x32xf32, #tpu.memory_space<vmem>>, vector<128x32xf32>
    %dot_general3A = arith.constant dense<0.000000e+00> : vector<10000x32xf32>
    %dot_general3A_5 = tpu.matmul %get3A_1, %get3A_4, %dot_general3A {dimension_numbers = #tpu.dot_dimension_numbers<[1], [0], [0], [1], [0, 0, 1, 1], [], []>, transpose_lhs_hint = false} : vector<10000x128xf32>, vector<128x32xf32>, vector<10000x32xf32> -> vector<10000x32xf32>
    %slice3A = vector.extract_strided_slice %dot_general3A_5 {offsets = [0, 0], sizes = [10000, 16], strides = [1, 1]} : vector<10000x32xf32> to vector<10000x16xf32>
    %swap3A = arith.constant 0 : index
    %swap3A_6 = arith.constant 0 : index
    %swap3A_7 = vector.load %arg5[%swap3A, %swap3A_6] : memref<10000x16xf32, #tpu.memory_space<vmem>>, vector<10000x16xf32>
    tpu.vector_store %arg5[%swap3A, %swap3A_6], %slice3A {strides = array<i32>} : memref<10000x16xf32, #tpu.memory_space<vmem>>, vector<10000x16xf32>,
    %slice3A_8 = vector.extract_strided_slice %dot_general3A_5 {offsets = [0, 16], sizes = [10000, 16], strides = [1, 1]} : vector<10000x32xf32> to vector<10000x16xf32>
    %swap3A_9 = arith.constant 0 : index
    %swap3A_10 = arith.constant 0 : index
    %swap3A_11 = vector.load %arg6[%swap3A_9, %swap3A_10] : memref<10000x16xf32, #tpu.memory_space<vmem>>, vector<10000x16xf32>
    tpu.vector_store %arg6[%swap3A_9, %swap3A_10], %slice3A_8 {strides = array<i32>} : memref<10000x16xf32, #tpu.memory_space<vmem>>, vector<10000x16xf32>,
    %get3A_12 = arith.constant 0 : index
    %get3A_13 = arith.constant 0 : index
    %get3A_14 = vector.load %arg1[%get3A_12, %get3A_13] : memref<1x32xf32, #tpu.memory_space<vmem>>, vector<1x32xf32>
    %get3A_15 = arith.constant 0 : index
    %get3A_16 = arith.constant 0 : index
    %get3A_17 = vector.load %arg3[%get3A_15, %get3A_16] : memref<32x16xf32, #tpu.memory_space<vmem>>, vector<32x16xf32>
    %dot_general3A_18 = arith.constant dense<0.000000e+00> : vector<1x16xf32>
    %dot_general3A_19 = tpu.matmul %get3A_14, %get3A_17, %dot_general3A_18 {dimension_numbers = #tpu.dot_dimension_numbers<[1], [0], [0], [1], [0, 0, 1, 1], [], []>, transpose_lhs_hint = false} : vector<1x32xf32>, vector<32x16xf32>, vector<1x16xf32> -> vector<1x16xf32>
    %get3A_20 = arith.constant 0 : index
    %get3A_21 = arith.constant 0 : index
    %get3A_22 = vector.load %arg4[%get3A_20, %get3A_21] : memref<1x16xf32, #tpu.memory_space<vmem>>, vector<1x16xf32>
    %add3A = arith.addf %dot_general3A_19, %get3A_22 : vector<1x16xf32>
    %swap3A_23 = arith.constant 0 : index
    %swap3A_24 = arith.constant 0 : index
    %swap3A_25 = vector.load %arg7[%swap3A_23, %swap3A_24] : memref<1x16xf32, #tpu.memory_space<vmem>>, vector<1x16xf32>
    tpu.vector_store %arg7[%swap3A_23, %swap3A_24], %add3A {strides = array<i32>} : memref<1x16xf32, #tpu.memory_space<vmem>>, vector<1x16xf32>,
    return
  }
}

module attributes {stable_mosaic.version = 14 : i64} {
  func.func @body(%arg0: i32, %arg1: memref<4000x128xf32, #tpu.memory_space<vmem>>, %arg2: memref<128x128xf32, #tpu.memory_space<vmem>>, %arg3: memref<1x128xf32, #tpu.memory_space<vmem>>, %arg4: memref<4000x128xf32, #tpu.memory_space<vmem>>) attributes {dimension_semantics = [#tpu.dimension_semantics<arbitrary>], iteration_bounds = array<i64: 10>, scalar_prefetch = 0 : i64, scratch_operands = 0 : i64, tpu.core_type = #tpu.core_type<tc>, window_params = [{transform_indices = @transform_0, window_bounds = array<i64: 4000, 128>}, {pipeline_mode = #tpu.pipeline_mode<synchronous>, transform_indices = @transform_1, window_bounds = array<i64: 128, 128>}, {pipeline_mode = #tpu.pipeline_mode<synchronous>, transform_indices = @transform_2, window_bounds = array<i64: 1, 128>}, {transform_indices = @transform_3, window_bounds = array<i64: 4000, 128>}]} {
    %get3A = arith.constant 0 : index
    %get3A_0 = arith.constant 0 : index
    %get3A_1 = vector.load %arg1[%get3A, %get3A_0] : memref<4000x128xf32, #tpu.memory_space<vmem>>, vector<4000x128xf32>
    %get3A_2 = arith.constant 0 : index
    %get3A_3 = arith.constant 0 : index
    %get3A_4 = vector.load %arg2[%get3A_2, %get3A_3] : memref<128x128xf32, #tpu.memory_space<vmem>>, vector<128x128xf32>
    %dot_general3A = arith.constant dense<0.000000e+00> : vector<4000x128xf32>
    %dot_general3A_5 = tpu.matmul %get3A_1, %get3A_4, %dot_general3A {dimension_numbers = #tpu.dot_dimension_numbers<[1], [0], [0], [1], [0, 0, 1, 1], [], []>, transpose_lhs_hint = false} : vector<4000x128xf32>, vector<128x128xf32>, vector<4000x128xf32> -> vector<4000x128xf32>
    %get3A_6 = arith.constant 0 : index
    %get3A_7 = arith.constant 0 : index
    %get3A_8 = vector.load %arg3[%get3A_6, %get3A_7] : memref<1x128xf32, #tpu.memory_space<vmem>>, vector<1x128xf32>
    %add3A = vector.broadcast %get3A_8 : vector<1x128xf32> to vector<4000x128xf32>
    %add3A_9 = arith.addf %dot_general3A_5, %add3A : vector<4000x128xf32>
    %swap3A = arith.constant 0 : index
    %swap3A_10 = arith.constant 0 : index
    %swap3A_11 = vector.load %arg4[%swap3A, %swap3A_10] : memref<4000x128xf32, #tpu.memory_space<vmem>>, vector<4000x128xf32>
    tpu.vector_store %arg4[%swap3A, %swap3A_10], %add3A_9 {strides = array<i32>} : memref<4000x128xf32, #tpu.memory_space<vmem>>, vector<4000x128xf32>,
    return
  }
  func.func @transform_0(%arg0: i32) -> (i32, i32) {
    %c0_i32 = arith.constant 0 : i32
    %c0_i32_0 = arith.constant 0 : i32
    return %arg0, %c0_i32 : i32, i32
  }
  func.func @transform_1(%arg0: i32) -> (i32, i32) {
    %c0_i32 = arith.constant 0 : i32
    %c0_i32_0 = arith.constant 0 : i32
    %c0_i32_1 = arith.constant 0 : i32
    return %c0_i32, %c0_i32_0 : i32, i32
  }
  func.func @transform_2(%arg0: i32) -> (i32, i32) {
    %c0_i32 = arith.constant 0 : i32
    %c0_i32_0 = arith.constant 0 : i32
    %c0_i32_1 = arith.constant 0 : i32
    return %c0_i32, %c0_i32_0 : i32, i32
  }
  func.func @transform_3(%arg0: i32) -> (i32, i32) {
    %c0_i32 = arith.constant 0 : i32
    %c0_i32_0 = arith.constant 0 : i32
    return %arg0, %c0_i32 : i32, i32
  }
}

module attributes {stable_mosaic.version = 14 : i64} {
  func.func @body(%arg0: memref<10000x128xf32, #tpu.memory_space<vmem>>, %arg1: memref<2x10000x16xf32, #tpu.memory_space<vmem>>, %arg2: memref<1x32xf32, #tpu.memory_space<vmem>>, %arg3: memref<16x128xf32, #tpu.memory_space<vmem>>, %arg4: memref<128x128xf32, #tpu.memory_space<vmem>>, %arg5: memref<32x128xf32, #tpu.memory_space<vmem>>, %arg6: memref<1x128xf32, #tpu.memory_space<vmem>>, %arg7: memref<16x32xf32, #tpu.memory_space<vmem>>, %arg8: memref<128x32xf32, #tpu.memory_space<vmem>>, %arg9: memref<32x32xf32, #tpu.memory_space<vmem>>, %arg10: memref<1x32xf32, #tpu.memory_space<vmem>>, %arg11: memref<10000x128xf32, #tpu.memory_space<vmem>>, %arg12: memref<1x32xf32, #tpu.memory_space<vmem>>) attributes {dimension_semantics = [], scalar_prefetch = 0 : i64, scratch_operands = 0 : i64, tpu.core_type = #tpu.core_type<tc>} {
    %get3A = arith.constant 0 : index
    %get3A_0 = arith.constant 0 : index
    %get3A_1 = arith.constant 0 : index
    %get3A_2 = vector.load %arg1[%get3A, %get3A_0, %get3A_1] : memref<2x10000x16xf32, #tpu.memory_space<vmem>>, vector<1x10000x16xf32>
    %get3A_3 = vector.shape_cast %get3A_2 : vector<1x10000x16xf32> to vector<10000x16xf32>
    %get3A_4 = arith.constant 1 : index
    %get3A_5 = arith.constant 0 : index
    %get3A_6 = arith.constant 0 : index
    %get3A_7 = vector.load %arg1[%get3A_4, %get3A_5, %get3A_6] : memref<2x10000x16xf32, #tpu.memory_space<vmem>>, vector<1x10000x16xf32>
    %get3A_8 = vector.shape_cast %get3A_7 : vector<1x10000x16xf32> to vector<10000x16xf32>
    %add3A = arith.addf %get3A_3, %get3A_8 : vector<10000x16xf32>
    %get3A_9 = arith.constant 0 : index
    %get3A_10 = arith.constant 0 : index
    %get3A_11 = vector.load %arg2[%get3A_9, %get3A_10] : memref<1x32xf32, #tpu.memory_space<vmem>>, vector<1x32xf32>
    %get3A_12 = arith.constant 0 : index
    %get3A_13 = arith.constant 0 : index
    %get3A_14 = vector.load %arg5[%get3A_12, %get3A_13] : memref<32x128xf32, #tpu.memory_space<vmem>>, vector<32x128xf32>
    %dot_general3A = arith.constant dense<0.000000e+00> : vector<1x128xf32>
    %dot_general3A_15 = tpu.matmul %get3A_11, %get3A_14, %dot_general3A {dimension_numbers = #tpu.dot_dimension_numbers<[1], [0], [0], [1], [0, 0, 1, 1], [], []>, transpose_lhs_hint = false} : vector<1x32xf32>, vector<32x128xf32>, vector<1x128xf32> -> vector<1x128xf32>
    %get3A_16 = arith.constant 0 : index
    %get3A_17 = arith.constant 0 : index
    %get3A_18 = vector.load %arg6[%get3A_16, %get3A_17] : memref<1x128xf32, #tpu.memory_space<vmem>>, vector<1x128xf32>
    %add3A_19 = arith.addf %dot_general3A_15, %get3A_18 : vector<1x128xf32>
    %get3A_20 = arith.constant 0 : index
    %get3A_21 = arith.constant 0 : index
    %get3A_22 = vector.load %arg3[%get3A_20, %get3A_21] : memref<16x128xf32, #tpu.memory_space<vmem>>, vector<16x128xf32>
    %dot_general3A_23 = arith.constant dense<0.000000e+00> : vector<10000x128xf32>
    %dot_general3A_24 = tpu.matmul %add3A, %get3A_22, %dot_general3A_23 {dimension_numbers = #tpu.dot_dimension_numbers<[1], [0], [0], [1], [0, 0, 1, 1], [], []>, transpose_lhs_hint = false} : vector<10000x16xf32>, vector<16x128xf32>, vector<10000x128xf32> -> vector<10000x128xf32>
    %get3A_25 = arith.constant 0 : index
    %get3A_26 = arith.constant 0 : index
    %get3A_27 = vector.load %arg0[%get3A_25, %get3A_26] : memref<10000x128xf32, #tpu.memory_space<vmem>>, vector<10000x128xf32>
    %get3A_28 = arith.constant 0 : index
    %get3A_29 = arith.constant 0 : index
    %get3A_30 = vector.load %arg4[%get3A_28, %get3A_29] : memref<128x128xf32, #tpu.memory_space<vmem>>, vector<128x128xf32>
    %dot_general3A_31 = arith.constant dense<0.000000e+00> : vector<10000x128xf32>
    %dot_general3A_32 = tpu.matmul %get3A_27, %get3A_30, %dot_general3A_31 {dimension_numbers = #tpu.dot_dimension_numbers<[1], [0], [0], [1], [0, 0, 1, 1], [], []>, transpose_lhs_hint = false} : vector<10000x128xf32>, vector<128x128xf32>, vector<10000x128xf32> -> vector<10000x128xf32>
    %add3A_33 = arith.addf %dot_general3A_24, %dot_general3A_32 : vector<10000x128xf32>
    %add3A_34 = vector.broadcast %add3A_19 : vector<1x128xf32> to vector<10000x128xf32>
    %add3A_35 = arith.addf %add3A_33, %add3A_34 : vector<10000x128xf32>
    %swap3A = arith.constant 0 : index
    %swap3A_36 = arith.constant 0 : index
    %swap3A_37 = vector.load %arg11[%swap3A, %swap3A_36] : memref<10000x128xf32, #tpu.memory_space<vmem>>, vector<10000x128xf32>
    tpu.vector_store %arg11[%swap3A, %swap3A_36], %add3A_35 {strides = array<i32>} : memref<10000x128xf32, #tpu.memory_space<vmem>>, vector<10000x128xf32>,
    %reduce_sum3A = arith.constant dense<0.000000e+00> : vector<16xf32>
    %reduce_sum3A_38 = vector.multi_reduction <add>, %add3A, %reduce_sum3A [0] : vector<10000x16xf32> to vector<16xf32>
    %broadcast_in_dim3A = vector.shape_cast %reduce_sum3A_38 : vector<16xf32> to vector<1x16xf32>
    %reduce_sum3A_39 = arith.constant dense<0.000000e+00> : vector<128xf32>
    %reduce_sum3A_40 = vector.multi_reduction <add>, %add3A_35, %reduce_sum3A_39 [0] : vector<10000x128xf32> to vector<128xf32>
    %broadcast_in_dim3A_41 = vector.shape_cast %reduce_sum3A_40 : vector<128xf32> to vector<1x128xf32>
    %get3A_42 = arith.constant 0 : index
    %get3A_43 = arith.constant 0 : index
    %get3A_44 = vector.load %arg7[%get3A_42, %get3A_43] : memref<16x32xf32, #tpu.memory_space<vmem>>, vector<16x32xf32>
    %dot_general3A_45 = arith.constant dense<0.000000e+00> : vector<1x32xf32>
    %dot_general3A_46 = tpu.matmul %broadcast_in_dim3A, %get3A_44, %dot_general3A_45 {dimension_numbers = #tpu.dot_dimension_numbers<[1], [0], [0], [1], [0, 0, 1, 1], [], []>, transpose_lhs_hint = false} : vector<1x16xf32>, vector<16x32xf32>, vector<1x32xf32> -> vector<1x32xf32>
    %get3A_47 = arith.constant 0 : index
    %get3A_48 = arith.constant 0 : index
    %get3A_49 = vector.load %arg8[%get3A_47, %get3A_48] : memref<128x32xf32, #tpu.memory_space<vmem>>, vector<128x32xf32>
    %dot_general3A_50 = arith.constant dense<0.000000e+00> : vector<1x32xf32>
    %dot_general3A_51 = tpu.matmul %broadcast_in_dim3A_41, %get3A_49, %dot_general3A_50 {dimension_numbers = #tpu.dot_dimension_numbers<[1], [0], [0], [1], [0, 0, 1, 1], [], []>, transpose_lhs_hint = false} : vector<1x128xf32>, vector<128x32xf32>, vector<1x32xf32> -> vector<1x32xf32>
    %add3A_52 = arith.addf %dot_general3A_46, %dot_general3A_51 : vector<1x32xf32>
    %get3A_53 = arith.constant 0 : index
    %get3A_54 = arith.constant 0 : index
    %get3A_55 = vector.load %arg2[%get3A_53, %get3A_54] : memref<1x32xf32, #tpu.memory_space<vmem>>, vector<1x32xf32>
    %get3A_56 = arith.constant 0 : index
    %get3A_57 = arith.constant 0 : index
    %get3A_58 = vector.load %arg9[%get3A_56, %get3A_57] : memref<32x32xf32, #tpu.memory_space<vmem>>, vector<32x32xf32>
    %dot_general3A_59 = arith.constant dense<0.000000e+00> : vector<1x32xf32>
    %dot_general3A_60 = tpu.matmul %get3A_55, %get3A_58, %dot_general3A_59 {dimension_numbers = #tpu.dot_dimension_numbers<[1], [0], [0], [1], [0, 0, 1, 1], [], []>, transpose_lhs_hint = false} : vector<1x32xf32>, vector<32x32xf32>, vector<1x32xf32> -> vector<1x32xf32>
    %add3A_61 = arith.addf %add3A_52, %dot_general3A_60 : vector<1x32xf32>
    %get3A_62 = arith.constant 0 : index
    %get3A_63 = arith.constant 0 : index
    %get3A_64 = vector.load %arg10[%get3A_62, %get3A_63] : memref<1x32xf32, #tpu.memory_space<vmem>>, vector<1x32xf32>
    %add3A_65 = arith.addf %add3A_61, %get3A_64 : vector<1x32xf32>
    %swap3A_66 = arith.constant 0 : index
    %swap3A_67 = arith.constant 0 : index
    %swap3A_68 = vector.load %arg12[%swap3A_66, %swap3A_67] : memref<1x32xf32, #tpu.memory_space<vmem>>, vector<1x32xf32>
    tpu.vector_store %arg12[%swap3A_66, %swap3A_67], %add3A_65 {strides = array<i32>} : memref<1x32xf32, #tpu.memory_space<vmem>>, vector<1x32xf32>,
    return
  }
}

</mosaic_0001>

<sc_bundles>
// kernel: kernel.6.cloned.1.call-start
scs
__scs_entry_jumppad:
0x0: {  	(pc) =	sbr.rel $0x88, $3  }
0x1: {  	(tag) =	ssettag $0x0;
	lr =	simm.s32 $0x1  }
0x2: {  	[smem:$0x3F97] =	sst lr;
	_ =	strace $0xD0000000  }
0x3: {  	_ = 	snop  }
0x4: {  	_ = 	snop  }
0x5: {  	_ = 	snop  }
0x6: {  	_ = 	snop  }
0x7: {  	_ = 	snop  }
__scs_overlays_trampoline_lowered:
0x8: {  	[smem:$0x3FA6] =	sst s0  }
0x9: {  	[smem:$0x3FA7] =	sst s1  }
0xa: {  	[smem:$0x3FA8] =	sst s2  }
0xb: {  	[smem:$0x3FA9] =	sst s3  }
0xc: {  	[smem:$0x3FAA] =	sst s4  }
0xd: {  	[smem:$0x3FAB] =	sst s5  }
0xe: {  	[smem:$0x3FAC] =	sst s6  }
0xf: {  	[smem:$0x3FAD] =	sst s7  }
0x10: {  	[smem:$0x3FAE] =	sst s8  }
0x11: {  	[smem:$0x3FAF] =	sst s9;
	s0 =	simm.s32 @!p0 $0x0  }
0x12: {  	s1 =	sld [smem:$0x3F95];
	s0 =	simm.s32 @p0 $0x1  }
0x13: {  	[smem:$0x3FB0] =	sst s0;
	s0 =	simm.s32 @!p1 $0x0  }
0x14: {  	s2 =	sld [smem:$0x3F94];
	s0 =	simm.s32 @p1 $0x1  }
0x15: {  	[smem:$0x3FB1] =	sst s0;
	s0 =	simm.s32 @!p2 $0x0  }
0x16: {  	s3 =	sld [smem:$0x3FDB];
	s0 =	simm.s32 @p2 $0x1  }
0x17: {  	s4 =	simm.s32 $0x1BF5;
	[smem:$0x3FB3] =	sst s0  }
0x18: {  	s0 =	sld [smem:$0x3F96];
	_ =	swait.ge [sflag:s4], $0x0  }
0x19: {  	s7 =	sld [smem:$0x3F97]  }
0x1a: {  	s8 =	sadd.s32 $0xFFFFE003, lr  }
0x1b: {  	s9 =	sadd.s32 $0xFFFFFEF7, lr;
	s5 =	simm.s32 $0xFFFFFFFF;
	p2 =	slt.u32 s8, $0xFFFFF086  }
0x1c: {  	p1 =	slt.u32 s9, $0xF7A;
	s5 =	simm.s32 @!p2 $0x0  }
0x1d: {  	s5 =	simm.s32 @p1 $0x1;
	p0 =	seq.s32 s7, s2  }
0x1e: {  	s7 =	smul.u32 @!p0 $0xF7A, s2;
	p2 =	seq.s32 @!p0 s5, $0x0  }
0x1f: {  	s9 =	smul.u32 $0xF7A, s1;
	s8 =	simm.s32 @!p0 $0x1BF5;
	p2 =	por !p2, p0  }
0x20: {  	[sflag:s8] =	ssyncset.s32 @!p0 $0xFFFFF086;
	s6 =	sadd.s32 @!p0 s3, s7;
	s7 =	simm.s32 @!p0 $0x108  }
0x21: {  	s3 =	sadd.s32 s3, s9;
	s6 =	sadd.s32 @!p0 $0x88, s6;
	s7 =	simm.s32 @p2 $0x1082  }
0x22: {  	[simem:s7], [sflag:s8] =	dma.local @!p0 [hbm:s6], $0xF7A  }
0x23: {  	s9 =	sor.u32 $0xD0000000, s2;
	s6 =	simm.s32 $0x108;
	_ =	swait.ge @!p0 [sflag:s8], $0x0  }
0x24: {  	s3 =	sadd.s32 $0x88, s3;
	s6 =	simm.s32 @!p1 $0x1082;
	[sflag:s4] =	ssyncset.s32 $0xFFFFF086  }
0x25: {  	[simem:s6], [sflag:s4] =	dma.local [hbm:s3], $0xF7A  }
0x26: {  	[smem:$0x3F97] =	sst s1;
	(tag) =	ssettag s2;
	_ =	strace s9  }
0x27: {  	s1 =	sld [smem:$0x3FA7]  }
0x28: {  	s2 =	sld [smem:$0x3FA8]  }
0x29: {  	s4 =	sld [smem:$0x3FAA]  }
0x2a: {  	p0 =	seq.s32 s5, $0x0;
	s5 =	sld [smem:$0x3FAB]  }
0x2b: {  	s6 =	sld [smem:$0x3FAC]  }
0x2c: {  	s7 =	sld [smem:$0x3FAD]  }
0x2d: {  	s3 =	simm.s32 $0x108;
	s8 =	sld [smem:$0x3FAE]  }
0x2e: {  	s3 =	simm.s32 @!p0 $0x1082;
	s9 =	sld [smem:$0x3FAF]  }
0x2f: {  	lr =	sadd.s32 s0, s3;
	s0 =	sld [smem:$0x3FA6]  }
0x30: {  	s3 =	sld [smem:$0x3FA9]  }
0x31: {  	[smem:$0x3FB2] =	sst s10  }
0x32: {  	s10 =	sld [smem:$0x3FB0];
	_ =	sdelay $0x3  }
0x33: {  	p0 =	seq.s32 s10, $0x1;
	s10 =	sld [smem:$0x3FB2];
	_ =	sdelay $0x3  }
0x34: {  	[smem:$0x3FB2] =	sst s10  }
0x35: {  	s10 =	sld [smem:$0x3FB1];
	_ =	sdelay $0x3  }
0x36: {  	p1 =	seq.s32 s10, $0x1;
	s10 =	sld [smem:$0x3FB2];
	_ =	sdelay $0x3  }
0x37: {  	[smem:$0x3FB2] =	sst s10  }
0x38: {  	s10 =	sld [smem:$0x3FB3]  }
0x39: {  	_ = 	snop;
	(pc) =	sbr.ind lr, $3  }
0x3a: {  	_ = 	snop  }
0x3b: {  	_ = 	snop  }
0x3c: {  	p2 =	seq.s32 s10, $0x1;
	s10 =	sld [smem:$0x3FB2]  }
0x3d: {  	_ =	shalt  }
0x3e: {  	_ =	shalt  }
0x3f: {  	_ =	shalt  }
0x40: {  	_ =	shalt  }
0x41: {  	_ =	shalt  }
0x42: {  	_ =	shalt  }
0x43: {  	_ =	shalt  }
0x44: {  	_ =	shalt  }
0x45: {  	_ =	shalt  }
0x46: {  	_ =	shalt  }
0x47: {  	_ =	shalt  }
0x48: {  	_ =	shalt  }
0x49: {  	_ =	shalt  }
0x4a: {  	_ =	shalt  }
0x4b: {  	_ =	shalt  }
0x4c: {  	_ =	shalt  }
0x4d: {  	_ =	shalt  }
0x4e: {  	_ =	shalt  }
0x4f: {  	_ =	shalt  }
0x50: {  	_ =	shalt  }
0x51: {  	_ =	shalt  }
0x52: {  	_ =	shalt  }
0x53: {  	_ =	shalt  }
0x54: {  	_ =	shalt  }
0x55: {  	_ =	shalt  }
0x56: {  	_ =	shalt  }
0x57: {  	_ =	shalt  }
0x58: {  	_ =	shalt  }
0x59: {  	_ =	shalt  }
0x5a: {  	_ =	shalt  }
0x5b: {  	_ =	shalt  }
0x5c: {  	_ =	shalt  }
0x5d: {  	_ =	shalt  }
0x5e: {  	_ =	shalt  }
0x5f: {  	_ =	shalt  }
0x60: {  	_ =	shalt  }
0x61: {  	_ =	shalt  }
0x62: {  	_ =	shalt  }
0x63: {  	_ =	shalt  }
0x64: {  	_ =	shalt  }
0x65: {  	_ =	shalt  }
0x66: {  	_ =	shalt  }
0x67: {  	_ =	shalt  }
0x68: {  	_ =	shalt  }
0x69: {  	_ =	shalt  }
0x6a: {  	_ =	shalt  }
0x6b: {  	_ =	shalt  }
0x6c: {  	_ =	shalt  }
0x6d: {  	_ =	shalt  }
0x6e: {  	_ =	shalt  }
0x6f: {  	_ =	shalt  }
0x70: {  	_ =	shalt  }
0x71: {  	_ =	shalt  }
0x72: {  	_ =	shalt  }
0x73: {  	_ =	shalt  }
0x74: {  	_ =	shalt  }
0x75: {  	_ =	shalt  }
0x76: {  	_ =	shalt  }
0x77: {  	_ =	shalt  }
0x78: {  	_ =	shalt  }
0x79: {  	_ =	shalt  }
0x7a: {  	_ =	shalt  }
0x7b: {  	_ =	shalt  }
0x7c: {  	_ =	shalt  }
0x7d: {  	_ =	shalt  }
0x7e: {  	_ =	shalt  }
0x7f: {  	_ =	shalt  }
0x80: {  	_ =	shalt  }
0x81: {  	_ =	shalt  }
0x82: {  	_ =	shalt  }
0x83: {  	_ =	shalt  }
0x84: {  	_ =	shalt  }
0x85: {  	_ =	shalt  }
0x86: {  	_ =	shalt  }
0x87: {  	_ =	shalt  }
.Lfunc_end0:
.L_simem_size_0:
called_computation_lowered:
.L_overlay_start_0:
0x88: {  	s2 =	sld [smem:$0x3FD9]  }
0x89: {  	s3 =	sld [smem:$0x3FFE];
	_ =	sdelay $0x1  }
0x8a: {  	s1 =	srdreg.scid  }
0x8b: {  	s0 =	sand.u32 $0x1, s1  }
0x8c: {  	s14 =	sshll.u32 s0, $0xA;
	s2 =	sadd.s32 s3, s2  }
0x8d: {  	s2 =	sadd.s32 s2, s14  }
0x8e: {  	[smem:$0x3FBE] =	sst s2  }
0x8f: {  	_ = 	snop  }
0x90: {  	s2 =	sld [smem:$0x3FD0];
	_ =	sdelay $0x2  }
0x91: {  	s15 =	simm.s32 $0xA;
	s4 =	simm.s32 $0x10  }
0x92: {  	[smem:s4], [sflag:s15] =	dma.local [hbm:s2], $0x1  }
0x93: {  	_ =	swait.eq [sflag:s15], $0x1  }
0x94: {  	[sflag:s15] =	ssyncset.done $0x0  }
0x95: {  	s16 =	sld [smem:$0x10];
	[sflag:s15] =	ssyncadd.s32 $0xFFFFFFFF  }
0x96: {  	s17 =	sld [smem:$0x11];
	(tm) =	ssettm $0x1  }
0x97: {  	s18 =	sld [smem:$0x3FFB];
	_ =	sdelay $0x3  }
0x98: {  	_ =	strace s18  }
0x99: {  	s4 =	sld [smem:$0x3FFC];
	_ =	sdelay $0x3  }
0x9a: {  	_ =	strace s4  }
0x9b: {  	s4 =	sld [smem:$0x3FFD];
	_ =	sdelay $0x3  }
0x9c: {  	_ =	strace s4  }
0x9d: {  	_ =	strace $0x8FFFFFFF  }
0x9e: {  	s19 =	sld [smem:$0x3FDB];
	_ =	sdelay $0x1  }
0x9f: {  	s5 =	simm.s32 $_scs_section_size  }
0xa0: {  	s6 =	simm.s32 $_size__tile_overlayer_lowered;
	s7 =	simm.s32 $_tile_overlayer_lowered  }
0xa1: {  	s22 =	simm.s32 $0x1BFF;
	s21 =	sshll.u32 s7, $0x1;
	s4 =	sadd.s32 s5, s19  }
0xa2: {  	s8 =	simm.s32 $0x0;
	s20 =	sshll.u32 s6, $0x1;
	s6 =	sadd.s32 s21, s4  }
0xa3: {  	[timem:s8], [sflag:s22] =	dma.local [hbm:s6], s20  }
0xa4: {  	_ =	swait.ge [sflag:s22], s20  }
0xa5: {  	s5 =	ssub.s32 $0x0, s20;
	[sflag:s22] =	ssyncset.done $0x0  }
0xa6: {  	[sflag:s22] =	ssyncadd.s32 s5;
	_ =	sdelay $0x1  }
0xa7: {  	s23 =	simm.s32 $0x1B8B  }
0xa8: {  	_ =	swait.ge [sflag:s23], $0x1  }
0xa9: {  	[sflag:s23] =	ssyncset.done $0x0  }
0xaa: {  	s25 =	simm.s32 $0x1B8E;
	s24 =	sld [smem:$0x3FFE];
	[sflag:s23] =	ssyncadd.s32 $0xFFFFFFFF  }
0xab: {  	s26 =	simm.s32 $execute0_lowered;
	[smem:$0x3FD2] =	sst s25  }
0xac: {  	s6 =	sshll.u32 s26, $0x1;
	_ =	strace $0x80000046;
	[dreg:$0x1] =	wrdreg $0xFFFFFFFF  }
0xad: {  	s28 =	simm.s32 $_size_execute0_lowered;
	s4 =	sadd.s32 s4, s6;
	[dreg:$0x0] =	wrdreg $0x0  }
0xae: {  	s6 =	sshll.u32 s28, $0x1;
	[dreg:$0x2] =	wrdreg s4  }
0xaf: {  	[dreg:$0x3] =	wrdreg s6  }
0xb0: {  	[dreg:$0x4] =	wrdreg $0xC0  }
0xb1: {  	_ =	task [dreg:s8], $0x5FFFF  }
0xb2: {  	[dreg:$0x1] =	wrdreg $0xFFFFFFFF  }
0xb3: {  	[dreg:$0x0] =	wrdreg $0x60  }
0xb4: {  	[dreg:$0x2] =	wrdreg s17  }
0xb5: {  	[dreg:$0x3] =	wrdreg s24  }
0xb6: {  	[dreg:$0x4] =	wrdreg s16  }
0xb7: {  	[dreg:$0x5] =	wrdreg $0x7B000  }
0xb8: {  	[dreg:$0x6] =	wrdreg $0x9  }
0xb9: {  	_ =	task.clear_ibuf [dreg:s8], $0x7FFFF;
	_ =	strace $0x90000046  }
0xba: {  	s29 =	simm.s32 $0x9;
	_ =	strace $0x80000048  }
0xbb: {  	_ =	swait.ge [sflag:s29], $0x1  }
0xbc: {  	[sflag:s29] =	ssyncadd.s32 $0xFFFFFFFF  }
0xbd: {  	_ =	strace $0x90000048  }
0xbe: {  	_ =	sfence  }
0xbf: {  	s30 =	sld [smem:$0x0];
	_ =	sdelay $0x2  }
0xc0: {  	s31 =	sshll.u32 s1, $0xD;
	s1 =	sshrl.u32 s1, $0x2  }
0xc1: {  	s3 =	sand.u32 $0x4000, s31;
	s1 =	sadd.s32 s1, s30  }
0xc2: {  	s0 =	sor.u32 s3, s0;
	s1 =	sshll.u32 s1, $0x11  }
0xc3: {  	s0 =	sor.u32 s1, s0  }
0xc4: {  	s0 =	sadd.s32 $0x8F2B, s0  }
0xc5: {  	[sflag:s0] =	ssyncadd.remote.s32 $0x1  }
0xc6: {  	_ =	sfence.sel $0xFFFF  }
0xc7: {  	[dreg:$0x0] =	wrdreg $0xFFFFFFFF;
	(pc) =	sbr.abs _section_cstart, $3  }
0xc8: {  	[dreg:$0x1] =	wrdreg $0xFFFFFFFF  }
0xc9: {  	_ =	task.clear_ibuf [dreg:s8], $0x2FFFF;
	_ =	strace $0x9FFFFFFF  }
0xca: {  	(tm) =	ssettm $0x7FFFFFFF  }
0xcb: {  	_ =	shalt  }
tec
execute0_lowered:
.L_overlay_start_1:
0x0: {  	(tag) =	ssettag $0x1  }
0x1: {  	s1 =	rddreg [dreg:$0x0]  }
0x2: {  	s0 =	rddreg [dreg:$0x1]  }
0x3: {  	s15 =	rddreg [dreg:$0x2]  }
0x4: {  	s4 =	simm.s32 $0x0;
	s6 =	srdreg.scid;
	s8 =	stileid.u32  }
0x5: {  	[smem:$0x7FF] =	sst s4;
	s5 =	sadd.s32 $0x2600, s0;
	s10 =	sand.u32 $0x1, s6  }
0x6: {  	s7 =	sshll.u32 s8, $0x1;
	s6 =	sadd.s32 $0xC400, s0;
	s2 =	sadd.s32 $0x16400, s0  }
0x7: {  	s9 =	sadd.s32 $0x25200, s0;
	p0 =	sne.s32 s8, $0x0;
	p1 =	slt.u32 s8, $0x2  }
0x8: {  	_ =	strace $0x80000047;
	s11 =	smul.u32 $0x4E20, s10;
	s12 =	sor.u32 s10, s7  }
0x9: {  	s7 =	sadd.s32 $0x11400, s0;
	[dreg:$0x5] =	wrdreg s2;
	s13 =	smul.u32 $0x4E, s12  }
0xa: {  	s10 =	ssub.s32 $0x2, s10;
	s2 =	smov.u32 s1;
	s12 =	smin.u32 s12, $0x4  }
0xb: {  	s21 =	sshrl.u32 s10, $0x1;
	s0 =	sadd.s32 s11, s0;
	s22 =	sadd.s32 s12, s13  }
0xc: {  	s10 =	ssub.s32 s10, s21;
	s0 =	sadd.s32 $0x1B400, s0;
	s23 =	sshll.u32 s22, $0x4  }
0xd: {  	s12 =	sshll.u32 s22, $0x7;
	[dreg:$0x6] =	wrdreg s22;
	s13 =	sshll.u32 s22, $0x8  }
0xe: {  	[smem:$0x7FC] =	sst s0;
	s3 =	sadd.s32 s5, s23;
	s14 =	sadd.s32 $0x80, s12  }
0xf: {  	s24 =	sadd.s32 s15, s23;
	s25 =	sadd.s32 s1, s13;
	[dreg:$0x7] =	wrdreg s3  }
0x10: {  	s23 =	sadd.s32 $0x2700, s12;
	[dreg:$0x8] =	wrdreg s24;
	s26 =	sshrl.u32 s14, $0x3  }
0x11: {  	[dreg:$0x9] =	wrdreg s25;
	s30 =	sshll.u32 s14, $0x1;
	s29 =	sadd.s32 s5, s26  }
0x12: {  	s25 =	sshrl.u32 s23, $0x3;
	s16 =	sadd.s32 s15, s26;
	[dreg:$0xa] =	wrdreg s29  }
0x13: {  	s3 =	sadd.s32 $0x100, s12;
	s26 =	sadd.s32 s5, s25;
	[dreg:$0xb] =	wrdreg s16  }
0x14: {  	s17 =	sand.u32 $0x1FFFFF00, s30;
	s30 =	sadd.s32 s15, s25;
	[dreg:$0x10] =	wrdreg s26  }
0x15: {  	s18 =	sshrl.u32 s3, $0x3;
	s19 =	sadd.s32 s1, s17;
	[dreg:$0x12] =	wrdreg s30  }
0x16: {  	s13 =	sshll.u32 s23, $0x1;
	s20 =	sadd.s32 s5, s18;
	[dreg:$0xc] =	wrdreg s19  }
0x17: {  	s21 =	sshll.u32 s3, $0x1;
	s22 =	sadd.s32 s15, s18;
	[dreg:$0xd] =	wrdreg s20  }
0x18: {  	s29 =	sshrl.u32 s12, $0x3;
	s12 =	sadd.s32 s9, s25;
	[dreg:$0xe] =	wrdreg s22  }
0x19: {  	s11 =	sand.u32 $0x1FFFFF00, s21;
	s30 =	smax.u32 s10, $0x1;
	[dreg:$0x13] =	wrdreg s12  }
0x1a: {  	s13 =	sand.u32 $0x1FFFFF00, s13;
	s24 =	sadd.s32 s1, s11;
	[smem:$0x7FD] =	sst s30  }
0x1b: {  	s1 =	sadd.s32 s1, s13;
	s8 =	sadd.s32 s9, s29;
	[dreg:$0xf] =	wrdreg s24  }
0x1c: {  	[dreg:$0x11] =	wrdreg s1;
	s13 =	sadd.s32 $0xA120, s8  }
0x1d: {  	s14 =	sadd.s32 $0x13D60, s8;
	[dreg:$0x14] =	wrdreg s13  }
0x1e: {  	s3 =	smov.u32 s15;
	s15 =	sadd.s32 $0x1D9A0, s8;
	[dreg:$0x15] =	wrdreg s14  }
0x1f: {  	s16 =	sadd.s32 $0x275E0, s8;
	[dreg:$0x16] =	wrdreg s15  }
0x20: {  	s17 =	sadd.s32 $0x31220, s8;
	[dreg:$0x17] =	wrdreg s16  }
0x21: {  	s18 =	sadd.s32 $0x3AE60, s8;
	[dreg:$0x18] =	wrdreg s17  }
0x22: {  	s19 =	sadd.s32 $0x44AA0, s8;
	[dreg:$0x19] =	wrdreg s18  }
0x23: {  	s20 =	sadd.s32 $0x4E6E0, s8;
	[dreg:$0x1a] =	wrdreg s19  }
0x24: {  	s21 =	sadd.s32 $0x58320, s8;
	[dreg:$0x1b] =	wrdreg s20  }
0x25: {  	s28 =	simm.s32 $0x4;
	s22 =	sadd.s32 $0x61F60, s8;
	[dreg:$0x1c] =	wrdreg s21  }
0x26: {  	s31 =	simm.s32 $0x6300;
	s23 =	sadd.s32 $0x6BBA0, s8;
	[dreg:$0x1d] =	wrdreg s22  }
0x27: {  	s0 =	simm.s32 $0x80;
	s24 =	sadd.s32 $0x757E0, s8;
	[dreg:$0x1e] =	wrdreg s23  }
0x28: {  	s12 =	simm.s32 $0xA;
	s25 =	sadd.s32 $0x7F420, s8;
	[dreg:$0x1f] =	wrdreg s24  }
.Ltmp0:
0x29: {  	s26 =	sadd.s32 $0x89060, s8;
	[smem:$0x7F9] =	sst s25;
	(pc) =	sbr.rel .LBB2_1-.Ltmp0, $4  }
0x2a: {  	s29 =	sadd.s32 $0x92CA0, s8;
	s8 =	simm.s32 $0x0;
	[smem:$0x7FA] =	sst s26  }
0x2b: {  	[smem:$0x7FB] =	sst s29;
	s21 =	simm.s32 $0x100;
	s24 =	simm.s32 $0x1  }
0x2c: {  	v0 =	vlaneseq.u32;
	s13 =	simm.s32 $0x2;
	s14 =	simm.s32 $0x5;
	s15 =	simm.s32 $0x6B00  }
0x2d: {  	v0 =	vmul.u32 $0x80, v0;
	s17 =	simm.s32 $0x3;
	s26 =	simm.s32 $0x6;
	s20 =	simm.s32 $0x7300  }
.LBB2_11:
0x2e: {  	[bflag:$0x0] =	sbarrier.arrive $0xFFFF  }
0x2f: {  	s8 =	sld [smem:$0x7F7]  }
.LBB2_15:
0x30: {  	s1 =	sld [smem:$0x7FD];
	_ =	sdelay $0x1  }
0x31: {  	s8 =	sadd.s32 $0x1, s8  }
0x32: {  	p2 =	sne.s32 s8, s1  }
.Ltmp1:
0x33: {  	_ = 	snop;
	(pc) =	sbr.rel @!p2 .LBB2_16-.Ltmp1, $1  }
0x34: {  	_ =	sdelay $0x3  }
.LBB2_1:
0x35: {  	[smem:$0x7F7] =	sst s8  }
0x36: {  	s1 =	rddreg [dreg:$0x7]  }
0x37: {  	s22 =	rddreg [dreg:$0x8]  }
0x38: {  	s25 =	rddreg [dreg:$0x9]  }
0x39: {  	s8 =	rddreg [dreg:$0xa]  }
0x3a: {  	[tilespmem:s4], [sflag:$0x1] =	stream.linear.gather [hbm4b:s1+s4], $0x80, $0x38;
	[tilespmem:$0xA210] =	vst v63  }
0x3b: {  	s23 =	simm.s32 $0x180;
	s10 =	rddreg [dreg:$0xb]  }
0x3c: {  	[tilespmem:s23], [sflag:$0x1] =	stream.linear.gather [hbm4b:s22+s4], $0x80, $0x38;
	[tilespmem:$0xA210] =	vst v63  }
0x3d: {  	s30 =	simm.s32 $0x300;
	s16 =	rddreg [dreg:$0xc]  }
0x3e: {  	[tilespmem:s30], [sflag:$0x1] =	stream.linear.gather [hbm4b:s25+s4], $0x800, $0x38;
	[tilespmem:$0xA210] =	vst v63  }
0x3f: {  	s19 =	rddreg [dreg:$0xd]  }
0x40: {  	[tilespmem:s0], [sflag:$0x2] =	stream.linear.gather [hbm4b:s8+s4], $0x80, $0x38;
	[tilespmem:$0xA210] =	vst v63  }
0x41: {  	s11 =	simm.s32 $0x200;
	s1 =	rddreg [dreg:$0x3]  }
0x42: {  	[tilespmem:s11], [sflag:$0x2] =	stream.linear.gather [hbm4b:s10+s4], $0x80, $0x38;
	[tilespmem:$0xA210] =	vst v63  }
0x43: {  	s18 =	simm.s32 $0xB00;
	s22 =	rddreg [dreg:$0xe]  }
0x44: {  	[tilespmem:s18], [sflag:$0x2] =	stream.linear.gather [hbm4b:s16+s4], $0x800, $0x38;
	[tilespmem:$0xA210] =	vst v63  }
0x45: {  	s25 =	rddreg [dreg:$0xf]  }
0x46: {  	[tilespmem:s21], [sflag:$0x3] =	stream.linear.gather [hbm4b:s19+s4], $0x80, $0x38;
	[tilespmem:$0xA210] =	vst v63  }
0x47: {  	s23 =	simm.s32 $0x280;
	s10 =	sshrl.u32 @!p0 s1, $0x3;
	s1 =	rddreg [dreg:$0x5]  }
0x48: {  	[tilespmem:s23], [sflag:$0x3] =	stream.linear.gather [hbm4b:s22+s4], $0x80, $0x38;
	[tilespmem:$0xA210] =	vst v63  }
0x49: {  	s30 =	simm.s32 $0x1300;
	s8 =	simm.s32 @!p0 $0x1C0A;
	[smem:$0x7F8] =	sst s10  }
0x4a: {  	[tilespmem:s30], [sflag:$0x3] =	stream.linear.gather [hbm4b:s25+s4], $0x800, $0x38;
	[tilespmem:$0xA210] =	vst v63  }
0x4b: {  	[spmem:s10], [sflag:s8] =	dma.local @!p0 [hbm:s1], $0x4E20  }
0x4c: {  	s8 =	simm.s32 @!p0 $0xA  }
0x4d: {  	_ =	swait.ge @!p0 [sflag:s8], $0x4E20  }
0x4e: {  	[sflag:s8] =	ssyncset.done @!p0 $0x0  }
0x4f: {  	[sflag:s8] =	ssyncadd.s32 @!p0 $0xFFFFB1E0  }
0x50: {  	s29 =	simm.s32 $0x0;
	[bflag:$0x0] =	sbarrier.arrive $0xFFFF  }
.LBB2_2:
0x51: {  	_ =	swait.ge [sflag:s24], $0x80  }
0x52: {  	[sflag:s24] =	ssyncset.done $0x0  }
0x53: {  	[sflag:s24] =	ssyncadd.s32 $0xFFFFFF80  }
0x54: {  	_ =	swait.ge [sflag:s24], $0x80  }
0x55: {  	[sflag:s24] =	ssyncset.done $0x0  }
0x56: {  	[sflag:s24] =	ssyncadd.s32 $0xFFFFFF80  }
0x57: {  	_ =	swait.ge [sflag:s24], $0x800  }
0x58: {  	[sflag:s24] =	ssyncset.done $0x0  }
0x59: {  	s1 =	simm.s32 $0x1B00;
	[sflag:s24] =	ssyncadd.s32 $0xFFFFF800  }
0x5a: {  	[tilespmem:s1], [sflag:$0x4] =	stream.indirect.gather [hbm4b:s6+s0], $0x10, s4, s0, $0xb8;
	[tilespmem:$0xA210] =	vst v63  }
0x5b: {  	s30 =	simm.s32 $0x180;
	s8 =	simm.s32 $0x3300;
	p2 =	seq.s32 s29, $0x0  }
0x5c: {  	[tilespmem:s8], [sflag:$0x4] =	stream.indirect.gather [hbm4b:s7+s0], $0x10, s30, s0, $0xb8;
	[tilespmem:$0xA210] =	vst v63  }
0x5d: {  	s8 =	simm.s32 @!p2 $0x7  }
0x5e: {  	_ =	swait.ge @!p2 [sflag:s8], $0x80  }
0x5f: {  	[sflag:s8] =	ssyncset.done @!p2 $0x0  }
0x60: {  	[sflag:s8] =	ssyncadd.s32 @!p2 $0xFFFFFF80  }
0x61: {  	_ =	swait.ge @!p2 [sflag:s8], $0x80  }
0x62: {  	[sflag:s8] =	ssyncset.done @!p2 $0x0  }
0x63: {  	[sflag:s8] =	ssyncadd.s32 @!p2 $0xFFFFFF80  }
0x64: {  	_ =	swait.ge @!p2 [sflag:s8], $0x80  }
0x65: {  	[sflag:s8] =	ssyncset.done @!p2 $0x0  }
0x66: {  	[sflag:s8] =	ssyncadd.s32 @!p2 $0xFFFFFF80  }
0x67: {  	_ =	swait.ge @!p2 [sflag:s8], $0x80  }
0x68: {  	[sflag:s8] =	ssyncset.done @!p2 $0x0  }
0x69: {  	[sflag:s8] =	ssyncadd.s32 @!p2 $0xFFFFFF80  }
0x6a: {  	_ =	swait.ge @!p2 [sflag:s8], $0x80  }
0x6b: {  	[sflag:s8] =	ssyncset.done @!p2 $0x0  }
0x6c: {  	[sflag:s8] =	ssyncadd.s32 @!p2 $0xFFFFFF80  }
0x6d: {  	_ =	swait.ge @!p2 [sflag:s8], $0x80  }
0x6e: {  	[sflag:s8] =	ssyncset.done @!p2 $0x0  }
0x6f: {  	[sflag:s8] =	ssyncadd.s32 @!p2 $0xFFFFFF80  }
0x70: {  	_ =	swait.ge @!p2 [sflag:s8], $0x80  }
0x71: {  	[sflag:s8] =	ssyncset.done @!p2 $0x0  }
0x72: {  	[sflag:s8] =	ssyncadd.s32 @!p2 $0xFFFFFF80  }
0x73: {  	_ =	swait.ge @!p2 [sflag:s8], $0x80  }
0x74: {  	[sflag:s8] =	ssyncset.done @!p2 $0x0  }
0x75: {  	[sflag:s8] =	ssyncadd.s32 @!p2 $0xFFFFFF80  }
0x76: {  	_ =	swait.ge @!p2 [sflag:s8], $0x80  }
0x77: {  	[sflag:s8] =	ssyncset.done @!p2 $0x0  }
0x78: {  	[sflag:s8] =	ssyncadd.s32 @!p2 $0xFFFFFF80  }
0x79: {  	_ =	swait.ge @!p2 [sflag:s8], $0x80  }
0x7a: {  	[sflag:s8] =	ssyncset.done @!p2 $0x0  }
0x7b: {  	[sflag:s8] =	ssyncadd.s32 @!p2 $0xFFFFFF80  }
0x7c: {  	_ =	swait.ge @!p2 [sflag:s8], $0x80  }
0x7d: {  	[sflag:s8] =	ssyncset.done @!p2 $0x0  }
0x7e: {  	[sflag:s8] =	ssyncadd.s32 @!p2 $0xFFFFFF80  }
0x7f: {  	_ =	swait.ge @!p2 [sflag:s8], $0x80  }
0x80: {  	[sflag:s8] =	ssyncset.done @!p2 $0x0  }
0x81: {  	[sflag:s8] =	ssyncadd.s32 @!p2 $0xFFFFFF80  }
0x82: {  	_ =	swait.ge @!p2 [sflag:s8], $0x80  }
0x83: {  	[sflag:s8] =	ssyncset.done @!p2 $0x0  }
0x84: {  	[sflag:s8] =	ssyncadd.s32 @!p2 $0xFFFFFF80  }
0x85: {  	_ =	swait.ge @!p2 [sflag:s8], $0x80  }
0x86: {  	[sflag:s8] =	ssyncset.done @!p2 $0x0  }
0x87: {  	[sflag:s8] =	ssyncadd.s32 @!p2 $0xFFFFFF80  }
0x88: {  	_ =	swait.ge @!p2 [sflag:s8], $0x80  }
0x89: {  	[sflag:s8] =	ssyncset.done @!p2 $0x0  }
0x8a: {  	[sflag:s8] =	ssyncadd.s32 @!p2 $0xFFFFFF80  }
0x8b: {  	_ =	swait.ge @!p2 [sflag:s8], $0x80  }
0x8c: {  	[sflag:s8] =	ssyncset.done @!p2 $0x0  }
0x8d: {  	[sflag:s8] =	ssyncadd.s32 @!p2 $0xFFFFFF80  }
0x8e: {  	_ =	swait.ge [sflag:s28], $0x800  }
0x8f: {  	[sflag:s28] =	ssyncset.done $0x0  }
0x90: {  	[sflag:s28] =	ssyncadd.s32 $0xFFFFF800  }
0x91: {  	_ =	swait.ge [sflag:s28], $0x800  }
0x92: {  	[sflag:s28] =	ssyncset.done $0x0  }
0x93: {  	s18 =	simm.s32 $0x1B20;
	[sflag:s28] =	ssyncadd.s32 $0xFFFFF800  }
0x94: {  	s1 =	simm.s32 $0x320;
	v1 =	vld [tilespmem:s18+$0xFFFFFFE0]  }
0x95: {  	v2 =	vld [tilespmem:s1+$0xFFFFFFE0]  }
0x96: {  	s23 =	simm.s32 $0x3320  }
0x97: {  	v3 =	vld [tilespmem:s23+$0xFFFFFFE0];
	_ =	sdelay $0x1  }
0x98: {  	s10 =	simm.s32 $0x0  }
0x99: {  	v1 =	vadd.f32 v1, v2;
	v2 =	vor.u32 s10, v0;
	_ =	sdelay $0x1  }
0x9a: {  	v1 =	vadd.f32 v3, v1  }
0x9b: {  	s19 =	simm.s32 $0x4B20  }
0x9c: {  	[tilespmem:s19+$0xFFFFFFE0] =	vst v1  }
0x9d: {  	[tilespmem:v2+s31+$0x0] =	vst.idx.msk $0xffff, v1  }
0x9e: {  	v1 =	vld [tilespmem:s1+$0xFFFFFFF0]  }
0x9f: {  	v2 =	vld [tilespmem:s18+$0xFFFFFFF0];
	_ =	sdelay $0x1  }
0xa0: {  	v3 =	vld [tilespmem:s23+$0xFFFFFFF0];
	_ =	sdelay $0x1  }
0xa1: {  	s11 =	simm.s32 $0x1  }
0xa2: {  	v1 =	vadd.f32 v2, v1;
	v2 =	vor.u32 s11, v0;
	_ =	sdelay $0x1  }
0xa3: {  	v1 =	vadd.f32 v3, v1;
	_ =	sdelay $0x1  }
0xa4: {  	[tilespmem:s19+$0xFFFFFFF0] =	vst v1  }
0xa5: {  	[tilespmem:v2+s31+$0x0] =	vst.idx.msk $0xffff, v1  }
0xa6: {  	v1 =	vld [tilespmem:s1+$0x0]  }
0xa7: {  	v2 =	vld [tilespmem:s18+$0x0];
	_ =	sdelay $0x1  }
0xa8: {  	v3 =	vld [tilespmem:s23+$0x0];
	_ =	sdelay $0x1  }
0xa9: {  	s16 =	simm.s32 $0x2  }
0xaa: {  	v1 =	vadd.f32 v2, v1;
	v2 =	vor.u32 s16, v0;
	_ =	sdelay $0x1  }
0xab: {  	v1 =	vadd.f32 v3, v1;
	_ =	sdelay $0x1  }
0xac: {  	[tilespmem:s19+$0x0] =	vst v1  }
0xad: {  	[tilespmem:v2+s31+$0x0] =	vst.idx.msk $0xffff, v1  }
0xae: {  	v3 =	vld [tilespmem:s1+$0x10]  }
0xaf: {  	v4 =	vld [tilespmem:s18+$0x10];
	_ =	sdelay $0x1  }
0xb0: {  	v2 =	vld [tilespmem:s23+$0x10]  }
0xb1: {  	s22 =	smul.u32 $0x3, s29  }
0xb2: {  	s30 =	simm.s32 $0x3;
	s8 =	simm.s32 $0x4;
	s25 =	rddreg [dreg:$0x6]  }
0xb3: {  	s25 =	sadd.s32 s25, s22;
	s11 =	simm.s32 $0x360;
	s16 =	simm.s32 $0x4B20;
	v1 =	vor.u32 s30, v0;
	v3 =	vadd.f32 v4, v3  }
.LBB2_3:
0xb4: {  	s18 =	sadd.s32 $0x40, s18;
	s23 =	sadd.s32 $0x40, s23;
	s19 =	sadd.s32 $0x40, s19  }
0xb5: {  	p3 =	slt.u32 s8, $0x7C;
	s10 =	smov.u32 s8;
	s8 =	sadd.s32 $0x4, s8;
	v2 =	vadd.f32 v2, v3  }
0xb6: {  	_ = 	snop  }
0xb7: {  	[tilespmem:s16+$0x10] =	vst v2;
	s16 =	smov.u32 s19  }
0xb8: {  	[tilespmem:v1+s31+$0x0] =	vst.idx.msk $0xffff, v2  }
0xb9: {  	v1 =	vld [tilespmem:s18+$0xFFFFFFE0]  }
0xba: {  	v2 =	vld [tilespmem:s11+$0xFFFFFFE0];
	_ =	sdelay $0x1  }
0xbb: {  	v3 =	vld [tilespmem:s23+$0xFFFFFFE0];
	_ =	sdelay $0x2  }
0xbc: {  	v1 =	vadd.f32 v1, v2;
	v2 =	vor.u32 s10, v0;
	_ =	sdelay $0x1  }
0xbd: {  	v1 =	vadd.f32 v3, v1;
	_ =	sdelay $0x1  }
0xbe: {  	[tilespmem:s19+$0xFFFFFFE0] =	vst v1  }
0xbf: {  	[tilespmem:v2+s31+$0x0] =	vst.idx.msk $0xffff, v1  }
0xc0: {  	v1 =	vld [tilespmem:s11+$0xFFFFFFF0]  }
0xc1: {  	v2 =	vld [tilespmem:s18+$0xFFFFFFF0];
	_ =	sdelay $0x1  }
0xc2: {  	v3 =	vld [tilespmem:s23+$0xFFFFFFF0];
	_ =	sdelay $0x1  }
0xc3: {  	s22 =	sadd.s32 $0x1, s10  }
0xc4: {  	v1 =	vadd.f32 v2, v1;
	v2 =	vor.u32 s22, v0;
	_ =	sdelay $0x1  }
0xc5: {  	v1 =	vadd.f32 v3, v1;
	_ =	sdelay $0x1  }
0xc6: {  	[tilespmem:s19+$0xFFFFFFF0] =	vst v1  }
0xc7: {  	[tilespmem:v2+s31+$0x0] =	vst.idx.msk $0xffff, v1  }
0xc8: {  	v1 =	vld [tilespmem:s11+$0x0]  }
0xc9: {  	v2 =	vld [tilespmem:s18+$0x0];
	_ =	sdelay $0x1  }
0xca: {  	v3 =	vld [tilespmem:s23+$0x0];
	_ =	sdelay $0x1  }
0xcb: {  	s22 =	sadd.s32 $0x2, s10  }
0xcc: {  	v1 =	vadd.f32 v2, v1;
	v2 =	vor.u32 s22, v0;
	_ =	sdelay $0x1  }
0xcd: {  	v1 =	vadd.f32 v3, v1;
	_ =	sdelay $0x1  }
0xce: {  	[tilespmem:s19+$0x0] =	vst v1  }
0xcf: {  	[tilespmem:v2+s31+$0x0] =	vst.idx.msk $0xffff, v1  }
0xd0: {  	v3 =	vld [tilespmem:s11+$0x10]  }
0xd1: {  	v4 =	vld [tilespmem:s18+$0x10]  }
.Ltmp2:
0xd2: {  	v2 =	vld [tilespmem:s23+$0x10];
	(pc) =	sbr.rel @p3 .LBB2_3-.Ltmp2, $4  }
0xd3: {  	_ = 	snop  }
0xd4: {  	s10 =	sadd.s32 $0x3, s10  }
0xd5: {  	v1 =	vor.u32 s10, v0  }
0xd6: {  	s11 =	sadd.s32 $0x40, s11;
	v3 =	vadd.f32 v4, v3  }
0xd7: {  	_ = 	snop  }
0xd8: {  	v2 =	vadd.f32 v2, v3  }
0xd9: {  	s18 =	sshll.u32 s25, $0x7  }
0xda: {  	s8 =	sshll.u32 s25, $0x4;
	s11 =	sshrl.u32 s18, $0x3;
	[tilespmem:s16+$0x10] =	vst v2  }
0xdb: {  	s8 =	sadd.s32 s9, s8;
	s23 =	sadd.s32 s9, s11;
	[tilespmem:v1+s31+$0x0] =	vst.idx.msk $0xffff, v2  }
0xdc: {  	[hbm4b:s8+s4] =	stream.linear.scatter [tilespmem:s31], [sflag:$0x7], $0x80, $0x38;
	[tilespmem:$0xA210] =	vst v63  }
0xdd: {  	s1 =	simm.s32 $0x6380;
	s8 =	sadd.s32 $0x9C40, s23  }
0xde: {  	[hbm4b:s8+s4] =	stream.linear.scatter [tilespmem:s1], [sflag:$0x7], $0x80, $0x38;
	[tilespmem:$0xA210] =	vst v63  }
0xdf: {  	s19 =	simm.s32 $0x6400;
	s16 =	sadd.s32 $0x13880, s23  }
0xe0: {  	[hbm4b:s16+s4] =	stream.linear.scatter [tilespmem:s19], [sflag:$0x7], $0x80, $0x38;
	[tilespmem:$0xA210] =	vst v63  }
0xe1: {  	s25 =	simm.s32 $0x6480;
	s22 =	sadd.s32 $0x1D4C0, s23  }
0xe2: {  	[hbm4b:s22+s4] =	stream.linear.scatter [tilespmem:s25], [sflag:$0x7], $0x80, $0x38;
	[tilespmem:$0xA210] =	vst v63  }
0xe3: {  	s11 =	simm.s32 $0x6500;
	s10 =	sadd.s32 $0x27100, s23  }
0xe4: {  	[hbm4b:s10+s4] =	stream.linear.scatter [tilespmem:s11], [sflag:$0x7], $0x80, $0x38;
	[tilespmem:$0xA210] =	vst v63  }
0xe5: {  	s16 =	sadd.s32 $0x30D40, s23;
	s19 =	simm.s32 $0x6580  }
0xe6: {  	[hbm4b:s16+s4] =	stream.linear.scatter [tilespmem:s19], [sflag:$0x7], $0x80, $0x38;
	[tilespmem:$0xA210] =	vst v63  }
0xe7: {  	s22 =	sadd.s32 $0x3A980, s23;
	s25 =	simm.s32 $0x6600  }
0xe8: {  	[hbm4b:s22+s4] =	stream.linear.scatter [tilespmem:s25], [sflag:$0x7], $0x80, $0x38;
	[tilespmem:$0xA210] =	vst v63  }
0xe9: {  	s10 =	sadd.s32 $0x445C0, s23;
	s11 =	simm.s32 $0x6680  }
0xea: {  	[hbm4b:s10+s4] =	stream.linear.scatter [tilespmem:s11], [sflag:$0x7], $0x80, $0x38;
	[tilespmem:$0xA210] =	vst v63  }
0xeb: {  	s16 =	sadd.s32 $0x4E200, s23;
	s19 =	simm.s32 $0x6700  }
0xec: {  	[hbm4b:s16+s4] =	stream.linear.scatter [tilespmem:s19], [sflag:$0x7], $0x80, $0x38;
	[tilespmem:$0xA210] =	vst v63  }
0xed: {  	s22 =	sadd.s32 $0x57E40, s23;
	s25 =	simm.s32 $0x6780  }
0xee: {  	[hbm4b:s22+s4] =	stream.linear.scatter [tilespmem:s25], [sflag:$0x7], $0x80, $0x38;
	[tilespmem:$0xA210] =	vst v63  }
0xef: {  	s10 =	sadd.s32 $0x61A80, s23;
	s11 =	simm.s32 $0x6800  }
0xf0: {  	[hbm4b:s10+s4] =	stream.linear.scatter [tilespmem:s11], [sflag:$0x7], $0x80, $0x38;
	[tilespmem:$0xA210] =	vst v63  }
0xf1: {  	s16 =	sadd.s32 $0x6B6C0, s23;
	s19 =	simm.s32 $0x6880  }
0xf2: {  	[hbm4b:s16+s4] =	stream.linear.scatter [tilespmem:s19], [sflag:$0x7], $0x80, $0x38;
	[tilespmem:$0xA210] =	vst v63  }
0xf3: {  	s22 =	sadd.s32 $0x75300, s23;
	s25 =	simm.s32 $0x6900  }
0xf4: {  	[hbm4b:s22+s4] =	stream.linear.scatter [tilespmem:s25], [sflag:$0x7], $0x80, $0x38;
	[tilespmem:$0xA210] =	vst v63  }
0xf5: {  	s10 =	sadd.s32 $0x7EF40, s23;
	s11 =	simm.s32 $0x6980  }
0xf6: {  	[hbm4b:s10+s4] =	stream.linear.scatter [tilespmem:s11], [sflag:$0x7], $0x80, $0x38;
	[tilespmem:$0xA210] =	vst v63  }
0xf7: {  	s16 =	sadd.s32 $0x88B80, s23;
	s19 =	simm.s32 $0x6A00  }
0xf8: {  	[hbm4b:s16+s4] =	stream.linear.scatter [tilespmem:s19], [sflag:$0x7], $0x80, $0x38;
	[tilespmem:$0xA210] =	vst v63  }
0xf9: {  	s22 =	sadd.s32 $0x927C0, s23;
	s25 =	simm.s32 $0x6A80  }
0xfa: {  	[hbm4b:s22+s4] =	stream.linear.scatter [tilespmem:s25], [sflag:$0x7], $0x80, $0x38;
	[tilespmem:$0xA210] =	vst v63  }
0xfb: {  	p3 =	seq.s32 s29, $0x19;
	s8 =	rddreg [dreg:$0x3];
	s10 =	simm.s32 $0x4B00  }
0xfc: {  	[spmem:s8] =	stream.indirect.scatter.add.f32 [tilespmem:s10], [sflag:$0xA], $0x10, s4, s0, $0xb8;
	[tilespmem:$0xA210] =	vst v63  }
0xfd: {  	s8 =	sadd.s32 @!p3 $0x180, s18;
	_ =	swait.ge [sflag:s12], $0x800  }
0xfe: {  	s16 =	simm.s32 @!p3 $0x0;
	s10 =	sshrl.u32 @!p3 s8, $0x3;
	[sflag:s12] =	ssyncset.done $0x0  }
0xff: {  	s8 =	sshll.u32 @!p3 s8, $0x1;
	s11 =	sadd.s32 @!p3 s5, s10;
	[sflag:s12] =	ssyncadd.s32 $0xFFFFF800  }
0x100: {  	[tilespmem:s16], [sflag:$0x1] =	stream.linear.gather @!p3 [hbm4b:s11+s16], $0x80, $0x38;
	[tilespmem:$0xA210] =	vst v63  }
0x101: {  	s10 =	sadd.s32 @!p3 s3, s10;
	s8 =	sand.u32 @!p3 $0x1FFFFF00, s8;
	s11 =	simm.s32 @!p3 $0x180  }
0x102: {  	[tilespmem:s11], [sflag:$0x1] =	stream.linear.gather @!p3 [hbm4b:s10+s16], $0x80, $0x38;
	[tilespmem:$0xA210] =	vst v63  }
0x103: {  	s8 =	sadd.s32 @!p3 s2, s8;
	s10 =	simm.s32 @!p3 $0x300  }
0x104: {  	[tilespmem:s10], [sflag:$0x1] =	stream.linear.gather @!p3 [hbm4b:s8+s16], $0x800, $0x38;
	[tilespmem:$0xA210] =	vst v63  }
0x105: {  	_ =	swait.ge [sflag:s13], $0x80  }
0x106: {  	[sflag:s13] =	ssyncset.done $0x0  }
0x107: {  	[sflag:s13] =	ssyncadd.s32 $0xFFFFFF80  }
0x108: {  	_ =	swait.ge [sflag:s13], $0x80  }
0x109: {  	[sflag:s13] =	ssyncset.done $0x0  }
0x10a: {  	[sflag:s13] =	ssyncadd.s32 $0xFFFFFF80  }
0x10b: {  	_ =	swait.ge [sflag:s13], $0x800  }
0x10c: {  	[sflag:s13] =	ssyncset.done $0x0  }
0x10d: {  	s11 =	simm.s32 $0x2300;
	[sflag:s13] =	ssyncadd.s32 $0xFFFFF800  }
0x10e: {  	[tilespmem:s11], [sflag:$0x5] =	stream.indirect.gather [hbm4b:s6+s0], $0x10, s0, s0, $0xb8;
	[tilespmem:$0xA210] =	vst v63  }
0x10f: {  	s19 =	simm.s32 $0x3B00;
	s16 =	simm.s32 $0x200;
	s8 =	simm.s32 @!p2 $0x8  }
0x110: {  	[tilespmem:s19], [sflag:$0x5] =	stream.indirect.gather [hbm4b:s7+s0], $0x10, s16, s0, $0xb8;
	[tilespmem:$0xA210] =	vst v63  }
0x111: {  	_ =	swait.ge @!p2 [sflag:s8], $0x80  }
0x112: {  	[sflag:s8] =	ssyncset.done @!p2 $0x0  }
0x113: {  	[sflag:s8] =	ssyncadd.s32 @!p2 $0xFFFFFF80  }
0x114: {  	_ =	swait.ge @!p2 [sflag:s8], $0x80  }
0x115: {  	[sflag:s8] =	ssyncset.done @!p2 $0x0  }
0x116: {  	[sflag:s8] =	ssyncadd.s32 @!p2 $0xFFFFFF80  }
0x117: {  	_ =	swait.ge @!p2 [sflag:s8], $0x80  }
0x118: {  	[sflag:s8] =	ssyncset.done @!p2 $0x0  }
0x119: {  	[sflag:s8] =	ssyncadd.s32 @!p2 $0xFFFFFF80  }
0x11a: {  	_ =	swait.ge @!p2 [sflag:s8], $0x80  }
0x11b: {  	[sflag:s8] =	ssyncset.done @!p2 $0x0  }
0x11c: {  	[sflag:s8] =	ssyncadd.s32 @!p2 $0xFFFFFF80  }
0x11d: {  	_ =	swait.ge @!p2 [sflag:s8], $0x80  }
0x11e: {  	[sflag:s8] =	ssyncset.done @!p2 $0x0  }
0x11f: {  	[sflag:s8] =	ssyncadd.s32 @!p2 $0xFFFFFF80  }
0x120: {  	_ =	swait.ge @!p2 [sflag:s8], $0x80  }
0x121: {  	[sflag:s8] =	ssyncset.done @!p2 $0x0  }
0x122: {  	[sflag:s8] =	ssyncadd.s32 @!p2 $0xFFFFFF80  }
0x123: {  	_ =	swait.ge @!p2 [sflag:s8], $0x80  }
0x124: {  	[sflag:s8] =	ssyncset.done @!p2 $0x0  }
0x125: {  	[sflag:s8] =	ssyncadd.s32 @!p2 $0xFFFFFF80  }
0x126: {  	_ =	swait.ge @!p2 [sflag:s8], $0x80  }
0x127: {  	[sflag:s8] =	ssyncset.done @!p2 $0x0  }
0x128: {  	[sflag:s8] =	ssyncadd.s32 @!p2 $0xFFFFFF80  }
0x129: {  	_ =	swait.ge @!p2 [sflag:s8], $0x80  }
0x12a: {  	[sflag:s8] =	ssyncset.done @!p2 $0x0  }
0x12b: {  	[sflag:s8] =	ssyncadd.s32 @!p2 $0xFFFFFF80  }
0x12c: {  	_ =	swait.ge @!p2 [sflag:s8], $0x80  }
0x12d: {  	[sflag:s8] =	ssyncset.done @!p2 $0x0  }
0x12e: {  	[sflag:s8] =	ssyncadd.s32 @!p2 $0xFFFFFF80  }
0x12f: {  	_ =	swait.ge @!p2 [sflag:s8], $0x80  }
0x130: {  	[sflag:s8] =	ssyncset.done @!p2 $0x0  }
0x131: {  	[sflag:s8] =	ssyncadd.s32 @!p2 $0xFFFFFF80  }
0x132: {  	_ =	swait.ge @!p2 [sflag:s8], $0x80  }
0x133: {  	[sflag:s8] =	ssyncset.done @!p2 $0x0  }
0x134: {  	[sflag:s8] =	ssyncadd.s32 @!p2 $0xFFFFFF80  }
0x135: {  	_ =	swait.ge @!p2 [sflag:s8], $0x80  }
0x136: {  	[sflag:s8] =	ssyncset.done @!p2 $0x0  }
0x137: {  	[sflag:s8] =	ssyncadd.s32 @!p2 $0xFFFFFF80  }
0x138: {  	_ =	swait.ge @!p2 [sflag:s8], $0x80  }
0x139: {  	[sflag:s8] =	ssyncset.done @!p2 $0x0  }
0x13a: {  	[sflag:s8] =	ssyncadd.s32 @!p2 $0xFFFFFF80  }
0x13b: {  	_ =	swait.ge @!p2 [sflag:s8], $0x80  }
0x13c: {  	[sflag:s8] =	ssyncset.done @!p2 $0x0  }
0x13d: {  	[sflag:s8] =	ssyncadd.s32 @!p2 $0xFFFFFF80  }
0x13e: {  	_ =	swait.ge @!p2 [sflag:s8], $0x80  }
0x13f: {  	[sflag:s8] =	ssyncset.done @!p2 $0x0  }
0x140: {  	[sflag:s8] =	ssyncadd.s32 @!p2 $0xFFFFFF80  }
0x141: {  	_ =	swait.ge [sflag:s14], $0x800  }
0x142: {  	[sflag:s14] =	ssyncset.done $0x0  }
0x143: {  	[sflag:s14] =	ssyncadd.s32 $0xFFFFF800  }
0x144: {  	_ =	swait.ge [sflag:s14], $0x800  }
0x145: {  	[sflag:s14] =	ssyncset.done $0x0  }
0x146: {  	s25 =	simm.s32 $0x2320;
	[sflag:s14] =	ssyncadd.s32 $0xFFFFF800  }
0x147: {  	s22 =	simm.s32 $0xB20;
	v1 =	vld [tilespmem:s25+$0xFFFFFFE0]  }
0x148: {  	v2 =	vld [tilespmem:s22+$0xFFFFFFE0]  }
0x149: {  	s19 =	simm.s32 $0x3B20  }
0x14a: {  	v3 =	vld [tilespmem:s19+$0xFFFFFFE0];
	_ =	sdelay $0x1  }
0x14b: {  	s1 =	simm.s32 $0x0  }
0x14c: {  	v1 =	vadd.f32 v1, v2;
	v2 =	vor.u32 s1, v0;
	_ =	sdelay $0x1  }
0x14d: {  	v1 =	vadd.f32 v3, v1  }
0x14e: {  	s30 =	simm.s32 $0x5320  }
0x14f: {  	[tilespmem:s30+$0xFFFFFFE0] =	vst v1  }
0x150: {  	[tilespmem:v2+s15+$0x0] =	vst.idx.msk $0xffff, v1  }
0x151: {  	v1 =	vld [tilespmem:s22+$0xFFFFFFF0]  }
0x152: {  	v2 =	vld [tilespmem:s25+$0xFFFFFFF0];
	_ =	sdelay $0x1  }
0x153: {  	v3 =	vld [tilespmem:s19+$0xFFFFFFF0];
	_ =	sdelay $0x1  }
0x154: {  	s11 =	simm.s32 $0x1  }
0x155: {  	v1 =	vadd.f32 v2, v1;
	v2 =	vor.u32 s11, v0;
	_ =	sdelay $0x1  }
0x156: {  	v1 =	vadd.f32 v3, v1;
	_ =	sdelay $0x1  }
0x157: {  	[tilespmem:s30+$0xFFFFFFF0] =	vst v1  }
0x158: {  	[tilespmem:v2+s15+$0x0] =	vst.idx.msk $0xffff, v1  }
0x159: {  	v1 =	vld [tilespmem:s22+$0x0]  }
0x15a: {  	v2 =	vld [tilespmem:s25+$0x0];
	_ =	sdelay $0x1  }
0x15b: {  	v3 =	vld [tilespmem:s19+$0x0];
	_ =	sdelay $0x1  }
0x15c: {  	s16 =	simm.s32 $0x2  }
0x15d: {  	v1 =	vadd.f32 v2, v1;
	v2 =	vor.u32 s16, v0;
	_ =	sdelay $0x1  }
0x15e: {  	v1 =	vadd.f32 v3, v1;
	_ =	sdelay $0x1  }
0x15f: {  	[tilespmem:s30+$0x0] =	vst v1  }
0x160: {  	[tilespmem:v2+s15+$0x0] =	vst.idx.msk $0xffff, v1  }
0x161: {  	v3 =	vld [tilespmem:s22+$0x10]  }
0x162: {  	v4 =	vld [tilespmem:s25+$0x10];
	_ =	sdelay $0x1  }
0x163: {  	v2 =	vld [tilespmem:s19+$0x10];
	_ =	sdelay $0x1  }
0x164: {  	s10 =	simm.s32 $0xB60;
	s22 =	simm.s32 $0x3  }
0x165: {  	s8 =	sadd.s32 $0x80, s18;
	s11 =	simm.s32 $0x5320;
	s16 =	simm.s32 $0x4;
	v1 =	vor.u32 s22, v0;
	v3 =	vadd.f32 v4, v3  }
.LBB2_5:
0x166: {  	s25 =	sadd.s32 $0x40, s25;
	s19 =	sadd.s32 $0x40, s19;
	s30 =	sadd.s32 $0x40, s30  }
0x167: {  	p4 =	slt.u32 s16, $0x7C;
	s22 =	smov.u32 s16;
	s16 =	sadd.s32 $0x4, s16;
	v2 =	vadd.f32 v2, v3  }
0x168: {  	_ = 	snop  }
0x169: {  	[tilespmem:s11+$0x10] =	vst v2;
	s11 =	smov.u32 s30  }
0x16a: {  	[tilespmem:v1+s15+$0x0] =	vst.idx.msk $0xffff, v2  }
0x16b: {  	v1 =	vld [tilespmem:s25+$0xFFFFFFE0]  }
0x16c: {  	v2 =	vld [tilespmem:s10+$0xFFFFFFE0];
	_ =	sdelay $0x1  }
0x16d: {  	v3 =	vld [tilespmem:s19+$0xFFFFFFE0];
	_ =	sdelay $0x2  }
0x16e: {  	v1 =	vadd.f32 v1, v2;
	v2 =	vor.u32 s22, v0;
	_ =	sdelay $0x1  }
0x16f: {  	v1 =	vadd.f32 v3, v1;
	_ =	sdelay $0x1  }
0x170: {  	[tilespmem:s30+$0xFFFFFFE0] =	vst v1  }
0x171: {  	[tilespmem:v2+s15+$0x0] =	vst.idx.msk $0xffff, v1  }
0x172: {  	v1 =	vld [tilespmem:s10+$0xFFFFFFF0]  }
0x173: {  	v2 =	vld [tilespmem:s25+$0xFFFFFFF0];
	_ =	sdelay $0x1  }
0x174: {  	v3 =	vld [tilespmem:s19+$0xFFFFFFF0];
	_ =	sdelay $0x1  }
0x175: {  	s1 =	sadd.s32 $0x1, s22  }
0x176: {  	v1 =	vadd.f32 v2, v1;
	v2 =	vor.u32 s1, v0;
	_ =	sdelay $0x1  }
0x177: {  	v1 =	vadd.f32 v3, v1;
	_ =	sdelay $0x1  }
0x178: {  	[tilespmem:s30+$0xFFFFFFF0] =	vst v1  }
0x179: {  	[tilespmem:v2+s15+$0x0] =	vst.idx.msk $0xffff, v1  }
0x17a: {  	v1 =	vld [tilespmem:s10+$0x0]  }
0x17b: {  	v2 =	vld [tilespmem:s25+$0x0];
	_ =	sdelay $0x1  }
0x17c: {  	v3 =	vld [tilespmem:s19+$0x0];
	_ =	sdelay $0x1  }
0x17d: {  	s1 =	sadd.s32 $0x2, s22  }
0x17e: {  	v1 =	vadd.f32 v2, v1;
	v2 =	vor.u32 s1, v0;
	_ =	sdelay $0x1  }
0x17f: {  	v1 =	vadd.f32 v3, v1;
	_ =	sdelay $0x1  }
0x180: {  	[tilespmem:s30+$0x0] =	vst v1  }
0x181: {  	[tilespmem:v2+s15+$0x0] =	vst.idx.msk $0xffff, v1  }
0x182: {  	v3 =	vld [tilespmem:s10+$0x10]  }
0x183: {  	v4 =	vld [tilespmem:s25+$0x10]  }
.Ltmp3:
0x184: {  	v2 =	vld [tilespmem:s19+$0x10];
	(pc) =	sbr.rel @p4 .LBB2_5-.Ltmp3, $4  }
0x185: {  	_ = 	snop  }
0x186: {  	s1 =	sadd.s32 $0x3, s22  }
0x187: {  	v1 =	vor.u32 s1, v0  }
0x188: {  	s10 =	sadd.s32 $0x40, s10;
	v3 =	vadd.f32 v4, v3  }
0x189: {  	_ = 	snop  }
0x18a: {  	v2 =	vadd.f32 v2, v3;
	_ =	sdelay $0x1  }
0x18b: {  	s1 =	sshrl.u32 s8, $0x3;
	[tilespmem:s11+$0x10] =	vst v2  }
0x18c: {  	s1 =	sadd.s32 s9, s1;
	[tilespmem:v1+s15+$0x0] =	vst.idx.msk $0xffff, v2  }
0x18d: {  	[hbm4b:s1+s4] =	stream.linear.scatter [tilespmem:s15], [sflag:$0x8], $0x80, $0x38;
	[tilespmem:$0xA210] =	vst v63  }
0x18e: {  	s10 =	sadd.s32 $0x9C50, s23;
	s11 =	simm.s32 $0x6B80  }
0x18f: {  	[hbm4b:s10+s4] =	stream.linear.scatter [tilespmem:s11], [sflag:$0x8], $0x80, $0x38;
	[tilespmem:$0xA210] =	vst v63  }
0x190: {  	s16 =	sadd.s32 $0x13890, s23;
	s19 =	simm.s32 $0x6C00  }
0x191: {  	[hbm4b:s16+s4] =	stream.linear.scatter [tilespmem:s19], [sflag:$0x8], $0x80, $0x38;
	[tilespmem:$0xA210] =	vst v63  }
0x192: {  	s22 =	sadd.s32 $0x1D4D0, s23;
	s25 =	simm.s32 $0x6C80  }
0x193: {  	[hbm4b:s22+s4] =	stream.linear.scatter [tilespmem:s25], [sflag:$0x8], $0x80, $0x38;
	[tilespmem:$0xA210] =	vst v63  }
0x194: {  	s10 =	sadd.s32 $0x27110, s23;
	s11 =	simm.s32 $0x6D00  }
0x195: {  	[hbm4b:s10+s4] =	stream.linear.scatter [tilespmem:s11], [sflag:$0x8], $0x80, $0x38;
	[tilespmem:$0xA210] =	vst v63  }
0x196: {  	s16 =	sadd.s32 $0x30D50, s23;
	s19 =	simm.s32 $0x6D80  }
0x197: {  	[hbm4b:s16+s4] =	stream.linear.scatter [tilespmem:s19], [sflag:$0x8], $0x80, $0x38;
	[tilespmem:$0xA210] =	vst v63  }
0x198: {  	s22 =	sadd.s32 $0x3A990, s23;
	s25 =	simm.s32 $0x6E00  }
0x199: {  	[hbm4b:s22+s4] =	stream.linear.scatter [tilespmem:s25], [sflag:$0x8], $0x80, $0x38;
	[tilespmem:$0xA210] =	vst v63  }
0x19a: {  	s10 =	sadd.s32 $0x445D0, s23;
	s11 =	simm.s32 $0x6E80  }
0x19b: {  	[hbm4b:s10+s4] =	stream.linear.scatter [tilespmem:s11], [sflag:$0x8], $0x80, $0x38;
	[tilespmem:$0xA210] =	vst v63  }
0x19c: {  	s16 =	sadd.s32 $0x4E210, s23;
	s19 =	simm.s32 $0x6F00  }
0x19d: {  	[hbm4b:s16+s4] =	stream.linear.scatter [tilespmem:s19], [sflag:$0x8], $0x80, $0x38;
	[tilespmem:$0xA210] =	vst v63  }
0x19e: {  	s22 =	sadd.s32 $0x57E50, s23;
	s25 =	simm.s32 $0x6F80  }
0x19f: {  	[hbm4b:s22+s4] =	stream.linear.scatter [tilespmem:s25], [sflag:$0x8], $0x80, $0x38;
	[tilespmem:$0xA210] =	vst v63  }
0x1a0: {  	s10 =	sadd.s32 $0x61A90, s23;
	s11 =	simm.s32 $0x7000  }
0x1a1: {  	[hbm4b:s10+s4] =	stream.linear.scatter [tilespmem:s11], [sflag:$0x8], $0x80, $0x38;
	[tilespmem:$0xA210] =	vst v63  }
0x1a2: {  	s16 =	sadd.s32 $0x6B6D0, s23;
	s19 =	simm.s32 $0x7080  }
0x1a3: {  	[hbm4b:s16+s4] =	stream.linear.scatter [tilespmem:s19], [sflag:$0x8], $0x80, $0x38;
	[tilespmem:$0xA210] =	vst v63  }
0x1a4: {  	s22 =	sadd.s32 $0x75310, s23;
	s25 =	simm.s32 $0x7100  }
0x1a5: {  	[hbm4b:s22+s4] =	stream.linear.scatter [tilespmem:s25], [sflag:$0x8], $0x80, $0x38;
	[tilespmem:$0xA210] =	vst v63  }
0x1a6: {  	s10 =	sadd.s32 $0x7EF50, s23;
	s11 =	simm.s32 $0x7180  }
0x1a7: {  	[hbm4b:s10+s4] =	stream.linear.scatter [tilespmem:s11], [sflag:$0x8], $0x80, $0x38;
	[tilespmem:$0xA210] =	vst v63  }
0x1a8: {  	s16 =	sadd.s32 $0x88B90, s23;
	s19 =	simm.s32 $0x7200  }
0x1a9: {  	[hbm4b:s16+s4] =	stream.linear.scatter [tilespmem:s19], [sflag:$0x8], $0x80, $0x38;
	[tilespmem:$0xA210] =	vst v63  }
0x1aa: {  	s22 =	sadd.s32 $0x927D0, s23;
	s25 =	simm.s32 $0x7280  }
0x1ab: {  	[hbm4b:s22+s4] =	stream.linear.scatter [tilespmem:s25], [sflag:$0x8], $0x80, $0x38;
	[tilespmem:$0xA210] =	vst v63  }
0x1ac: {  	s8 =	rddreg [dreg:$0x3];
	s10 =	simm.s32 $0x5300  }
0x1ad: {  	[spmem:s8] =	stream.indirect.scatter.add.f32 [tilespmem:s10], [sflag:$0xA], $0x10, s0, s0, $0xb8;
	[tilespmem:$0xA210] =	vst v63  }
0x1ae: {  	s1 =	sadd.s32 @!p3 $0x200, s18;
	s11 =	simm.s32 @!p3 $0x0;
	_ =	swait.ge [sflag:s12], $0x800  }
0x1af: {  	s16 =	simm.s32 @!p3 $0x80;
	s8 =	sshrl.u32 @!p3 s1, $0x3;
	[sflag:s12] =	ssyncset.done $0x0  }
0x1b0: {  	s1 =	sshll.u32 @!p3 s1, $0x1;
	s10 =	sadd.s32 @!p3 s5, s8;
	[sflag:s12] =	ssyncadd.s32 $0xFFFFF800  }
0x1b1: {  	[tilespmem:s16], [sflag:$0x2] =	stream.linear.gather @!p3 [hbm4b:s10+s11], $0x80, $0x38;
	[tilespmem:$0xA210] =	vst v63  }
0x1b2: {  	s8 =	sadd.s32 @!p3 s3, s8;
	s1 =	sand.u32 @!p3 $0x1FFFFF00, s1;
	s10 =	simm.s32 @!p3 $0x200  }
0x1b3: {  	[tilespmem:s10], [sflag:$0x2] =	stream.linear.gather @!p3 [hbm4b:s8+s11], $0x80, $0x38;
	[tilespmem:$0xA210] =	vst v63  }
0x1b4: {  	s1 =	sadd.s32 @!p3 s2, s1;
	s8 =	simm.s32 @!p3 $0xB00  }
0x1b5: {  	[tilespmem:s8], [sflag:$0x2] =	stream.linear.gather @!p3 [hbm4b:s1+s11], $0x800, $0x38;
	[tilespmem:$0xA210] =	vst v63  }
0x1b6: {  	_ =	swait.ge [sflag:s17], $0x80  }
0x1b7: {  	[sflag:s17] =	ssyncset.done $0x0  }
0x1b8: {  	[sflag:s17] =	ssyncadd.s32 $0xFFFFFF80  }
0x1b9: {  	_ =	swait.ge [sflag:s17], $0x80  }
0x1ba: {  	[sflag:s17] =	ssyncset.done $0x0  }
0x1bb: {  	[sflag:s17] =	ssyncadd.s32 $0xFFFFFF80  }
0x1bc: {  	_ =	swait.ge [sflag:s17], $0x800  }
0x1bd: {  	[sflag:s17] =	ssyncset.done $0x0  }
0x1be: {  	s11 =	simm.s32 $0x2B00;
	[sflag:s17] =	ssyncadd.s32 $0xFFFFF800  }
0x1bf: {  	[tilespmem:s11], [sflag:$0x6] =	stream.indirect.gather [hbm4b:s6+s0], $0x10, s21, s0, $0xb8;
	[tilespmem:$0xA210] =	vst v63  }
0x1c0: {  	s19 =	simm.s32 $0x4300;
	s16 =	simm.s32 $0x280;
	s1 =	simm.s32 @!p2 $0x9  }
0x1c1: {  	[tilespmem:s19], [sflag:$0x6] =	stream.indirect.gather [hbm4b:s7+s0], $0x10, s16, s0, $0xb8;
	[tilespmem:$0xA210] =	vst v63  }
0x1c2: {  	_ =	swait.ge @!p2 [sflag:s1], $0x80  }
0x1c3: {  	[sflag:s1] =	ssyncset.done @!p2 $0x0  }
0x1c4: {  	[sflag:s1] =	ssyncadd.s32 @!p2 $0xFFFFFF80  }
0x1c5: {  	_ =	swait.ge @!p2 [sflag:s1], $0x80  }
0x1c6: {  	[sflag:s1] =	ssyncset.done @!p2 $0x0  }
0x1c7: {  	[sflag:s1] =	ssyncadd.s32 @!p2 $0xFFFFFF80  }
0x1c8: {  	_ =	swait.ge @!p2 [sflag:s1], $0x80  }
0x1c9: {  	[sflag:s1] =	ssyncset.done @!p2 $0x0  }
0x1ca: {  	[sflag:s1] =	ssyncadd.s32 @!p2 $0xFFFFFF80  }
0x1cb: {  	_ =	swait.ge @!p2 [sflag:s1], $0x80  }
0x1cc: {  	[sflag:s1] =	ssyncset.done @!p2 $0x0  }
0x1cd: {  	[sflag:s1] =	ssyncadd.s32 @!p2 $0xFFFFFF80  }
0x1ce: {  	_ =	swait.ge @!p2 [sflag:s1], $0x80  }
0x1cf: {  	[sflag:s1] =	ssyncset.done @!p2 $0x0  }
0x1d0: {  	[sflag:s1] =	ssyncadd.s32 @!p2 $0xFFFFFF80  }
0x1d1: {  	_ =	swait.ge @!p2 [sflag:s1], $0x80  }
0x1d2: {  	[sflag:s1] =	ssyncset.done @!p2 $0x0  }
0x1d3: {  	[sflag:s1] =	ssyncadd.s32 @!p2 $0xFFFFFF80  }
0x1d4: {  	_ =	swait.ge @!p2 [sflag:s1], $0x80  }
0x1d5: {  	[sflag:s1] =	ssyncset.done @!p2 $0x0  }
0x1d6: {  	[sflag:s1] =	ssyncadd.s32 @!p2 $0xFFFFFF80  }
0x1d7: {  	_ =	swait.ge @!p2 [sflag:s1], $0x80  }
0x1d8: {  	[sflag:s1] =	ssyncset.done @!p2 $0x0  }
0x1d9: {  	[sflag:s1] =	ssyncadd.s32 @!p2 $0xFFFFFF80  }
0x1da: {  	_ =	swait.ge @!p2 [sflag:s1], $0x80  }
0x1db: {  	[sflag:s1] =	ssyncset.done @!p2 $0x0  }
0x1dc: {  	[sflag:s1] =	ssyncadd.s32 @!p2 $0xFFFFFF80  }
0x1dd: {  	_ =	swait.ge @!p2 [sflag:s1], $0x80  }
0x1de: {  	[sflag:s1] =	ssyncset.done @!p2 $0x0  }
0x1df: {  	[sflag:s1] =	ssyncadd.s32 @!p2 $0xFFFFFF80  }
0x1e0: {  	_ =	swait.ge @!p2 [sflag:s1], $0x80  }
0x1e1: {  	[sflag:s1] =	ssyncset.done @!p2 $0x0  }
0x1e2: {  	[sflag:s1] =	ssyncadd.s32 @!p2 $0xFFFFFF80  }
0x1e3: {  	_ =	swait.ge @!p2 [sflag:s1], $0x80  }
0x1e4: {  	[sflag:s1] =	ssyncset.done @!p2 $0x0  }
0x1e5: {  	[sflag:s1] =	ssyncadd.s32 @!p2 $0xFFFFFF80  }
0x1e6: {  	_ =	swait.ge @!p2 [sflag:s1], $0x80  }
0x1e7: {  	[sflag:s1] =	ssyncset.done @!p2 $0x0  }
0x1e8: {  	[sflag:s1] =	ssyncadd.s32 @!p2 $0xFFFFFF80  }
0x1e9: {  	_ =	swait.ge @!p2 [sflag:s1], $0x80  }
0x1ea: {  	[sflag:s1] =	ssyncset.done @!p2 $0x0  }
0x1eb: {  	[sflag:s1] =	ssyncadd.s32 @!p2 $0xFFFFFF80  }
0x1ec: {  	_ =	swait.ge @!p2 [sflag:s1], $0x80  }
0x1ed: {  	[sflag:s1] =	ssyncset.done @!p2 $0x0  }
0x1ee: {  	[sflag:s1] =	ssyncadd.s32 @!p2 $0xFFFFFF80  }
0x1ef: {  	_ =	swait.ge @!p2 [sflag:s1], $0x80  }
0x1f0: {  	[sflag:s1] =	ssyncset.done @!p2 $0x0  }
0x1f1: {  	[sflag:s1] =	ssyncadd.s32 @!p2 $0xFFFFFF80  }
0x1f2: {  	_ =	swait.ge [sflag:s26], $0x800  }
0x1f3: {  	[sflag:s26] =	ssyncset.done $0x0  }
0x1f4: {  	[sflag:s26] =	ssyncadd.s32 $0xFFFFF800  }
0x1f5: {  	_ =	swait.ge [sflag:s26], $0x800  }
0x1f6: {  	[sflag:s26] =	ssyncset.done $0x0  }
0x1f7: {  	s25 =	simm.s32 $0x2B20;
	[sflag:s26] =	ssyncadd.s32 $0xFFFFF800  }
0x1f8: {  	s22 =	simm.s32 $0x1320;
	v1 =	vld [tilespmem:s25+$0xFFFFFFE0]  }
0x1f9: {  	v2 =	vld [tilespmem:s22+$0xFFFFFFE0]  }
0x1fa: {  	s19 =	simm.s32 $0x4320  }
0x1fb: {  	v3 =	vld [tilespmem:s19+$0xFFFFFFE0];
	_ =	sdelay $0x1  }
0x1fc: {  	s10 =	simm.s32 $0x0  }
0x1fd: {  	v1 =	vadd.f32 v1, v2;
	v2 =	vor.u32 s10, v0;
	_ =	sdelay $0x1  }
0x1fe: {  	v1 =	vadd.f32 v3, v1  }
0x1ff: {  	s30 =	simm.s32 $0x5B20  }
0x200: {  	[tilespmem:s30+$0xFFFFFFE0] =	vst v1  }
0x201: {  	[tilespmem:v2+s20+$0x0] =	vst.idx.msk $0xffff, v1  }
0x202: {  	v1 =	vld [tilespmem:s22+$0xFFFFFFF0]  }
0x203: {  	v2 =	vld [tilespmem:s25+$0xFFFFFFF0];
	_ =	sdelay $0x1  }
0x204: {  	v3 =	vld [tilespmem:s19+$0xFFFFFFF0];
	_ =	sdelay $0x1  }
0x205: {  	s11 =	simm.s32 $0x1  }
0x206: {  	v1 =	vadd.f32 v2, v1;
	v2 =	vor.u32 s11, v0;
	_ =	sdelay $0x1  }
0x207: {  	v1 =	vadd.f32 v3, v1;
	_ =	sdelay $0x1  }
0x208: {  	[tilespmem:s30+$0xFFFFFFF0] =	vst v1  }
0x209: {  	[tilespmem:v2+s20+$0x0] =	vst.idx.msk $0xffff, v1  }
0x20a: {  	v1 =	vld [tilespmem:s22+$0x0]  }
0x20b: {  	v2 =	vld [tilespmem:s25+$0x0];
	_ =	sdelay $0x1  }
0x20c: {  	v3 =	vld [tilespmem:s19+$0x0];
	_ =	sdelay $0x1  }
0x20d: {  	s16 =	simm.s32 $0x2  }
0x20e: {  	v1 =	vadd.f32 v2, v1;
	v2 =	vor.u32 s16, v0;
	_ =	sdelay $0x1  }
0x20f: {  	v1 =	vadd.f32 v3, v1;
	_ =	sdelay $0x1  }
0x210: {  	[tilespmem:s30+$0x0] =	vst v1  }
0x211: {  	[tilespmem:v2+s20+$0x0] =	vst.idx.msk $0xffff, v1  }
0x212: {  	v3 =	vld [tilespmem:s22+$0x10]  }
0x213: {  	v4 =	vld [tilespmem:s25+$0x10];
	_ =	sdelay $0x1  }
0x214: {  	v2 =	vld [tilespmem:s19+$0x10];
	_ =	sdelay $0x1  }
0x215: {  	s8 =	sadd.s32 $0x100, s18;
	s22 =	simm.s32 $0x3  }
0x216: {  	s10 =	simm.s32 $0x1360;
	s11 =	simm.s32 $0x5B20;
	s16 =	simm.s32 $0x4;
	v1 =	vor.u32 s22, v0;
	v3 =	vadd.f32 v4, v3  }
.LBB2_7:
0x217: {  	s25 =	sadd.s32 $0x40, s25;
	s19 =	sadd.s32 $0x40, s19;
	s30 =	sadd.s32 $0x40, s30  }
0x218: {  	p2 =	slt.u32 s16, $0x7C;
	s22 =	smov.u32 s16;
	s16 =	sadd.s32 $0x4, s16;
	v2 =	vadd.f32 v2, v3  }
0x219: {  	_ = 	snop  }
0x21a: {  	[tilespmem:s11+$0x10] =	vst v2;
	s11 =	smov.u32 s30  }
0x21b: {  	[tilespmem:v1+s20+$0x0] =	vst.idx.msk $0xffff, v2  }
0x21c: {  	v1 =	vld [tilespmem:s25+$0xFFFFFFE0]  }
0x21d: {  	v2 =	vld [tilespmem:s10+$0xFFFFFFE0];
	_ =	sdelay $0x1  }
0x21e: {  	v3 =	vld [tilespmem:s19+$0xFFFFFFE0];
	_ =	sdelay $0x2  }
0x21f: {  	v1 =	vadd.f32 v1, v2;
	v2 =	vor.u32 s22, v0;
	_ =	sdelay $0x1  }
0x220: {  	v1 =	vadd.f32 v3, v1;
	_ =	sdelay $0x1  }
0x221: {  	[tilespmem:s30+$0xFFFFFFE0] =	vst v1  }
0x222: {  	[tilespmem:v2+s20+$0x0] =	vst.idx.msk $0xffff, v1  }
0x223: {  	v1 =	vld [tilespmem:s10+$0xFFFFFFF0]  }
0x224: {  	v2 =	vld [tilespmem:s25+$0xFFFFFFF0];
	_ =	sdelay $0x1  }
0x225: {  	v3 =	vld [tilespmem:s19+$0xFFFFFFF0];
	_ =	sdelay $0x1  }
0x226: {  	s1 =	sadd.s32 $0x1, s22  }
0x227: {  	v1 =	vadd.f32 v2, v1;
	v2 =	vor.u32 s1, v0;
	_ =	sdelay $0x1  }
0x228: {  	v1 =	vadd.f32 v3, v1;
	_ =	sdelay $0x1  }
0x229: {  	[tilespmem:s30+$0xFFFFFFF0] =	vst v1  }
0x22a: {  	[tilespmem:v2+s20+$0x0] =	vst.idx.msk $0xffff, v1  }
0x22b: {  	v1 =	vld [tilespmem:s10+$0x0]  }
0x22c: {  	v2 =	vld [tilespmem:s25+$0x0];
	_ =	sdelay $0x1  }
0x22d: {  	v3 =	vld [tilespmem:s19+$0x0];
	_ =	sdelay $0x1  }
0x22e: {  	s1 =	sadd.s32 $0x2, s22  }
0x22f: {  	v1 =	vadd.f32 v2, v1;
	v2 =	vor.u32 s1, v0;
	_ =	sdelay $0x1  }
0x230: {  	v1 =	vadd.f32 v3, v1;
	_ =	sdelay $0x1  }
0x231: {  	[tilespmem:s30+$0x0] =	vst v1  }
0x232: {  	[tilespmem:v2+s20+$0x0] =	vst.idx.msk $0xffff, v1  }
0x233: {  	v3 =	vld [tilespmem:s10+$0x10]  }
0x234: {  	v4 =	vld [tilespmem:s25+$0x10]  }
.Ltmp4:
0x235: {  	v2 =	vld [tilespmem:s19+$0x10];
	(pc) =	sbr.rel @p2 .LBB2_7-.Ltmp4, $4  }
0x236: {  	_ = 	snop  }
0x237: {  	s1 =	sadd.s32 $0x3, s22  }
0x238: {  	v1 =	vor.u32 s1, v0  }
0x239: {  	s10 =	sadd.s32 $0x40, s10;
	v3 =	vadd.f32 v4, v3  }
0x23a: {  	_ = 	snop  }
0x23b: {  	v2 =	vadd.f32 v2, v3;
	_ =	sdelay $0x1  }
0x23c: {  	s1 =	sshrl.u32 s8, $0x3;
	[tilespmem:s11+$0x10] =	vst v2  }
0x23d: {  	s1 =	sadd.s32 s9, s1;
	[tilespmem:v1+s20+$0x0] =	vst.idx.msk $0xffff, v2  }
0x23e: {  	[hbm4b:s1+s4] =	stream.linear.scatter [tilespmem:s20], [sflag:$0x9], $0x80, $0x38;
	[tilespmem:$0xA210] =	vst v63  }
0x23f: {  	s8 =	sadd.s32 $0x9C60, s23;
	s10 =	simm.s32 $0x7380  }
0x240: {  	[hbm4b:s8+s4] =	stream.linear.scatter [tilespmem:s10], [sflag:$0x9], $0x80, $0x38;
	[tilespmem:$0xA210] =	vst v63  }
0x241: {  	s16 =	simm.s32 $0x7400;
	s11 =	sadd.s32 $0x138A0, s23  }
0x242: {  	[hbm4b:s11+s4] =	stream.linear.scatter [tilespmem:s16], [sflag:$0x9], $0x80, $0x38;
	[tilespmem:$0xA210] =	vst v63  }
0x243: {  	s19 =	sadd.s32 $0x1D4E0, s23;
	s22 =	simm.s32 $0x7480  }
0x244: {  	[hbm4b:s19+s4] =	stream.linear.scatter [tilespmem:s22], [sflag:$0x9], $0x80, $0x38;
	[tilespmem:$0xA210] =	vst v63  }
0x245: {  	s25 =	sadd.s32 $0x27120, s23;
	s30 =	simm.s32 $0x7500  }
0x246: {  	[hbm4b:s25+s4] =	stream.linear.scatter [tilespmem:s30], [sflag:$0x9], $0x80, $0x38;
	[tilespmem:$0xA210] =	vst v63  }
0x247: {  	s8 =	sadd.s32 $0x30D60, s23;
	s10 =	simm.s32 $0x7580  }
0x248: {  	[hbm4b:s8+s4] =	stream.linear.scatter [tilespmem:s10], [sflag:$0x9], $0x80, $0x38;
	[tilespmem:$0xA210] =	vst v63  }
0x249: {  	s11 =	sadd.s32 $0x3A9A0, s23;
	s16 =	simm.s32 $0x7600  }
0x24a: {  	[hbm4b:s11+s4] =	stream.linear.scatter [tilespmem:s16], [sflag:$0x9], $0x80, $0x38;
	[tilespmem:$0xA210] =	vst v63  }
0x24b: {  	s19 =	sadd.s32 $0x445E0, s23;
	s22 =	simm.s32 $0x7680  }
0x24c: {  	[hbm4b:s19+s4] =	stream.linear.scatter [tilespmem:s22], [sflag:$0x9], $0x80, $0x38;
	[tilespmem:$0xA210] =	vst v63  }
0x24d: {  	s25 =	sadd.s32 $0x4E220, s23;
	s30 =	simm.s32 $0x7700  }
0x24e: {  	[hbm4b:s25+s4] =	stream.linear.scatter [tilespmem:s30], [sflag:$0x9], $0x80, $0x38;
	[tilespmem:$0xA210] =	vst v63  }
0x24f: {  	s8 =	sadd.s32 $0x57E60, s23;
	s10 =	simm.s32 $0x7780  }
0x250: {  	[hbm4b:s8+s4] =	stream.linear.scatter [tilespmem:s10], [sflag:$0x9], $0x80, $0x38;
	[tilespmem:$0xA210] =	vst v63  }
0x251: {  	s11 =	sadd.s32 $0x61AA0, s23;
	s16 =	simm.s32 $0x7800  }
0x252: {  	[hbm4b:s11+s4] =	stream.linear.scatter [tilespmem:s16], [sflag:$0x9], $0x80, $0x38;
	[tilespmem:$0xA210] =	vst v63  }
0x253: {  	s19 =	sadd.s32 $0x6B6E0, s23;
	s22 =	simm.s32 $0x7880  }
0x254: {  	[hbm4b:s19+s4] =	stream.linear.scatter [tilespmem:s22], [sflag:$0x9], $0x80, $0x38;
	[tilespmem:$0xA210] =	vst v63  }
0x255: {  	s25 =	sadd.s32 $0x75320, s23;
	s30 =	simm.s32 $0x7900  }
0x256: {  	[hbm4b:s25+s4] =	stream.linear.scatter [tilespmem:s30], [sflag:$0x9], $0x80, $0x38;
	[tilespmem:$0xA210] =	vst v63  }
0x257: {  	s10 =	sadd.s32 $0x7EF60, s23;
	s11 =	simm.s32 $0x7980  }
0x258: {  	[hbm4b:s10+s4] =	stream.linear.scatter [tilespmem:s11], [sflag:$0x9], $0x80, $0x38;
	[tilespmem:$0xA210] =	vst v63  }
0x259: {  	s16 =	sadd.s32 $0x88BA0, s23;
	s19 =	simm.s32 $0x7A00  }
0x25a: {  	[hbm4b:s16+s4] =	stream.linear.scatter [tilespmem:s19], [sflag:$0x9], $0x80, $0x38;
	[tilespmem:$0xA210] =	vst v63  }
0x25b: {  	s22 =	sadd.s32 $0x927E0, s23;
	s23 =	simm.s32 $0x7A80  }
0x25c: {  	[hbm4b:s22+s4] =	stream.linear.scatter [tilespmem:s23], [sflag:$0x9], $0x80, $0x38;
	[tilespmem:$0xA210] =	vst v63  }
.Ltmp5:
0x25d: {  	s25 =	rddreg [dreg:$0x3];
	s30 =	simm.s32 $0x5B00;
	(pc) =	sbr.rel @p3 .LBB2_10-.Ltmp5, $4  }
0x25e: {  	[spmem:s25] =	stream.indirect.scatter.add.f32 [tilespmem:s30], [sflag:$0xA], $0x10, s21, s0, $0xb8;
	[tilespmem:$0xA210] =	vst v63  }
0x25f: {  	_ =	swait.ge [sflag:s12], $0x800  }
0x260: {  	[sflag:s12] =	ssyncset.done $0x0  }
0x261: {  	[sflag:s12] =	ssyncadd.s32 $0xFFFFF800  }
0x262: {  	s1 =	sadd.s32 $0x280, s18  }
0x263: {  	s8 =	sshrl.u32 s1, $0x3  }
0x264: {  	s10 =	sadd.s32 s5, s8  }
0x265: {  	[tilespmem:s21], [sflag:$0x3] =	stream.linear.gather [hbm4b:s10+s4], $0x80, $0x38;
	[tilespmem:$0xA210] =	vst v63  }
.Ltmp6:
0x266: {  	s1 =	sshll.u32 s1, $0x1;
	(pc) =	sbr.rel .LBB2_2-.Ltmp6, $4  }
0x267: {  	s25 =	simm.s32 $0x280;
	s8 =	sadd.s32 s3, s8;
	s1 =	sand.u32 $0x1FFFFF00, s1  }
0x268: {  	[tilespmem:s25], [sflag:$0x3] =	stream.linear.gather [hbm4b:s8+s4], $0x80, $0x38;
	[tilespmem:$0xA210] =	vst v63  }
0x269: {  	s30 =	simm.s32 $0x1300;
	s29 =	sadd.s32 $0x1, s29;
	s1 =	sadd.s32 s2, s1  }
0x26a: {  	[tilespmem:s30], [sflag:$0x3] =	stream.linear.gather [hbm4b:s1+s4], $0x800, $0x38;
	[tilespmem:$0xA210] =	vst v63  }
.LBB2_10:
0x26b: {  	s1 =	simm.s32 $0x7  }
0x26c: {  	_ =	swait.ge [sflag:s1], $0x80  }
0x26d: {  	[sflag:s1] =	ssyncset.done $0x0  }
0x26e: {  	[sflag:s1] =	ssyncadd.s32 $0xFFFFFF80  }
0x26f: {  	_ =	swait.ge [sflag:s1], $0x80  }
0x270: {  	[sflag:s1] =	ssyncset.done $0x0  }
0x271: {  	[sflag:s1] =	ssyncadd.s32 $0xFFFFFF80  }
0x272: {  	_ =	swait.ge [sflag:s1], $0x80  }
0x273: {  	[sflag:s1] =	ssyncset.done $0x0  }
0x274: {  	[sflag:s1] =	ssyncadd.s32 $0xFFFFFF80  }
0x275: {  	_ =	swait.ge [sflag:s1], $0x80  }
0x276: {  	[sflag:s1] =	ssyncset.done $0x0  }
0x277: {  	[sflag:s1] =	ssyncadd.s32 $0xFFFFFF80  }
0x278: {  	_ =	swait.ge [sflag:s1], $0x80  }
0x279: {  	[sflag:s1] =	ssyncset.done $0x0  }
0x27a: {  	[sflag:s1] =	ssyncadd.s32 $0xFFFFFF80  }
0x27b: {  	_ =	swait.ge [sflag:s1], $0x80  }
0x27c: {  	[sflag:s1] =	ssyncset.done $0x0  }
0x27d: {  	[sflag:s1] =	ssyncadd.s32 $0xFFFFFF80  }
0x27e: {  	_ =	swait.ge [sflag:s1], $0x80  }
0x27f: {  	[sflag:s1] =	ssyncset.done $0x0  }
0x280: {  	[sflag:s1] =	ssyncadd.s32 $0xFFFFFF80  }
0x281: {  	_ =	swait.ge [sflag:s1], $0x80  }
0x282: {  	[sflag:s1] =	ssyncset.done $0x0  }
0x283: {  	[sflag:s1] =	ssyncadd.s32 $0xFFFFFF80  }
0x284: {  	_ =	swait.ge [sflag:s1], $0x80  }
0x285: {  	[sflag:s1] =	ssyncset.done $0x0  }
0x286: {  	[sflag:s1] =	ssyncadd.s32 $0xFFFFFF80  }
0x287: {  	_ =	swait.ge [sflag:s1], $0x80  }
0x288: {  	[sflag:s1] =	ssyncset.done $0x0  }
0x289: {  	[sflag:s1] =	ssyncadd.s32 $0xFFFFFF80  }
0x28a: {  	_ =	swait.ge [sflag:s1], $0x80  }
0x28b: {  	[sflag:s1] =	ssyncset.done $0x0  }
0x28c: {  	[sflag:s1] =	ssyncadd.s32 $0xFFFFFF80  }
0x28d: {  	_ =	swait.ge [sflag:s1], $0x80  }
0x28e: {  	[sflag:s1] =	ssyncset.done $0x0  }
0x28f: {  	[sflag:s1] =	ssyncadd.s32 $0xFFFFFF80  }
0x290: {  	_ =	swait.ge [sflag:s1], $0x80  }
0x291: {  	[sflag:s1] =	ssyncset.done $0x0  }
0x292: {  	[sflag:s1] =	ssyncadd.s32 $0xFFFFFF80  }
0x293: {  	_ =	swait.ge [sflag:s1], $0x80  }
0x294: {  	[sflag:s1] =	ssyncset.done $0x0  }
0x295: {  	[sflag:s1] =	ssyncadd.s32 $0xFFFFFF80  }
0x296: {  	_ =	swait.ge [sflag:s1], $0x80  }
0x297: {  	[sflag:s1] =	ssyncset.done $0x0  }
0x298: {  	[sflag:s1] =	ssyncadd.s32 $0xFFFFFF80  }
0x299: {  	_ =	swait.ge [sflag:s1], $0x80  }
0x29a: {  	[sflag:s1] =	ssyncset.done $0x0  }
0x29b: {  	s29 =	simm.s32 $0x8;
	[sflag:s1] =	ssyncadd.s32 $0xFFFFFF80  }
0x29c: {  	_ =	swait.ge [sflag:s29], $0x80  }
0x29d: {  	[sflag:s29] =	ssyncset.done $0x0  }
0x29e: {  	[sflag:s29] =	ssyncadd.s32 $0xFFFFFF80  }
0x29f: {  	_ =	swait.ge [sflag:s29], $0x80  }
0x2a0: {  	[sflag:s29] =	ssyncset.done $0x0  }
0x2a1: {  	[sflag:s29] =	ssyncadd.s32 $0xFFFFFF80  }
0x2a2: {  	_ =	swait.ge [sflag:s29], $0x80  }
0x2a3: {  	[sflag:s29] =	ssyncset.done $0x0  }
0x2a4: {  	[sflag:s29] =	ssyncadd.s32 $0xFFFFFF80  }
0x2a5: {  	_ =	swait.ge [sflag:s29], $0x80  }
0x2a6: {  	[sflag:s29] =	ssyncset.done $0x0  }
0x2a7: {  	[sflag:s29] =	ssyncadd.s32 $0xFFFFFF80  }
0x2a8: {  	_ =	swait.ge [sflag:s29], $0x80  }
0x2a9: {  	[sflag:s29] =	ssyncset.done $0x0  }
0x2aa: {  	[sflag:s29] =	ssyncadd.s32 $0xFFFFFF80  }
0x2ab: {  	_ =	swait.ge [sflag:s29], $0x80  }
0x2ac: {  	[sflag:s29] =	ssyncset.done $0x0  }
0x2ad: {  	[sflag:s29] =	ssyncadd.s32 $0xFFFFFF80  }
0x2ae: {  	_ =	swait.ge [sflag:s29], $0x80  }
0x2af: {  	[sflag:s29] =	ssyncset.done $0x0  }
0x2b0: {  	[sflag:s29] =	ssyncadd.s32 $0xFFFFFF80  }
0x2b1: {  	_ =	swait.ge [sflag:s29], $0x80  }
0x2b2: {  	[sflag:s29] =	ssyncset.done $0x0  }
0x2b3: {  	[sflag:s29] =	ssyncadd.s32 $0xFFFFFF80  }
0x2b4: {  	_ =	swait.ge [sflag:s29], $0x80  }
0x2b5: {  	[sflag:s29] =	ssyncset.done $0x0  }
0x2b6: {  	[sflag:s29] =	ssyncadd.s32 $0xFFFFFF80  }
0x2b7: {  	_ =	swait.ge [sflag:s29], $0x80  }
0x2b8: {  	[sflag:s29] =	ssyncset.done $0x0  }
0x2b9: {  	[sflag:s29] =	ssyncadd.s32 $0xFFFFFF80  }
0x2ba: {  	_ =	swait.ge [sflag:s29], $0x80  }
0x2bb: {  	[sflag:s29] =	ssyncset.done $0x0  }
0x2bc: {  	[sflag:s29] =	ssyncadd.s32 $0xFFFFFF80  }
0x2bd: {  	_ =	swait.ge [sflag:s29], $0x80  }
0x2be: {  	[sflag:s29] =	ssyncset.done $0x0  }
0x2bf: {  	[sflag:s29] =	ssyncadd.s32 $0xFFFFFF80  }
0x2c0: {  	_ =	swait.ge [sflag:s29], $0x80  }
0x2c1: {  	[sflag:s29] =	ssyncset.done $0x0  }
0x2c2: {  	[sflag:s29] =	ssyncadd.s32 $0xFFFFFF80  }
0x2c3: {  	_ =	swait.ge [sflag:s29], $0x80  }
0x2c4: {  	[sflag:s29] =	ssyncset.done $0x0  }
0x2c5: {  	[sflag:s29] =	ssyncadd.s32 $0xFFFFFF80  }
0x2c6: {  	_ =	swait.ge [sflag:s29], $0x80  }
0x2c7: {  	[sflag:s29] =	ssyncset.done $0x0  }
0x2c8: {  	[sflag:s29] =	ssyncadd.s32 $0xFFFFFF80  }
0x2c9: {  	_ =	swait.ge [sflag:s29], $0x80  }
0x2ca: {  	[sflag:s29] =	ssyncset.done $0x0  }
0x2cb: {  	s30 =	simm.s32 $0x9;
	[sflag:s29] =	ssyncadd.s32 $0xFFFFFF80  }
0x2cc: {  	_ =	swait.ge [sflag:s30], $0x80  }
0x2cd: {  	[sflag:s30] =	ssyncset.done $0x0  }
0x2ce: {  	[sflag:s30] =	ssyncadd.s32 $0xFFFFFF80  }
0x2cf: {  	_ =	swait.ge [sflag:s30], $0x80  }
0x2d0: {  	[sflag:s30] =	ssyncset.done $0x0  }
0x2d1: {  	[sflag:s30] =	ssyncadd.s32 $0xFFFFFF80  }
0x2d2: {  	_ =	swait.ge [sflag:s30], $0x80  }
0x2d3: {  	[sflag:s30] =	ssyncset.done $0x0  }
0x2d4: {  	[sflag:s30] =	ssyncadd.s32 $0xFFFFFF80  }
0x2d5: {  	_ =	swait.ge [sflag:s30], $0x80  }
0x2d6: {  	[sflag:s30] =	ssyncset.done $0x0  }
0x2d7: {  	[sflag:s30] =	ssyncadd.s32 $0xFFFFFF80  }
0x2d8: {  	_ =	swait.ge [sflag:s30], $0x80  }
0x2d9: {  	[sflag:s30] =	ssyncset.done $0x0  }
0x2da: {  	[sflag:s30] =	ssyncadd.s32 $0xFFFFFF80  }
0x2db: {  	_ =	swait.ge [sflag:s30], $0x80  }
0x2dc: {  	[sflag:s30] =	ssyncset.done $0x0  }
0x2dd: {  	[sflag:s30] =	ssyncadd.s32 $0xFFFFFF80  }
0x2de: {  	_ =	swait.ge [sflag:s30], $0x80  }
0x2df: {  	[sflag:s30] =	ssyncset.done $0x0  }
0x2e0: {  	[sflag:s30] =	ssyncadd.s32 $0xFFFFFF80  }
0x2e1: {  	_ =	swait.ge [sflag:s30], $0x80  }
0x2e2: {  	[sflag:s30] =	ssyncset.done $0x0  }
0x2e3: {  	[sflag:s30] =	ssyncadd.s32 $0xFFFFFF80  }
0x2e4: {  	_ =	swait.ge [sflag:s30], $0x80  }
0x2e5: {  	[sflag:s30] =	ssyncset.done $0x0  }
0x2e6: {  	[sflag:s30] =	ssyncadd.s32 $0xFFFFFF80  }
0x2e7: {  	_ =	swait.ge [sflag:s30], $0x80  }
0x2e8: {  	[sflag:s30] =	ssyncset.done $0x0  }
0x2e9: {  	[sflag:s30] =	ssyncadd.s32 $0xFFFFFF80  }
0x2ea: {  	_ =	swait.ge [sflag:s30], $0x80  }
0x2eb: {  	[sflag:s30] =	ssyncset.done $0x0  }
0x2ec: {  	[sflag:s30] =	ssyncadd.s32 $0xFFFFFF80  }
0x2ed: {  	_ =	swait.ge [sflag:s30], $0x80  }
0x2ee: {  	[sflag:s30] =	ssyncset.done $0x0  }
0x2ef: {  	[sflag:s30] =	ssyncadd.s32 $0xFFFFFF80  }
0x2f0: {  	_ =	swait.ge [sflag:s30], $0x80  }
0x2f1: {  	[sflag:s30] =	ssyncset.done $0x0  }
0x2f2: {  	[sflag:s30] =	ssyncadd.s32 $0xFFFFFF80  }
0x2f3: {  	_ =	swait.ge [sflag:s30], $0x80  }
0x2f4: {  	[sflag:s30] =	ssyncset.done $0x0  }
0x2f5: {  	[sflag:s30] =	ssyncadd.s32 $0xFFFFFF80  }
0x2f6: {  	_ =	swait.ge [sflag:s30], $0x80  }
.Ltmp7:
0x2f7: {  	[sflag:s30] =	ssyncset.done $0x0;
	(pc) =	sbr.rel @!p1 .LBB2_11-.Ltmp7, $4  }
0x2f8: {  	[sflag:s30] =	ssyncadd.s32 $0xFFFFFF80  }
0x2f9: {  	_ =	swait.ge [sflag:s30], $0x80  }
0x2fa: {  	[sflag:s30] =	ssyncset.done $0x0  }
0x2fb: {  	[sflag:s30] =	ssyncadd.s32 $0xFFFFFF80  }
0x2fc: {  	s1 =	simm.s32 $0x0;
	s8 =	rddreg [dreg:$0x10]  }
0x2fd: {  	[tilespmem:s1], [sflag:$0xA] =	stream.linear.gather [hbm4b:s8+s1], $0x80, $0x38;
	[tilespmem:$0xA210] =	vst v63  }
0x2fe: {  	_ =	swait.ge [sflag:s12], $0x80  }
0x2ff: {  	[sflag:s12] =	ssyncset.done $0x0  }
0x300: {  	s10 =	simm.s32 $0x180;
	s11 =	rddreg [dreg:$0x12];
	[sflag:s12] =	ssyncadd.s32 $0xFFFFFF80  }
0x301: {  	[tilespmem:s10], [sflag:$0xA] =	stream.linear.gather [hbm4b:s11+s1], $0x80, $0x38;
	[tilespmem:$0xA210] =	vst v63  }
0x302: {  	_ =	swait.ge [sflag:s12], $0x80  }
0x303: {  	[sflag:s12] =	ssyncset.done $0x0  }
0x304: {  	s11 =	simm.s32 $0x300;
	s16 =	rddreg [dreg:$0x11];
	[sflag:s12] =	ssyncadd.s32 $0xFFFFFF80  }
0x305: {  	[tilespmem:s11], [sflag:$0xA] =	stream.linear.gather [hbm4b:s16+s1], $0x800, $0x38;
	[tilespmem:$0xA210] =	vst v63  }
0x306: {  	_ =	swait.ge [sflag:s12], $0x800  }
0x307: {  	[sflag:s12] =	ssyncset.done $0x0  }
0x308: {  	s18 =	simm.s32 $0x1B00;
	[sflag:s12] =	ssyncadd.s32 $0xFFFFF800  }
0x309: {  	[tilespmem:s18], [sflag:$0x4] =	stream.indirect.gather [hbm4b:s6+s0], $0x10, s1, s0, $0xb8;
	[tilespmem:$0xA210] =	vst v63  }
0x30a: {  	_ =	swait.ge [sflag:s28], $0x800  }
0x30b: {  	[sflag:s28] =	ssyncset.done $0x0  }
0x30c: {  	s19 =	simm.s32 $0x3300;
	[sflag:s28] =	ssyncadd.s32 $0xFFFFF800  }
0x30d: {  	[tilespmem:s19], [sflag:$0x4] =	stream.indirect.gather [hbm4b:s7+s0], $0x10, s10, s0, $0xb8;
	[tilespmem:$0xA210] =	vst v63  }
0x30e: {  	_ =	swait.ge [sflag:s28], $0x800  }
0x30f: {  	[sflag:s28] =	ssyncset.done $0x0  }
0x310: {  	s18 =	simm.s32 $0x1B20;
	[sflag:s28] =	ssyncadd.s32 $0xFFFFF800  }
0x311: {  	s22 =	simm.s32 $0x320;
	v1 =	vld [tilespmem:s18+$0xFFFFFFE0]  }
0x312: {  	v2 =	vld [tilespmem:s22+$0xFFFFFFE0]  }
0x313: {  	s19 =	simm.s32 $0x3320  }
0x314: {  	v3 =	vld [tilespmem:s19+$0xFFFFFFE0];
	_ =	sdelay $0x2  }
0x315: {  	v1 =	vadd.f32 v1, v2;
	v2 =	vor.u32 s1, v0;
	_ =	sdelay $0x1  }
0x316: {  	v1 =	vadd.f32 v3, v1  }
0x317: {  	s23 =	simm.s32 $0x4B20  }
0x318: {  	[tilespmem:s23+$0xFFFFFFE0] =	vst v1  }
0x319: {  	[tilespmem:v2+s31+$0x0] =	vst.idx.msk $0xffff, v1  }
0x31a: {  	v1 =	vld [tilespmem:s22+$0xFFFFFFF0]  }
0x31b: {  	v2 =	vld [tilespmem:s18+$0xFFFFFFF0];
	_ =	sdelay $0x1  }
0x31c: {  	v3 =	vld [tilespmem:s19+$0xFFFFFFF0];
	_ =	sdelay $0x1  }
0x31d: {  	s25 =	simm.s32 $0x1  }
0x31e: {  	v1 =	vadd.f32 v2, v1;
	v2 =	vor.u32 s25, v0;
	_ =	sdelay $0x1  }
0x31f: {  	v1 =	vadd.f32 v3, v1;
	_ =	sdelay $0x1  }
0x320: {  	[tilespmem:s23+$0xFFFFFFF0] =	vst v1  }
0x321: {  	[tilespmem:v2+s31+$0x0] =	vst.idx.msk $0xffff, v1  }
0x322: {  	v1 =	vld [tilespmem:s22+$0x0]  }
0x323: {  	v2 =	vld [tilespmem:s18+$0x0];
	_ =	sdelay $0x1  }
0x324: {  	v3 =	vld [tilespmem:s19+$0x0];
	_ =	sdelay $0x1  }
0x325: {  	s29 =	simm.s32 $0x2  }
0x326: {  	v1 =	vadd.f32 v2, v1;
	v2 =	vor.u32 s29, v0;
	_ =	sdelay $0x1  }
0x327: {  	v1 =	vadd.f32 v3, v1;
	_ =	sdelay $0x1  }
0x328: {  	[tilespmem:s23+$0x0] =	vst v1  }
0x329: {  	[tilespmem:v2+s31+$0x0] =	vst.idx.msk $0xffff, v1  }
0x32a: {  	v3 =	vld [tilespmem:s22+$0x10]  }
0x32b: {  	v4 =	vld [tilespmem:s18+$0x10];
	_ =	sdelay $0x1  }
0x32c: {  	v2 =	vld [tilespmem:s19+$0x10];
	_ =	sdelay $0x1  }
0x32d: {  	s30 =	simm.s32 $0x3  }
0x32e: {  	s8 =	simm.s32 $0x4;
	s11 =	simm.s32 $0x4B20;
	s10 =	simm.s32 $0x360;
	v1 =	vor.u32 s30, v0;
	v3 =	vadd.f32 v4, v3  }
.LBB2_13:
0x32f: {  	s18 =	sadd.s32 $0x40, s18;
	s19 =	sadd.s32 $0x40, s19;
	s23 =	sadd.s32 $0x40, s23  }
0x330: {  	p2 =	slt.u32 s8, $0x7C;
	s16 =	smov.u32 s8;
	s8 =	sadd.s32 $0x4, s8;
	v2 =	vadd.f32 v2, v3  }
0x331: {  	_ = 	snop  }
0x332: {  	[tilespmem:s11+$0x10] =	vst v2;
	s11 =	smov.u32 s23  }
0x333: {  	[tilespmem:v1+s31+$0x0] =	vst.idx.msk $0xffff, v2  }
0x334: {  	v1 =	vld [tilespmem:s18+$0xFFFFFFE0]  }
0x335: {  	v2 =	vld [tilespmem:s10+$0xFFFFFFE0];
	_ =	sdelay $0x1  }
0x336: {  	v3 =	vld [tilespmem:s19+$0xFFFFFFE0];
	_ =	sdelay $0x2  }
0x337: {  	v1 =	vadd.f32 v1, v2;
	v2 =	vor.u32 s16, v0;
	_ =	sdelay $0x1  }
0x338: {  	v1 =	vadd.f32 v3, v1;
	_ =	sdelay $0x1  }
0x339: {  	[tilespmem:s23+$0xFFFFFFE0] =	vst v1  }
0x33a: {  	[tilespmem:v2+s31+$0x0] =	vst.idx.msk $0xffff, v1  }
0x33b: {  	v1 =	vld [tilespmem:s10+$0xFFFFFFF0]  }
0x33c: {  	v2 =	vld [tilespmem:s18+$0xFFFFFFF0];
	_ =	sdelay $0x1  }
0x33d: {  	v3 =	vld [tilespmem:s19+$0xFFFFFFF0];
	_ =	sdelay $0x1  }
0x33e: {  	s1 =	sadd.s32 $0x1, s16  }
0x33f: {  	v1 =	vadd.f32 v2, v1;
	v2 =	vor.u32 s1, v0;
	_ =	sdelay $0x1  }
0x340: {  	v1 =	vadd.f32 v3, v1;
	_ =	sdelay $0x1  }
0x341: {  	[tilespmem:s23+$0xFFFFFFF0] =	vst v1  }
0x342: {  	[tilespmem:v2+s31+$0x0] =	vst.idx.msk $0xffff, v1  }
0x343: {  	v1 =	vld [tilespmem:s10+$0x0]  }
0x344: {  	v2 =	vld [tilespmem:s18+$0x0];
	_ =	sdelay $0x1  }
0x345: {  	v3 =	vld [tilespmem:s19+$0x0];
	_ =	sdelay $0x1  }
0x346: {  	s1 =	sadd.s32 $0x2, s16  }
0x347: {  	v1 =	vadd.f32 v2, v1;
	v2 =	vor.u32 s1, v0;
	_ =	sdelay $0x1  }
0x348: {  	v1 =	vadd.f32 v3, v1;
	_ =	sdelay $0x1  }
0x349: {  	[tilespmem:s23+$0x0] =	vst v1  }
0x34a: {  	[tilespmem:v2+s31+$0x0] =	vst.idx.msk $0xffff, v1  }
0x34b: {  	v3 =	vld [tilespmem:s10+$0x10]  }
0x34c: {  	v4 =	vld [tilespmem:s18+$0x10]  }
.Ltmp8:
0x34d: {  	v2 =	vld [tilespmem:s19+$0x10];
	(pc) =	sbr.rel @p2 .LBB2_13-.Ltmp8, $4  }
0x34e: {  	_ = 	snop  }
0x34f: {  	s1 =	sadd.s32 $0x3, s16  }
0x350: {  	v1 =	vor.u32 s1, v0  }
0x351: {  	s10 =	sadd.s32 $0x40, s10;
	v3 =	vadd.f32 v4, v3  }
0x352: {  	_ = 	snop  }
0x353: {  	v2 =	vadd.f32 v2, v3;
	_ =	sdelay $0x1  }
0x354: {  	[tilespmem:s11+$0x10] =	vst v2  }
0x355: {  	s1 =	rddreg [dreg:$0x13];
	[tilespmem:v1+s31+$0x0] =	vst.idx.msk $0xffff, v2  }
0x356: {  	[hbm4b:s1+s4] =	stream.linear.scatter [tilespmem:s31], [sflag:$0xA], $0x80, $0x38;
	[tilespmem:$0xA210] =	vst v63  }
0x357: {  	_ =	swait.ge [sflag:s12], $0x80  }
0x358: {  	[sflag:s12] =	ssyncset.done $0x0  }
0x359: {  	s8 =	simm.s32 $0x6380;
	s30 =	rddreg [dreg:$0x14];
	[sflag:s12] =	ssyncadd.s32 $0xFFFFFF80  }
0x35a: {  	[hbm4b:s30+s4] =	stream.linear.scatter [tilespmem:s8], [sflag:$0xA], $0x80, $0x38;
	[tilespmem:$0xA210] =	vst v63  }
0x35b: {  	_ =	swait.ge [sflag:s12], $0x80  }
0x35c: {  	[sflag:s12] =	ssyncset.done $0x0  }
0x35d: {  	s11 =	simm.s32 $0x6400;
	s10 =	rddreg [dreg:$0x15];
	[sflag:s12] =	ssyncadd.s32 $0xFFFFFF80  }
0x35e: {  	[hbm4b:s10+s4] =	stream.linear.scatter [tilespmem:s11], [sflag:$0xA], $0x80, $0x38;
	[tilespmem:$0xA210] =	vst v63  }
0x35f: {  	_ =	swait.ge [sflag:s12], $0x80  }
0x360: {  	[sflag:s12] =	ssyncset.done $0x0  }
0x361: {  	s18 =	simm.s32 $0x6480;
	s16 =	rddreg [dreg:$0x16];
	[sflag:s12] =	ssyncadd.s32 $0xFFFFFF80  }
0x362: {  	[hbm4b:s16+s4] =	stream.linear.scatter [tilespmem:s18], [sflag:$0xA], $0x80, $0x38;
	[tilespmem:$0xA210] =	vst v63  }
0x363: {  	_ =	swait.ge [sflag:s12], $0x80  }
0x364: {  	[sflag:s12] =	ssyncset.done $0x0  }
0x365: {  	s22 =	simm.s32 $0x6500;
	s19 =	rddreg [dreg:$0x17];
	[sflag:s12] =	ssyncadd.s32 $0xFFFFFF80  }
0x366: {  	[hbm4b:s19+s4] =	stream.linear.scatter [tilespmem:s22], [sflag:$0xA], $0x80, $0x38;
	[tilespmem:$0xA210] =	vst v63  }
0x367: {  	_ =	swait.ge [sflag:s12], $0x80  }
0x368: {  	[sflag:s12] =	ssyncset.done $0x0  }
0x369: {  	s25 =	simm.s32 $0x6580;
	s23 =	rddreg [dreg:$0x18];
	[sflag:s12] =	ssyncadd.s32 $0xFFFFFF80  }
0x36a: {  	[hbm4b:s23+s4] =	stream.linear.scatter [tilespmem:s25], [sflag:$0xA], $0x80, $0x38;
	[tilespmem:$0xA210] =	vst v63  }
0x36b: {  	_ =	swait.ge [sflag:s12], $0x80  }
0x36c: {  	[sflag:s12] =	ssyncset.done $0x0  }
0x36d: {  	s30 =	simm.s32 $0x6600;
	s29 =	rddreg [dreg:$0x19];
	[sflag:s12] =	ssyncadd.s32 $0xFFFFFF80  }
0x36e: {  	[hbm4b:s29+s4] =	stream.linear.scatter [tilespmem:s30], [sflag:$0xA], $0x80, $0x38;
	[tilespmem:$0xA210] =	vst v63  }
0x36f: {  	_ =	swait.ge [sflag:s12], $0x80  }
0x370: {  	[sflag:s12] =	ssyncset.done $0x0  }
0x371: {  	s11 =	simm.s32 $0x6680;
	s10 =	rddreg [dreg:$0x1a];
	[sflag:s12] =	ssyncadd.s32 $0xFFFFFF80  }
0x372: {  	[hbm4b:s10+s4] =	stream.linear.scatter [tilespmem:s11], [sflag:$0xA], $0x80, $0x38;
	[tilespmem:$0xA210] =	vst v63  }
0x373: {  	_ =	swait.ge [sflag:s12], $0x80  }
0x374: {  	[sflag:s12] =	ssyncset.done $0x0  }
0x375: {  	s18 =	simm.s32 $0x6700;
	s16 =	rddreg [dreg:$0x1b];
	[sflag:s12] =	ssyncadd.s32 $0xFFFFFF80  }
0x376: {  	[hbm4b:s16+s4] =	stream.linear.scatter [tilespmem:s18], [sflag:$0xA], $0x80, $0x38;
	[tilespmem:$0xA210] =	vst v63  }
0x377: {  	_ =	swait.ge [sflag:s12], $0x80  }
0x378: {  	[sflag:s12] =	ssyncset.done $0x0  }
0x379: {  	s22 =	simm.s32 $0x6780;
	s19 =	rddreg [dreg:$0x1c];
	[sflag:s12] =	ssyncadd.s32 $0xFFFFFF80  }
0x37a: {  	[hbm4b:s19+s4] =	stream.linear.scatter [tilespmem:s22], [sflag:$0xA], $0x80, $0x38;
	[tilespmem:$0xA210] =	vst v63  }
0x37b: {  	_ =	swait.ge [sflag:s12], $0x80  }
0x37c: {  	[sflag:s12] =	ssyncset.done $0x0  }
0x37d: {  	s25 =	simm.s32 $0x6800;
	s23 =	rddreg [dreg:$0x1d];
	[sflag:s12] =	ssyncadd.s32 $0xFFFFFF80  }
0x37e: {  	[hbm4b:s23+s4] =	stream.linear.scatter [tilespmem:s25], [sflag:$0xA], $0x80, $0x38;
	[tilespmem:$0xA210] =	vst v63  }
0x37f: {  	_ =	swait.ge [sflag:s12], $0x80  }
0x380: {  	[sflag:s12] =	ssyncset.done $0x0  }
0x381: {  	s30 =	simm.s32 $0x6880;
	s29 =	rddreg [dreg:$0x1e];
	[sflag:s12] =	ssyncadd.s32 $0xFFFFFF80  }
0x382: {  	[hbm4b:s29+s4] =	stream.linear.scatter [tilespmem:s30], [sflag:$0xA], $0x80, $0x38;
	[tilespmem:$0xA210] =	vst v63  }
0x383: {  	_ =	swait.ge [sflag:s12], $0x80  }
0x384: {  	[sflag:s12] =	ssyncset.done $0x0  }
0x385: {  	s11 =	simm.s32 $0x6900;
	s10 =	rddreg [dreg:$0x1f];
	[sflag:s12] =	ssyncadd.s32 $0xFFFFFF80  }
0x386: {  	[hbm4b:s10+s4] =	stream.linear.scatter [tilespmem:s11], [sflag:$0xA], $0x80, $0x38;
	[tilespmem:$0xA210] =	vst v63  }
0x387: {  	_ =	swait.ge [sflag:s12], $0x80  }
0x388: {  	s16 =	sld [smem:$0x7F9]  }
0x389: {  	[sflag:s12] =	ssyncset.done $0x0  }
0x38a: {  	s18 =	simm.s32 $0x6980;
	[sflag:s12] =	ssyncadd.s32 $0xFFFFFF80  }
0x38b: {  	[hbm4b:s16+s4] =	stream.linear.scatter [tilespmem:s18], [sflag:$0xA], $0x80, $0x38;
	[tilespmem:$0xA210] =	vst v63  }
0x38c: {  	_ =	swait.ge [sflag:s12], $0x80  }
0x38d: {  	s19 =	sld [smem:$0x7FA]  }
0x38e: {  	[sflag:s12] =	ssyncset.done $0x0  }
0x38f: {  	s22 =	simm.s32 $0x6A00;
	[sflag:s12] =	ssyncadd.s32 $0xFFFFFF80  }
0x390: {  	[hbm4b:s19+s4] =	stream.linear.scatter [tilespmem:s22], [sflag:$0xA], $0x80, $0x38;
	[tilespmem:$0xA210] =	vst v63  }
0x391: {  	_ =	swait.ge [sflag:s12], $0x80  }
0x392: {  	s23 =	sld [smem:$0x7FB]  }
0x393: {  	[sflag:s12] =	ssyncset.done $0x0  }
0x394: {  	s25 =	simm.s32 $0x6A80;
	[sflag:s12] =	ssyncadd.s32 $0xFFFFFF80  }
0x395: {  	[hbm4b:s23+s4] =	stream.linear.scatter [tilespmem:s25], [sflag:$0xA], $0x80, $0x38;
	[tilespmem:$0xA210] =	vst v63  }
0x396: {  	_ =	swait.ge [sflag:s12], $0x80  }
0x397: {  	[sflag:s12] =	ssyncset.done $0x0  }
0x398: {  	[sflag:s12] =	ssyncadd.s32 $0xFFFFFF80  }
0x399: {  	s30 =	simm.s32 $0x4B00;
	s29 =	rddreg [dreg:$0x3]  }
0x39a: {  	[spmem:s29] =	stream.indirect.scatter.add.f32 [tilespmem:s30], [sflag:$0xA], $0x10, s4, s0, $0xb8;
	[tilespmem:$0xA210] =	vst v63  }
0x39b: {  	_ =	swait.ge [sflag:s12], $0x800  }
0x39c: {  	[sflag:s12] =	ssyncset.done $0x0  }
0x39d: {  	[sflag:s12] =	ssyncadd.s32 $0xFFFFF800  }
0x39e: {  	[bflag:$0x0] =	sbarrier.arrive $0xFFFF  }
0x39f: {  	s8 =	sld [smem:$0x7FC]  }
0x3a0: {  	s10 =	sld [smem:$0x7F8];
	_ =	sdelay $0x1  }
0x3a1: {  	s1 =	simm.s32 @!p0 $0x1C0A  }
0x3a2: {  	[hbm:s8], [sflag:s1] =	dma.local @!p0 [spmem:s10], $0x4E20  }
.Ltmp9:
0x3a3: {  	_ = 	snop;
	(pc) =	sbr.rel .LBB2_15-.Ltmp9, $4  }
0x3a4: {  	s1 =	simm.s32 @!p0 $0xA  }
0x3a5: {  	_ =	swait.ge @!p0 [sflag:s1], $0x4E20  }
0x3a6: {  	[sflag:s1] =	ssyncset.done @!p0 $0x0  }
0x3a7: {  	s8 =	sld [smem:$0x7F7];
	[sflag:s1] =	ssyncadd.s32 @!p0 $0xFFFFB1E0  }
.LBB2_16:
0x3a8: {  	_ =	sfence.sel $0x180000  }
0x3a9: {  	[bflag:$0x0] =	sbarrier.arrive $0xFFFF  }
0x3aa: {  	_ =	strace $0x90000047  }
0x3ab: {  	[bflag:$0x2] =	sbarrier.arrive $0xFFFF  }
0x3ac: {  	s0 =	rddreg [dreg:$0x4]  }
0x3ad: {  	s0 =	sadd.s32 @!p0 $0x100000, s0  }
0x3ae: {  	[sflag:s0] =	ssyncadd.tile.s32 @!p0 $0x1;
	_ =	shalt  }
.Lfunc_end2:
_tile_overlayer_lowered:
.L_overlay_start_2:
0x3af: {  	(tag) =	ssettag $0x2  }
0x3b0: {  	s0 =	rddreg [dreg:$0x0];
	s2 =	stileid.u32  }
0x3b1: {  	s1 =	rddreg [dreg:$0x1];
	p0 =	sne.s32 s2, $0x0  }
0x3b2: {  	s3 =	rddreg [dreg:$0x2];
	[bflag:$0x3] =	sbarrier.arrive $0xFFFF;
	s2 =	simm.s32 @!p0 $0x1C0A  }
0x3b3: {  	[timem:s3], [sflag:s2] =	dma.local @!p0 [hbm:s0], s1  }
0x3b4: {  	s0 =	simm.s32 @!p0 $0xA  }
0x3b5: {  	_ =	swait.ge @!p0 [sflag:s0], s1  }
0x3b6: {  	s1 =	ssub.s32 @!p0 $0x0, s1;
	[sflag:s0] =	ssyncset.done @!p0 $0x0  }
0x3b7: {  	[sflag:s0] =	ssyncadd.s32 @!p0 s1  }
0x3b8: {  	[bflag:$0x3] =	sbarrier.arrive $0xFFFF  }
0x3b9: {  	_ =	shalt  }

</sc_bundles>
